<compile_context>
chip_gen: v7x
topology: tpu7x:2x2x1
jax: 0.10.2.dev20260603
libtpu: 0.0.44.dev20260713+nightly
codegen_flags: <defaults>
</compile_context>

<pallas_src>
import jax
import jax.numpy as jnp
from jax import lax
from jax.experimental import pallas as pl
from jax.experimental.pallas import tpu as pltpu
from jax.experimental.pallas import tpu_sc as plsc

_DIM = 256
_HEADS = 8
_HD = _DIM // _HEADS
_N = 10000
_E = 160000

_NP = 10240
_TILES = 16
_CHUNK = 80
_EPT = 10240
_NCHUNK = _EPT // _CHUNK
_EPAD = _TILES * _EPT


def _prep_body(x_ref, wt_ref, b_ref, A_ref, hlo_ref, hhi_ref, stab_ref):
  h = jnp.dot(x_ref[...], wt_ref[...], preferred_element_type=jnp.float32)
  h = h + b_ref[...]
  st = jnp.dot(h, A_ref[...], preferred_element_type=jnp.float32)
  hlo_ref[...] = jnp.concatenate([h[:, :128], st], axis=1)
  hhi_ref[...] = jnp.concatenate([h[:, 128:], st], axis=1)
  stab_ref[...] = st


def _tc_prep(xp, wt, b2, A):
  blk = 512
  grid = _NP // blk
  return pl.pallas_call(
      _prep_body,
      grid=(grid,),
      in_specs=[
          pl.BlockSpec((blk, _DIM), lambda i: (i, 0)),
          pl.BlockSpec((_DIM, _DIM), lambda i: (0, 0)),
          pl.BlockSpec((1, _DIM), lambda i: (0, 0)),
          pl.BlockSpec((_DIM, 16), lambda i: (0, 0)),
      ],
      out_specs=[
          pl.BlockSpec((blk, 144), lambda i: (i, 0)),
          pl.BlockSpec((blk, 144), lambda i: (i, 0)),
          pl.BlockSpec((blk, 16), lambda i: (i, 0)),
      ],
      out_shape=[
          jax.ShapeDtypeStruct((_NP, 144), jnp.float32),
          jax.ShapeDtypeStruct((_NP, 144), jnp.float32),
          jax.ShapeDtypeStruct((_NP, 16), jnp.float32),
      ],
  )(xp, wt, b2, A)


def _sc_body(hlo, hhi, stab, packedI_hbm, zeros_hbm, out_hbm,
             acc_sh, packed_v, sidx, didx, sts2, hrow2,
             alpha_v, semg0, semg1, sems0, sems1):
  cid = lax.axis_index("c")
  sid = lax.axis_index("s")
  semg = [semg0, semg1]
  sems = [sems0, sems1]

  pltpu.sync_copy(zeros_hbm, acc_sh.at[pl.ds(sid * 640, 640)])
  plsc.subcore_barrier()

  pltpu.sync_copy(packedI_hbm.at[sid], packed_v)

  iota = lax.iota(jnp.int32, 16)
  mask16 = jnp.full((16,), 0xFFFF, jnp.int32)
  sh16 = jnp.full((16,), 16, jnp.int32)

  def unpack_idx(c, s):
    for v in range(_CHUNK // 16):
      p = packed_v[c, pl.ds(v * 16, 16)]
      sidx[s, pl.ds(v * 16, 16)] = jnp.bitwise_and(p, mask16)
      didx[s, pl.ds(v * 16, 16)] = lax.shift_right_logical(p, sh16)

  def issue_gathers(s):
    pltpu.async_copy(stab.at[sidx.at[s]], sts2.at[s], semg[s])

    @pl.when(cid == 0)
    def _():
      pltpu.async_copy(hlo.at[didx.at[s]], hrow2.at[s], semg[s])

    @pl.when(cid == 1)
    def _():
      pltpu.async_copy(hhi.at[didx.at[s]], hrow2.at[s], semg[s])

  def wait_gathers(s):
    pltpu.make_async_copy(stab.at[sidx.at[s]], sts2.at[s], semg[s]).wait()

    @pl.when(cid == 0)
    def _():
      pltpu.make_async_copy(hlo.at[didx.at[s]], hrow2.at[s], semg[s]).wait()

    @pl.when(cid == 1)
    def _():
      pltpu.make_async_copy(hhi.at[didx.at[s]], hrow2.at[s], semg[s]).wait()

  unpack_idx(0, 0)
  issue_gathers(0)

  def pair_body(i, carry):
    for b in range(2):
      c = 2 * i + b
      @pl.when(c >= 1)
      def _():
        pltpu.make_async_copy(
            hrow2.at[1 - b], acc_sh.at[sidx.at[1 - b]], sems[1 - b]).wait()

      @pl.when(c + 1 < _NCHUNK)
      def _():
        unpack_idx(c + 1, 1 - b)
        issue_gathers(1 - b)

      wait_gathers(b)

      for g in range(_CHUNK // 16):
        rows = iota + g * 16
        score = []
        for h in range(_HEADS):
          s_h = plsc.load_gather(
              sts2.at[b], [rows, jnp.full((16,), h, jnp.int32)])
          t_h = plsc.load_gather(
              hrow2.at[b], [rows, jnp.full((16,), 136 + h, jnp.int32)])
          sc = s_h + t_h
          score.append(jnp.where(sc >= 0, sc, 0.2 * sc))
        m = score[0]
        for h in range(1, _HEADS):
          m = jnp.maximum(m, score[h])
        ex = [jnp.exp(score[h] - m) for h in range(_HEADS)]
        tot = ex[0]
        for h in range(1, _HEADS):
          tot = tot + ex[h]
        inv = 1.0 / tot
        for j in range(4):
          a_j = jnp.where(cid == 0, ex[j], ex[4 + j]) * inv
          alpha_v[j, pl.ds(g * 16, 16)] = a_j

      def edge_body(k, carry2):
        kv = jnp.full((16,), k, jnp.int32)
        for j in range(4):
          a_j = plsc.load_gather(
              alpha_v, [jnp.full((16,), j, jnp.int32), kv])
          for v in range(2):
            f = (j * 2 + v) * 16
            hrow2[b, k, pl.ds(f, 16)] = hrow2[b, k, pl.ds(f, 16)] * a_j
        return carry2

      lax.fori_loop(0, _CHUNK, edge_body, 0, unroll=4)

      pltpu.async_copy(hrow2.at[b], acc_sh.at[sidx.at[b]], sems[b], add=True)
    return carry

  lax.fori_loop(0, _NCHUNK // 2, pair_body, 0, unroll=False)
  pltpu.make_async_copy(
      hrow2.at[1], acc_sh.at[sidx.at[1]], sems[1]).wait()
  plsc.subcore_barrier()

  pltpu.sync_copy(acc_sh.at[pl.ds(sid * 640, 640), pl.ds(0, 128)],
                  out_hbm.at[cid, pl.ds(sid * 640, 640)])


def _sc_edges(hlo, hhi, stab, packedI, zeros_hbm):
  mesh = plsc.VectorSubcoreMesh(core_axis_name="c", subcore_axis_name="s")
  kern = pl.kernel(
      _sc_body,
      out_type=jax.ShapeDtypeStruct((2, _NP, 128), jnp.float32),
      mesh=mesh,
      scratch_types=[
          pltpu.VMEM_SHARED((_NP, 144), jnp.float32),
          pltpu.VMEM((_NCHUNK, _CHUNK), jnp.int32),
          pltpu.VMEM((2, _CHUNK), jnp.int32),
          pltpu.VMEM((2, _CHUNK), jnp.int32),
          pltpu.VMEM((2, _CHUNK, 16), jnp.float32),
          pltpu.VMEM((2, _CHUNK, 144), jnp.float32),
          pltpu.VMEM((4, _CHUNK), jnp.float32),
          pltpu.SemaphoreType.DMA,
          pltpu.SemaphoreType.DMA,
          pltpu.SemaphoreType.DMA,
          pltpu.SemaphoreType.DMA,
      ],
      compiler_params=pltpu.CompilerParams(
          needs_layout_passes=False, use_tc_tiling_on_sc=False),
  )
  return kern(hlo, hhi, stab, packedI, zeros_hbm)


def _post_body(acc_ref, x_ref, g_ref, be_ref, out_ref):
  acc = acc_ref[...]
  v = jnp.concatenate([acc[0], acc[1]], axis=-1) + x_ref[...]
  mean = jnp.mean(v, axis=-1, keepdims=True)
  cent = v - mean
  var = jnp.mean(cent * cent, axis=-1, keepdims=True)
  ln = cent * lax.rsqrt(var + 1e-5) * g_ref[...] + be_ref[...]
  n2 = jnp.sum(ln * ln, axis=-1, keepdims=True)
  out_ref[...] = ln * lax.rsqrt(jnp.maximum(n2, 1e-24))


def _tc_post(acc, x, g2, be2):
  blk = 1000
  grid = _N // blk
  return pl.pallas_call(
      _post_body,
      grid=(grid,),
      in_specs=[
          pl.BlockSpec((2, blk, 128), lambda i: (0, i, 0)),
          pl.BlockSpec((blk, _DIM), lambda i: (i, 0)),
          pl.BlockSpec((1, _DIM), lambda i: (0, 0)),
          pl.BlockSpec((1, _DIM), lambda i: (0, 0)),
      ],
      out_specs=pl.BlockSpec((blk, _DIM), lambda i: (i, 0)),
      out_shape=jax.ShapeDtypeStruct((_N, _DIM), jnp.float32),
  )(acc, x, g2, be2)


@jax.jit
def kernel(x, edge_index, W_weight, W_bias, a, ln_gamma, ln_beta):
  a_l = a[:, :_HD]
  a_r = a[:, _HD:]
  eye = jnp.eye(_HEADS, dtype=jnp.float32)
  A_l = (a_l[:, :, None] * eye[:, None, :]).reshape(_DIM, _HEADS)
  A_r = (a_r[:, :, None] * eye[:, None, :]).reshape(_DIM, _HEADS)
  A = jnp.concatenate([A_l, A_r], axis=1)

  xp = jnp.concatenate(
      [x, jnp.zeros((_NP - _N, _DIM), jnp.float32)], axis=0)
  wt = W_weight.T
  b2 = W_bias[None, :]

  hlo, hhi, stab = _tc_prep(xp, wt, b2, A)

  src = edge_index[0].astype(jnp.int32)
  dst = edge_index[1].astype(jnp.int32)
  srcp = jnp.concatenate([src, jnp.full((_EPAD - _E,), _N, jnp.int32)])
  dstp = jnp.concatenate([dst, jnp.zeros((_EPAD - _E,), jnp.int32)])
  packedI = ((dstp << 16) | srcp).reshape(_TILES, _NCHUNK, _CHUNK)
  zeros_hbm = jnp.zeros((640, 144), jnp.float32)

  acc = _sc_edges(hlo, hhi, stab, packedI, zeros_hbm)

  return _tc_post(acc, x, ln_gamma[None, :], ln_beta[None, :])

# --- scband reference (transcript-rebuilt; emitter-appended) ---
"""Pipeline reference for scband-stable-gatlayer-74543452389737 (READ-ONLY COPY).

The authoritative reference and input builder live on the scoring server;
editing this copy changes nothing except your own understanding.
"""

import jax, jax.numpy as jnp
import numpy as np

DIM = 256
HEADS = 8
HEAD_DIM = DIM // HEADS
N = 10000
E = 160000


def setup_inputs(seed: int = 0) -> dict:
    key = jax.random.key(seed)
    k_x, k_ei, k_w, k_b, k_a, k_g, k_be = jax.random.split(key, 7)
    x = jax.random.normal(k_x, (N, DIM), dtype=jnp.float32)
    edge_index = jax.random.randint(k_ei, (2, E), 0, N, dtype=jnp.int64)
    # nn.Linear(dim, dim): weight [dim, dim], bias [dim]
    bound = 1.0 / np.sqrt(DIM)
    W_weight = jax.random.uniform(k_w, (DIM, DIM), minval=-bound, maxval=bound, dtype=jnp.float32)
    W_bias = jax.random.uniform(k_b, (DIM,), minval=-bound, maxval=bound, dtype=jnp.float32)
    # attention vector a: [heads, 2*head_dim], xavier uniform
    limit = np.sqrt(6.0 / (HEADS + 2 * HEAD_DIM))
    a = jax.random.uniform(k_a, (HEADS, 2 * HEAD_DIM), minval=-limit, maxval=limit, dtype=jnp.float32)
    ln_gamma = jnp.ones((DIM,), dtype=jnp.float32)
    ln_beta = jnp.zeros((DIM,), dtype=jnp.float32)
    return {"x": x, "edge_index": edge_index, "W_weight": W_weight, "W_bias": W_bias,
            "a": a, "ln_gamma": ln_gamma, "ln_beta": ln_beta}


def _leaky_relu(x, slope=0.2):
    return jnp.where(x >= 0, x, slope * x)


def _layernorm(x, gamma, beta, eps=1e-5):
    mean = jnp.mean(x, axis=-1, keepdims=True)
    var = jnp.mean((x - mean) ** 2, axis=-1, keepdims=True)
    return (x - mean) / jnp.sqrt(var + eps) * gamma + beta


def reference(x, edge_index, W_weight, W_bias, a, ln_gamma, ln_beta):
    n = x.shape[0]
    # dropout is identity in eval mode
    h = x @ W_weight.T + W_bias
    h = h.reshape(n, HEADS, HEAD_DIM)
    src = edge_index[0]
    dst = edge_index[1]
    edge_h = jnp.concatenate([h[src], h[dst]], axis=-1)  # [E, heads, 2*head_dim]
    alpha = _leaky_relu(jnp.sum(a * edge_h, axis=-1))     # [E, heads]
    alpha = jax.nn.softmax(alpha, axis=1)                 # softmax over heads (faithful)
    msgs = alpha[:, :, None] * h[dst]                     # [E, heads, head_dim]
    out = jax.ops.segment_sum(msgs, src, num_segments=n)  # [N, heads, head_dim]
    out = out.reshape(n, -1)
    out = _layernorm(out + x, ln_gamma, ln_beta)
    # F.normalize(out, p=2, dim=-1)
    norm = jnp.sqrt(jnp.sum(out * out, axis=-1, keepdims=True))
    out = out / jnp.maximum(norm, 1e-12)
    return out

if __name__ == "__main__":
    import jax
    _d = setup_inputs()
    print(jax.jit(kernel)(*tuple(_d.values())))

</pallas_src>

<mosaic_0001>
#map = affine_map<(d0, d1) -> (0, 0)>
#map1 = affine_map<(d0, d1) -> (0, 0, 0)>
module attributes {stable_mosaic.version = 14 : i64} {
  func.func @_sc_body(%arg0: i32, %arg1: i32, %arg2: memref<10240x144xf32, #tpu.memory_space<hbm>>, %arg3: memref<10240x144xf32, #tpu.memory_space<hbm>>, %arg4: memref<10240x16xf32, #tpu.memory_space<hbm>>, %arg5: memref<16x128x80xi32, #tpu.memory_space<hbm>>, %arg6: memref<640x144xf32, #tpu.memory_space<hbm>>, %arg7: memref<2x10240x128xf32, #tpu.memory_space<hbm>>, %arg8: memref<10240x144xf32, #tpu.memory_space<vmem_shared>>, %arg9: memref<128x80xi32, #tpu.memory_space<vmem>>, %arg10: memref<2x80xi32, #tpu.memory_space<vmem>>, %arg11: memref<2x80xi32, #tpu.memory_space<vmem>>, %arg12: memref<2x80x16xf32, #tpu.memory_space<vmem>>, %arg13: memref<2x80x144xf32, #tpu.memory_space<vmem>>, %arg14: memref<4x80xf32, #tpu.memory_space<vmem>>, %arg15: memref<!tpu.dma_semaphore, #tpu.memory_space<semaphore_mem>>, %arg16: memref<!tpu.dma_semaphore, #tpu.memory_space<semaphore_mem>>, %arg17: memref<!tpu.dma_semaphore, #tpu.memory_space<semaphore_mem>>, %arg18: memref<!tpu.dma_semaphore, #tpu.memory_space<semaphore_mem>>) attributes {dimension_semantics = [#tpu.dimension_semantics<core_parallel>, #tpu.dimension_semantics<subcore_parallel>], iteration_bounds = array<i64: 2, 16>, scalar_prefetch = 0 : i64, scratch_operands = 11 : i64, tpu.core_type = #tpu.core_type<sc_vector_subcore>, window_params = [{transform_indices = #map}, {transform_indices = #map}, {transform_indices = #map}, {transform_indices = #map1}, {transform_indices = #map}, {transform_indices = #map1}]} {
    %mul3A = arith.constant 640 : i32
    %mul3A_0 = arith.muli %arg1, %mul3A : i32
    "tpu.region"() ({
      %run_scoped3A = tpu.sem_alloc : memref<!tpu.dma_semaphore, #tpu.memory_space<semaphore_mem>>
      %dma_start3A_109 = arith.constant 0 : i32
      %dma_start3A_110 = tpu.memref_slice %arg8[%mul3A_0, %dma_start3A_109] : memref<10240x144xf32, #tpu.memory_space<vmem_shared>> -> memref<640x144xf32, #tpu.memory_space<vmem_shared>>
      tpu.enqueue_dma source(%arg6 : memref<640x144xf32, #tpu.memory_space<hbm>>) target(%dma_start3A_110 : memref<640x144xf32, #tpu.memory_space<vmem_shared>>) target_semaphore(%run_scoped3A : memref<!tpu.dma_semaphore, #tpu.memory_space<semaphore_mem>>)
      %dma_wait3A_111 = arith.constant 0 : i32
      %dma_wait3A_112 = tpu.memref_slice %arg8[%mul3A_0, %dma_wait3A_111] : memref<10240x144xf32, #tpu.memory_space<vmem_shared>> -> memref<640x144xf32, #tpu.memory_space<vmem_shared>>
      tpu.wait_dma2 semaphore(%run_scoped3A : memref<!tpu.dma_semaphore, #tpu.memory_space<semaphore_mem>>) src(%arg6 : memref<640x144xf32, #tpu.memory_space<hbm>>) dst(%dma_wait3A_112 : memref<640x144xf32, #tpu.memory_space<vmem_shared>>)
      tpu.yield
    }) : () -> ()
    %barrier3A = arith.constant 0 : index
    tpu.barrier barrier_id(%barrier3A)
    "tpu.region"() ({
      %run_scoped3A = tpu.sem_alloc : memref<!tpu.dma_semaphore, #tpu.memory_space<semaphore_mem>>
      %dma_start3A_109 = arith.constant 0 : i32
      %dma_start3A_110 = arith.constant 0 : i32
      %dma_start3A_111 = tpu.memref_slice %arg5[%arg1, %dma_start3A_109, %dma_start3A_110] : memref<16x128x80xi32, #tpu.memory_space<hbm>> -> memref<1x128x80xi32, #tpu.memory_space<hbm>>
      %dma_start3A_112 = tpu.memref_squeeze %dma_start3A_111 : memref<1x128x80xi32, #tpu.memory_space<hbm>> -> memref<128x80xi32, #tpu.memory_space<hbm>>
      %dma_start3A_113 = arith.constant 0 : i32
      %dma_start3A_114 = arith.constant 0 : i32
      %dma_start3A_115 = tpu.memref_slice %arg5[%arg1, %dma_start3A_113, %dma_start3A_114] : memref<16x128x80xi32, #tpu.memory_space<hbm>> -> memref<1x128x80xi32, #tpu.memory_space<hbm>>
      %dma_start3A_116 = tpu.memref_squeeze %dma_start3A_115 : memref<1x128x80xi32, #tpu.memory_space<hbm>> -> memref<128x80xi32, #tpu.memory_space<hbm>>
      tpu.enqueue_dma source(%dma_start3A_116 : memref<128x80xi32, #tpu.memory_space<hbm>>) target(%arg9 : memref<128x80xi32, #tpu.memory_space<vmem>>) target_semaphore(%run_scoped3A : memref<!tpu.dma_semaphore, #tpu.memory_space<semaphore_mem>>)
      %dma_wait3A_117 = arith.constant 0 : i32
      %dma_wait3A_118 = arith.constant 0 : i32
      %dma_wait3A_119 = tpu.memref_slice %arg5[%arg1, %dma_wait3A_117, %dma_wait3A_118] : memref<16x128x80xi32, #tpu.memory_space<hbm>> -> memref<1x128x80xi32, #tpu.memory_space<hbm>>
      %dma_wait3A_120 = tpu.memref_squeeze %dma_wait3A_119 : memref<1x128x80xi32, #tpu.memory_space<hbm>> -> memref<128x80xi32, #tpu.memory_space<hbm>>
      %dma_wait3A_121 = arith.constant 0 : i32
      %dma_wait3A_122 = arith.constant 0 : i32
      %dma_wait3A_123 = tpu.memref_slice %arg5[%arg1, %dma_wait3A_121, %dma_wait3A_122] : memref<16x128x80xi32, #tpu.memory_space<hbm>> -> memref<1x128x80xi32, #tpu.memory_space<hbm>>
      %dma_wait3A_124 = tpu.memref_squeeze %dma_wait3A_123 : memref<1x128x80xi32, #tpu.memory_space<hbm>> -> memref<128x80xi32, #tpu.memory_space<hbm>>
      tpu.wait_dma2 semaphore(%run_scoped3A : memref<!tpu.dma_semaphore, #tpu.memory_space<semaphore_mem>>) src(%dma_wait3A_124 : memref<128x80xi32, #tpu.memory_space<hbm>>) dst(%arg9 : memref<128x80xi32, #tpu.memory_space<vmem>>)
      tpu.yield
    }) : () -> ()
    %iota3A = tpu.iota {dimensions = array<i32: 0>} : vector<16xi32>
    %broadcast_in_dim3A = arith.constant 65535 : i32
    %broadcast_in_dim3A_1 = vector.broadcast %broadcast_in_dim3A : i32 to vector<16xi32>
    %broadcast_in_dim3A_2 = arith.constant 16 : i32
    %broadcast_in_dim3A_3 = vector.broadcast %broadcast_in_dim3A_2 : i32 to vector<16xi32>
    %get3A = arith.constant 0 : i32
    %get3A_4 = arith.index_cast %get3A : i32 to index
    %get3A_5 = arith.constant 0 : index
    %get3A_6 = tpu.vector_load %arg9[%get3A_4, %get3A_5] {strides = array<i32>} : memref<128x80xi32, #tpu.memory_space<vmem>>, vector<16xi32>,
    %and3A = arith.andi %get3A_6, %broadcast_in_dim3A_1 : vector<16xi32>
    %swap3A = arith.constant 0 : i32
    %swap3A_7 = arith.index_cast %swap3A : i32 to index
    %swap3A_8 = arith.constant 0 : index
    %swap3A_9 = tpu.vector_load %arg10[%swap3A_7, %swap3A_8] {strides = array<i32>} : memref<2x80xi32, #tpu.memory_space<vmem>>, vector<16xi32>,
    tpu.vector_store %arg10[%swap3A_7, %swap3A_8], %and3A {strides = array<i32>} : memref<2x80xi32, #tpu.memory_space<vmem>>, vector<16xi32>,
    %shift_right_logical3A = arith.shrui %get3A_6, %broadcast_in_dim3A_3 : vector<16xi32>
    %swap3A_10 = arith.constant 0 : i32
    %swap3A_11 = arith.index_cast %swap3A_10 : i32 to index
    %swap3A_12 = arith.constant 0 : index
    %swap3A_13 = tpu.vector_load %arg11[%swap3A_11, %swap3A_12] {strides = array<i32>} : memref<2x80xi32, #tpu.memory_space<vmem>>, vector<16xi32>,
    tpu.vector_store %arg11[%swap3A_11, %swap3A_12], %shift_right_logical3A {strides = array<i32>} : memref<2x80xi32, #tpu.memory_space<vmem>>, vector<16xi32>,
    %get3A_14 = arith.constant 0 : i32
    %get3A_15 = arith.index_cast %get3A_14 : i32 to index
    %get3A_16 = arith.constant 16 : index
    %get3A_17 = tpu.vector_load %arg9[%get3A_15, %get3A_16] {strides = array<i32>} : memref<128x80xi32, #tpu.memory_space<vmem>>, vector<16xi32>,
    %and3A_18 = arith.andi %get3A_17, %broadcast_in_dim3A_1 : vector<16xi32>
    %swap3A_19 = arith.constant 0 : i32
    %swap3A_20 = arith.index_cast %swap3A_19 : i32 to index
    %swap3A_21 = arith.constant 16 : index
    %swap3A_22 = tpu.vector_load %arg10[%swap3A_20, %swap3A_21] {strides = array<i32>} : memref<2x80xi32, #tpu.memory_space<vmem>>, vector<16xi32>,
    tpu.vector_store %arg10[%swap3A_20, %swap3A_21], %and3A_18 {strides = array<i32>} : memref<2x80xi32, #tpu.memory_space<vmem>>, vector<16xi32>,
    %shift_right_logical3A_23 = arith.shrui %get3A_17, %broadcast_in_dim3A_3 : vector<16xi32>
    %swap3A_24 = arith.constant 0 : i32
    %swap3A_25 = arith.index_cast %swap3A_24 : i32 to index
    %swap3A_26 = arith.constant 16 : index
    %swap3A_27 = tpu.vector_load %arg11[%swap3A_25, %swap3A_26] {strides = array<i32>} : memref<2x80xi32, #tpu.memory_space<vmem>>, vector<16xi32>,
    tpu.vector_store %arg11[%swap3A_25, %swap3A_26], %shift_right_logical3A_23 {strides = array<i32>} : memref<2x80xi32, #tpu.memory_space<vmem>>, vector<16xi32>,
    %get3A_28 = arith.constant 0 : i32
    %get3A_29 = arith.index_cast %get3A_28 : i32 to index
    %get3A_30 = arith.constant 32 : index
    %get3A_31 = tpu.vector_load %arg9[%get3A_29, %get3A_30] {strides = array<i32>} : memref<128x80xi32, #tpu.memory_space<vmem>>, vector<16xi32>,
    %and3A_32 = arith.andi %get3A_31, %broadcast_in_dim3A_1 : vector<16xi32>
    %swap3A_33 = arith.constant 0 : i32
    %swap3A_34 = arith.index_cast %swap3A_33 : i32 to index
    %swap3A_35 = arith.constant 32 : index
    %swap3A_36 = tpu.vector_load %arg10[%swap3A_34, %swap3A_35] {strides = array<i32>} : memref<2x80xi32, #tpu.memory_space<vmem>>, vector<16xi32>,
    tpu.vector_store %arg10[%swap3A_34, %swap3A_35], %and3A_32 {strides = array<i32>} : memref<2x80xi32, #tpu.memory_space<vmem>>, vector<16xi32>,
    %shift_right_logical3A_37 = arith.shrui %get3A_31, %broadcast_in_dim3A_3 : vector<16xi32>
    %swap3A_38 = arith.constant 0 : i32
    %swap3A_39 = arith.index_cast %swap3A_38 : i32 to index
    %swap3A_40 = arith.constant 32 : index
    %swap3A_41 = tpu.vector_load %arg11[%swap3A_39, %swap3A_40] {strides = array<i32>} : memref<2x80xi32, #tpu.memory_space<vmem>>, vector<16xi32>,
    tpu.vector_store %arg11[%swap3A_39, %swap3A_40], %shift_right_logical3A_37 {strides = array<i32>} : memref<2x80xi32, #tpu.memory_space<vmem>>, vector<16xi32>,
    %get3A_42 = arith.constant 0 : i32
    %get3A_43 = arith.index_cast %get3A_42 : i32 to index
    %get3A_44 = arith.constant 48 : index
    %get3A_45 = tpu.vector_load %arg9[%get3A_43, %get3A_44] {strides = array<i32>} : memref<128x80xi32, #tpu.memory_space<vmem>>, vector<16xi32>,
    %and3A_46 = arith.andi %get3A_45, %broadcast_in_dim3A_1 : vector<16xi32>
    %swap3A_47 = arith.constant 0 : i32
    %swap3A_48 = arith.index_cast %swap3A_47 : i32 to index
    %swap3A_49 = arith.constant 48 : index
    %swap3A_50 = tpu.vector_load %arg10[%swap3A_48, %swap3A_49] {strides = array<i32>} : memref<2x80xi32, #tpu.memory_space<vmem>>, vector<16xi32>,
    tpu.vector_store %arg10[%swap3A_48, %swap3A_49], %and3A_46 {strides = array<i32>} : memref<2x80xi32, #tpu.memory_space<vmem>>, vector<16xi32>,
    %shift_right_logical3A_51 = arith.shrui %get3A_45, %broadcast_in_dim3A_3 : vector<16xi32>
    %swap3A_52 = arith.constant 0 : i32
    %swap3A_53 = arith.index_cast %swap3A_52 : i32 to index
    %swap3A_54 = arith.constant 48 : index
    %swap3A_55 = tpu.vector_load %arg11[%swap3A_53, %swap3A_54] {strides = array<i32>} : memref<2x80xi32, #tpu.memory_space<vmem>>, vector<16xi32>,
    tpu.vector_store %arg11[%swap3A_53, %swap3A_54], %shift_right_logical3A_51 {strides = array<i32>} : memref<2x80xi32, #tpu.memory_space<vmem>>, vector<16xi32>,
    %get3A_56 = arith.constant 0 : i32
    %get3A_57 = arith.index_cast %get3A_56 : i32 to index
    %get3A_58 = arith.constant 64 : index
    %get3A_59 = tpu.vector_load %arg9[%get3A_57, %get3A_58] {strides = array<i32>} : memref<128x80xi32, #tpu.memory_space<vmem>>, vector<16xi32>,
    %and3A_60 = arith.andi %get3A_59, %broadcast_in_dim3A_1 : vector<16xi32>
    %swap3A_61 = arith.constant 0 : i32
    %swap3A_62 = arith.index_cast %swap3A_61 : i32 to index
    %swap3A_63 = arith.constant 64 : index
    %swap3A_64 = tpu.vector_load %arg10[%swap3A_62, %swap3A_63] {strides = array<i32>} : memref<2x80xi32, #tpu.memory_space<vmem>>, vector<16xi32>,
    tpu.vector_store %arg10[%swap3A_62, %swap3A_63], %and3A_60 {strides = array<i32>} : memref<2x80xi32, #tpu.memory_space<vmem>>, vector<16xi32>,
    %shift_right_logical3A_65 = arith.shrui %get3A_59, %broadcast_in_dim3A_3 : vector<16xi32>
    %swap3A_66 = arith.constant 0 : i32
    %swap3A_67 = arith.index_cast %swap3A_66 : i32 to index
    %swap3A_68 = arith.constant 64 : index
    %swap3A_69 = tpu.vector_load %arg11[%swap3A_67, %swap3A_68] {strides = array<i32>} : memref<2x80xi32, #tpu.memory_space<vmem>>, vector<16xi32>,
    tpu.vector_store %arg11[%swap3A_67, %swap3A_68], %shift_right_logical3A_65 {strides = array<i32>} : memref<2x80xi32, #tpu.memory_space<vmem>>, vector<16xi32>,
    %dma_start3A = arith.constant 0 : i32
    %dma_start3A_70 = arith.constant 0 : i32
    %dma_start3A_71 = arith.constant 0 : i32
    %dma_start3A_72 = arith.constant 0 : i32
    %dma_start3A_73 = tpu.memref_slice %arg12[%dma_start3A_70, %dma_start3A_71, %dma_start3A_72] : memref<2x80x16xf32, #tpu.memory_space<vmem>> -> memref<1x80x16xf32, #tpu.memory_space<vmem>>
    %dma_start3A_74 = tpu.memref_squeeze %dma_start3A_73 : memref<1x80x16xf32, #tpu.memory_space<vmem>> -> memref<80x16xf32, #tpu.memory_space<vmem>>
    %dma_start3A_75 = arith.constant 0 : i32
    %dma_start3A_76 = tpu.memref_slice %arg10[%dma_start3A, %dma_start3A_75] : memref<2x80xi32, #tpu.memory_space<vmem>> -> memref<1x80xi32, #tpu.memory_space<vmem>>
    %dma_start3A_77 = tpu.memref_squeeze %dma_start3A_76 : memref<1x80xi32, #tpu.memory_space<vmem>> -> memref<80xi32, #tpu.memory_space<vmem>>
    %dma_start3A_78 = arith.constant 0 : i32
    %dma_start3A_79 = arith.constant 0 : i32
    %dma_start3A_80 = tpu.memref_slice %arg4[%dma_start3A_78, %dma_start3A_79] : memref<10240x16xf32, #tpu.memory_space<hbm>> -> memref<10240x16xf32, #tpu.memory_space<hbm>>
    tpu.enqueue_indirect_dma source(%dma_start3A_80 : memref<10240x16xf32, #tpu.memory_space<hbm>>) target(%dma_start3A_74 : memref<80x16xf32, #tpu.memory_space<vmem>>) offsets(%dma_start3A_77 : memref<80xi32, #tpu.memory_space<vmem>>) semaphore(%arg15 : memref<!tpu.dma_semaphore, #tpu.memory_space<semaphore_mem>>)
    %eq3A = arith.constant 0 : i32
    %eq3A_81 = arith.cmpi eq, %arg0, %eq3A : i32
    %convert_element_type3A = arith.extui %eq3A_81 : i1 to i32
    %cond3A = arith.constant 0 : i32
    %cond3A_82 = arith.cmpi ne, %convert_element_type3A, %cond3A : i32
    scf.if %cond3A_82 {
      %dma_start3A_109 = arith.constant 0 : i32
      %dma_start3A_110 = arith.constant 0 : i32
      %dma_start3A_111 = arith.constant 0 : i32
      %dma_start3A_112 = arith.constant 0 : i32
      %dma_start3A_113 = tpu.memref_slice %arg13[%dma_start3A_110, %dma_start3A_111, %dma_start3A_112] : memref<2x80x144xf32, #tpu.memory_space<vmem>> -> memref<1x80x144xf32, #tpu.memory_space<vmem>>
      %dma_start3A_114 = tpu.memref_squeeze %dma_start3A_113 : memref<1x80x144xf32, #tpu.memory_space<vmem>> -> memref<80x144xf32, #tpu.memory_space<vmem>>
      %dma_start3A_115 = arith.constant 0 : i32
      %dma_start3A_116 = tpu.memref_slice %arg11[%dma_start3A_109, %dma_start3A_115] : memref<2x80xi32, #tpu.memory_space<vmem>> -> memref<1x80xi32, #tpu.memory_space<vmem>>
      %dma_start3A_117 = tpu.memref_squeeze %dma_start3A_116 : memref<1x80xi32, #tpu.memory_space<vmem>> -> memref<80xi32, #tpu.memory_space<vmem>>
      %dma_start3A_118 = arith.constant 0 : i32
      %dma_start3A_119 = arith.constant 0 : i32
      %dma_start3A_120 = tpu.memref_slice %arg2[%dma_start3A_118, %dma_start3A_119] : memref<10240x144xf32, #tpu.memory_space<hbm>> -> memref<10240x144xf32, #tpu.memory_space<hbm>>
      tpu.enqueue_indirect_dma source(%dma_start3A_120 : memref<10240x144xf32, #tpu.memory_space<hbm>>) target(%dma_start3A_114 : memref<80x144xf32, #tpu.memory_space<vmem>>) offsets(%dma_start3A_117 : memref<80xi32, #tpu.memory_space<vmem>>) semaphore(%arg15 : memref<!tpu.dma_semaphore, #tpu.memory_space<semaphore_mem>>)
    } else {
    }
    %eq3A_83 = arith.constant 1 : i32
    %eq3A_84 = arith.cmpi eq, %arg0, %eq3A_83 : i32
    %convert_element_type3A_85 = arith.extui %eq3A_84 : i1 to i32
    %cond3A_86 = arith.constant 0 : i32
    %cond3A_87 = arith.cmpi ne, %convert_element_type3A_85, %cond3A_86 : i32
    scf.if %cond3A_87 {
      %dma_start3A_109 = arith.constant 0 : i32
      %dma_start3A_110 = arith.constant 0 : i32
      %dma_start3A_111 = arith.constant 0 : i32
      %dma_start3A_112 = arith.constant 0 : i32
      %dma_start3A_113 = tpu.memref_slice %arg13[%dma_start3A_110, %dma_start3A_111, %dma_start3A_112] : memref<2x80x144xf32, #tpu.memory_space<vmem>> -> memref<1x80x144xf32, #tpu.memory_space<vmem>>
      %dma_start3A_114 = tpu.memref_squeeze %dma_start3A_113 : memref<1x80x144xf32, #tpu.memory_space<vmem>> -> memref<80x144xf32, #tpu.memory_space<vmem>>
      %dma_start3A_115 = arith.constant 0 : i32
      %dma_start3A_116 = tpu.memref_slice %arg11[%dma_start3A_109, %dma_start3A_115] : memref<2x80xi32, #tpu.memory_space<vmem>> -> memref<1x80xi32, #tpu.memory_space<vmem>>
      %dma_start3A_117 = tpu.memref_squeeze %dma_start3A_116 : memref<1x80xi32, #tpu.memory_space<vmem>> -> memref<80xi32, #tpu.memory_space<vmem>>
      %dma_start3A_118 = arith.constant 0 : i32
      %dma_start3A_119 = arith.constant 0 : i32
      %dma_start3A_120 = tpu.memref_slice %arg3[%dma_start3A_118, %dma_start3A_119] : memref<10240x144xf32, #tpu.memory_space<hbm>> -> memref<10240x144xf32, #tpu.memory_space<hbm>>
      tpu.enqueue_indirect_dma source(%dma_start3A_120 : memref<10240x144xf32, #tpu.memory_space<hbm>>) target(%dma_start3A_114 : memref<80x144xf32, #tpu.memory_space<vmem>>) offsets(%dma_start3A_117 : memref<80xi32, #tpu.memory_space<vmem>>) semaphore(%arg15 : memref<!tpu.dma_semaphore, #tpu.memory_space<semaphore_mem>>)
    } else {
    }
    %scan3A = arith.constant 0 : i32
    %scan3A_88 = arith.constant 0 : i32
    %scan3A_89 = arith.constant 64 : i32
    %scan3A_90 = arith.addi %scan3A_88, %scan3A_89 : i32
    %scan3A_91 = arith.constant 1 : i32
    scf.for %scan3A_109 = %scan3A_88 to %scan3A_90 step %scan3A_91  : i32 {
      %mul3A_110 = arith.constant 2 : i32
      %mul3A_111 = arith.muli %mul3A_110, %scan3A_109 : i32
      %add3A = arith.constant 0 : i32
      %add3A_112 = arith.addi %mul3A_111, %add3A : i32
      %ge3A = arith.constant 1 : i32
      %ge3A_113 = arith.cmpi sge, %add3A_112, %ge3A : i32
      %convert_element_type3A_114 = arith.extui %ge3A_113 : i1 to i32
      %cond3A_115 = arith.constant 0 : i32
      %cond3A_116 = arith.cmpi ne, %convert_element_type3A_114, %cond3A_115 : i32
      scf.if %cond3A_116 {
        %dma_wait3A_2813 = arith.constant 1 : i32
        %dma_wait3A_2814 = arith.constant 1 : i32
        %dma_wait3A_2815 = arith.constant 0 : i32
        %dma_wait3A_2816 = arith.constant 0 : i32
        %dma_wait3A_2817 = tpu.memref_slice %arg13[%dma_wait3A_2813, %dma_wait3A_2815, %dma_wait3A_2816] : memref<2x80x144xf32, #tpu.memory_space<vmem>> -> memref<1x80x144xf32, #tpu.memory_space<vmem>>
        %dma_wait3A_2818 = tpu.memref_squeeze %dma_wait3A_2817 : memref<1x80x144xf32, #tpu.memory_space<vmem>> -> memref<80x144xf32, #tpu.memory_space<vmem>>
        %dma_wait3A_2819 = arith.constant 0 : i32
        %dma_wait3A_2820 = tpu.memref_slice %arg10[%dma_wait3A_2814, %dma_wait3A_2819] : memref<2x80xi32, #tpu.memory_space<vmem>> -> memref<1x80xi32, #tpu.memory_space<vmem>>
        %dma_wait3A_2821 = tpu.memref_squeeze %dma_wait3A_2820 : memref<1x80xi32, #tpu.memory_space<vmem>> -> memref<80xi32, #tpu.memory_space<vmem>>
        %dma_wait3A_2822 = arith.constant 0 : i32
        %dma_wait3A_2823 = arith.constant 0 : i32
        %dma_wait3A_2824 = tpu.memref_slice %arg8[%dma_wait3A_2822, %dma_wait3A_2823] : memref<10240x144xf32, #tpu.memory_space<vmem_shared>> -> memref<10240x144xf32, #tpu.memory_space<vmem_shared>>
        tpu.wait_indirect_dma semaphore(%arg18 : memref<!tpu.dma_semaphore, #tpu.memory_space<semaphore_mem>>) src(%dma_wait3A_2818 : memref<80x144xf32, #tpu.memory_space<vmem>>) dst(%dma_wait3A_2824 : memref<10240x144xf32, #tpu.memory_space<vmem_shared>>)
      } else {
      }
      %add3A_117 = arith.constant 1 : i32
      %add3A_118 = arith.addi %add3A_112, %add3A_117 : i32
      %lt3A = arith.constant 128 : i32
      %lt3A_119 = arith.cmpi slt, %add3A_118, %lt3A : i32
      %convert_element_type3A_120 = arith.extui %lt3A_119 : i1 to i32
      %cond3A_121 = arith.constant 0 : i32
      %cond3A_122 = arith.cmpi ne, %convert_element_type3A_120, %cond3A_121 : i32
      scf.if %cond3A_122 {
        %add3A_2813 = arith.constant 1 : i32
        %add3A_2814 = arith.addi %add3A_112, %add3A_2813 : i32
        %get3A_2815 = arith.index_cast %add3A_2814 : i32 to index
        %get3A_2816 = arith.constant 0 : index
        %get3A_2817 = tpu.vector_load %arg9[%get3A_2815, %get3A_2816] {strides = array<i32>} : memref<128x80xi32, #tpu.memory_space<vmem>>, vector<16xi32>,
        %and3A_2818 = arith.andi %get3A_2817, %broadcast_in_dim3A_1 : vector<16xi32>
        %swap3A_2819 = arith.constant 1 : i32
        %swap3A_2820 = arith.index_cast %swap3A_2819 : i32 to index
        %swap3A_2821 = arith.constant 0 : index
        %swap3A_2822 = tpu.vector_load %arg10[%swap3A_2820, %swap3A_2821] {strides = array<i32>} : memref<2x80xi32, #tpu.memory_space<vmem>>, vector<16xi32>,
        tpu.vector_store %arg10[%swap3A_2820, %swap3A_2821], %and3A_2818 {strides = array<i32>} : memref<2x80xi32, #tpu.memory_space<vmem>>, vector<16xi32>,
        %shift_right_logical3A_2823 = arith.shrui %get3A_2817, %broadcast_in_dim3A_3 : vector<16xi32>
        %swap3A_2824 = arith.constant 1 : i32
        %swap3A_2825 = arith.index_cast %swap3A_2824 : i32 to index
        %swap3A_2826 = arith.constant 0 : index
        %swap3A_2827 = tpu.vector_load %arg11[%swap3A_2825, %swap3A_2826] {strides = array<i32>} : memref<2x80xi32, #tpu.memory_space<vmem>>, vector<16xi32>,
        tpu.vector_store %arg11[%swap3A_2825, %swap3A_2826], %shift_right_logical3A_2823 {strides = array<i32>} : memref<2x80xi32, #tpu.memory_space<vmem>>, vector<16xi32>,
        %get3A_2828 = arith.index_cast %add3A_2814 : i32 to index
        %get3A_2829 = arith.constant 16 : index
        %get3A_2830 = tpu.vector_load %arg9[%get3A_2828, %get3A_2829] {strides = array<i32>} : memref<128x80xi32, #tpu.memory_space<vmem>>, vector<16xi32>,
        %and3A_2831 = arith.andi %get3A_2830, %broadcast_in_dim3A_1 : vector<16xi32>
        %swap3A_2832 = arith.constant 1 : i32
        %swap3A_2833 = arith.index_cast %swap3A_2832 : i32 to index
        %swap3A_2834 = arith.constant 16 : index
        %swap3A_2835 = tpu.vector_load %arg10[%swap3A_2833, %swap3A_2834] {strides = array<i32>} : memref<2x80xi32, #tpu.memory_space<vmem>>, vector<16xi32>,
        tpu.vector_store %arg10[%swap3A_2833, %swap3A_2834], %and3A_2831 {strides = array<i32>} : memref<2x80xi32, #tpu.memory_space<vmem>>, vector<16xi32>,
        %shift_right_logical3A_2836 = arith.shrui %get3A_2830, %broadcast_in_dim3A_3 : vector<16xi32>
        %swap3A_2837 = arith.constant 1 : i32
        %swap3A_2838 = arith.index_cast %swap3A_2837 : i32 to index
        %swap3A_2839 = arith.constant 16 : index
        %swap3A_2840 = tpu.vector_load %arg11[%swap3A_2838, %swap3A_2839] {strides = array<i32>} : memref<2x80xi32, #tpu.memory_space<vmem>>, vector<16xi32>,
        tpu.vector_store %arg11[%swap3A_2838, %swap3A_2839], %shift_right_logical3A_2836 {strides = array<i32>} : memref<2x80xi32, #tpu.memory_space<vmem>>, vector<16xi32>,
        %get3A_2841 = arith.index_cast %add3A_2814 : i32 to index
        %get3A_2842 = arith.constant 32 : index
        %get3A_2843 = tpu.vector_load %arg9[%get3A_2841, %get3A_2842] {strides = array<i32>} : memref<128x80xi32, #tpu.memory_space<vmem>>, vector<16xi32>,
        %and3A_2844 = arith.andi %get3A_2843, %broadcast_in_dim3A_1 : vector<16xi32>
        %swap3A_2845 = arith.constant 1 : i32
        %swap3A_2846 = arith.index_cast %swap3A_2845 : i32 to index
        %swap3A_2847 = arith.constant 32 : index
        %swap3A_2848 = tpu.vector_load %arg10[%swap3A_2846, %swap3A_2847] {strides = array<i32>} : memref<2x80xi32, #tpu.memory_space<vmem>>, vector<16xi32>,
        tpu.vector_store %arg10[%swap3A_2846, %swap3A_2847], %and3A_2844 {strides = array<i32>} : memref<2x80xi32, #tpu.memory_space<vmem>>, vector<16xi32>,
        %shift_right_logical3A_2849 = arith.shrui %get3A_2843, %broadcast_in_dim3A_3 : vector<16xi32>
        %swap3A_2850 = arith.constant 1 : i32
        %swap3A_2851 = arith.index_cast %swap3A_2850 : i32 to index
        %swap3A_2852 = arith.constant 32 : index
        %swap3A_2853 = tpu.vector_load %arg11[%swap3A_2851, %swap3A_2852] {strides = array<i32>} : memref<2x80xi32, #tpu.memory_space<vmem>>, vector<16xi32>,
        tpu.vector_store %arg11[%swap3A_2851, %swap3A_2852], %shift_right_logical3A_2849 {strides = array<i32>} : memref<2x80xi32, #tpu.memory_space<vmem>>, vector<16xi32>,
        %get3A_2854 = arith.index_cast %add3A_2814 : i32 to index
        %get3A_2855 = arith.constant 48 : index
        %get3A_2856 = tpu.vector_load %arg9[%get3A_2854, %get3A_2855] {strides = array<i32>} : memref<128x80xi32, #tpu.memory_space<vmem>>, vector<16xi32>,
        %and3A_2857 = arith.andi %get3A_2856, %broadcast_in_dim3A_1 : vector<16xi32>
        %swap3A_2858 = arith.constant 1 : i32
        %swap3A_2859 = arith.index_cast %swap3A_2858 : i32 to index
        %swap3A_2860 = arith.constant 48 : index
        %swap3A_2861 = tpu.vector_load %arg10[%swap3A_2859, %swap3A_2860] {strides = array<i32>} : memref<2x80xi32, #tpu.memory_space<vmem>>, vector<16xi32>,
        tpu.vector_store %arg10[%swap3A_2859, %swap3A_2860], %and3A_2857 {strides = array<i32>} : memref<2x80xi32, #tpu.memory_space<vmem>>, vector<16xi32>,
        %shift_right_logical3A_2862 = arith.shrui %get3A_2856, %broadcast_in_dim3A_3 : vector<16xi32>
        %swap3A_2863 = arith.constant 1 : i32
        %swap3A_2864 = arith.index_cast %swap3A_2863 : i32 to index
        %swap3A_2865 = arith.constant 48 : index
        %swap3A_2866 = tpu.vector_load %arg11[%swap3A_2864, %swap3A_2865] {strides = array<i32>} : memref<2x80xi32, #tpu.memory_space<vmem>>, vector<16xi32>,
        tpu.vector_store %arg11[%swap3A_2864, %swap3A_2865], %shift_right_logical3A_2862 {strides = array<i32>} : memref<2x80xi32, #tpu.memory_space<vmem>>, vector<16xi32>,
        %get3A_2867 = arith.index_cast %add3A_2814 : i32 to index
        %get3A_2868 = arith.constant 64 : index
        %get3A_2869 = tpu.vector_load %arg9[%get3A_2867, %get3A_2868] {strides = array<i32>} : memref<128x80xi32, #tpu.memory_space<vmem>>, vector<16xi32>,
        %and3A_2870 = arith.andi %get3A_2869, %broadcast_in_dim3A_1 : vector<16xi32>
        %swap3A_2871 = arith.constant 1 : i32
        %swap3A_2872 = arith.index_cast %swap3A_2871 : i32 to index
        %swap3A_2873 = arith.constant 64 : index
        %swap3A_2874 = tpu.vector_load %arg10[%swap3A_2872, %swap3A_2873] {strides = array<i32>} : memref<2x80xi32, #tpu.memory_space<vmem>>, vector<16xi32>,
        tpu.vector_store %arg10[%swap3A_2872, %swap3A_2873], %and3A_2870 {strides = array<i32>} : memref<2x80xi32, #tpu.memory_space<vmem>>, vector<16xi32>,
        %shift_right_logical3A_2875 = arith.shrui %get3A_2869, %broadcast_in_dim3A_3 : vector<16xi32>
        %swap3A_2876 = arith.constant 1 : i32
        %swap3A_2877 = arith.index_cast %swap3A_2876 : i32 to index
        %swap3A_2878 = arith.constant 64 : index
        %swap3A_2879 = tpu.vector_load %arg11[%swap3A_2877, %swap3A_2878] {strides = array<i32>} : memref<2x80xi32, #tpu.memory_space<vmem>>, vector<16xi32>,
        tpu.vector_store %arg11[%swap3A_2877, %swap3A_2878], %shift_right_logical3A_2875 {strides = array<i32>} : memref<2x80xi32, #tpu.memory_space<vmem>>, vector<16xi32>,
        %dma_start3A_2880 = arith.constant 1 : i32
        %dma_start3A_2881 = arith.constant 1 : i32
        %dma_start3A_2882 = arith.constant 0 : i32
        %dma_start3A_2883 = arith.constant 0 : i32
        %dma_start3A_2884 = tpu.memref_slice %arg12[%dma_start3A_2881, %dma_start3A_2882, %dma_start3A_2883] : memref<2x80x16xf32, #tpu.memory_space<vmem>> -> memref<1x80x16xf32, #tpu.memory_space<vmem>>
        %dma_start3A_2885 = tpu.memref_squeeze %dma_start3A_2884 : memref<1x80x16xf32, #tpu.memory_space<vmem>> -> memref<80x16xf32, #tpu.memory_space<vmem>>
        %dma_start3A_2886 = arith.constant 0 : i32
        %dma_start3A_2887 = tpu.memref_slice %arg10[%dma_start3A_2880, %dma_start3A_2886] : memref<2x80xi32, #tpu.memory_space<vmem>> -> memref<1x80xi32, #tpu.memory_space<vmem>>
        %dma_start3A_2888 = tpu.memref_squeeze %dma_start3A_2887 : memref<1x80xi32, #tpu.memory_space<vmem>> -> memref<80xi32, #tpu.memory_space<vmem>>
        %dma_start3A_2889 = arith.constant 0 : i32
        %dma_start3A_2890 = arith.constant 0 : i32
        %dma_start3A_2891 = tpu.memref_slice %arg4[%dma_start3A_2889, %dma_start3A_2890] : memref<10240x16xf32, #tpu.memory_space<hbm>> -> memref<10240x16xf32, #tpu.memory_space<hbm>>
        tpu.enqueue_indirect_dma source(%dma_start3A_2891 : memref<10240x16xf32, #tpu.memory_space<hbm>>) target(%dma_start3A_2885 : memref<80x16xf32, #tpu.memory_space<vmem>>) offsets(%dma_start3A_2888 : memref<80xi32, #tpu.memory_space<vmem>>) semaphore(%arg16 : memref<!tpu.dma_semaphore, #tpu.memory_space<semaphore_mem>>)
        %eq3A_2892 = arith.constant 0 : i32
        %eq3A_2893 = arith.cmpi eq, %arg0, %eq3A_2892 : i32
        %convert_element_type3A_2894 = arith.extui %eq3A_2893 : i1 to i32
        %cond3A_2895 = arith.constant 0 : i32
        %cond3A_2896 = arith.cmpi ne, %convert_element_type3A_2894, %cond3A_2895 : i32
        scf.if %cond3A_2896 {
          %dma_start3A_2902 = arith.constant 1 : i32
          %dma_start3A_2903 = arith.constant 1 : i32
          %dma_start3A_2904 = arith.constant 0 : i32
          %dma_start3A_2905 = arith.constant 0 : i32
          %dma_start3A_2906 = tpu.memref_slice %arg13[%dma_start3A_2903, %dma_start3A_2904, %dma_start3A_2905] : memref<2x80x144xf32, #tpu.memory_space<vmem>> -> memref<1x80x144xf32, #tpu.memory_space<vmem>>
          %dma_start3A_2907 = tpu.memref_squeeze %dma_start3A_2906 : memref<1x80x144xf32, #tpu.memory_space<vmem>> -> memref<80x144xf32, #tpu.memory_space<vmem>>
          %dma_start3A_2908 = arith.constant 0 : i32
          %dma_start3A_2909 = tpu.memref_slice %arg11[%dma_start3A_2902, %dma_start3A_2908] : memref<2x80xi32, #tpu.memory_space<vmem>> -> memref<1x80xi32, #tpu.memory_space<vmem>>
          %dma_start3A_2910 = tpu.memref_squeeze %dma_start3A_2909 : memref<1x80xi32, #tpu.memory_space<vmem>> -> memref<80xi32, #tpu.memory_space<vmem>>
          %dma_start3A_2911 = arith.constant 0 : i32
          %dma_start3A_2912 = arith.constant 0 : i32
          %dma_start3A_2913 = tpu.memref_slice %arg2[%dma_start3A_2911, %dma_start3A_2912] : memref<10240x144xf32, #tpu.memory_space<hbm>> -> memref<10240x144xf32, #tpu.memory_space<hbm>>
          tpu.enqueue_indirect_dma source(%dma_start3A_2913 : memref<10240x144xf32, #tpu.memory_space<hbm>>) target(%dma_start3A_2907 : memref<80x144xf32, #tpu.memory_space<vmem>>) offsets(%dma_start3A_2910 : memref<80xi32, #tpu.memory_space<vmem>>) semaphore(%arg16 : memref<!tpu.dma_semaphore, #tpu.memory_space<semaphore_mem>>)
        } else {
        }
        %eq3A_2897 = arith.constant 1 : i32
        %eq3A_2898 = arith.cmpi eq, %arg0, %eq3A_2897 : i32
        %convert_element_type3A_2899 = arith.extui %eq3A_2898 : i1 to i32
        %cond3A_2900 = arith.constant 0 : i32
        %cond3A_2901 = arith.cmpi ne, %convert_element_type3A_2899, %cond3A_2900 : i32
        scf.if %cond3A_2901 {
          %dma_start3A_2902 = arith.constant 1 : i32
          %dma_start3A_2903 = arith.constant 1 : i32
          %dma_start3A_2904 = arith.constant 0 : i32
          %dma_start3A_2905 = arith.constant 0 : i32
          %dma_start3A_2906 = tpu.memref_slice %arg13[%dma_start3A_2903, %dma_start3A_2904, %dma_start3A_2905] : memref<2x80x144xf32, #tpu.memory_space<vmem>> -> memref<1x80x144xf32, #tpu.memory_space<vmem>>
          %dma_start3A_2907 = tpu.memref_squeeze %dma_start3A_2906 : memref<1x80x144xf32, #tpu.memory_space<vmem>> -> memref<80x144xf32, #tpu.memory_space<vmem>>
          %dma_start3A_2908 = arith.constant 0 : i32
          %dma_start3A_2909 = tpu.memref_slice %arg11[%dma_start3A_2902, %dma_start3A_2908] : memref<2x80xi32, #tpu.memory_space<vmem>> -> memref<1x80xi32, #tpu.memory_space<vmem>>
          %dma_start3A_2910 = tpu.memref_squeeze %dma_start3A_2909 : memref<1x80xi32, #tpu.memory_space<vmem>> -> memref<80xi32, #tpu.memory_space<vmem>>
          %dma_start3A_2911 = arith.constant 0 : i32
          %dma_start3A_2912 = arith.constant 0 : i32
          %dma_start3A_2913 = tpu.memref_slice %arg3[%dma_start3A_2911, %dma_start3A_2912] : memref<10240x144xf32, #tpu.memory_space<hbm>> -> memref<10240x144xf32, #tpu.memory_space<hbm>>
          tpu.enqueue_indirect_dma source(%dma_start3A_2913 : memref<10240x144xf32, #tpu.memory_space<hbm>>) target(%dma_start3A_2907 : memref<80x144xf32, #tpu.memory_space<vmem>>) offsets(%dma_start3A_2910 : memref<80xi32, #tpu.memory_space<vmem>>) semaphore(%arg16 : memref<!tpu.dma_semaphore, #tpu.memory_space<semaphore_mem>>)
        } else {
        }
      } else {
      }
      %dma_wait3A_123 = arith.constant 0 : i32
      %dma_wait3A_124 = arith.constant 0 : i32
      %dma_wait3A_125 = arith.constant 0 : i32
      %dma_wait3A_126 = arith.constant 0 : i32
      %dma_wait3A_127 = tpu.memref_slice %arg12[%dma_wait3A_124, %dma_wait3A_125, %dma_wait3A_126] : memref<2x80x16xf32, #tpu.memory_space<vmem>> -> memref<1x80x16xf32, #tpu.memory_space<vmem>>
      %dma_wait3A_128 = tpu.memref_squeeze %dma_wait3A_127 : memref<1x80x16xf32, #tpu.memory_space<vmem>> -> memref<80x16xf32, #tpu.memory_space<vmem>>
      %dma_wait3A_129 = arith.constant 0 : i32
      %dma_wait3A_130 = tpu.memref_slice %arg10[%dma_wait3A_123, %dma_wait3A_129] : memref<2x80xi32, #tpu.memory_space<vmem>> -> memref<1x80xi32, #tpu.memory_space<vmem>>
      %dma_wait3A_131 = tpu.memref_squeeze %dma_wait3A_130 : memref<1x80xi32, #tpu.memory_space<vmem>> -> memref<80xi32, #tpu.memory_space<vmem>>
      %dma_wait3A_132 = arith.constant 0 : i32
      %dma_wait3A_133 = arith.constant 0 : i32
      %dma_wait3A_134 = tpu.memref_slice %arg4[%dma_wait3A_132, %dma_wait3A_133] : memref<10240x16xf32, #tpu.memory_space<hbm>> -> memref<10240x16xf32, #tpu.memory_space<hbm>>
      tpu.wait_indirect_dma semaphore(%arg15 : memref<!tpu.dma_semaphore, #tpu.memory_space<semaphore_mem>>) src(%dma_wait3A_134 : memref<10240x16xf32, #tpu.memory_space<hbm>>) dst(%dma_wait3A_128 : memref<80x16xf32, #tpu.memory_space<vmem>>)
      %eq3A_135 = arith.constant 0 : i32
      %eq3A_136 = arith.cmpi eq, %arg0, %eq3A_135 : i32
      %convert_element_type3A_137 = arith.extui %eq3A_136 : i1 to i32
      %cond3A_138 = arith.constant 0 : i32
      %cond3A_139 = arith.cmpi ne, %convert_element_type3A_137, %cond3A_138 : i32
      scf.if %cond3A_139 {
        %dma_wait3A_2813 = arith.constant 0 : i32
        %dma_wait3A_2814 = arith.constant 0 : i32
        %dma_wait3A_2815 = arith.constant 0 : i32
        %dma_wait3A_2816 = arith.constant 0 : i32
        %dma_wait3A_2817 = tpu.memref_slice %arg13[%dma_wait3A_2814, %dma_wait3A_2815, %dma_wait3A_2816] : memref<2x80x144xf32, #tpu.memory_space<vmem>> -> memref<1x80x144xf32, #tpu.memory_space<vmem>>
        %dma_wait3A_2818 = tpu.memref_squeeze %dma_wait3A_2817 : memref<1x80x144xf32, #tpu.memory_space<vmem>> -> memref<80x144xf32, #tpu.memory_space<vmem>>
        %dma_wait3A_2819 = arith.constant 0 : i32
        %dma_wait3A_2820 = tpu.memref_slice %arg11[%dma_wait3A_2813, %dma_wait3A_2819] : memref<2x80xi32, #tpu.memory_space<vmem>> -> memref<1x80xi32, #tpu.memory_space<vmem>>
        %dma_wait3A_2821 = tpu.memref_squeeze %dma_wait3A_2820 : memref<1x80xi32, #tpu.memory_space<vmem>> -> memref<80xi32, #tpu.memory_space<vmem>>
        %dma_wait3A_2822 = arith.constant 0 : i32
        %dma_wait3A_2823 = arith.constant 0 : i32
        %dma_wait3A_2824 = tpu.memref_slice %arg2[%dma_wait3A_2822, %dma_wait3A_2823] : memref<10240x144xf32, #tpu.memory_space<hbm>> -> memref<10240x144xf32, #tpu.memory_space<hbm>>
        tpu.wait_indirect_dma semaphore(%arg15 : memref<!tpu.dma_semaphore, #tpu.memory_space<semaphore_mem>>) src(%dma_wait3A_2824 : memref<10240x144xf32, #tpu.memory_space<hbm>>) dst(%dma_wait3A_2818 : memref<80x144xf32, #tpu.memory_space<vmem>>)
      } else {
      }
      %eq3A_140 = arith.constant 1 : i32
      %eq3A_141 = arith.cmpi eq, %arg0, %eq3A_140 : i32
      %convert_element_type3A_142 = arith.extui %eq3A_141 : i1 to i32
      %cond3A_143 = arith.constant 0 : i32
      %cond3A_144 = arith.cmpi ne, %convert_element_type3A_142, %cond3A_143 : i32
      scf.if %cond3A_144 {
        %dma_wait3A_2813 = arith.constant 0 : i32
        %dma_wait3A_2814 = arith.constant 0 : i32
        %dma_wait3A_2815 = arith.constant 0 : i32
        %dma_wait3A_2816 = arith.constant 0 : i32
        %dma_wait3A_2817 = tpu.memref_slice %arg13[%dma_wait3A_2814, %dma_wait3A_2815, %dma_wait3A_2816] : memref<2x80x144xf32, #tpu.memory_space<vmem>> -> memref<1x80x144xf32, #tpu.memory_space<vmem>>
        %dma_wait3A_2818 = tpu.memref_squeeze %dma_wait3A_2817 : memref<1x80x144xf32, #tpu.memory_space<vmem>> -> memref<80x144xf32, #tpu.memory_space<vmem>>
        %dma_wait3A_2819 = arith.constant 0 : i32
        %dma_wait3A_2820 = tpu.memref_slice %arg11[%dma_wait3A_2813, %dma_wait3A_2819] : memref<2x80xi32, #tpu.memory_space<vmem>> -> memref<1x80xi32, #tpu.memory_space<vmem>>
        %dma_wait3A_2821 = tpu.memref_squeeze %dma_wait3A_2820 : memref<1x80xi32, #tpu.memory_space<vmem>> -> memref<80xi32, #tpu.memory_space<vmem>>
        %dma_wait3A_2822 = arith.constant 0 : i32
        %dma_wait3A_2823 = arith.constant 0 : i32
        %dma_wait3A_2824 = tpu.memref_slice %arg3[%dma_wait3A_2822, %dma_wait3A_2823] : memref<10240x144xf32, #tpu.memory_space<hbm>> -> memref<10240x144xf32, #tpu.memory_space<hbm>>
        tpu.wait_indirect_dma semaphore(%arg15 : memref<!tpu.dma_semaphore, #tpu.memory_space<semaphore_mem>>) src(%dma_wait3A_2824 : memref<10240x144xf32, #tpu.memory_space<hbm>>) dst(%dma_wait3A_2818 : memref<80x144xf32, #tpu.memory_space<vmem>>)
      } else {
      }
      %add3A_145 = arith.constant 0 : i32
      %add3A_146 = vector.broadcast %add3A_145 : i32 to vector<16xi32>
      %add3A_147 = arith.addi %iota3A, %add3A_146 : vector<16xi32>
      %broadcast_in_dim3A_148 = arith.constant 0 : i32
      %broadcast_in_dim3A_149 = vector.broadcast %broadcast_in_dim3A_148 : i32 to vector<16xi32>
      %gather3A = arith.constant 0 : i32
      %gather3A_150 = arith.constant 0 : i32
      %gather3A_151 = arith.constant 0 : i32
      %gather3A_152 = tpu.memref_slice %arg12[%gather3A, %gather3A_150, %gather3A_151] : memref<2x80x16xf32, #tpu.memory_space<vmem>> -> memref<1x80x16xf32, #tpu.memory_space<vmem>>
      %gather3A_153 = tpu.memref_squeeze %gather3A_152 : memref<1x80x16xf32, #tpu.memory_space<vmem>> -> memref<80x16xf32, #tpu.memory_space<vmem>>
      %gather3A_154 = tpu.vector_load_idx %gather3A_153[%add3A_147, %broadcast_in_dim3A_149] : memref<80x16xf32, #tpu.memory_space<vmem>>[vector<16xi32>, vector<16xi32>], vector<16xf32>,
      %broadcast_in_dim3A_155 = arith.constant 136 : i32
      %broadcast_in_dim3A_156 = vector.broadcast %broadcast_in_dim3A_155 : i32 to vector<16xi32>
      %gather3A_157 = arith.constant 0 : i32
      %gather3A_158 = arith.constant 0 : i32
      %gather3A_159 = arith.constant 0 : i32
      %gather3A_160 = tpu.memref_slice %arg13[%gather3A_157, %gather3A_158, %gather3A_159] : memref<2x80x144xf32, #tpu.memory_space<vmem>> -> memref<1x80x144xf32, #tpu.memory_space<vmem>>
      %gather3A_161 = tpu.memref_squeeze %gather3A_160 : memref<1x80x144xf32, #tpu.memory_space<vmem>> -> memref<80x144xf32, #tpu.memory_space<vmem>>
      %gather3A_162 = tpu.vector_load_idx %gather3A_161[%add3A_147, %broadcast_in_dim3A_156] : memref<80x144xf32, #tpu.memory_space<vmem>>[vector<16xi32>, vector<16xi32>], vector<16xf32>,
      %add3A_163 = arith.addf %gather3A_154, %gather3A_162 : vector<16xf32>
      %ge3A_164 = arith.constant 0.000000e+00 : f32
      %ge3A_165 = vector.broadcast %ge3A_164 : f32 to vector<16xf32>
      %ge3A_166 = arith.cmpf oge, %add3A_163, %ge3A_165 : vector<16xf32>
      %mul3A_167 = arith.constant 2.000000e-01 : f32
      %mul3A_168 = vector.broadcast %mul3A_167 : f32 to vector<16xf32>
      %mul3A_169 = arith.mulf %mul3A_168, %add3A_163 : vector<16xf32>
      %select_n3A = arith.select %ge3A_166, %add3A_163, %mul3A_169 : vector<16xi1>, vector<16xf32>
      %broadcast_in_dim3A_170 = arith.constant 1 : i32
      %broadcast_in_dim3A_171 = vector.broadcast %broadcast_in_dim3A_170 : i32 to vector<16xi32>
      %gather3A_172 = arith.constant 0 : i32
      %gather3A_173 = arith.constant 0 : i32
      %gather3A_174 = arith.constant 0 : i32
      %gather3A_175 = tpu.memref_slice %arg12[%gather3A_172, %gather3A_173, %gather3A_174] : memref<2x80x16xf32, #tpu.memory_space<vmem>> -> memref<1x80x16xf32, #tpu.memory_space<vmem>>
      %gather3A_176 = tpu.memref_squeeze %gather3A_175 : memref<1x80x16xf32, #tpu.memory_space<vmem>> -> memref<80x16xf32, #tpu.memory_space<vmem>>
      %gather3A_177 = tpu.vector_load_idx %gather3A_176[%add3A_147, %broadcast_in_dim3A_171] : memref<80x16xf32, #tpu.memory_space<vmem>>[vector<16xi32>, vector<16xi32>], vector<16xf32>,
      %broadcast_in_dim3A_178 = arith.constant 137 : i32
      %broadcast_in_dim3A_179 = vector.broadcast %broadcast_in_dim3A_178 : i32 to vector<16xi32>
      %gather3A_180 = arith.constant 0 : i32
      %gather3A_181 = arith.constant 0 : i32
      %gather3A_182 = arith.constant 0 : i32
      %gather3A_183 = tpu.memref_slice %arg13[%gather3A_180, %gather3A_181, %gather3A_182] : memref<2x80x144xf32, #tpu.memory_space<vmem>> -> memref<1x80x144xf32, #tpu.memory_space<vmem>>
      %gather3A_184 = tpu.memref_squeeze %gather3A_183 : memref<1x80x144xf32, #tpu.memory_space<vmem>> -> memref<80x144xf32, #tpu.memory_space<vmem>>
      %gather3A_185 = tpu.vector_load_idx %gather3A_184[%add3A_147, %broadcast_in_dim3A_179] : memref<80x144xf32, #tpu.memory_space<vmem>>[vector<16xi32>, vector<16xi32>], vector<16xf32>,
      %add3A_186 = arith.addf %gather3A_177, %gather3A_185 : vector<16xf32>
      %ge3A_187 = arith.constant 0.000000e+00 : f32
      %ge3A_188 = vector.broadcast %ge3A_187 : f32 to vector<16xf32>
      %ge3A_189 = arith.cmpf oge, %add3A_186, %ge3A_188 : vector<16xf32>
      %mul3A_190 = arith.constant 2.000000e-01 : f32
      %mul3A_191 = vector.broadcast %mul3A_190 : f32 to vector<16xf32>
      %mul3A_192 = arith.mulf %mul3A_191, %add3A_186 : vector<16xf32>
      %select_n3A_193 = arith.select %ge3A_189, %add3A_186, %mul3A_192 : vector<16xi1>, vector<16xf32>
      %broadcast_in_dim3A_194 = arith.constant 2 : i32
      %broadcast_in_dim3A_195 = vector.broadcast %broadcast_in_dim3A_194 : i32 to vector<16xi32>
      %gather3A_196 = arith.constant 0 : i32
      %gather3A_197 = arith.constant 0 : i32
      %gather3A_198 = arith.constant 0 : i32
      %gather3A_199 = tpu.memref_slice %arg12[%gather3A_196, %gather3A_197, %gather3A_198] : memref<2x80x16xf32, #tpu.memory_space<vmem>> -> memref<1x80x16xf32, #tpu.memory_space<vmem>>
      %gather3A_200 = tpu.memref_squeeze %gather3A_199 : memref<1x80x16xf32, #tpu.memory_space<vmem>> -> memref<80x16xf32, #tpu.memory_space<vmem>>
      %gather3A_201 = tpu.vector_load_idx %gather3A_200[%add3A_147, %broadcast_in_dim3A_195] : memref<80x16xf32, #tpu.memory_space<vmem>>[vector<16xi32>, vector<16xi32>], vector<16xf32>,
      %broadcast_in_dim3A_202 = arith.constant 138 : i32
      %broadcast_in_dim3A_203 = vector.broadcast %broadcast_in_dim3A_202 : i32 to vector<16xi32>
      %gather3A_204 = arith.constant 0 : i32
      %gather3A_205 = arith.constant 0 : i32
      %gather3A_206 = arith.constant 0 : i32
      %gather3A_207 = tpu.memref_slice %arg13[%gather3A_204, %gather3A_205, %gather3A_206] : memref<2x80x144xf32, #tpu.memory_space<vmem>> -> memref<1x80x144xf32, #tpu.memory_space<vmem>>
      %gather3A_208 = tpu.memref_squeeze %gather3A_207 : memref<1x80x144xf32, #tpu.memory_space<vmem>> -> memref<80x144xf32, #tpu.memory_space<vmem>>
      %gather3A_209 = tpu.vector_load_idx %gather3A_208[%add3A_147, %broadcast_in_dim3A_203] : memref<80x144xf32, #tpu.memory_space<vmem>>[vector<16xi32>, vector<16xi32>], vector<16xf32>,
      %add3A_210 = arith.addf %gather3A_201, %gather3A_209 : vector<16xf32>
      %ge3A_211 = arith.constant 0.000000e+00 : f32
      %ge3A_212 = vector.broadcast %ge3A_211 : f32 to vector<16xf32>
      %ge3A_213 = arith.cmpf oge, %add3A_210, %ge3A_212 : vector<16xf32>
      %mul3A_214 = arith.constant 2.000000e-01 : f32
      %mul3A_215 = vector.broadcast %mul3A_214 : f32 to vector<16xf32>
      %mul3A_216 = arith.mulf %mul3A_215, %add3A_210 : vector<16xf32>
      %select_n3A_217 = arith.select %ge3A_213, %add3A_210, %mul3A_216 : vector<16xi1>, vector<16xf32>
      %broadcast_in_dim3A_218 = arith.constant 3 : i32
      %broadcast_in_dim3A_219 = vector.broadcast %broadcast_in_dim3A_218 : i32 to vector<16xi32>
      %gather3A_220 = arith.constant 0 : i32
      %gather3A_221 = arith.constant 0 : i32
      %gather3A_222 = arith.constant 0 : i32
      %gather3A_223 = tpu.memref_slice %arg12[%gather3A_220, %gather3A_221, %gather3A_222] : memref<2x80x16xf32, #tpu.memory_space<vmem>> -> memref<1x80x16xf32, #tpu.memory_space<vmem>>
      %gather3A_224 = tpu.memref_squeeze %gather3A_223 : memref<1x80x16xf32, #tpu.memory_space<vmem>> -> memref<80x16xf32, #tpu.memory_space<vmem>>
      %gather3A_225 = tpu.vector_load_idx %gather3A_224[%add3A_147, %broadcast_in_dim3A_219] : memref<80x16xf32, #tpu.memory_space<vmem>>[vector<16xi32>, vector<16xi32>], vector<16xf32>,
      %broadcast_in_dim3A_226 = arith.constant 139 : i32
      %broadcast_in_dim3A_227 = vector.broadcast %broadcast_in_dim3A_226 : i32 to vector<16xi32>
      %gather3A_228 = arith.constant 0 : i32
      %gather3A_229 = arith.constant 0 : i32
      %gather3A_230 = arith.constant 0 : i32
      %gather3A_231 = tpu.memref_slice %arg13[%gather3A_228, %gather3A_229, %gather3A_230] : memref<2x80x144xf32, #tpu.memory_space<vmem>> -> memref<1x80x144xf32, #tpu.memory_space<vmem>>
      %gather3A_232 = tpu.memref_squeeze %gather3A_231 : memref<1x80x144xf32, #tpu.memory_space<vmem>> -> memref<80x144xf32, #tpu.memory_space<vmem>>
      %gather3A_233 = tpu.vector_load_idx %gather3A_232[%add3A_147, %broadcast_in_dim3A_227] : memref<80x144xf32, #tpu.memory_space<vmem>>[vector<16xi32>, vector<16xi32>], vector<16xf32>,
      %add3A_234 = arith.addf %gather3A_225, %gather3A_233 : vector<16xf32>
      %ge3A_235 = arith.constant 0.000000e+00 : f32
      %ge3A_236 = vector.broadcast %ge3A_235 : f32 to vector<16xf32>
      %ge3A_237 = arith.cmpf oge, %add3A_234, %ge3A_236 : vector<16xf32>
      %mul3A_238 = arith.constant 2.000000e-01 : f32
      %mul3A_239 = vector.broadcast %mul3A_238 : f32 to vector<16xf32>
      %mul3A_240 = arith.mulf %mul3A_239, %add3A_234 : vector<16xf32>
      %select_n3A_241 = arith.select %ge3A_237, %add3A_234, %mul3A_240 : vector<16xi1>, vector<16xf32>
      %broadcast_in_dim3A_242 = arith.constant 4 : i32
      %broadcast_in_dim3A_243 = vector.broadcast %broadcast_in_dim3A_242 : i32 to vector<16xi32>
      %gather3A_244 = arith.constant 0 : i32
      %gather3A_245 = arith.constant 0 : i32
      %gather3A_246 = arith.constant 0 : i32
      %gather3A_247 = tpu.memref_slice %arg12[%gather3A_244, %gather3A_245, %gather3A_246] : memref<2x80x16xf32, #tpu.memory_space<vmem>> -> memref<1x80x16xf32, #tpu.memory_space<vmem>>
      %gather3A_248 = tpu.memref_squeeze %gather3A_247 : memref<1x80x16xf32, #tpu.memory_space<vmem>> -> memref<80x16xf32, #tpu.memory_space<vmem>>
      %gather3A_249 = tpu.vector_load_idx %gather3A_248[%add3A_147, %broadcast_in_dim3A_243] : memref<80x16xf32, #tpu.memory_space<vmem>>[vector<16xi32>, vector<16xi32>], vector<16xf32>,
      %broadcast_in_dim3A_250 = arith.constant 140 : i32
      %broadcast_in_dim3A_251 = vector.broadcast %broadcast_in_dim3A_250 : i32 to vector<16xi32>
      %gather3A_252 = arith.constant 0 : i32
      %gather3A_253 = arith.constant 0 : i32
      %gather3A_254 = arith.constant 0 : i32
      %gather3A_255 = tpu.memref_slice %arg13[%gather3A_252, %gather3A_253, %gather3A_254] : memref<2x80x144xf32, #tpu.memory_space<vmem>> -> memref<1x80x144xf32, #tpu.memory_space<vmem>>
      %gather3A_256 = tpu.memref_squeeze %gather3A_255 : memref<1x80x144xf32, #tpu.memory_space<vmem>> -> memref<80x144xf32, #tpu.memory_space<vmem>>
      %gather3A_257 = tpu.vector_load_idx %gather3A_256[%add3A_147, %broadcast_in_dim3A_251] : memref<80x144xf32, #tpu.memory_space<vmem>>[vector<16xi32>, vector<16xi32>], vector<16xf32>,
      %add3A_258 = arith.addf %gather3A_249, %gather3A_257 : vector<16xf32>
      %ge3A_259 = arith.constant 0.000000e+00 : f32
      %ge3A_260 = vector.broadcast %ge3A_259 : f32 to vector<16xf32>
      %ge3A_261 = arith.cmpf oge, %add3A_258, %ge3A_260 : vector<16xf32>
      %mul3A_262 = arith.constant 2.000000e-01 : f32
      %mul3A_263 = vector.broadcast %mul3A_262 : f32 to vector<16xf32>
      %mul3A_264 = arith.mulf %mul3A_263, %add3A_258 : vector<16xf32>
      %select_n3A_265 = arith.select %ge3A_261, %add3A_258, %mul3A_264 : vector<16xi1>, vector<16xf32>
      %broadcast_in_dim3A_266 = arith.constant 5 : i32
      %broadcast_in_dim3A_267 = vector.broadcast %broadcast_in_dim3A_266 : i32 to vector<16xi32>
      %gather3A_268 = arith.constant 0 : i32
      %gather3A_269 = arith.constant 0 : i32
      %gather3A_270 = arith.constant 0 : i32
      %gather3A_271 = tpu.memref_slice %arg12[%gather3A_268, %gather3A_269, %gather3A_270] : memref<2x80x16xf32, #tpu.memory_space<vmem>> -> memref<1x80x16xf32, #tpu.memory_space<vmem>>
      %gather3A_272 = tpu.memref_squeeze %gather3A_271 : memref<1x80x16xf32, #tpu.memory_space<vmem>> -> memref<80x16xf32, #tpu.memory_space<vmem>>
      %gather3A_273 = tpu.vector_load_idx %gather3A_272[%add3A_147, %broadcast_in_dim3A_267] : memref<80x16xf32, #tpu.memory_space<vmem>>[vector<16xi32>, vector<16xi32>], vector<16xf32>,
      %broadcast_in_dim3A_274 = arith.constant 141 : i32
      %broadcast_in_dim3A_275 = vector.broadcast %broadcast_in_dim3A_274 : i32 to vector<16xi32>
      %gather3A_276 = arith.constant 0 : i32
      %gather3A_277 = arith.constant 0 : i32
      %gather3A_278 = arith.constant 0 : i32
      %gather3A_279 = tpu.memref_slice %arg13[%gather3A_276, %gather3A_277, %gather3A_278] : memref<2x80x144xf32, #tpu.memory_space<vmem>> -> memref<1x80x144xf32, #tpu.memory_space<vmem>>
      %gather3A_280 = tpu.memref_squeeze %gather3A_279 : memref<1x80x144xf32, #tpu.memory_space<vmem>> -> memref<80x144xf32, #tpu.memory_space<vmem>>
      %gather3A_281 = tpu.vector_load_idx %gather3A_280[%add3A_147, %broadcast_in_dim3A_275] : memref<80x144xf32, #tpu.memory_space<vmem>>[vector<16xi32>, vector<16xi32>], vector<16xf32>,
      %add3A_282 = arith.addf %gather3A_273, %gather3A_281 : vector<16xf32>
      %ge3A_283 = arith.constant 0.000000e+00 : f32
      %ge3A_284 = vector.broadcast %ge3A_283 : f32 to vector<16xf32>
      %ge3A_285 = arith.cmpf oge, %add3A_282, %ge3A_284 : vector<16xf32>
      %mul3A_286 = arith.constant 2.000000e-01 : f32
      %mul3A_287 = vector.broadcast %mul3A_286 : f32 to vector<16xf32>
      %mul3A_288 = arith.mulf %mul3A_287, %add3A_282 : vector<16xf32>
      %select_n3A_289 = arith.select %ge3A_285, %add3A_282, %mul3A_288 : vector<16xi1>, vector<16xf32>
      %broadcast_in_dim3A_290 = arith.constant 6 : i32
      %broadcast_in_dim3A_291 = vector.broadcast %broadcast_in_dim3A_290 : i32 to vector<16xi32>
      %gather3A_292 = arith.constant 0 : i32
      %gather3A_293 = arith.constant 0 : i32
      %gather3A_294 = arith.constant 0 : i32
      %gather3A_295 = tpu.memref_slice %arg12[%gather3A_292, %gather3A_293, %gather3A_294] : memref<2x80x16xf32, #tpu.memory_space<vmem>> -> memref<1x80x16xf32, #tpu.memory_space<vmem>>
      %gather3A_296 = tpu.memref_squeeze %gather3A_295 : memref<1x80x16xf32, #tpu.memory_space<vmem>> -> memref<80x16xf32, #tpu.memory_space<vmem>>
      %gather3A_297 = tpu.vector_load_idx %gather3A_296[%add3A_147, %broadcast_in_dim3A_291] : memref<80x16xf32, #tpu.memory_space<vmem>>[vector<16xi32>, vector<16xi32>], vector<16xf32>,
      %broadcast_in_dim3A_298 = arith.constant 142 : i32
      %broadcast_in_dim3A_299 = vector.broadcast %broadcast_in_dim3A_298 : i32 to vector<16xi32>
      %gather3A_300 = arith.constant 0 : i32
      %gather3A_301 = arith.constant 0 : i32
      %gather3A_302 = arith.constant 0 : i32
      %gather3A_303 = tpu.memref_slice %arg13[%gather3A_300, %gather3A_301, %gather3A_302] : memref<2x80x144xf32, #tpu.memory_space<vmem>> -> memref<1x80x144xf32, #tpu.memory_space<vmem>>
      %gather3A_304 = tpu.memref_squeeze %gather3A_303 : memref<1x80x144xf32, #tpu.memory_space<vmem>> -> memref<80x144xf32, #tpu.memory_space<vmem>>
      %gather3A_305 = tpu.vector_load_idx %gather3A_304[%add3A_147, %broadcast_in_dim3A_299] : memref<80x144xf32, #tpu.memory_space<vmem>>[vector<16xi32>, vector<16xi32>], vector<16xf32>,
      %add3A_306 = arith.addf %gather3A_297, %gather3A_305 : vector<16xf32>
      %ge3A_307 = arith.constant 0.000000e+00 : f32
      %ge3A_308 = vector.broadcast %ge3A_307 : f32 to vector<16xf32>
      %ge3A_309 = arith.cmpf oge, %add3A_306, %ge3A_308 : vector<16xf32>
      %mul3A_310 = arith.constant 2.000000e-01 : f32
      %mul3A_311 = vector.broadcast %mul3A_310 : f32 to vector<16xf32>
      %mul3A_312 = arith.mulf %mul3A_311, %add3A_306 : vector<16xf32>
      %select_n3A_313 = arith.select %ge3A_309, %add3A_306, %mul3A_312 : vector<16xi1>, vector<16xf32>
      %broadcast_in_dim3A_314 = arith.constant 7 : i32
      %broadcast_in_dim3A_315 = vector.broadcast %broadcast_in_dim3A_314 : i32 to vector<16xi32>
      %gather3A_316 = arith.constant 0 : i32
      %gather3A_317 = arith.constant 0 : i32
      %gather3A_318 = arith.constant 0 : i32
      %gather3A_319 = tpu.memref_slice %arg12[%gather3A_316, %gather3A_317, %gather3A_318] : memref<2x80x16xf32, #tpu.memory_space<vmem>> -> memref<1x80x16xf32, #tpu.memory_space<vmem>>
      %gather3A_320 = tpu.memref_squeeze %gather3A_319 : memref<1x80x16xf32, #tpu.memory_space<vmem>> -> memref<80x16xf32, #tpu.memory_space<vmem>>
      %gather3A_321 = tpu.vector_load_idx %gather3A_320[%add3A_147, %broadcast_in_dim3A_315] : memref<80x16xf32, #tpu.memory_space<vmem>>[vector<16xi32>, vector<16xi32>], vector<16xf32>,
      %broadcast_in_dim3A_322 = arith.constant 143 : i32
      %broadcast_in_dim3A_323 = vector.broadcast %broadcast_in_dim3A_322 : i32 to vector<16xi32>
      %gather3A_324 = arith.constant 0 : i32
      %gather3A_325 = arith.constant 0 : i32
      %gather3A_326 = arith.constant 0 : i32
      %gather3A_327 = tpu.memref_slice %arg13[%gather3A_324, %gather3A_325, %gather3A_326] : memref<2x80x144xf32, #tpu.memory_space<vmem>> -> memref<1x80x144xf32, #tpu.memory_space<vmem>>
      %gather3A_328 = tpu.memref_squeeze %gather3A_327 : memref<1x80x144xf32, #tpu.memory_space<vmem>> -> memref<80x144xf32, #tpu.memory_space<vmem>>
      %gather3A_329 = tpu.vector_load_idx %gather3A_328[%add3A_147, %broadcast_in_dim3A_323] : memref<80x144xf32, #tpu.memory_space<vmem>>[vector<16xi32>, vector<16xi32>], vector<16xf32>,
      %add3A_330 = arith.addf %gather3A_321, %gather3A_329 : vector<16xf32>
      %ge3A_331 = arith.constant 0.000000e+00 : f32
      %ge3A_332 = vector.broadcast %ge3A_331 : f32 to vector<16xf32>
      %ge3A_333 = arith.cmpf oge, %add3A_330, %ge3A_332 : vector<16xf32>
      %mul3A_334 = arith.constant 2.000000e-01 : f32
      %mul3A_335 = vector.broadcast %mul3A_334 : f32 to vector<16xf32>
      %mul3A_336 = arith.mulf %mul3A_335, %add3A_330 : vector<16xf32>
      %select_n3A_337 = arith.select %ge3A_333, %add3A_330, %mul3A_336 : vector<16xi1>, vector<16xf32>
      %max3A = arith.maximumf %select_n3A, %select_n3A_193 : vector<16xf32>
      %max3A_338 = arith.maximumf %max3A, %select_n3A_217 : vector<16xf32>
      %max3A_339 = arith.maximumf %max3A_338, %select_n3A_241 : vector<16xf32>
      %max3A_340 = arith.maximumf %max3A_339, %select_n3A_265 : vector<16xf32>
      %max3A_341 = arith.maximumf %max3A_340, %select_n3A_289 : vector<16xf32>
      %max3A_342 = arith.maximumf %max3A_341, %select_n3A_313 : vector<16xf32>
      %max3A_343 = arith.maximumf %max3A_342, %select_n3A_337 : vector<16xf32>
      %sub3A = arith.subf %select_n3A, %max3A_343 : vector<16xf32>
      %exp3A = math.exp %sub3A : vector<16xf32>
      %sub3A_344 = arith.subf %select_n3A_193, %max3A_343 : vector<16xf32>
      %exp3A_345 = math.exp %sub3A_344 : vector<16xf32>
      %sub3A_346 = arith.subf %select_n3A_217, %max3A_343 : vector<16xf32>
      %exp3A_347 = math.exp %sub3A_346 : vector<16xf32>
      %sub3A_348 = arith.subf %select_n3A_241, %max3A_343 : vector<16xf32>
      %exp3A_349 = math.exp %sub3A_348 : vector<16xf32>
      %sub3A_350 = arith.subf %select_n3A_265, %max3A_343 : vector<16xf32>
      %exp3A_351 = math.exp %sub3A_350 : vector<16xf32>
      %sub3A_352 = arith.subf %select_n3A_289, %max3A_343 : vector<16xf32>
      %exp3A_353 = math.exp %sub3A_352 : vector<16xf32>
      %sub3A_354 = arith.subf %select_n3A_313, %max3A_343 : vector<16xf32>
      %exp3A_355 = math.exp %sub3A_354 : vector<16xf32>
      %sub3A_356 = arith.subf %select_n3A_337, %max3A_343 : vector<16xf32>
      %exp3A_357 = math.exp %sub3A_356 : vector<16xf32>
      %add3A_358 = arith.addf %exp3A, %exp3A_345 : vector<16xf32>
      %add3A_359 = arith.addf %add3A_358, %exp3A_347 : vector<16xf32>
      %add3A_360 = arith.addf %add3A_359, %exp3A_349 : vector<16xf32>
      %add3A_361 = arith.addf %add3A_360, %exp3A_351 : vector<16xf32>
      %add3A_362 = arith.addf %add3A_361, %exp3A_353 : vector<16xf32>
      %add3A_363 = arith.addf %add3A_362, %exp3A_355 : vector<16xf32>
      %add3A_364 = arith.addf %add3A_363, %exp3A_357 : vector<16xf32>
      %div3A = arith.constant 1.000000e+00 : f32
      %div3A_365 = vector.broadcast %div3A : f32 to vector<16xf32>
      %div3A_366 = arith.divf %div3A_365, %add3A_364 : vector<16xf32>
      %eq3A_367 = arith.constant 0 : i32
      %eq3A_368 = arith.cmpi eq, %arg0, %eq3A_367 : i32
      %select_n3A_369 = arith.select %eq3A_368, %exp3A, %exp3A_351 : vector<16xf32>
      %mul3A_370 = arith.mulf %select_n3A_369, %div3A_366 : vector<16xf32>
      %swap3A_371 = arith.constant 0 : i32
      %swap3A_372 = arith.index_cast %swap3A_371 : i32 to index
      %swap3A_373 = arith.constant 0 : index
      %swap3A_374 = tpu.vector_load %arg14[%swap3A_372, %swap3A_373] {strides = array<i32>} : memref<4x80xf32, #tpu.memory_space<vmem>>, vector<16xf32>,
      tpu.vector_store %arg14[%swap3A_372, %swap3A_373], %mul3A_370 {strides = array<i32>} : memref<4x80xf32, #tpu.memory_space<vmem>>, vector<16xf32>,
      %eq3A_375 = arith.constant 0 : i32
      %eq3A_376 = arith.cmpi eq, %arg0, %eq3A_375 : i32
      %select_n3A_377 = arith.select %eq3A_376, %exp3A_345, %exp3A_353 : vector<16xf32>
      %mul3A_378 = arith.mulf %select_n3A_377, %div3A_366 : vector<16xf32>
      %swap3A_379 = arith.constant 1 : i32
      %swap3A_380 = arith.index_cast %swap3A_379 : i32 to index
      %swap3A_381 = arith.constant 0 : index
      %swap3A_382 = tpu.vector_load %arg14[%swap3A_380, %swap3A_381] {strides = array<i32>} : memref<4x80xf32, #tpu.memory_space<vmem>>, vector<16xf32>,
      tpu.vector_store %arg14[%swap3A_380, %swap3A_381], %mul3A_378 {strides = array<i32>} : memref<4x80xf32, #tpu.memory_space<vmem>>, vector<16xf32>,
      %eq3A_383 = arith.constant 0 : i32
      %eq3A_384 = arith.cmpi eq, %arg0, %eq3A_383 : i32
      %select_n3A_385 = arith.select %eq3A_384, %exp3A_347, %exp3A_355 : vector<16xf32>
      %mul3A_386 = arith.mulf %select_n3A_385, %div3A_366 : vector<16xf32>
      %swap3A_387 = arith.constant 2 : i32
      %swap3A_388 = arith.index_cast %swap3A_387 : i32 to index
      %swap3A_389 = arith.constant 0 : index
      %swap3A_390 = tpu.vector_load %arg14[%swap3A_388, %swap3A_389] {strides = array<i32>} : memref<4x80xf32, #tpu.memory_space<vmem>>, vector<16xf32>,
      tpu.vector_store %arg14[%swap3A_388, %swap3A_389], %mul3A_386 {strides = array<i32>} : memref<4x80xf32, #tpu.memory_space<vmem>>, vector<16xf32>,
      %eq3A_391 = arith.constant 0 : i32
      %eq3A_392 = arith.cmpi eq, %arg0, %eq3A_391 : i32
      %select_n3A_393 = arith.select %eq3A_392, %exp3A_349, %exp3A_357 : vector<16xf32>
      %mul3A_394 = arith.mulf %select_n3A_393, %div3A_366 : vector<16xf32>
      %swap3A_395 = arith.constant 3 : i32
      %swap3A_396 = arith.index_cast %swap3A_395 : i32 to index
      %swap3A_397 = arith.constant 0 : index
      %swap3A_398 = tpu.vector_load %arg14[%swap3A_396, %swap3A_397] {strides = array<i32>} : memref<4x80xf32, #tpu.memory_space<vmem>>, vector<16xf32>,
      tpu.vector_store %arg14[%swap3A_396, %swap3A_397], %mul3A_394 {strides = array<i32>} : memref<4x80xf32, #tpu.memory_space<vmem>>, vector<16xf32>,
      %add3A_399 = arith.constant 16 : i32
      %add3A_400 = vector.broadcast %add3A_399 : i32 to vector<16xi32>
      %add3A_401 = arith.addi %iota3A, %add3A_400 : vector<16xi32>
      %broadcast_in_dim3A_402 = arith.constant 0 : i32
      %broadcast_in_dim3A_403 = vector.broadcast %broadcast_in_dim3A_402 : i32 to vector<16xi32>
      %gather3A_404 = arith.constant 0 : i32
      %gather3A_405 = arith.constant 0 : i32
      %gather3A_406 = arith.constant 0 : i32
      %gather3A_407 = tpu.memref_slice %arg12[%gather3A_404, %gather3A_405, %gather3A_406] : memref<2x80x16xf32, #tpu.memory_space<vmem>> -> memref<1x80x16xf32, #tpu.memory_space<vmem>>
      %gather3A_408 = tpu.memref_squeeze %gather3A_407 : memref<1x80x16xf32, #tpu.memory_space<vmem>> -> memref<80x16xf32, #tpu.memory_space<vmem>>
      %gather3A_409 = tpu.vector_load_idx %gather3A_408[%add3A_401, %broadcast_in_dim3A_403] : memref<80x16xf32, #tpu.memory_space<vmem>>[vector<16xi32>, vector<16xi32>], vector<16xf32>,
      %broadcast_in_dim3A_410 = arith.constant 136 : i32
      %broadcast_in_dim3A_411 = vector.broadcast %broadcast_in_dim3A_410 : i32 to vector<16xi32>
      %gather3A_412 = arith.constant 0 : i32
      %gather3A_413 = arith.constant 0 : i32
      %gather3A_414 = arith.constant 0 : i32
      %gather3A_415 = tpu.memref_slice %arg13[%gather3A_412, %gather3A_413, %gather3A_414] : memref<2x80x144xf32, #tpu.memory_space<vmem>> -> memref<1x80x144xf32, #tpu.memory_space<vmem>>
      %gather3A_416 = tpu.memref_squeeze %gather3A_415 : memref<1x80x144xf32, #tpu.memory_space<vmem>> -> memref<80x144xf32, #tpu.memory_space<vmem>>
      %gather3A_417 = tpu.vector_load_idx %gather3A_416[%add3A_401, %broadcast_in_dim3A_411] : memref<80x144xf32, #tpu.memory_space<vmem>>[vector<16xi32>, vector<16xi32>], vector<16xf32>,
      %add3A_418 = arith.addf %gather3A_409, %gather3A_417 : vector<16xf32>
      %ge3A_419 = arith.constant 0.000000e+00 : f32
      %ge3A_420 = vector.broadcast %ge3A_419 : f32 to vector<16xf32>
      %ge3A_421 = arith.cmpf oge, %add3A_418, %ge3A_420 : vector<16xf32>
      %mul3A_422 = arith.constant 2.000000e-01 : f32
      %mul3A_423 = vector.broadcast %mul3A_422 : f32 to vector<16xf32>
      %mul3A_424 = arith.mulf %mul3A_423, %add3A_418 : vector<16xf32>
      %select_n3A_425 = arith.select %ge3A_421, %add3A_418, %mul3A_424 : vector<16xi1>, vector<16xf32>
      %broadcast_in_dim3A_426 = arith.constant 1 : i32
      %broadcast_in_dim3A_427 = vector.broadcast %broadcast_in_dim3A_426 : i32 to vector<16xi32>
      %gather3A_428 = arith.constant 0 : i32
      %gather3A_429 = arith.constant 0 : i32
      %gather3A_430 = arith.constant 0 : i32
      %gather3A_431 = tpu.memref_slice %arg12[%gather3A_428, %gather3A_429, %gather3A_430] : memref<2x80x16xf32, #tpu.memory_space<vmem>> -> memref<1x80x16xf32, #tpu.memory_space<vmem>>
      %gather3A_432 = tpu.memref_squeeze %gather3A_431 : memref<1x80x16xf32, #tpu.memory_space<vmem>> -> memref<80x16xf32, #tpu.memory_space<vmem>>
      %gather3A_433 = tpu.vector_load_idx %gather3A_432[%add3A_401, %broadcast_in_dim3A_427] : memref<80x16xf32, #tpu.memory_space<vmem>>[vector<16xi32>, vector<16xi32>], vector<16xf32>,
      %broadcast_in_dim3A_434 = arith.constant 137 : i32
      %broadcast_in_dim3A_435 = vector.broadcast %broadcast_in_dim3A_434 : i32 to vector<16xi32>
      %gather3A_436 = arith.constant 0 : i32
      %gather3A_437 = arith.constant 0 : i32
      %gather3A_438 = arith.constant 0 : i32
      %gather3A_439 = tpu.memref_slice %arg13[%gather3A_436, %gather3A_437, %gather3A_438] : memref<2x80x144xf32, #tpu.memory_space<vmem>> -> memref<1x80x144xf32, #tpu.memory_space<vmem>>
      %gather3A_440 = tpu.memref_squeeze %gather3A_439 : memref<1x80x144xf32, #tpu.memory_space<vmem>> -> memref<80x144xf32, #tpu.memory_space<vmem>>
      %gather3A_441 = tpu.vector_load_idx %gather3A_440[%add3A_401, %broadcast_in_dim3A_435] : memref<80x144xf32, #tpu.memory_space<vmem>>[vector<16xi32>, vector<16xi32>], vector<16xf32>,
      %add3A_442 = arith.addf %gather3A_433, %gather3A_441 : vector<16xf32>
      %ge3A_443 = arith.constant 0.000000e+00 : f32
      %ge3A_444 = vector.broadcast %ge3A_443 : f32 to vector<16xf32>
      %ge3A_445 = arith.cmpf oge, %add3A_442, %ge3A_444 : vector<16xf32>
      %mul3A_446 = arith.constant 2.000000e-01 : f32
      %mul3A_447 = vector.broadcast %mul3A_446 : f32 to vector<16xf32>
      %mul3A_448 = arith.mulf %mul3A_447, %add3A_442 : vector<16xf32>
      %select_n3A_449 = arith.select %ge3A_445, %add3A_442, %mul3A_448 : vector<16xi1>, vector<16xf32>
      %broadcast_in_dim3A_450 = arith.constant 2 : i32
      %broadcast_in_dim3A_451 = vector.broadcast %broadcast_in_dim3A_450 : i32 to vector<16xi32>
      %gather3A_452 = arith.constant 0 : i32
      %gather3A_453 = arith.constant 0 : i32
      %gather3A_454 = arith.constant 0 : i32
      %gather3A_455 = tpu.memref_slice %arg12[%gather3A_452, %gather3A_453, %gather3A_454] : memref<2x80x16xf32, #tpu.memory_space<vmem>> -> memref<1x80x16xf32, #tpu.memory_space<vmem>>
      %gather3A_456 = tpu.memref_squeeze %gather3A_455 : memref<1x80x16xf32, #tpu.memory_space<vmem>> -> memref<80x16xf32, #tpu.memory_space<vmem>>
      %gather3A_457 = tpu.vector_load_idx %gather3A_456[%add3A_401, %broadcast_in_dim3A_451] : memref<80x16xf32, #tpu.memory_space<vmem>>[vector<16xi32>, vector<16xi32>], vector<16xf32>,
      %broadcast_in_dim3A_458 = arith.constant 138 : i32
      %broadcast_in_dim3A_459 = vector.broadcast %broadcast_in_dim3A_458 : i32 to vector<16xi32>
      %gather3A_460 = arith.constant 0 : i32
      %gather3A_461 = arith.constant 0 : i32
      %gather3A_462 = arith.constant 0 : i32
      %gather3A_463 = tpu.memref_slice %arg13[%gather3A_460, %gather3A_461, %gather3A_462] : memref<2x80x144xf32, #tpu.memory_space<vmem>> -> memref<1x80x144xf32, #tpu.memory_space<vmem>>
      %gather3A_464 = tpu.memref_squeeze %gather3A_463 : memref<1x80x144xf32, #tpu.memory_space<vmem>> -> memref<80x144xf32, #tpu.memory_space<vmem>>
      %gather3A_465 = tpu.vector_load_idx %gather3A_464[%add3A_401, %broadcast_in_dim3A_459] : memref<80x144xf32, #tpu.memory_space<vmem>>[vector<16xi32>, vector<16xi32>], vector<16xf32>,
      %add3A_466 = arith.addf %gather3A_457, %gather3A_465 : vector<16xf32>
      %ge3A_467 = arith.constant 0.000000e+00 : f32
      %ge3A_468 = vector.broadcast %ge3A_467 : f32 to vector<16xf32>
      %ge3A_469 = arith.cmpf oge, %add3A_466, %ge3A_468 : vector<16xf32>
      %mul3A_470 = arith.constant 2.000000e-01 : f32
      %mul3A_471 = vector.broadcast %mul3A_470 : f32 to vector<16xf32>
      %mul3A_472 = arith.mulf %mul3A_471, %add3A_466 : vector<16xf32>
      %select_n3A_473 = arith.select %ge3A_469, %add3A_466, %mul3A_472 : vector<16xi1>, vector<16xf32>
      %broadcast_in_dim3A_474 = arith.constant 3 : i32
      %broadcast_in_dim3A_475 = vector.broadcast %broadcast_in_dim3A_474 : i32 to vector<16xi32>
      %gather3A_476 = arith.constant 0 : i32
      %gather3A_477 = arith.constant 0 : i32
      %gather3A_478 = arith.constant 0 : i32
      %gather3A_479 = tpu.memref_slice %arg12[%gather3A_476, %gather3A_477, %gather3A_478] : memref<2x80x16xf32, #tpu.memory_space<vmem>> -> memref<1x80x16xf32, #tpu.memory_space<vmem>>
      %gather3A_480 = tpu.memref_squeeze %gather3A_479 : memref<1x80x16xf32, #tpu.memory_space<vmem>> -> memref<80x16xf32, #tpu.memory_space<vmem>>
      %gather3A_481 = tpu.vector_load_idx %gather3A_480[%add3A_401, %broadcast_in_dim3A_475] : memref<80x16xf32, #tpu.memory_space<vmem>>[vector<16xi32>, vector<16xi32>], vector<16xf32>,
      %broadcast_in_dim3A_482 = arith.constant 139 : i32
      %broadcast_in_dim3A_483 = vector.broadcast %broadcast_in_dim3A_482 : i32 to vector<16xi32>
      %gather3A_484 = arith.constant 0 : i32
      %gather3A_485 = arith.constant 0 : i32
      %gather3A_486 = arith.constant 0 : i32
      %gather3A_487 = tpu.memref_slice %arg13[%gather3A_484, %gather3A_485, %gather3A_486] : memref<2x80x144xf32, #tpu.memory_space<vmem>> -> memref<1x80x144xf32, #tpu.memory_space<vmem>>
      %gather3A_488 = tpu.memref_squeeze %gather3A_487 : memref<1x80x144xf32, #tpu.memory_space<vmem>> -> memref<80x144xf32, #tpu.memory_space<vmem>>
      %gather3A_489 = tpu.vector_load_idx %gather3A_488[%add3A_401, %broadcast_in_dim3A_483] : memref<80x144xf32, #tpu.memory_space<vmem>>[vector<16xi32>, vector<16xi32>], vector<16xf32>,
      %add3A_490 = arith.addf %gather3A_481, %gather3A_489 : vector<16xf32>
      %ge3A_491 = arith.constant 0.000000e+00 : f32
      %ge3A_492 = vector.broadcast %ge3A_491 : f32 to vector<16xf32>
      %ge3A_493 = arith.cmpf oge, %add3A_490, %ge3A_492 : vector<16xf32>
      %mul3A_494 = arith.constant 2.000000e-01 : f32
      %mul3A_495 = vector.broadcast %mul3A_494 : f32 to vector<16xf32>
      %mul3A_496 = arith.mulf %mul3A_495, %add3A_490 : vector<16xf32>
      %select_n3A_497 = arith.select %ge3A_493, %add3A_490, %mul3A_496 : vector<16xi1>, vector<16xf32>
      %broadcast_in_dim3A_498 = arith.constant 4 : i32
      %broadcast_in_dim3A_499 = vector.broadcast %broadcast_in_dim3A_498 : i32 to vector<16xi32>
      %gather3A_500 = arith.constant 0 : i32
      %gather3A_501 = arith.constant 0 : i32
      %gather3A_502 = arith.constant 0 : i32
      %gather3A_503 = tpu.memref_slice %arg12[%gather3A_500, %gather3A_501, %gather3A_502] : memref<2x80x16xf32, #tpu.memory_space<vmem>> -> memref<1x80x16xf32, #tpu.memory_space<vmem>>
      %gather3A_504 = tpu.memref_squeeze %gather3A_503 : memref<1x80x16xf32, #tpu.memory_space<vmem>> -> memref<80x16xf32, #tpu.memory_space<vmem>>
      %gather3A_505 = tpu.vector_load_idx %gather3A_504[%add3A_401, %broadcast_in_dim3A_499] : memref<80x16xf32, #tpu.memory_space<vmem>>[vector<16xi32>, vector<16xi32>], vector<16xf32>,
      %broadcast_in_dim3A_506 = arith.constant 140 : i32
      %broadcast_in_dim3A_507 = vector.broadcast %broadcast_in_dim3A_506 : i32 to vector<16xi32>
      %gather3A_508 = arith.constant 0 : i32
      %gather3A_509 = arith.constant 0 : i32
      %gather3A_510 = arith.constant 0 : i32
      %gather3A_511 = tpu.memref_slice %arg13[%gather3A_508, %gather3A_509, %gather3A_510] : memref<2x80x144xf32, #tpu.memory_space<vmem>> -> memref<1x80x144xf32, #tpu.memory_space<vmem>>
      %gather3A_512 = tpu.memref_squeeze %gather3A_511 : memref<1x80x144xf32, #tpu.memory_space<vmem>> -> memref<80x144xf32, #tpu.memory_space<vmem>>
      %gather3A_513 = tpu.vector_load_idx %gather3A_512[%add3A_401, %broadcast_in_dim3A_507] : memref<80x144xf32, #tpu.memory_space<vmem>>[vector<16xi32>, vector<16xi32>], vector<16xf32>,
      %add3A_514 = arith.addf %gather3A_505, %gather3A_513 : vector<16xf32>
      %ge3A_515 = arith.constant 0.000000e+00 : f32
      %ge3A_516 = vector.broadcast %ge3A_515 : f32 to vector<16xf32>
      %ge3A_517 = arith.cmpf oge, %add3A_514, %ge3A_516 : vector<16xf32>
      %mul3A_518 = arith.constant 2.000000e-01 : f32
      %mul3A_519 = vector.broadcast %mul3A_518 : f32 to vector<16xf32>
      %mul3A_520 = arith.mulf %mul3A_519, %add3A_514 : vector<16xf32>
      %select_n3A_521 = arith.select %ge3A_517, %add3A_514, %mul3A_520 : vector<16xi1>, vector<16xf32>
      %broadcast_in_dim3A_522 = arith.constant 5 : i32
      %broadcast_in_dim3A_523 = vector.broadcast %broadcast_in_dim3A_522 : i32 to vector<16xi32>
      %gather3A_524 = arith.constant 0 : i32
      %gather3A_525 = arith.constant 0 : i32
      %gather3A_526 = arith.constant 0 : i32
      %gather3A_527 = tpu.memref_slice %arg12[%gather3A_524, %gather3A_525, %gather3A_526] : memref<2x80x16xf32, #tpu.memory_space<vmem>> -> memref<1x80x16xf32, #tpu.memory_space<vmem>>
      %gather3A_528 = tpu.memref_squeeze %gather3A_527 : memref<1x80x16xf32, #tpu.memory_space<vmem>> -> memref<80x16xf32, #tpu.memory_space<vmem>>
      %gather3A_529 = tpu.vector_load_idx %gather3A_528[%add3A_401, %broadcast_in_dim3A_523] : memref<80x16xf32, #tpu.memory_space<vmem>>[vector<16xi32>, vector<16xi32>], vector<16xf32>,
      %broadcast_in_dim3A_530 = arith.constant 141 : i32
      %broadcast_in_dim3A_531 = vector.broadcast %broadcast_in_dim3A_530 : i32 to vector<16xi32>
      %gather3A_532 = arith.constant 0 : i32
      %gather3A_533 = arith.constant 0 : i32
      %gather3A_534 = arith.constant 0 : i32
      %gather3A_535 = tpu.memref_slice %arg13[%gather3A_532, %gather3A_533, %gather3A_534] : memref<2x80x144xf32, #tpu.memory_space<vmem>> -> memref<1x80x144xf32, #tpu.memory_space<vmem>>
      %gather3A_536 = tpu.memref_squeeze %gather3A_535 : memref<1x80x144xf32, #tpu.memory_space<vmem>> -> memref<80x144xf32, #tpu.memory_space<vmem>>
      %gather3A_537 = tpu.vector_load_idx %gather3A_536[%add3A_401, %broadcast_in_dim3A_531] : memref<80x144xf32, #tpu.memory_space<vmem>>[vector<16xi32>, vector<16xi32>], vector<16xf32>,
      %add3A_538 = arith.addf %gather3A_529, %gather3A_537 : vector<16xf32>
      %ge3A_539 = arith.constant 0.000000e+00 : f32
      %ge3A_540 = vector.broadcast %ge3A_539 : f32 to vector<16xf32>
      %ge3A_541 = arith.cmpf oge, %add3A_538, %ge3A_540 : vector<16xf32>
      %mul3A_542 = arith.constant 2.000000e-01 : f32
      %mul3A_543 = vector.broadcast %mul3A_542 : f32 to vector<16xf32>
      %mul3A_544 = arith.mulf %mul3A_543, %add3A_538 : vector<16xf32>
      %select_n3A_545 = arith.select %ge3A_541, %add3A_538, %mul3A_544 : vector<16xi1>, vector<16xf32>
      %broadcast_in_dim3A_546 = arith.constant 6 : i32
      %broadcast_in_dim3A_547 = vector.broadcast %broadcast_in_dim3A_546 : i32 to vector<16xi32>
      %gather3A_548 = arith.constant 0 : i32
      %gather3A_549 = arith.constant 0 : i32
      %gather3A_550 = arith.constant 0 : i32
      %gather3A_551 = tpu.memref_slice %arg12[%gather3A_548, %gather3A_549, %gather3A_550] : memref<2x80x16xf32, #tpu.memory_space<vmem>> -> memref<1x80x16xf32, #tpu.memory_space<vmem>>
      %gather3A_552 = tpu.memref_squeeze %gather3A_551 : memref<1x80x16xf32, #tpu.memory_space<vmem>> -> memref<80x16xf32, #tpu.memory_space<vmem>>
      %gather3A_553 = tpu.vector_load_idx %gather3A_552[%add3A_401, %broadcast_in_dim3A_547] : memref<80x16xf32, #tpu.memory_space<vmem>>[vector<16xi32>, vector<16xi32>], vector<16xf32>,
      %broadcast_in_dim3A_554 = arith.constant 142 : i32
      %broadcast_in_dim3A_555 = vector.broadcast %broadcast_in_dim3A_554 : i32 to vector<16xi32>
      %gather3A_556 = arith.constant 0 : i32
      %gather3A_557 = arith.constant 0 : i32
      %gather3A_558 = arith.constant 0 : i32
      %gather3A_559 = tpu.memref_slice %arg13[%gather3A_556, %gather3A_557, %gather3A_558] : memref<2x80x144xf32, #tpu.memory_space<vmem>> -> memref<1x80x144xf32, #tpu.memory_space<vmem>>
      %gather3A_560 = tpu.memref_squeeze %gather3A_559 : memref<1x80x144xf32, #tpu.memory_space<vmem>> -> memref<80x144xf32, #tpu.memory_space<vmem>>
      %gather3A_561 = tpu.vector_load_idx %gather3A_560[%add3A_401, %broadcast_in_dim3A_555] : memref<80x144xf32, #tpu.memory_space<vmem>>[vector<16xi32>, vector<16xi32>], vector<16xf32>,
      %add3A_562 = arith.addf %gather3A_553, %gather3A_561 : vector<16xf32>
      %ge3A_563 = arith.constant 0.000000e+00 : f32
      %ge3A_564 = vector.broadcast %ge3A_563 : f32 to vector<16xf32>
      %ge3A_565 = arith.cmpf oge, %add3A_562, %ge3A_564 : vector<16xf32>
      %mul3A_566 = arith.constant 2.000000e-01 : f32
      %mul3A_567 = vector.broadcast %mul3A_566 : f32 to vector<16xf32>
      %mul3A_568 = arith.mulf %mul3A_567, %add3A_562 : vector<16xf32>
      %select_n3A_569 = arith.select %ge3A_565, %add3A_562, %mul3A_568 : vector<16xi1>, vector<16xf32>
      %broadcast_in_dim3A_570 = arith.constant 7 : i32
      %broadcast_in_dim3A_571 = vector.broadcast %broadcast_in_dim3A_570 : i32 to vector<16xi32>
      %gather3A_572 = arith.constant 0 : i32
      %gather3A_573 = arith.constant 0 : i32
      %gather3A_574 = arith.constant 0 : i32
      %gather3A_575 = tpu.memref_slice %arg12[%gather3A_572, %gather3A_573, %gather3A_574] : memref<2x80x16xf32, #tpu.memory_space<vmem>> -> memref<1x80x16xf32, #tpu.memory_space<vmem>>
      %gather3A_576 = tpu.memref_squeeze %gather3A_575 : memref<1x80x16xf32, #tpu.memory_space<vmem>> -> memref<80x16xf32, #tpu.memory_space<vmem>>
      %gather3A_577 = tpu.vector_load_idx %gather3A_576[%add3A_401, %broadcast_in_dim3A_571] : memref<80x16xf32, #tpu.memory_space<vmem>>[vector<16xi32>, vector<16xi32>], vector<16xf32>,
      %broadcast_in_dim3A_578 = arith.constant 143 : i32
      %broadcast_in_dim3A_579 = vector.broadcast %broadcast_in_dim3A_578 : i32 to vector<16xi32>
      %gather3A_580 = arith.constant 0 : i32
      %gather3A_581 = arith.constant 0 : i32
      %gather3A_582 = arith.constant 0 : i32
      %gather3A_583 = tpu.memref_slice %arg13[%gather3A_580, %gather3A_581, %gather3A_582] : memref<2x80x144xf32, #tpu.memory_space<vmem>> -> memref<1x80x144xf32, #tpu.memory_space<vmem>>
      %gather3A_584 = tpu.memref_squeeze %gather3A_583 : memref<1x80x144xf32, #tpu.memory_space<vmem>> -> memref<80x144xf32, #tpu.memory_space<vmem>>
      %gather3A_585 = tpu.vector_load_idx %gather3A_584[%add3A_401, %broadcast_in_dim3A_579] : memref<80x144xf32, #tpu.memory_space<vmem>>[vector<16xi32>, vector<16xi32>], vector<16xf32>,
      %add3A_586 = arith.addf %gather3A_577, %gather3A_585 : vector<16xf32>
      %ge3A_587 = arith.constant 0.000000e+00 : f32
      %ge3A_588 = vector.broadcast %ge3A_587 : f32 to vector<16xf32>
      %ge3A_589 = arith.cmpf oge, %add3A_586, %ge3A_588 : vector<16xf32>
      %mul3A_590 = arith.constant 2.000000e-01 : f32
      %mul3A_591 = vector.broadcast %mul3A_590 : f32 to vector<16xf32>
      %mul3A_592 = arith.mulf %mul3A_591, %add3A_586 : vector<16xf32>
      %select_n3A_593 = arith.select %ge3A_589, %add3A_586, %mul3A_592 : vector<16xi1>, vector<16xf32>
      %max3A_594 = arith.maximumf %select_n3A_425, %select_n3A_449 : vector<16xf32>
      %max3A_595 = arith.maximumf %max3A_594, %select_n3A_473 : vector<16xf32>
      %max3A_596 = arith.maximumf %max3A_595, %select_n3A_497 : vector<16xf32>
      %max3A_597 = arith.maximumf %max3A_596, %select_n3A_521 : vector<16xf32>
      %max3A_598 = arith.maximumf %max3A_597, %select_n3A_545 : vector<16xf32>
      %max3A_599 = arith.maximumf %max3A_598, %select_n3A_569 : vector<16xf32>
      %max3A_600 = arith.maximumf %max3A_599, %select_n3A_593 : vector<16xf32>
      %sub3A_601 = arith.subf %select_n3A_425, %max3A_600 : vector<16xf32>
      %exp3A_602 = math.exp %sub3A_601 : vector<16xf32>
      %sub3A_603 = arith.subf %select_n3A_449, %max3A_600 : vector<16xf32>
      %exp3A_604 = math.exp %sub3A_603 : vector<16xf32>
      %sub3A_605 = arith.subf %select_n3A_473, %max3A_600 : vector<16xf32>
      %exp3A_606 = math.exp %sub3A_605 : vector<16xf32>
      %sub3A_607 = arith.subf %select_n3A_497, %max3A_600 : vector<16xf32>
      %exp3A_608 = math.exp %sub3A_607 : vector<16xf32>
      %sub3A_609 = arith.subf %select_n3A_521, %max3A_600 : vector<16xf32>
      %exp3A_610 = math.exp %sub3A_609 : vector<16xf32>
      %sub3A_611 = arith.subf %select_n3A_545, %max3A_600 : vector<16xf32>
      %exp3A_612 = math.exp %sub3A_611 : vector<16xf32>
      %sub3A_613 = arith.subf %select_n3A_569, %max3A_600 : vector<16xf32>
      %exp3A_614 = math.exp %sub3A_613 : vector<16xf32>
      %sub3A_615 = arith.subf %select_n3A_593, %max3A_600 : vector<16xf32>
      %exp3A_616 = math.exp %sub3A_615 : vector<16xf32>
      %add3A_617 = arith.addf %exp3A_602, %exp3A_604 : vector<16xf32>
      %add3A_618 = arith.addf %add3A_617, %exp3A_606 : vector<16xf32>
      %add3A_619 = arith.addf %add3A_618, %exp3A_608 : vector<16xf32>
      %add3A_620 = arith.addf %add3A_619, %exp3A_610 : vector<16xf32>
      %add3A_621 = arith.addf %add3A_620, %exp3A_612 : vector<16xf32>
      %add3A_622 = arith.addf %add3A_621, %exp3A_614 : vector<16xf32>
      %add3A_623 = arith.addf %add3A_622, %exp3A_616 : vector<16xf32>
      %div3A_624 = arith.constant 1.000000e+00 : f32
      %div3A_625 = vector.broadcast %div3A_624 : f32 to vector<16xf32>
      %div3A_626 = arith.divf %div3A_625, %add3A_623 : vector<16xf32>
      %eq3A_627 = arith.constant 0 : i32
      %eq3A_628 = arith.cmpi eq, %arg0, %eq3A_627 : i32
      %select_n3A_629 = arith.select %eq3A_628, %exp3A_602, %exp3A_610 : vector<16xf32>
      %mul3A_630 = arith.mulf %select_n3A_629, %div3A_626 : vector<16xf32>
      %swap3A_631 = arith.constant 0 : i32
      %swap3A_632 = arith.index_cast %swap3A_631 : i32 to index
      %swap3A_633 = arith.constant 16 : index
      %swap3A_634 = tpu.vector_load %arg14[%swap3A_632, %swap3A_633] {strides = array<i32>} : memref<4x80xf32, #tpu.memory_space<vmem>>, vector<16xf32>,
      tpu.vector_store %arg14[%swap3A_632, %swap3A_633], %mul3A_630 {strides = array<i32>} : memref<4x80xf32, #tpu.memory_space<vmem>>, vector<16xf32>,
      %eq3A_635 = arith.constant 0 : i32
      %eq3A_636 = arith.cmpi eq, %arg0, %eq3A_635 : i32
      %select_n3A_637 = arith.select %eq3A_636, %exp3A_604, %exp3A_612 : vector<16xf32>
      %mul3A_638 = arith.mulf %select_n3A_637, %div3A_626 : vector<16xf32>
      %swap3A_639 = arith.constant 1 : i32
      %swap3A_640 = arith.index_cast %swap3A_639 : i32 to index
      %swap3A_641 = arith.constant 16 : index
      %swap3A_642 = tpu.vector_load %arg14[%swap3A_640, %swap3A_641] {strides = array<i32>} : memref<4x80xf32, #tpu.memory_space<vmem>>, vector<16xf32>,
      tpu.vector_store %arg14[%swap3A_640, %swap3A_641], %mul3A_638 {strides = array<i32>} : memref<4x80xf32, #tpu.memory_space<vmem>>, vector<16xf32>,
      %eq3A_643 = arith.constant 0 : i32
      %eq3A_644 = arith.cmpi eq, %arg0, %eq3A_643 : i32
      %select_n3A_645 = arith.select %eq3A_644, %exp3A_606, %exp3A_614 : vector<16xf32>
      %mul3A_646 = arith.mulf %select_n3A_645, %div3A_626 : vector<16xf32>
      %swap3A_647 = arith.constant 2 : i32
      %swap3A_648 = arith.index_cast %swap3A_647 : i32 to index
      %swap3A_649 = arith.constant 16 : index
      %swap3A_650 = tpu.vector_load %arg14[%swap3A_648, %swap3A_649] {strides = array<i32>} : memref<4x80xf32, #tpu.memory_space<vmem>>, vector<16xf32>,
      tpu.vector_store %arg14[%swap3A_648, %swap3A_649], %mul3A_646 {strides = array<i32>} : memref<4x80xf32, #tpu.memory_space<vmem>>, vector<16xf32>,
      %eq3A_651 = arith.constant 0 : i32
      %eq3A_652 = arith.cmpi eq, %arg0, %eq3A_651 : i32
      %select_n3A_653 = arith.select %eq3A_652, %exp3A_608, %exp3A_616 : vector<16xf32>
      %mul3A_654 = arith.mulf %select_n3A_653, %div3A_626 : vector<16xf32>
      %swap3A_655 = arith.constant 3 : i32
      %swap3A_656 = arith.index_cast %swap3A_655 : i32 to index
      %swap3A_657 = arith.constant 16 : index
      %swap3A_658 = tpu.vector_load %arg14[%swap3A_656, %swap3A_657] {strides = array<i32>} : memref<4x80xf32, #tpu.memory_space<vmem>>, vector<16xf32>,
      tpu.vector_store %arg14[%swap3A_656, %swap3A_657], %mul3A_654 {strides = array<i32>} : memref<4x80xf32, #tpu.memory_space<vmem>>, vector<16xf32>,
      %add3A_659 = arith.constant 32 : i32
      %add3A_660 = vector.broadcast %add3A_659 : i32 to vector<16xi32>
      %add3A_661 = arith.addi %iota3A, %add3A_660 : vector<16xi32>
      %broadcast_in_dim3A_662 = arith.constant 0 : i32
      %broadcast_in_dim3A_663 = vector.broadcast %broadcast_in_dim3A_662 : i32 to vector<16xi32>
      %gather3A_664 = arith.constant 0 : i32
      %gather3A_665 = arith.constant 0 : i32
      %gather3A_666 = arith.constant 0 : i32
      %gather3A_667 = tpu.memref_slice %arg12[%gather3A_664, %gather3A_665, %gather3A_666] : memref<2x80x16xf32, #tpu.memory_space<vmem>> -> memref<1x80x16xf32, #tpu.memory_space<vmem>>
      %gather3A_668 = tpu.memref_squeeze %gather3A_667 : memref<1x80x16xf32, #tpu.memory_space<vmem>> -> memref<80x16xf32, #tpu.memory_space<vmem>>
      %gather3A_669 = tpu.vector_load_idx %gather3A_668[%add3A_661, %broadcast_in_dim3A_663] : memref<80x16xf32, #tpu.memory_space<vmem>>[vector<16xi32>, vector<16xi32>], vector<16xf32>,
      %broadcast_in_dim3A_670 = arith.constant 136 : i32
      %broadcast_in_dim3A_671 = vector.broadcast %broadcast_in_dim3A_670 : i32 to vector<16xi32>
      %gather3A_672 = arith.constant 0 : i32
      %gather3A_673 = arith.constant 0 : i32
      %gather3A_674 = arith.constant 0 : i32
      %gather3A_675 = tpu.memref_slice %arg13[%gather3A_672, %gather3A_673, %gather3A_674] : memref<2x80x144xf32, #tpu.memory_space<vmem>> -> memref<1x80x144xf32, #tpu.memory_space<vmem>>
      %gather3A_676 = tpu.memref_squeeze %gather3A_675 : memref<1x80x144xf32, #tpu.memory_space<vmem>> -> memref<80x144xf32, #tpu.memory_space<vmem>>
      %gather3A_677 = tpu.vector_load_idx %gather3A_676[%add3A_661, %broadcast_in_dim3A_671] : memref<80x144xf32, #tpu.memory_space<vmem>>[vector<16xi32>, vector<16xi32>], vector<16xf32>,
      %add3A_678 = arith.addf %gather3A_669, %gather3A_677 : vector<16xf32>
      %ge3A_679 = arith.constant 0.000000e+00 : f32
      %ge3A_680 = vector.broadcast %ge3A_679 : f32 to vector<16xf32>
      %ge3A_681 = arith.cmpf oge, %add3A_678, %ge3A_680 : vector<16xf32>
      %mul3A_682 = arith.constant 2.000000e-01 : f32
      %mul3A_683 = vector.broadcast %mul3A_682 : f32 to vector<16xf32>
      %mul3A_684 = arith.mulf %mul3A_683, %add3A_678 : vector<16xf32>
      %select_n3A_685 = arith.select %ge3A_681, %add3A_678, %mul3A_684 : vector<16xi1>, vector<16xf32>
      %broadcast_in_dim3A_686 = arith.constant 1 : i32
      %broadcast_in_dim3A_687 = vector.broadcast %broadcast_in_dim3A_686 : i32 to vector<16xi32>
      %gather3A_688 = arith.constant 0 : i32
      %gather3A_689 = arith.constant 0 : i32
      %gather3A_690 = arith.constant 0 : i32
      %gather3A_691 = tpu.memref_slice %arg12[%gather3A_688, %gather3A_689, %gather3A_690] : memref<2x80x16xf32, #tpu.memory_space<vmem>> -> memref<1x80x16xf32, #tpu.memory_space<vmem>>
      %gather3A_692 = tpu.memref_squeeze %gather3A_691 : memref<1x80x16xf32, #tpu.memory_space<vmem>> -> memref<80x16xf32, #tpu.memory_space<vmem>>
      %gather3A_693 = tpu.vector_load_idx %gather3A_692[%add3A_661, %broadcast_in_dim3A_687] : memref<80x16xf32, #tpu.memory_space<vmem>>[vector<16xi32>, vector<16xi32>], vector<16xf32>,
      %broadcast_in_dim3A_694 = arith.constant 137 : i32
      %broadcast_in_dim3A_695 = vector.broadcast %broadcast_in_dim3A_694 : i32 to vector<16xi32>
      %gather3A_696 = arith.constant 0 : i32
      %gather3A_697 = arith.constant 0 : i32
      %gather3A_698 = arith.constant 0 : i32
      %gather3A_699 = tpu.memref_slice %arg13[%gather3A_696, %gather3A_697, %gather3A_698] : memref<2x80x144xf32, #tpu.memory_space<vmem>> -> memref<1x80x144xf32, #tpu.memory_space<vmem>>
      %gather3A_700 = tpu.memref_squeeze %gather3A_699 : memref<1x80x144xf32, #tpu.memory_space<vmem>> -> memref<80x144xf32, #tpu.memory_space<vmem>>
      %gather3A_701 = tpu.vector_load_idx %gather3A_700[%add3A_661, %broadcast_in_dim3A_695] : memref<80x144xf32, #tpu.memory_space<vmem>>[vector<16xi32>, vector<16xi32>], vector<16xf32>,
      %add3A_702 = arith.addf %gather3A_693, %gather3A_701 : vector<16xf32>
      %ge3A_703 = arith.constant 0.000000e+00 : f32
      %ge3A_704 = vector.broadcast %ge3A_703 : f32 to vector<16xf32>
      %ge3A_705 = arith.cmpf oge, %add3A_702, %ge3A_704 : vector<16xf32>
      %mul3A_706 = arith.constant 2.000000e-01 : f32
      %mul3A_707 = vector.broadcast %mul3A_706 : f32 to vector<16xf32>
      %mul3A_708 = arith.mulf %mul3A_707, %add3A_702 : vector<16xf32>
      %select_n3A_709 = arith.select %ge3A_705, %add3A_702, %mul3A_708 : vector<16xi1>, vector<16xf32>
      %broadcast_in_dim3A_710 = arith.constant 2 : i32
      %broadcast_in_dim3A_711 = vector.broadcast %broadcast_in_dim3A_710 : i32 to vector<16xi32>
      %gather3A_712 = arith.constant 0 : i32
      %gather3A_713 = arith.constant 0 : i32
      %gather3A_714 = arith.constant 0 : i32
      %gather3A_715 = tpu.memref_slice %arg12[%gather3A_712, %gather3A_713, %gather3A_714] : memref<2x80x16xf32, #tpu.memory_space<vmem>> -> memref<1x80x16xf32, #tpu.memory_space<vmem>>
      %gather3A_716 = tpu.memref_squeeze %gather3A_715 : memref<1x80x16xf32, #tpu.memory_space<vmem>> -> memref<80x16xf32, #tpu.memory_space<vmem>>
      %gather3A_717 = tpu.vector_load_idx %gather3A_716[%add3A_661, %broadcast_in_dim3A_711] : memref<80x16xf32, #tpu.memory_space<vmem>>[vector<16xi32>, vector<16xi32>], vector<16xf32>,
      %broadcast_in_dim3A_718 = arith.constant 138 : i32
      %broadcast_in_dim3A_719 = vector.broadcast %broadcast_in_dim3A_718 : i32 to vector<16xi32>
      %gather3A_720 = arith.constant 0 : i32
      %gather3A_721 = arith.constant 0 : i32
      %gather3A_722 = arith.constant 0 : i32
      %gather3A_723 = tpu.memref_slice %arg13[%gather3A_720, %gather3A_721, %gather3A_722] : memref<2x80x144xf32, #tpu.memory_space<vmem>> -> memref<1x80x144xf32, #tpu.memory_space<vmem>>
      %gather3A_724 = tpu.memref_squeeze %gather3A_723 : memref<1x80x144xf32, #tpu.memory_space<vmem>> -> memref<80x144xf32, #tpu.memory_space<vmem>>
      %gather3A_725 = tpu.vector_load_idx %gather3A_724[%add3A_661, %broadcast_in_dim3A_719] : memref<80x144xf32, #tpu.memory_space<vmem>>[vector<16xi32>, vector<16xi32>], vector<16xf32>,
      %add3A_726 = arith.addf %gather3A_717, %gather3A_725 : vector<16xf32>
      %ge3A_727 = arith.constant 0.000000e+00 : f32
      %ge3A_728 = vector.broadcast %ge3A_727 : f32 to vector<16xf32>
      %ge3A_729 = arith.cmpf oge, %add3A_726, %ge3A_728 : vector<16xf32>
      %mul3A_730 = arith.constant 2.000000e-01 : f32
      %mul3A_731 = vector.broadcast %mul3A_730 : f32 to vector<16xf32>
      %mul3A_732 = arith.mulf %mul3A_731, %add3A_726 : vector<16xf32>
      %select_n3A_733 = arith.select %ge3A_729, %add3A_726, %mul3A_732 : vector<16xi1>, vector<16xf32>
      %broadcast_in_dim3A_734 = arith.constant 3 : i32
      %broadcast_in_dim3A_735 = vector.broadcast %broadcast_in_dim3A_734 : i32 to vector<16xi32>
      %gather3A_736 = arith.constant 0 : i32
      %gather3A_737 = arith.constant 0 : i32
      %gather3A_738 = arith.constant 0 : i32
      %gather3A_739 = tpu.memref_slice %arg12[%gather3A_736, %gather3A_737, %gather3A_738] : memref<2x80x16xf32, #tpu.memory_space<vmem>> -> memref<1x80x16xf32, #tpu.memory_space<vmem>>
      %gather3A_740 = tpu.memref_squeeze %gather3A_739 : memref<1x80x16xf32, #tpu.memory_space<vmem>> -> memref<80x16xf32, #tpu.memory_space<vmem>>
      %gather3A_741 = tpu.vector_load_idx %gather3A_740[%add3A_661, %broadcast_in_dim3A_735] : memref<80x16xf32, #tpu.memory_space<vmem>>[vector<16xi32>, vector<16xi32>], vector<16xf32>,
      %broadcast_in_dim3A_742 = arith.constant 139 : i32
      %broadcast_in_dim3A_743 = vector.broadcast %broadcast_in_dim3A_742 : i32 to vector<16xi32>
      %gather3A_744 = arith.constant 0 : i32
      %gather3A_745 = arith.constant 0 : i32
      %gather3A_746 = arith.constant 0 : i32
      %gather3A_747 = tpu.memref_slice %arg13[%gather3A_744, %gather3A_745, %gather3A_746] : memref<2x80x144xf32, #tpu.memory_space<vmem>> -> memref<1x80x144xf32, #tpu.memory_space<vmem>>
      %gather3A_748 = tpu.memref_squeeze %gather3A_747 : memref<1x80x144xf32, #tpu.memory_space<vmem>> -> memref<80x144xf32, #tpu.memory_space<vmem>>
      %gather3A_749 = tpu.vector_load_idx %gather3A_748[%add3A_661, %broadcast_in_dim3A_743] : memref<80x144xf32, #tpu.memory_space<vmem>>[vector<16xi32>, vector<16xi32>], vector<16xf32>,
      %add3A_750 = arith.addf %gather3A_741, %gather3A_749 : vector<16xf32>
      %ge3A_751 = arith.constant 0.000000e+00 : f32
      %ge3A_752 = vector.broadcast %ge3A_751 : f32 to vector<16xf32>
      %ge3A_753 = arith.cmpf oge, %add3A_750, %ge3A_752 : vector<16xf32>
      %mul3A_754 = arith.constant 2.000000e-01 : f32
      %mul3A_755 = vector.broadcast %mul3A_754 : f32 to vector<16xf32>
      %mul3A_756 = arith.mulf %mul3A_755, %add3A_750 : vector<16xf32>
      %select_n3A_757 = arith.select %ge3A_753, %add3A_750, %mul3A_756 : vector<16xi1>, vector<16xf32>
      %broadcast_in_dim3A_758 = arith.constant 4 : i32
      %broadcast_in_dim3A_759 = vector.broadcast %broadcast_in_dim3A_758 : i32 to vector<16xi32>
      %gather3A_760 = arith.constant 0 : i32
      %gather3A_761 = arith.constant 0 : i32
      %gather3A_762 = arith.constant 0 : i32
      %gather3A_763 = tpu.memref_slice %arg12[%gather3A_760, %gather3A_761, %gather3A_762] : memref<2x80x16xf32, #tpu.memory_space<vmem>> -> memref<1x80x16xf32, #tpu.memory_space<vmem>>
      %gather3A_764 = tpu.memref_squeeze %gather3A_763 : memref<1x80x16xf32, #tpu.memory_space<vmem>> -> memref<80x16xf32, #tpu.memory_space<vmem>>
      %gather3A_765 = tpu.vector_load_idx %gather3A_764[%add3A_661, %broadcast_in_dim3A_759] : memref<80x16xf32, #tpu.memory_space<vmem>>[vector<16xi32>, vector<16xi32>], vector<16xf32>,
      %broadcast_in_dim3A_766 = arith.constant 140 : i32
      %broadcast_in_dim3A_767 = vector.broadcast %broadcast_in_dim3A_766 : i32 to vector<16xi32>
      %gather3A_768 = arith.constant 0 : i32
      %gather3A_769 = arith.constant 0 : i32
      %gather3A_770 = arith.constant 0 : i32
      %gather3A_771 = tpu.memref_slice %arg13[%gather3A_768, %gather3A_769, %gather3A_770] : memref<2x80x144xf32, #tpu.memory_space<vmem>> -> memref<1x80x144xf32, #tpu.memory_space<vmem>>
      %gather3A_772 = tpu.memref_squeeze %gather3A_771 : memref<1x80x144xf32, #tpu.memory_space<vmem>> -> memref<80x144xf32, #tpu.memory_space<vmem>>
      %gather3A_773 = tpu.vector_load_idx %gather3A_772[%add3A_661, %broadcast_in_dim3A_767] : memref<80x144xf32, #tpu.memory_space<vmem>>[vector<16xi32>, vector<16xi32>], vector<16xf32>,
      %add3A_774 = arith.addf %gather3A_765, %gather3A_773 : vector<16xf32>
      %ge3A_775 = arith.constant 0.000000e+00 : f32
      %ge3A_776 = vector.broadcast %ge3A_775 : f32 to vector<16xf32>
      %ge3A_777 = arith.cmpf oge, %add3A_774, %ge3A_776 : vector<16xf32>
      %mul3A_778 = arith.constant 2.000000e-01 : f32
      %mul3A_779 = vector.broadcast %mul3A_778 : f32 to vector<16xf32>
      %mul3A_780 = arith.mulf %mul3A_779, %add3A_774 : vector<16xf32>
      %select_n3A_781 = arith.select %ge3A_777, %add3A_774, %mul3A_780 : vector<16xi1>, vector<16xf32>
      %broadcast_in_dim3A_782 = arith.constant 5 : i32
      %broadcast_in_dim3A_783 = vector.broadcast %broadcast_in_dim3A_782 : i32 to vector<16xi32>
      %gather3A_784 = arith.constant 0 : i32
      %gather3A_785 = arith.constant 0 : i32
      %gather3A_786 = arith.constant 0 : i32
      %gather3A_787 = tpu.memref_slice %arg12[%gather3A_784, %gather3A_785, %gather3A_786] : memref<2x80x16xf32, #tpu.memory_space<vmem>> -> memref<1x80x16xf32, #tpu.memory_space<vmem>>
      %gather3A_788 = tpu.memref_squeeze %gather3A_787 : memref<1x80x16xf32, #tpu.memory_space<vmem>> -> memref<80x16xf32, #tpu.memory_space<vmem>>
      %gather3A_789 = tpu.vector_load_idx %gather3A_788[%add3A_661, %broadcast_in_dim3A_783] : memref<80x16xf32, #tpu.memory_space<vmem>>[vector<16xi32>, vector<16xi32>], vector<16xf32>,
      %broadcast_in_dim3A_790 = arith.constant 141 : i32
      %broadcast_in_dim3A_791 = vector.broadcast %broadcast_in_dim3A_790 : i32 to vector<16xi32>
      %gather3A_792 = arith.constant 0 : i32
      %gather3A_793 = arith.constant 0 : i32
      %gather3A_794 = arith.constant 0 : i32
      %gather3A_795 = tpu.memref_slice %arg13[%gather3A_792, %gather3A_793, %gather3A_794] : memref<2x80x144xf32, #tpu.memory_space<vmem>> -> memref<1x80x144xf32, #tpu.memory_space<vmem>>
      %gather3A_796 = tpu.memref_squeeze %gather3A_795 : memref<1x80x144xf32, #tpu.memory_space<vmem>> -> memref<80x144xf32, #tpu.memory_space<vmem>>
      %gather3A_797 = tpu.vector_load_idx %gather3A_796[%add3A_661, %broadcast_in_dim3A_791] : memref<80x144xf32, #tpu.memory_space<vmem>>[vector<16xi32>, vector<16xi32>], vector<16xf32>,
      %add3A_798 = arith.addf %gather3A_789, %gather3A_797 : vector<16xf32>
      %ge3A_799 = arith.constant 0.000000e+00 : f32
      %ge3A_800 = vector.broadcast %ge3A_799 : f32 to vector<16xf32>
      %ge3A_801 = arith.cmpf oge, %add3A_798, %ge3A_800 : vector<16xf32>
      %mul3A_802 = arith.constant 2.000000e-01 : f32
      %mul3A_803 = vector.broadcast %mul3A_802 : f32 to vector<16xf32>
      %mul3A_804 = arith.mulf %mul3A_803, %add3A_798 : vector<16xf32>
      %select_n3A_805 = arith.select %ge3A_801, %add3A_798, %mul3A_804 : vector<16xi1>, vector<16xf32>
      %broadcast_in_dim3A_806 = arith.constant 6 : i32
      %broadcast_in_dim3A_807 = vector.broadcast %broadcast_in_dim3A_806 : i32 to vector<16xi32>
      %gather3A_808 = arith.constant 0 : i32
      %gather3A_809 = arith.constant 0 : i32
      %gather3A_810 = arith.constant 0 : i32
      %gather3A_811 = tpu.memref_slice %arg12[%gather3A_808, %gather3A_809, %gather3A_810] : memref<2x80x16xf32, #tpu.memory_space<vmem>> -> memref<1x80x16xf32, #tpu.memory_space<vmem>>
      %gather3A_812 = tpu.memref_squeeze %gather3A_811 : memref<1x80x16xf32, #tpu.memory_space<vmem>> -> memref<80x16xf32, #tpu.memory_space<vmem>>
      %gather3A_813 = tpu.vector_load_idx %gather3A_812[%add3A_661, %broadcast_in_dim3A_807] : memref<80x16xf32, #tpu.memory_space<vmem>>[vector<16xi32>, vector<16xi32>], vector<16xf32>,
      %broadcast_in_dim3A_814 = arith.constant 142 : i32
      %broadcast_in_dim3A_815 = vector.broadcast %broadcast_in_dim3A_814 : i32 to vector<16xi32>
      %gather3A_816 = arith.constant 0 : i32
      %gather3A_817 = arith.constant 0 : i32
      %gather3A_818 = arith.constant 0 : i32
      %gather3A_819 = tpu.memref_slice %arg13[%gather3A_816, %gather3A_817, %gather3A_818] : memref<2x80x144xf32, #tpu.memory_space<vmem>> -> memref<1x80x144xf32, #tpu.memory_space<vmem>>
      %gather3A_820 = tpu.memref_squeeze %gather3A_819 : memref<1x80x144xf32, #tpu.memory_space<vmem>> -> memref<80x144xf32, #tpu.memory_space<vmem>>
      %gather3A_821 = tpu.vector_load_idx %gather3A_820[%add3A_661, %broadcast_in_dim3A_815] : memref<80x144xf32, #tpu.memory_space<vmem>>[vector<16xi32>, vector<16xi32>], vector<16xf32>,
      %add3A_822 = arith.addf %gather3A_813, %gather3A_821 : vector<16xf32>
      %ge3A_823 = arith.constant 0.000000e+00 : f32
      %ge3A_824 = vector.broadcast %ge3A_823 : f32 to vector<16xf32>
      %ge3A_825 = arith.cmpf oge, %add3A_822, %ge3A_824 : vector<16xf32>
      %mul3A_826 = arith.constant 2.000000e-01 : f32
      %mul3A_827 = vector.broadcast %mul3A_826 : f32 to vector<16xf32>
      %mul3A_828 = arith.mulf %mul3A_827, %add3A_822 : vector<16xf32>
      %select_n3A_829 = arith.select %ge3A_825, %add3A_822, %mul3A_828 : vector<16xi1>, vector<16xf32>
      %broadcast_in_dim3A_830 = arith.constant 7 : i32
      %broadcast_in_dim3A_831 = vector.broadcast %broadcast_in_dim3A_830 : i32 to vector<16xi32>
      %gather3A_832 = arith.constant 0 : i32
      %gather3A_833 = arith.constant 0 : i32
      %gather3A_834 = arith.constant 0 : i32
      %gather3A_835 = tpu.memref_slice %arg12[%gather3A_832, %gather3A_833, %gather3A_834] : memref<2x80x16xf32, #tpu.memory_space<vmem>> -> memref<1x80x16xf32, #tpu.memory_space<vmem>>
      %gather3A_836 = tpu.memref_squeeze %gather3A_835 : memref<1x80x16xf32, #tpu.memory_space<vmem>> -> memref<80x16xf32, #tpu.memory_space<vmem>>
      %gather3A_837 = tpu.vector_load_idx %gather3A_836[%add3A_661, %broadcast_in_dim3A_831] : memref<80x16xf32, #tpu.memory_space<vmem>>[vector<16xi32>, vector<16xi32>], vector<16xf32>,
      %broadcast_in_dim3A_838 = arith.constant 143 : i32
      %broadcast_in_dim3A_839 = vector.broadcast %broadcast_in_dim3A_838 : i32 to vector<16xi32>
      %gather3A_840 = arith.constant 0 : i32
      %gather3A_841 = arith.constant 0 : i32
      %gather3A_842 = arith.constant 0 : i32
      %gather3A_843 = tpu.memref_slice %arg13[%gather3A_840, %gather3A_841, %gather3A_842] : memref<2x80x144xf32, #tpu.memory_space<vmem>> -> memref<1x80x144xf32, #tpu.memory_space<vmem>>
      %gather3A_844 = tpu.memref_squeeze %gather3A_843 : memref<1x80x144xf32, #tpu.memory_space<vmem>> -> memref<80x144xf32, #tpu.memory_space<vmem>>
      %gather3A_845 = tpu.vector_load_idx %gather3A_844[%add3A_661, %broadcast_in_dim3A_839] : memref<80x144xf32, #tpu.memory_space<vmem>>[vector<16xi32>, vector<16xi32>], vector<16xf32>,
      %add3A_846 = arith.addf %gather3A_837, %gather3A_845 : vector<16xf32>
      %ge3A_847 = arith.constant 0.000000e+00 : f32
      %ge3A_848 = vector.broadcast %ge3A_847 : f32 to vector<16xf32>
      %ge3A_849 = arith.cmpf oge, %add3A_846, %ge3A_848 : vector<16xf32>
      %mul3A_850 = arith.constant 2.000000e-01 : f32
      %mul3A_851 = vector.broadcast %mul3A_850 : f32 to vector<16xf32>
      %mul3A_852 = arith.mulf %mul3A_851, %add3A_846 : vector<16xf32>
      %select_n3A_853 = arith.select %ge3A_849, %add3A_846, %mul3A_852 : vector<16xi1>, vector<16xf32>
      %max3A_854 = arith.maximumf %select_n3A_685, %select_n3A_709 : vector<16xf32>
      %max3A_855 = arith.maximumf %max3A_854, %select_n3A_733 : vector<16xf32>
      %max3A_856 = arith.maximumf %max3A_855, %select_n3A_757 : vector<16xf32>
      %max3A_857 = arith.maximumf %max3A_856, %select_n3A_781 : vector<16xf32>
      %max3A_858 = arith.maximumf %max3A_857, %select_n3A_805 : vector<16xf32>
      %max3A_859 = arith.maximumf %max3A_858, %select_n3A_829 : vector<16xf32>
      %max3A_860 = arith.maximumf %max3A_859, %select_n3A_853 : vector<16xf32>
      %sub3A_861 = arith.subf %select_n3A_685, %max3A_860 : vector<16xf32>
      %exp3A_862 = math.exp %sub3A_861 : vector<16xf32>
      %sub3A_863 = arith.subf %select_n3A_709, %max3A_860 : vector<16xf32>
      %exp3A_864 = math.exp %sub3A_863 : vector<16xf32>
      %sub3A_865 = arith.subf %select_n3A_733, %max3A_860 : vector<16xf32>
      %exp3A_866 = math.exp %sub3A_865 : vector<16xf32>
      %sub3A_867 = arith.subf %select_n3A_757, %max3A_860 : vector<16xf32>
      %exp3A_868 = math.exp %sub3A_867 : vector<16xf32>
      %sub3A_869 = arith.subf %select_n3A_781, %max3A_860 : vector<16xf32>
      %exp3A_870 = math.exp %sub3A_869 : vector<16xf32>
      %sub3A_871 = arith.subf %select_n3A_805, %max3A_860 : vector<16xf32>
      %exp3A_872 = math.exp %sub3A_871 : vector<16xf32>
      %sub3A_873 = arith.subf %select_n3A_829, %max3A_860 : vector<16xf32>
      %exp3A_874 = math.exp %sub3A_873 : vector<16xf32>
      %sub3A_875 = arith.subf %select_n3A_853, %max3A_860 : vector<16xf32>
      %exp3A_876 = math.exp %sub3A_875 : vector<16xf32>
      %add3A_877 = arith.addf %exp3A_862, %exp3A_864 : vector<16xf32>
      %add3A_878 = arith.addf %add3A_877, %exp3A_866 : vector<16xf32>
      %add3A_879 = arith.addf %add3A_878, %exp3A_868 : vector<16xf32>
      %add3A_880 = arith.addf %add3A_879, %exp3A_870 : vector<16xf32>
      %add3A_881 = arith.addf %add3A_880, %exp3A_872 : vector<16xf32>
      %add3A_882 = arith.addf %add3A_881, %exp3A_874 : vector<16xf32>
      %add3A_883 = arith.addf %add3A_882, %exp3A_876 : vector<16xf32>
      %div3A_884 = arith.constant 1.000000e+00 : f32
      %div3A_885 = vector.broadcast %div3A_884 : f32 to vector<16xf32>
      %div3A_886 = arith.divf %div3A_885, %add3A_883 : vector<16xf32>
      %eq3A_887 = arith.constant 0 : i32
      %eq3A_888 = arith.cmpi eq, %arg0, %eq3A_887 : i32
      %select_n3A_889 = arith.select %eq3A_888, %exp3A_862, %exp3A_870 : vector<16xf32>
      %mul3A_890 = arith.mulf %select_n3A_889, %div3A_886 : vector<16xf32>
      %swap3A_891 = arith.constant 0 : i32
      %swap3A_892 = arith.index_cast %swap3A_891 : i32 to index
      %swap3A_893 = arith.constant 32 : index
      %swap3A_894 = tpu.vector_load %arg14[%swap3A_892, %swap3A_893] {strides = array<i32>} : memref<4x80xf32, #tpu.memory_space<vmem>>, vector<16xf32>,
      tpu.vector_store %arg14[%swap3A_892, %swap3A_893], %mul3A_890 {strides = array<i32>} : memref<4x80xf32, #tpu.memory_space<vmem>>, vector<16xf32>,
      %eq3A_895 = arith.constant 0 : i32
      %eq3A_896 = arith.cmpi eq, %arg0, %eq3A_895 : i32
      %select_n3A_897 = arith.select %eq3A_896, %exp3A_864, %exp3A_872 : vector<16xf32>
      %mul3A_898 = arith.mulf %select_n3A_897, %div3A_886 : vector<16xf32>
      %swap3A_899 = arith.constant 1 : i32
      %swap3A_900 = arith.index_cast %swap3A_899 : i32 to index
      %swap3A_901 = arith.constant 32 : index
      %swap3A_902 = tpu.vector_load %arg14[%swap3A_900, %swap3A_901] {strides = array<i32>} : memref<4x80xf32, #tpu.memory_space<vmem>>, vector<16xf32>,
      tpu.vector_store %arg14[%swap3A_900, %swap3A_901], %mul3A_898 {strides = array<i32>} : memref<4x80xf32, #tpu.memory_space<vmem>>, vector<16xf32>,
      %eq3A_903 = arith.constant 0 : i32
      %eq3A_904 = arith.cmpi eq, %arg0, %eq3A_903 : i32
      %select_n3A_905 = arith.select %eq3A_904, %exp3A_866, %exp3A_874 : vector<16xf32>
      %mul3A_906 = arith.mulf %select_n3A_905, %div3A_886 : vector<16xf32>
      %swap3A_907 = arith.constant 2 : i32
      %swap3A_908 = arith.index_cast %swap3A_907 : i32 to index
      %swap3A_909 = arith.constant 32 : index
      %swap3A_910 = tpu.vector_load %arg14[%swap3A_908, %swap3A_909] {strides = array<i32>} : memref<4x80xf32, #tpu.memory_space<vmem>>, vector<16xf32>,
      tpu.vector_store %arg14[%swap3A_908, %swap3A_909], %mul3A_906 {strides = array<i32>} : memref<4x80xf32, #tpu.memory_space<vmem>>, vector<16xf32>,
      %eq3A_911 = arith.constant 0 : i32
      %eq3A_912 = arith.cmpi eq, %arg0, %eq3A_911 : i32
      %select_n3A_913 = arith.select %eq3A_912, %exp3A_868, %exp3A_876 : vector<16xf32>
      %mul3A_914 = arith.mulf %select_n3A_913, %div3A_886 : vector<16xf32>
      %swap3A_915 = arith.constant 3 : i32
      %swap3A_916 = arith.index_cast %swap3A_915 : i32 to index
      %swap3A_917 = arith.constant 32 : index
      %swap3A_918 = tpu.vector_load %arg14[%swap3A_916, %swap3A_917] {strides = array<i32>} : memref<4x80xf32, #tpu.memory_space<vmem>>, vector<16xf32>,
      tpu.vector_store %arg14[%swap3A_916, %swap3A_917], %mul3A_914 {strides = array<i32>} : memref<4x80xf32, #tpu.memory_space<vmem>>, vector<16xf32>,
      %add3A_919 = arith.constant 48 : i32
      %add3A_920 = vector.broadcast %add3A_919 : i32 to vector<16xi32>
      %add3A_921 = arith.addi %iota3A, %add3A_920 : vector<16xi32>
      %broadcast_in_dim3A_922 = arith.constant 0 : i32
      %broadcast_in_dim3A_923 = vector.broadcast %broadcast_in_dim3A_922 : i32 to vector<16xi32>
      %gather3A_924 = arith.constant 0 : i32
      %gather3A_925 = arith.constant 0 : i32
      %gather3A_926 = arith.constant 0 : i32
      %gather3A_927 = tpu.memref_slice %arg12[%gather3A_924, %gather3A_925, %gather3A_926] : memref<2x80x16xf32, #tpu.memory_space<vmem>> -> memref<1x80x16xf32, #tpu.memory_space<vmem>>
      %gather3A_928 = tpu.memref_squeeze %gather3A_927 : memref<1x80x16xf32, #tpu.memory_space<vmem>> -> memref<80x16xf32, #tpu.memory_space<vmem>>
      %gather3A_929 = tpu.vector_load_idx %gather3A_928[%add3A_921, %broadcast_in_dim3A_923] : memref<80x16xf32, #tpu.memory_space<vmem>>[vector<16xi32>, vector<16xi32>], vector<16xf32>,
      %broadcast_in_dim3A_930 = arith.constant 136 : i32
      %broadcast_in_dim3A_931 = vector.broadcast %broadcast_in_dim3A_930 : i32 to vector<16xi32>
      %gather3A_932 = arith.constant 0 : i32
      %gather3A_933 = arith.constant 0 : i32
      %gather3A_934 = arith.constant 0 : i32
      %gather3A_935 = tpu.memref_slice %arg13[%gather3A_932, %gather3A_933, %gather3A_934] : memref<2x80x144xf32, #tpu.memory_space<vmem>> -> memref<1x80x144xf32, #tpu.memory_space<vmem>>
      %gather3A_936 = tpu.memref_squeeze %gather3A_935 : memref<1x80x144xf32, #tpu.memory_space<vmem>> -> memref<80x144xf32, #tpu.memory_space<vmem>>
      %gather3A_937 = tpu.vector_load_idx %gather3A_936[%add3A_921, %broadcast_in_dim3A_931] : memref<80x144xf32, #tpu.memory_space<vmem>>[vector<16xi32>, vector<16xi32>], vector<16xf32>,
      %add3A_938 = arith.addf %gather3A_929, %gather3A_937 : vector<16xf32>
      %ge3A_939 = arith.constant 0.000000e+00 : f32
      %ge3A_940 = vector.broadcast %ge3A_939 : f32 to vector<16xf32>
      %ge3A_941 = arith.cmpf oge, %add3A_938, %ge3A_940 : vector<16xf32>
      %mul3A_942 = arith.constant 2.000000e-01 : f32
      %mul3A_943 = vector.broadcast %mul3A_942 : f32 to vector<16xf32>
      %mul3A_944 = arith.mulf %mul3A_943, %add3A_938 : vector<16xf32>
      %select_n3A_945 = arith.select %ge3A_941, %add3A_938, %mul3A_944 : vector<16xi1>, vector<16xf32>
      %broadcast_in_dim3A_946 = arith.constant 1 : i32
      %broadcast_in_dim3A_947 = vector.broadcast %broadcast_in_dim3A_946 : i32 to vector<16xi32>
      %gather3A_948 = arith.constant 0 : i32
      %gather3A_949 = arith.constant 0 : i32
      %gather3A_950 = arith.constant 0 : i32
      %gather3A_951 = tpu.memref_slice %arg12[%gather3A_948, %gather3A_949, %gather3A_950] : memref<2x80x16xf32, #tpu.memory_space<vmem>> -> memref<1x80x16xf32, #tpu.memory_space<vmem>>
      %gather3A_952 = tpu.memref_squeeze %gather3A_951 : memref<1x80x16xf32, #tpu.memory_space<vmem>> -> memref<80x16xf32, #tpu.memory_space<vmem>>
      %gather3A_953 = tpu.vector_load_idx %gather3A_952[%add3A_921, %broadcast_in_dim3A_947] : memref<80x16xf32, #tpu.memory_space<vmem>>[vector<16xi32>, vector<16xi32>], vector<16xf32>,
      %broadcast_in_dim3A_954 = arith.constant 137 : i32
      %broadcast_in_dim3A_955 = vector.broadcast %broadcast_in_dim3A_954 : i32 to vector<16xi32>
      %gather3A_956 = arith.constant 0 : i32
      %gather3A_957 = arith.constant 0 : i32
      %gather3A_958 = arith.constant 0 : i32
      %gather3A_959 = tpu.memref_slice %arg13[%gather3A_956, %gather3A_957, %gather3A_958] : memref<2x80x144xf32, #tpu.memory_space<vmem>> -> memref<1x80x144xf32, #tpu.memory_space<vmem>>
      %gather3A_960 = tpu.memref_squeeze %gather3A_959 : memref<1x80x144xf32, #tpu.memory_space<vmem>> -> memref<80x144xf32, #tpu.memory_space<vmem>>
      %gather3A_961 = tpu.vector_load_idx %gather3A_960[%add3A_921, %broadcast_in_dim3A_955] : memref<80x144xf32, #tpu.memory_space<vmem>>[vector<16xi32>, vector<16xi32>], vector<16xf32>,
      %add3A_962 = arith.addf %gather3A_953, %gather3A_961 : vector<16xf32>
      %ge3A_963 = arith.constant 0.000000e+00 : f32
      %ge3A_964 = vector.broadcast %ge3A_963 : f32 to vector<16xf32>
      %ge3A_965 = arith.cmpf oge, %add3A_962, %ge3A_964 : vector<16xf32>
      %mul3A_966 = arith.constant 2.000000e-01 : f32
      %mul3A_967 = vector.broadcast %mul3A_966 : f32 to vector<16xf32>
      %mul3A_968 = arith.mulf %mul3A_967, %add3A_962 : vector<16xf32>
      %select_n3A_969 = arith.select %ge3A_965, %add3A_962, %mul3A_968 : vector<16xi1>, vector<16xf32>
      %broadcast_in_dim3A_970 = arith.constant 2 : i32
      %broadcast_in_dim3A_971 = vector.broadcast %broadcast_in_dim3A_970 : i32 to vector<16xi32>
      %gather3A_972 = arith.constant 0 : i32
      %gather3A_973 = arith.constant 0 : i32
      %gather3A_974 = arith.constant 0 : i32
      %gather3A_975 = tpu.memref_slice %arg12[%gather3A_972, %gather3A_973, %gather3A_974] : memref<2x80x16xf32, #tpu.memory_space<vmem>> -> memref<1x80x16xf32, #tpu.memory_space<vmem>>
      %gather3A_976 = tpu.memref_squeeze %gather3A_975 : memref<1x80x16xf32, #tpu.memory_space<vmem>> -> memref<80x16xf32, #tpu.memory_space<vmem>>
      %gather3A_977 = tpu.vector_load_idx %gather3A_976[%add3A_921, %broadcast_in_dim3A_971] : memref<80x16xf32, #tpu.memory_space<vmem>>[vector<16xi32>, vector<16xi32>], vector<16xf32>,
      %broadcast_in_dim3A_978 = arith.constant 138 : i32
      %broadcast_in_dim3A_979 = vector.broadcast %broadcast_in_dim3A_978 : i32 to vector<16xi32>
      %gather3A_980 = arith.constant 0 : i32
      %gather3A_981 = arith.constant 0 : i32
      %gather3A_982 = arith.constant 0 : i32
      %gather3A_983 = tpu.memref_slice %arg13[%gather3A_980, %gather3A_981, %gather3A_982] : memref<2x80x144xf32, #tpu.memory_space<vmem>> -> memref<1x80x144xf32, #tpu.memory_space<vmem>>
      %gather3A_984 = tpu.memref_squeeze %gather3A_983 : memref<1x80x144xf32, #tpu.memory_space<vmem>> -> memref<80x144xf32, #tpu.memory_space<vmem>>
      %gather3A_985 = tpu.vector_load_idx %gather3A_984[%add3A_921, %broadcast_in_dim3A_979] : memref<80x144xf32, #tpu.memory_space<vmem>>[vector<16xi32>, vector<16xi32>], vector<16xf32>,
      %add3A_986 = arith.addf %gather3A_977, %gather3A_985 : vector<16xf32>
      %ge3A_987 = arith.constant 0.000000e+00 : f32
      %ge3A_988 = vector.broadcast %ge3A_987 : f32 to vector<16xf32>
      %ge3A_989 = arith.cmpf oge, %add3A_986, %ge3A_988 : vector<16xf32>
      %mul3A_990 = arith.constant 2.000000e-01 : f32
      %mul3A_991 = vector.broadcast %mul3A_990 : f32 to vector<16xf32>
      %mul3A_992 = arith.mulf %mul3A_991, %add3A_986 : vector<16xf32>
      %select_n3A_993 = arith.select %ge3A_989, %add3A_986, %mul3A_992 : vector<16xi1>, vector<16xf32>
      %broadcast_in_dim3A_994 = arith.constant 3 : i32
      %broadcast_in_dim3A_995 = vector.broadcast %broadcast_in_dim3A_994 : i32 to vector<16xi32>
      %gather3A_996 = arith.constant 0 : i32
      %gather3A_997 = arith.constant 0 : i32
      %gather3A_998 = arith.constant 0 : i32
      %gather3A_999 = tpu.memref_slice %arg12[%gather3A_996, %gather3A_997, %gather3A_998] : memref<2x80x16xf32, #tpu.memory_space<vmem>> -> memref<1x80x16xf32, #tpu.memory_space<vmem>>
      %gather3A_1000 = tpu.memref_squeeze %gather3A_999 : memref<1x80x16xf32, #tpu.memory_space<vmem>> -> memref<80x16xf32, #tpu.memory_space<vmem>>
      %gather3A_1001 = tpu.vector_load_idx %gather3A_1000[%add3A_921, %broadcast_in_dim3A_995] : memref<80x16xf32, #tpu.memory_space<vmem>>[vector<16xi32>, vector<16xi32>], vector<16xf32>,
      %broadcast_in_dim3A_1002 = arith.constant 139 : i32
      %broadcast_in_dim3A_1003 = vector.broadcast %broadcast_in_dim3A_1002 : i32 to vector<16xi32>
      %gather3A_1004 = arith.constant 0 : i32
      %gather3A_1005 = arith.constant 0 : i32
      %gather3A_1006 = arith.constant 0 : i32
      %gather3A_1007 = tpu.memref_slice %arg13[%gather3A_1004, %gather3A_1005, %gather3A_1006] : memref<2x80x144xf32, #tpu.memory_space<vmem>> -> memref<1x80x144xf32, #tpu.memory_space<vmem>>
      %gather3A_1008 = tpu.memref_squeeze %gather3A_1007 : memref<1x80x144xf32, #tpu.memory_space<vmem>> -> memref<80x144xf32, #tpu.memory_space<vmem>>
      %gather3A_1009 = tpu.vector_load_idx %gather3A_1008[%add3A_921, %broadcast_in_dim3A_1003] : memref<80x144xf32, #tpu.memory_space<vmem>>[vector<16xi32>, vector<16xi32>], vector<16xf32>,
      %add3A_1010 = arith.addf %gather3A_1001, %gather3A_1009 : vector<16xf32>
      %ge3A_1011 = arith.constant 0.000000e+00 : f32
      %ge3A_1012 = vector.broadcast %ge3A_1011 : f32 to vector<16xf32>
      %ge3A_1013 = arith.cmpf oge, %add3A_1010, %ge3A_1012 : vector<16xf32>
      %mul3A_1014 = arith.constant 2.000000e-01 : f32
      %mul3A_1015 = vector.broadcast %mul3A_1014 : f32 to vector<16xf32>
      %mul3A_1016 = arith.mulf %mul3A_1015, %add3A_1010 : vector<16xf32>
      %select_n3A_1017 = arith.select %ge3A_1013, %add3A_1010, %mul3A_1016 : vector<16xi1>, vector<16xf32>
      %broadcast_in_dim3A_1018 = arith.constant 4 : i32
      %broadcast_in_dim3A_1019 = vector.broadcast %broadcast_in_dim3A_1018 : i32 to vector<16xi32>
      %gather3A_1020 = arith.constant 0 : i32
      %gather3A_1021 = arith.constant 0 : i32
      %gather3A_1022 = arith.constant 0 : i32
      %gather3A_1023 = tpu.memref_slice %arg12[%gather3A_1020, %gather3A_1021, %gather3A_1022] : memref<2x80x16xf32, #tpu.memory_space<vmem>> -> memref<1x80x16xf32, #tpu.memory_space<vmem>>
      %gather3A_1024 = tpu.memref_squeeze %gather3A_1023 : memref<1x80x16xf32, #tpu.memory_space<vmem>> -> memref<80x16xf32, #tpu.memory_space<vmem>>
      %gather3A_1025 = tpu.vector_load_idx %gather3A_1024[%add3A_921, %broadcast_in_dim3A_1019] : memref<80x16xf32, #tpu.memory_space<vmem>>[vector<16xi32>, vector<16xi32>], vector<16xf32>,
      %broadcast_in_dim3A_1026 = arith.constant 140 : i32
      %broadcast_in_dim3A_1027 = vector.broadcast %broadcast_in_dim3A_1026 : i32 to vector<16xi32>
      %gather3A_1028 = arith.constant 0 : i32
      %gather3A_1029 = arith.constant 0 : i32
      %gather3A_1030 = arith.constant 0 : i32
      %gather3A_1031 = tpu.memref_slice %arg13[%gather3A_1028, %gather3A_1029, %gather3A_1030] : memref<2x80x144xf32, #tpu.memory_space<vmem>> -> memref<1x80x144xf32, #tpu.memory_space<vmem>>
      %gather3A_1032 = tpu.memref_squeeze %gather3A_1031 : memref<1x80x144xf32, #tpu.memory_space<vmem>> -> memref<80x144xf32, #tpu.memory_space<vmem>>
      %gather3A_1033 = tpu.vector_load_idx %gather3A_1032[%add3A_921, %broadcast_in_dim3A_1027] : memref<80x144xf32, #tpu.memory_space<vmem>>[vector<16xi32>, vector<16xi32>], vector<16xf32>,
      %add3A_1034 = arith.addf %gather3A_1025, %gather3A_1033 : vector<16xf32>
      %ge3A_1035 = arith.constant 0.000000e+00 : f32
      %ge3A_1036 = vector.broadcast %ge3A_1035 : f32 to vector<16xf32>
      %ge3A_1037 = arith.cmpf oge, %add3A_1034, %ge3A_1036 : vector<16xf32>
      %mul3A_1038 = arith.constant 2.000000e-01 : f32
      %mul3A_1039 = vector.broadcast %mul3A_1038 : f32 to vector<16xf32>
      %mul3A_1040 = arith.mulf %mul3A_1039, %add3A_1034 : vector<16xf32>
      %select_n3A_1041 = arith.select %ge3A_1037, %add3A_1034, %mul3A_1040 : vector<16xi1>, vector<16xf32>
      %broadcast_in_dim3A_1042 = arith.constant 5 : i32
      %broadcast_in_dim3A_1043 = vector.broadcast %broadcast_in_dim3A_1042 : i32 to vector<16xi32>
      %gather3A_1044 = arith.constant 0 : i32
      %gather3A_1045 = arith.constant 0 : i32
      %gather3A_1046 = arith.constant 0 : i32
      %gather3A_1047 = tpu.memref_slice %arg12[%gather3A_1044, %gather3A_1045, %gather3A_1046] : memref<2x80x16xf32, #tpu.memory_space<vmem>> -> memref<1x80x16xf32, #tpu.memory_space<vmem>>
      %gather3A_1048 = tpu.memref_squeeze %gather3A_1047 : memref<1x80x16xf32, #tpu.memory_space<vmem>> -> memref<80x16xf32, #tpu.memory_space<vmem>>
      %gather3A_1049 = tpu.vector_load_idx %gather3A_1048[%add3A_921, %broadcast_in_dim3A_1043] : memref<80x16xf32, #tpu.memory_space<vmem>>[vector<16xi32>, vector<16xi32>], vector<16xf32>,
      %broadcast_in_dim3A_1050 = arith.constant 141 : i32
      %broadcast_in_dim3A_1051 = vector.broadcast %broadcast_in_dim3A_1050 : i32 to vector<16xi32>
      %gather3A_1052 = arith.constant 0 : i32
      %gather3A_1053 = arith.constant 0 : i32
      %gather3A_1054 = arith.constant 0 : i32
      %gather3A_1055 = tpu.memref_slice %arg13[%gather3A_1052, %gather3A_1053, %gather3A_1054] : memref<2x80x144xf32, #tpu.memory_space<vmem>> -> memref<1x80x144xf32, #tpu.memory_space<vmem>>
      %gather3A_1056 = tpu.memref_squeeze %gather3A_1055 : memref<1x80x144xf32, #tpu.memory_space<vmem>> -> memref<80x144xf32, #tpu.memory_space<vmem>>
      %gather3A_1057 = tpu.vector_load_idx %gather3A_1056[%add3A_921, %broadcast_in_dim3A_1051] : memref<80x144xf32, #tpu.memory_space<vmem>>[vector<16xi32>, vector<16xi32>], vector<16xf32>,
      %add3A_1058 = arith.addf %gather3A_1049, %gather3A_1057 : vector<16xf32>
      %ge3A_1059 = arith.constant 0.000000e+00 : f32
      %ge3A_1060 = vector.broadcast %ge3A_1059 : f32 to vector<16xf32>
      %ge3A_1061 = arith.cmpf oge, %add3A_1058, %ge3A_1060 : vector<16xf32>
      %mul3A_1062 = arith.constant 2.000000e-01 : f32
      %mul3A_1063 = vector.broadcast %mul3A_1062 : f32 to vector<16xf32>
      %mul3A_1064 = arith.mulf %mul3A_1063, %add3A_1058 : vector<16xf32>
      %select_n3A_1065 = arith.select %ge3A_1061, %add3A_1058, %mul3A_1064 : vector<16xi1>, vector<16xf32>
      %broadcast_in_dim3A_1066 = arith.constant 6 : i32
      %broadcast_in_dim3A_1067 = vector.broadcast %broadcast_in_dim3A_1066 : i32 to vector<16xi32>
      %gather3A_1068 = arith.constant 0 : i32
      %gather3A_1069 = arith.constant 0 : i32
      %gather3A_1070 = arith.constant 0 : i32
      %gather3A_1071 = tpu.memref_slice %arg12[%gather3A_1068, %gather3A_1069, %gather3A_1070] : memref<2x80x16xf32, #tpu.memory_space<vmem>> -> memref<1x80x16xf32, #tpu.memory_space<vmem>>
      %gather3A_1072 = tpu.memref_squeeze %gather3A_1071 : memref<1x80x16xf32, #tpu.memory_space<vmem>> -> memref<80x16xf32, #tpu.memory_space<vmem>>
      %gather3A_1073 = tpu.vector_load_idx %gather3A_1072[%add3A_921, %broadcast_in_dim3A_1067] : memref<80x16xf32, #tpu.memory_space<vmem>>[vector<16xi32>, vector<16xi32>], vector<16xf32>,
      %broadcast_in_dim3A_1074 = arith.constant 142 : i32
      %broadcast_in_dim3A_1075 = vector.broadcast %broadcast_in_dim3A_1074 : i32 to vector<16xi32>
      %gather3A_1076 = arith.constant 0 : i32
      %gather3A_1077 = arith.constant 0 : i32
      %gather3A_1078 = arith.constant 0 : i32
      %gather3A_1079 = tpu.memref_slice %arg13[%gather3A_1076, %gather3A_1077, %gather3A_1078] : memref<2x80x144xf32, #tpu.memory_space<vmem>> -> memref<1x80x144xf32, #tpu.memory_space<vmem>>
      %gather3A_1080 = tpu.memref_squeeze %gather3A_1079 : memref<1x80x144xf32, #tpu.memory_space<vmem>> -> memref<80x144xf32, #tpu.memory_space<vmem>>
      %gather3A_1081 = tpu.vector_load_idx %gather3A_1080[%add3A_921, %broadcast_in_dim3A_1075] : memref<80x144xf32, #tpu.memory_space<vmem>>[vector<16xi32>, vector<16xi32>], vector<16xf32>,
      %add3A_1082 = arith.addf %gather3A_1073, %gather3A_1081 : vector<16xf32>
      %ge3A_1083 = arith.constant 0.000000e+00 : f32
      %ge3A_1084 = vector.broadcast %ge3A_1083 : f32 to vector<16xf32>
      %ge3A_1085 = arith.cmpf oge, %add3A_1082, %ge3A_1084 : vector<16xf32>
      %mul3A_1086 = arith.constant 2.000000e-01 : f32
      %mul3A_1087 = vector.broadcast %mul3A_1086 : f32 to vector<16xf32>
      %mul3A_1088 = arith.mulf %mul3A_1087, %add3A_1082 : vector<16xf32>
      %select_n3A_1089 = arith.select %ge3A_1085, %add3A_1082, %mul3A_1088 : vector<16xi1>, vector<16xf32>
      %broadcast_in_dim3A_1090 = arith.constant 7 : i32
      %broadcast_in_dim3A_1091 = vector.broadcast %broadcast_in_dim3A_1090 : i32 to vector<16xi32>
      %gather3A_1092 = arith.constant 0 : i32
      %gather3A_1093 = arith.constant 0 : i32
      %gather3A_1094 = arith.constant 0 : i32
      %gather3A_1095 = tpu.memref_slice %arg12[%gather3A_1092, %gather3A_1093, %gather3A_1094] : memref<2x80x16xf32, #tpu.memory_space<vmem>> -> memref<1x80x16xf32, #tpu.memory_space<vmem>>
      %gather3A_1096 = tpu.memref_squeeze %gather3A_1095 : memref<1x80x16xf32, #tpu.memory_space<vmem>> -> memref<80x16xf32, #tpu.memory_space<vmem>>
      %gather3A_1097 = tpu.vector_load_idx %gather3A_1096[%add3A_921, %broadcast_in_dim3A_1091] : memref<80x16xf32, #tpu.memory_space<vmem>>[vector<16xi32>, vector<16xi32>], vector<16xf32>,
      %broadcast_in_dim3A_1098 = arith.constant 143 : i32
      %broadcast_in_dim3A_1099 = vector.broadcast %broadcast_in_dim3A_1098 : i32 to vector<16xi32>
      %gather3A_1100 = arith.constant 0 : i32
      %gather3A_1101 = arith.constant 0 : i32
      %gather3A_1102 = arith.constant 0 : i32
      %gather3A_1103 = tpu.memref_slice %arg13[%gather3A_1100, %gather3A_1101, %gather3A_1102] : memref<2x80x144xf32, #tpu.memory_space<vmem>> -> memref<1x80x144xf32, #tpu.memory_space<vmem>>
      %gather3A_1104 = tpu.memref_squeeze %gather3A_1103 : memref<1x80x144xf32, #tpu.memory_space<vmem>> -> memref<80x144xf32, #tpu.memory_space<vmem>>
      %gather3A_1105 = tpu.vector_load_idx %gather3A_1104[%add3A_921, %broadcast_in_dim3A_1099] : memref<80x144xf32, #tpu.memory_space<vmem>>[vector<16xi32>, vector<16xi32>], vector<16xf32>,
      %add3A_1106 = arith.addf %gather3A_1097, %gather3A_1105 : vector<16xf32>
      %ge3A_1107 = arith.constant 0.000000e+00 : f32
      %ge3A_1108 = vector.broadcast %ge3A_1107 : f32 to vector<16xf32>
      %ge3A_1109 = arith.cmpf oge, %add3A_1106, %ge3A_1108 : vector<16xf32>
      %mul3A_1110 = arith.constant 2.000000e-01 : f32
      %mul3A_1111 = vector.broadcast %mul3A_1110 : f32 to vector<16xf32>
      %mul3A_1112 = arith.mulf %mul3A_1111, %add3A_1106 : vector<16xf32>
      %select_n3A_1113 = arith.select %ge3A_1109, %add3A_1106, %mul3A_1112 : vector<16xi1>, vector<16xf32>
      %max3A_1114 = arith.maximumf %select_n3A_945, %select_n3A_969 : vector<16xf32>
      %max3A_1115 = arith.maximumf %max3A_1114, %select_n3A_993 : vector<16xf32>
      %max3A_1116 = arith.maximumf %max3A_1115, %select_n3A_1017 : vector<16xf32>
      %max3A_1117 = arith.maximumf %max3A_1116, %select_n3A_1041 : vector<16xf32>
      %max3A_1118 = arith.maximumf %max3A_1117, %select_n3A_1065 : vector<16xf32>
      %max3A_1119 = arith.maximumf %max3A_1118, %select_n3A_1089 : vector<16xf32>
      %max3A_1120 = arith.maximumf %max3A_1119, %select_n3A_1113 : vector<16xf32>
      %sub3A_1121 = arith.subf %select_n3A_945, %max3A_1120 : vector<16xf32>
      %exp3A_1122 = math.exp %sub3A_1121 : vector<16xf32>
      %sub3A_1123 = arith.subf %select_n3A_969, %max3A_1120 : vector<16xf32>
      %exp3A_1124 = math.exp %sub3A_1123 : vector<16xf32>
      %sub3A_1125 = arith.subf %select_n3A_993, %max3A_1120 : vector<16xf32>
      %exp3A_1126 = math.exp %sub3A_1125 : vector<16xf32>
      %sub3A_1127 = arith.subf %select_n3A_1017, %max3A_1120 : vector<16xf32>
      %exp3A_1128 = math.exp %sub3A_1127 : vector<16xf32>
      %sub3A_1129 = arith.subf %select_n3A_1041, %max3A_1120 : vector<16xf32>
      %exp3A_1130 = math.exp %sub3A_1129 : vector<16xf32>
      %sub3A_1131 = arith.subf %select_n3A_1065, %max3A_1120 : vector<16xf32>
      %exp3A_1132 = math.exp %sub3A_1131 : vector<16xf32>
      %sub3A_1133 = arith.subf %select_n3A_1089, %max3A_1120 : vector<16xf32>
      %exp3A_1134 = math.exp %sub3A_1133 : vector<16xf32>
      %sub3A_1135 = arith.subf %select_n3A_1113, %max3A_1120 : vector<16xf32>
      %exp3A_1136 = math.exp %sub3A_1135 : vector<16xf32>
      %add3A_1137 = arith.addf %exp3A_1122, %exp3A_1124 : vector<16xf32>
      %add3A_1138 = arith.addf %add3A_1137, %exp3A_1126 : vector<16xf32>
      %add3A_1139 = arith.addf %add3A_1138, %exp3A_1128 : vector<16xf32>
      %add3A_1140 = arith.addf %add3A_1139, %exp3A_1130 : vector<16xf32>
      %add3A_1141 = arith.addf %add3A_1140, %exp3A_1132 : vector<16xf32>
      %add3A_1142 = arith.addf %add3A_1141, %exp3A_1134 : vector<16xf32>
      %add3A_1143 = arith.addf %add3A_1142, %exp3A_1136 : vector<16xf32>
      %div3A_1144 = arith.constant 1.000000e+00 : f32
      %div3A_1145 = vector.broadcast %div3A_1144 : f32 to vector<16xf32>
      %div3A_1146 = arith.divf %div3A_1145, %add3A_1143 : vector<16xf32>
      %eq3A_1147 = arith.constant 0 : i32
      %eq3A_1148 = arith.cmpi eq, %arg0, %eq3A_1147 : i32
      %select_n3A_1149 = arith.select %eq3A_1148, %exp3A_1122, %exp3A_1130 : vector<16xf32>
      %mul3A_1150 = arith.mulf %select_n3A_1149, %div3A_1146 : vector<16xf32>
      %swap3A_1151 = arith.constant 0 : i32
      %swap3A_1152 = arith.index_cast %swap3A_1151 : i32 to index
      %swap3A_1153 = arith.constant 48 : index
      %swap3A_1154 = tpu.vector_load %arg14[%swap3A_1152, %swap3A_1153] {strides = array<i32>} : memref<4x80xf32, #tpu.memory_space<vmem>>, vector<16xf32>,
      tpu.vector_store %arg14[%swap3A_1152, %swap3A_1153], %mul3A_1150 {strides = array<i32>} : memref<4x80xf32, #tpu.memory_space<vmem>>, vector<16xf32>,
      %eq3A_1155 = arith.constant 0 : i32
      %eq3A_1156 = arith.cmpi eq, %arg0, %eq3A_1155 : i32
      %select_n3A_1157 = arith.select %eq3A_1156, %exp3A_1124, %exp3A_1132 : vector<16xf32>
      %mul3A_1158 = arith.mulf %select_n3A_1157, %div3A_1146 : vector<16xf32>
      %swap3A_1159 = arith.constant 1 : i32
      %swap3A_1160 = arith.index_cast %swap3A_1159 : i32 to index
      %swap3A_1161 = arith.constant 48 : index
      %swap3A_1162 = tpu.vector_load %arg14[%swap3A_1160, %swap3A_1161] {strides = array<i32>} : memref<4x80xf32, #tpu.memory_space<vmem>>, vector<16xf32>,
      tpu.vector_store %arg14[%swap3A_1160, %swap3A_1161], %mul3A_1158 {strides = array<i32>} : memref<4x80xf32, #tpu.memory_space<vmem>>, vector<16xf32>,
      %eq3A_1163 = arith.constant 0 : i32
      %eq3A_1164 = arith.cmpi eq, %arg0, %eq3A_1163 : i32
      %select_n3A_1165 = arith.select %eq3A_1164, %exp3A_1126, %exp3A_1134 : vector<16xf32>
      %mul3A_1166 = arith.mulf %select_n3A_1165, %div3A_1146 : vector<16xf32>
      %swap3A_1167 = arith.constant 2 : i32
      %swap3A_1168 = arith.index_cast %swap3A_1167 : i32 to index
      %swap3A_1169 = arith.constant 48 : index
      %swap3A_1170 = tpu.vector_load %arg14[%swap3A_1168, %swap3A_1169] {strides = array<i32>} : memref<4x80xf32, #tpu.memory_space<vmem>>, vector<16xf32>,
      tpu.vector_store %arg14[%swap3A_1168, %swap3A_1169], %mul3A_1166 {strides = array<i32>} : memref<4x80xf32, #tpu.memory_space<vmem>>, vector<16xf32>,
      %eq3A_1171 = arith.constant 0 : i32
      %eq3A_1172 = arith.cmpi eq, %arg0, %eq3A_1171 : i32
      %select_n3A_1173 = arith.select %eq3A_1172, %exp3A_1128, %exp3A_1136 : vector<16xf32>
      %mul3A_1174 = arith.mulf %select_n3A_1173, %div3A_1146 : vector<16xf32>
      %swap3A_1175 = arith.constant 3 : i32
      %swap3A_1176 = arith.index_cast %swap3A_1175 : i32 to index
      %swap3A_1177 = arith.constant 48 : index
      %swap3A_1178 = tpu.vector_load %arg14[%swap3A_1176, %swap3A_1177] {strides = array<i32>} : memref<4x80xf32, #tpu.memory_space<vmem>>, vector<16xf32>,
      tpu.vector_store %arg14[%swap3A_1176, %swap3A_1177], %mul3A_1174 {strides = array<i32>} : memref<4x80xf32, #tpu.memory_space<vmem>>, vector<16xf32>,
      %add3A_1179 = arith.constant 64 : i32
      %add3A_1180 = vector.broadcast %add3A_1179 : i32 to vector<16xi32>
      %add3A_1181 = arith.addi %iota3A, %add3A_1180 : vector<16xi32>
      %broadcast_in_dim3A_1182 = arith.constant 0 : i32
      %broadcast_in_dim3A_1183 = vector.broadcast %broadcast_in_dim3A_1182 : i32 to vector<16xi32>
      %gather3A_1184 = arith.constant 0 : i32
      %gather3A_1185 = arith.constant 0 : i32
      %gather3A_1186 = arith.constant 0 : i32
      %gather3A_1187 = tpu.memref_slice %arg12[%gather3A_1184, %gather3A_1185, %gather3A_1186] : memref<2x80x16xf32, #tpu.memory_space<vmem>> -> memref<1x80x16xf32, #tpu.memory_space<vmem>>
      %gather3A_1188 = tpu.memref_squeeze %gather3A_1187 : memref<1x80x16xf32, #tpu.memory_space<vmem>> -> memref<80x16xf32, #tpu.memory_space<vmem>>
      %gather3A_1189 = tpu.vector_load_idx %gather3A_1188[%add3A_1181, %broadcast_in_dim3A_1183] : memref<80x16xf32, #tpu.memory_space<vmem>>[vector<16xi32>, vector<16xi32>], vector<16xf32>,
      %broadcast_in_dim3A_1190 = arith.constant 136 : i32
      %broadcast_in_dim3A_1191 = vector.broadcast %broadcast_in_dim3A_1190 : i32 to vector<16xi32>
      %gather3A_1192 = arith.constant 0 : i32
      %gather3A_1193 = arith.constant 0 : i32
      %gather3A_1194 = arith.constant 0 : i32
      %gather3A_1195 = tpu.memref_slice %arg13[%gather3A_1192, %gather3A_1193, %gather3A_1194] : memref<2x80x144xf32, #tpu.memory_space<vmem>> -> memref<1x80x144xf32, #tpu.memory_space<vmem>>
      %gather3A_1196 = tpu.memref_squeeze %gather3A_1195 : memref<1x80x144xf32, #tpu.memory_space<vmem>> -> memref<80x144xf32, #tpu.memory_space<vmem>>
      %gather3A_1197 = tpu.vector_load_idx %gather3A_1196[%add3A_1181, %broadcast_in_dim3A_1191] : memref<80x144xf32, #tpu.memory_space<vmem>>[vector<16xi32>, vector<16xi32>], vector<16xf32>,
      %add3A_1198 = arith.addf %gather3A_1189, %gather3A_1197 : vector<16xf32>
      %ge3A_1199 = arith.constant 0.000000e+00 : f32
      %ge3A_1200 = vector.broadcast %ge3A_1199 : f32 to vector<16xf32>
      %ge3A_1201 = arith.cmpf oge, %add3A_1198, %ge3A_1200 : vector<16xf32>
      %mul3A_1202 = arith.constant 2.000000e-01 : f32
      %mul3A_1203 = vector.broadcast %mul3A_1202 : f32 to vector<16xf32>
      %mul3A_1204 = arith.mulf %mul3A_1203, %add3A_1198 : vector<16xf32>
      %select_n3A_1205 = arith.select %ge3A_1201, %add3A_1198, %mul3A_1204 : vector<16xi1>, vector<16xf32>
      %broadcast_in_dim3A_1206 = arith.constant 1 : i32
      %broadcast_in_dim3A_1207 = vector.broadcast %broadcast_in_dim3A_1206 : i32 to vector<16xi32>
      %gather3A_1208 = arith.constant 0 : i32
      %gather3A_1209 = arith.constant 0 : i32
      %gather3A_1210 = arith.constant 0 : i32
      %gather3A_1211 = tpu.memref_slice %arg12[%gather3A_1208, %gather3A_1209, %gather3A_1210] : memref<2x80x16xf32, #tpu.memory_space<vmem>> -> memref<1x80x16xf32, #tpu.memory_space<vmem>>
      %gather3A_1212 = tpu.memref_squeeze %gather3A_1211 : memref<1x80x16xf32, #tpu.memory_space<vmem>> -> memref<80x16xf32, #tpu.memory_space<vmem>>
      %gather3A_1213 = tpu.vector_load_idx %gather3A_1212[%add3A_1181, %broadcast_in_dim3A_1207] : memref<80x16xf32, #tpu.memory_space<vmem>>[vector<16xi32>, vector<16xi32>], vector<16xf32>,
      %broadcast_in_dim3A_1214 = arith.constant 137 : i32
      %broadcast_in_dim3A_1215 = vector.broadcast %broadcast_in_dim3A_1214 : i32 to vector<16xi32>
      %gather3A_1216 = arith.constant 0 : i32
      %gather3A_1217 = arith.constant 0 : i32
      %gather3A_1218 = arith.constant 0 : i32
      %gather3A_1219 = tpu.memref_slice %arg13[%gather3A_1216, %gather3A_1217, %gather3A_1218] : memref<2x80x144xf32, #tpu.memory_space<vmem>> -> memref<1x80x144xf32, #tpu.memory_space<vmem>>
      %gather3A_1220 = tpu.memref_squeeze %gather3A_1219 : memref<1x80x144xf32, #tpu.memory_space<vmem>> -> memref<80x144xf32, #tpu.memory_space<vmem>>
      %gather3A_1221 = tpu.vector_load_idx %gather3A_1220[%add3A_1181, %broadcast_in_dim3A_1215] : memref<80x144xf32, #tpu.memory_space<vmem>>[vector<16xi32>, vector<16xi32>], vector<16xf32>,
      %add3A_1222 = arith.addf %gather3A_1213, %gather3A_1221 : vector<16xf32>
      %ge3A_1223 = arith.constant 0.000000e+00 : f32
      %ge3A_1224 = vector.broadcast %ge3A_1223 : f32 to vector<16xf32>
      %ge3A_1225 = arith.cmpf oge, %add3A_1222, %ge3A_1224 : vector<16xf32>
      %mul3A_1226 = arith.constant 2.000000e-01 : f32
      %mul3A_1227 = vector.broadcast %mul3A_1226 : f32 to vector<16xf32>
      %mul3A_1228 = arith.mulf %mul3A_1227, %add3A_1222 : vector<16xf32>
      %select_n3A_1229 = arith.select %ge3A_1225, %add3A_1222, %mul3A_1228 : vector<16xi1>, vector<16xf32>
      %broadcast_in_dim3A_1230 = arith.constant 2 : i32
      %broadcast_in_dim3A_1231 = vector.broadcast %broadcast_in_dim3A_1230 : i32 to vector<16xi32>
      %gather3A_1232 = arith.constant 0 : i32
      %gather3A_1233 = arith.constant 0 : i32
      %gather3A_1234 = arith.constant 0 : i32
      %gather3A_1235 = tpu.memref_slice %arg12[%gather3A_1232, %gather3A_1233, %gather3A_1234] : memref<2x80x16xf32, #tpu.memory_space<vmem>> -> memref<1x80x16xf32, #tpu.memory_space<vmem>>
      %gather3A_1236 = tpu.memref_squeeze %gather3A_1235 : memref<1x80x16xf32, #tpu.memory_space<vmem>> -> memref<80x16xf32, #tpu.memory_space<vmem>>
      %gather3A_1237 = tpu.vector_load_idx %gather3A_1236[%add3A_1181, %broadcast_in_dim3A_1231] : memref<80x16xf32, #tpu.memory_space<vmem>>[vector<16xi32>, vector<16xi32>], vector<16xf32>,
      %broadcast_in_dim3A_1238 = arith.constant 138 : i32
      %broadcast_in_dim3A_1239 = vector.broadcast %broadcast_in_dim3A_1238 : i32 to vector<16xi32>
      %gather3A_1240 = arith.constant 0 : i32
      %gather3A_1241 = arith.constant 0 : i32
      %gather3A_1242 = arith.constant 0 : i32
      %gather3A_1243 = tpu.memref_slice %arg13[%gather3A_1240, %gather3A_1241, %gather3A_1242] : memref<2x80x144xf32, #tpu.memory_space<vmem>> -> memref<1x80x144xf32, #tpu.memory_space<vmem>>
      %gather3A_1244 = tpu.memref_squeeze %gather3A_1243 : memref<1x80x144xf32, #tpu.memory_space<vmem>> -> memref<80x144xf32, #tpu.memory_space<vmem>>
      %gather3A_1245 = tpu.vector_load_idx %gather3A_1244[%add3A_1181, %broadcast_in_dim3A_1239] : memref<80x144xf32, #tpu.memory_space<vmem>>[vector<16xi32>, vector<16xi32>], vector<16xf32>,
      %add3A_1246 = arith.addf %gather3A_1237, %gather3A_1245 : vector<16xf32>
      %ge3A_1247 = arith.constant 0.000000e+00 : f32
      %ge3A_1248 = vector.broadcast %ge3A_1247 : f32 to vector<16xf32>
      %ge3A_1249 = arith.cmpf oge, %add3A_1246, %ge3A_1248 : vector<16xf32>
      %mul3A_1250 = arith.constant 2.000000e-01 : f32
      %mul3A_1251 = vector.broadcast %mul3A_1250 : f32 to vector<16xf32>
      %mul3A_1252 = arith.mulf %mul3A_1251, %add3A_1246 : vector<16xf32>
      %select_n3A_1253 = arith.select %ge3A_1249, %add3A_1246, %mul3A_1252 : vector<16xi1>, vector<16xf32>
      %broadcast_in_dim3A_1254 = arith.constant 3 : i32
      %broadcast_in_dim3A_1255 = vector.broadcast %broadcast_in_dim3A_1254 : i32 to vector<16xi32>
      %gather3A_1256 = arith.constant 0 : i32
      %gather3A_1257 = arith.constant 0 : i32
      %gather3A_1258 = arith.constant 0 : i32
      %gather3A_1259 = tpu.memref_slice %arg12[%gather3A_1256, %gather3A_1257, %gather3A_1258] : memref<2x80x16xf32, #tpu.memory_space<vmem>> -> memref<1x80x16xf32, #tpu.memory_space<vmem>>
      %gather3A_1260 = tpu.memref_squeeze %gather3A_1259 : memref<1x80x16xf32, #tpu.memory_space<vmem>> -> memref<80x16xf32, #tpu.memory_space<vmem>>
      %gather3A_1261 = tpu.vector_load_idx %gather3A_1260[%add3A_1181, %broadcast_in_dim3A_1255] : memref<80x16xf32, #tpu.memory_space<vmem>>[vector<16xi32>, vector<16xi32>], vector<16xf32>,
      %broadcast_in_dim3A_1262 = arith.constant 139 : i32
      %broadcast_in_dim3A_1263 = vector.broadcast %broadcast_in_dim3A_1262 : i32 to vector<16xi32>
      %gather3A_1264 = arith.constant 0 : i32
      %gather3A_1265 = arith.constant 0 : i32
      %gather3A_1266 = arith.constant 0 : i32
      %gather3A_1267 = tpu.memref_slice %arg13[%gather3A_1264, %gather3A_1265, %gather3A_1266] : memref<2x80x144xf32, #tpu.memory_space<vmem>> -> memref<1x80x144xf32, #tpu.memory_space<vmem>>
      %gather3A_1268 = tpu.memref_squeeze %gather3A_1267 : memref<1x80x144xf32, #tpu.memory_space<vmem>> -> memref<80x144xf32, #tpu.memory_space<vmem>>
      %gather3A_1269 = tpu.vector_load_idx %gather3A_1268[%add3A_1181, %broadcast_in_dim3A_1263] : memref<80x144xf32, #tpu.memory_space<vmem>>[vector<16xi32>, vector<16xi32>], vector<16xf32>,
      %add3A_1270 = arith.addf %gather3A_1261, %gather3A_1269 : vector<16xf32>
      %ge3A_1271 = arith.constant 0.000000e+00 : f32
      %ge3A_1272 = vector.broadcast %ge3A_1271 : f32 to vector<16xf32>
      %ge3A_1273 = arith.cmpf oge, %add3A_1270, %ge3A_1272 : vector<16xf32>
      %mul3A_1274 = arith.constant 2.000000e-01 : f32
      %mul3A_1275 = vector.broadcast %mul3A_1274 : f32 to vector<16xf32>
      %mul3A_1276 = arith.mulf %mul3A_1275, %add3A_1270 : vector<16xf32>
      %select_n3A_1277 = arith.select %ge3A_1273, %add3A_1270, %mul3A_1276 : vector<16xi1>, vector<16xf32>
      %broadcast_in_dim3A_1278 = arith.constant 4 : i32
      %broadcast_in_dim3A_1279 = vector.broadcast %broadcast_in_dim3A_1278 : i32 to vector<16xi32>
      %gather3A_1280 = arith.constant 0 : i32
      %gather3A_1281 = arith.constant 0 : i32
      %gather3A_1282 = arith.constant 0 : i32
      %gather3A_1283 = tpu.memref_slice %arg12[%gather3A_1280, %gather3A_1281, %gather3A_1282] : memref<2x80x16xf32, #tpu.memory_space<vmem>> -> memref<1x80x16xf32, #tpu.memory_space<vmem>>
      %gather3A_1284 = tpu.memref_squeeze %gather3A_1283 : memref<1x80x16xf32, #tpu.memory_space<vmem>> -> memref<80x16xf32, #tpu.memory_space<vmem>>
      %gather3A_1285 = tpu.vector_load_idx %gather3A_1284[%add3A_1181, %broadcast_in_dim3A_1279] : memref<80x16xf32, #tpu.memory_space<vmem>>[vector<16xi32>, vector<16xi32>], vector<16xf32>,
      %broadcast_in_dim3A_1286 = arith.constant 140 : i32
      %broadcast_in_dim3A_1287 = vector.broadcast %broadcast_in_dim3A_1286 : i32 to vector<16xi32>
      %gather3A_1288 = arith.constant 0 : i32
      %gather3A_1289 = arith.constant 0 : i32
      %gather3A_1290 = arith.constant 0 : i32
      %gather3A_1291 = tpu.memref_slice %arg13[%gather3A_1288, %gather3A_1289, %gather3A_1290] : memref<2x80x144xf32, #tpu.memory_space<vmem>> -> memref<1x80x144xf32, #tpu.memory_space<vmem>>
      %gather3A_1292 = tpu.memref_squeeze %gather3A_1291 : memref<1x80x144xf32, #tpu.memory_space<vmem>> -> memref<80x144xf32, #tpu.memory_space<vmem>>
      %gather3A_1293 = tpu.vector_load_idx %gather3A_1292[%add3A_1181, %broadcast_in_dim3A_1287] : memref<80x144xf32, #tpu.memory_space<vmem>>[vector<16xi32>, vector<16xi32>], vector<16xf32>,
      %add3A_1294 = arith.addf %gather3A_1285, %gather3A_1293 : vector<16xf32>
      %ge3A_1295 = arith.constant 0.000000e+00 : f32
      %ge3A_1296 = vector.broadcast %ge3A_1295 : f32 to vector<16xf32>
      %ge3A_1297 = arith.cmpf oge, %add3A_1294, %ge3A_1296 : vector<16xf32>
      %mul3A_1298 = arith.constant 2.000000e-01 : f32
      %mul3A_1299 = vector.broadcast %mul3A_1298 : f32 to vector<16xf32>
      %mul3A_1300 = arith.mulf %mul3A_1299, %add3A_1294 : vector<16xf32>
      %select_n3A_1301 = arith.select %ge3A_1297, %add3A_1294, %mul3A_1300 : vector<16xi1>, vector<16xf32>
      %broadcast_in_dim3A_1302 = arith.constant 5 : i32
      %broadcast_in_dim3A_1303 = vector.broadcast %broadcast_in_dim3A_1302 : i32 to vector<16xi32>
      %gather3A_1304 = arith.constant 0 : i32
      %gather3A_1305 = arith.constant 0 : i32
      %gather3A_1306 = arith.constant 0 : i32
      %gather3A_1307 = tpu.memref_slice %arg12[%gather3A_1304, %gather3A_1305, %gather3A_1306] : memref<2x80x16xf32, #tpu.memory_space<vmem>> -> memref<1x80x16xf32, #tpu.memory_space<vmem>>
      %gather3A_1308 = tpu.memref_squeeze %gather3A_1307 : memref<1x80x16xf32, #tpu.memory_space<vmem>> -> memref<80x16xf32, #tpu.memory_space<vmem>>
      %gather3A_1309 = tpu.vector_load_idx %gather3A_1308[%add3A_1181, %broadcast_in_dim3A_1303] : memref<80x16xf32, #tpu.memory_space<vmem>>[vector<16xi32>, vector<16xi32>], vector<16xf32>,
      %broadcast_in_dim3A_1310 = arith.constant 141 : i32
      %broadcast_in_dim3A_1311 = vector.broadcast %broadcast_in_dim3A_1310 : i32 to vector<16xi32>
      %gather3A_1312 = arith.constant 0 : i32
      %gather3A_1313 = arith.constant 0 : i32
      %gather3A_1314 = arith.constant 0 : i32
      %gather3A_1315 = tpu.memref_slice %arg13[%gather3A_1312, %gather3A_1313, %gather3A_1314] : memref<2x80x144xf32, #tpu.memory_space<vmem>> -> memref<1x80x144xf32, #tpu.memory_space<vmem>>
      %gather3A_1316 = tpu.memref_squeeze %gather3A_1315 : memref<1x80x144xf32, #tpu.memory_space<vmem>> -> memref<80x144xf32, #tpu.memory_space<vmem>>
      %gather3A_1317 = tpu.vector_load_idx %gather3A_1316[%add3A_1181, %broadcast_in_dim3A_1311] : memref<80x144xf32, #tpu.memory_space<vmem>>[vector<16xi32>, vector<16xi32>], vector<16xf32>,
      %add3A_1318 = arith.addf %gather3A_1309, %gather3A_1317 : vector<16xf32>
      %ge3A_1319 = arith.constant 0.000000e+00 : f32
      %ge3A_1320 = vector.broadcast %ge3A_1319 : f32 to vector<16xf32>
      %ge3A_1321 = arith.cmpf oge, %add3A_1318, %ge3A_1320 : vector<16xf32>
      %mul3A_1322 = arith.constant 2.000000e-01 : f32
      %mul3A_1323 = vector.broadcast %mul3A_1322 : f32 to vector<16xf32>
      %mul3A_1324 = arith.mulf %mul3A_1323, %add3A_1318 : vector<16xf32>
      %select_n3A_1325 = arith.select %ge3A_1321, %add3A_1318, %mul3A_1324 : vector<16xi1>, vector<16xf32>
      %broadcast_in_dim3A_1326 = arith.constant 6 : i32
      %broadcast_in_dim3A_1327 = vector.broadcast %broadcast_in_dim3A_1326 : i32 to vector<16xi32>
      %gather3A_1328 = arith.constant 0 : i32
      %gather3A_1329 = arith.constant 0 : i32
      %gather3A_1330 = arith.constant 0 : i32
      %gather3A_1331 = tpu.memref_slice %arg12[%gather3A_1328, %gather3A_1329, %gather3A_1330] : memref<2x80x16xf32, #tpu.memory_space<vmem>> -> memref<1x80x16xf32, #tpu.memory_space<vmem>>
      %gather3A_1332 = tpu.memref_squeeze %gather3A_1331 : memref<1x80x16xf32, #tpu.memory_space<vmem>> -> memref<80x16xf32, #tpu.memory_space<vmem>>
      %gather3A_1333 = tpu.vector_load_idx %gather3A_1332[%add3A_1181, %broadcast_in_dim3A_1327] : memref<80x16xf32, #tpu.memory_space<vmem>>[vector<16xi32>, vector<16xi32>], vector<16xf32>,
      %broadcast_in_dim3A_1334 = arith.constant 142 : i32
      %broadcast_in_dim3A_1335 = vector.broadcast %broadcast_in_dim3A_1334 : i32 to vector<16xi32>
      %gather3A_1336 = arith.constant 0 : i32
      %gather3A_1337 = arith.constant 0 : i32
      %gather3A_1338 = arith.constant 0 : i32
      %gather3A_1339 = tpu.memref_slice %arg13[%gather3A_1336, %gather3A_1337, %gather3A_1338] : memref<2x80x144xf32, #tpu.memory_space<vmem>> -> memref<1x80x144xf32, #tpu.memory_space<vmem>>
      %gather3A_1340 = tpu.memref_squeeze %gather3A_1339 : memref<1x80x144xf32, #tpu.memory_space<vmem>> -> memref<80x144xf32, #tpu.memory_space<vmem>>
      %gather3A_1341 = tpu.vector_load_idx %gather3A_1340[%add3A_1181, %broadcast_in_dim3A_1335] : memref<80x144xf32, #tpu.memory_space<vmem>>[vector<16xi32>, vector<16xi32>], vector<16xf32>,
      %add3A_1342 = arith.addf %gather3A_1333, %gather3A_1341 : vector<16xf32>
      %ge3A_1343 = arith.constant 0.000000e+00 : f32
      %ge3A_1344 = vector.broadcast %ge3A_1343 : f32 to vector<16xf32>
      %ge3A_1345 = arith.cmpf oge, %add3A_1342, %ge3A_1344 : vector<16xf32>
      %mul3A_1346 = arith.constant 2.000000e-01 : f32
      %mul3A_1347 = vector.broadcast %mul3A_1346 : f32 to vector<16xf32>
      %mul3A_1348 = arith.mulf %mul3A_1347, %add3A_1342 : vector<16xf32>
      %select_n3A_1349 = arith.select %ge3A_1345, %add3A_1342, %mul3A_1348 : vector<16xi1>, vector<16xf32>
      %broadcast_in_dim3A_1350 = arith.constant 7 : i32
      %broadcast_in_dim3A_1351 = vector.broadcast %broadcast_in_dim3A_1350 : i32 to vector<16xi32>
      %gather3A_1352 = arith.constant 0 : i32
      %gather3A_1353 = arith.constant 0 : i32
      %gather3A_1354 = arith.constant 0 : i32
      %gather3A_1355 = tpu.memref_slice %arg12[%gather3A_1352, %gather3A_1353, %gather3A_1354] : memref<2x80x16xf32, #tpu.memory_space<vmem>> -> memref<1x80x16xf32, #tpu.memory_space<vmem>>
      %gather3A_1356 = tpu.memref_squeeze %gather3A_1355 : memref<1x80x16xf32, #tpu.memory_space<vmem>> -> memref<80x16xf32, #tpu.memory_space<vmem>>
      %gather3A_1357 = tpu.vector_load_idx %gather3A_1356[%add3A_1181, %broadcast_in_dim3A_1351] : memref<80x16xf32, #tpu.memory_space<vmem>>[vector<16xi32>, vector<16xi32>], vector<16xf32>,
      %broadcast_in_dim3A_1358 = arith.constant 143 : i32
      %broadcast_in_dim3A_1359 = vector.broadcast %broadcast_in_dim3A_1358 : i32 to vector<16xi32>
      %gather3A_1360 = arith.constant 0 : i32
      %gather3A_1361 = arith.constant 0 : i32
      %gather3A_1362 = arith.constant 0 : i32
      %gather3A_1363 = tpu.memref_slice %arg13[%gather3A_1360, %gather3A_1361, %gather3A_1362] : memref<2x80x144xf32, #tpu.memory_space<vmem>> -> memref<1x80x144xf32, #tpu.memory_space<vmem>>
      %gather3A_1364 = tpu.memref_squeeze %gather3A_1363 : memref<1x80x144xf32, #tpu.memory_space<vmem>> -> memref<80x144xf32, #tpu.memory_space<vmem>>
      %gather3A_1365 = tpu.vector_load_idx %gather3A_1364[%add3A_1181, %broadcast_in_dim3A_1359] : memref<80x144xf32, #tpu.memory_space<vmem>>[vector<16xi32>, vector<16xi32>], vector<16xf32>,
      %add3A_1366 = arith.addf %gather3A_1357, %gather3A_1365 : vector<16xf32>
      %ge3A_1367 = arith.constant 0.000000e+00 : f32
      %ge3A_1368 = vector.broadcast %ge3A_1367 : f32 to vector<16xf32>
      %ge3A_1369 = arith.cmpf oge, %add3A_1366, %ge3A_1368 : vector<16xf32>
      %mul3A_1370 = arith.constant 2.000000e-01 : f32
      %mul3A_1371 = vector.broadcast %mul3A_1370 : f32 to vector<16xf32>
      %mul3A_1372 = arith.mulf %mul3A_1371, %add3A_1366 : vector<16xf32>
      %select_n3A_1373 = arith.select %ge3A_1369, %add3A_1366, %mul3A_1372 : vector<16xi1>, vector<16xf32>
      %max3A_1374 = arith.maximumf %select_n3A_1205, %select_n3A_1229 : vector<16xf32>
      %max3A_1375 = arith.maximumf %max3A_1374, %select_n3A_1253 : vector<16xf32>
      %max3A_1376 = arith.maximumf %max3A_1375, %select_n3A_1277 : vector<16xf32>
      %max3A_1377 = arith.maximumf %max3A_1376, %select_n3A_1301 : vector<16xf32>
      %max3A_1378 = arith.maximumf %max3A_1377, %select_n3A_1325 : vector<16xf32>
      %max3A_1379 = arith.maximumf %max3A_1378, %select_n3A_1349 : vector<16xf32>
      %max3A_1380 = arith.maximumf %max3A_1379, %select_n3A_1373 : vector<16xf32>
      %sub3A_1381 = arith.subf %select_n3A_1205, %max3A_1380 : vector<16xf32>
      %exp3A_1382 = math.exp %sub3A_1381 : vector<16xf32>
      %sub3A_1383 = arith.subf %select_n3A_1229, %max3A_1380 : vector<16xf32>
      %exp3A_1384 = math.exp %sub3A_1383 : vector<16xf32>
      %sub3A_1385 = arith.subf %select_n3A_1253, %max3A_1380 : vector<16xf32>
      %exp3A_1386 = math.exp %sub3A_1385 : vector<16xf32>
      %sub3A_1387 = arith.subf %select_n3A_1277, %max3A_1380 : vector<16xf32>
      %exp3A_1388 = math.exp %sub3A_1387 : vector<16xf32>
      %sub3A_1389 = arith.subf %select_n3A_1301, %max3A_1380 : vector<16xf32>
      %exp3A_1390 = math.exp %sub3A_1389 : vector<16xf32>
      %sub3A_1391 = arith.subf %select_n3A_1325, %max3A_1380 : vector<16xf32>
      %exp3A_1392 = math.exp %sub3A_1391 : vector<16xf32>
      %sub3A_1393 = arith.subf %select_n3A_1349, %max3A_1380 : vector<16xf32>
      %exp3A_1394 = math.exp %sub3A_1393 : vector<16xf32>
      %sub3A_1395 = arith.subf %select_n3A_1373, %max3A_1380 : vector<16xf32>
      %exp3A_1396 = math.exp %sub3A_1395 : vector<16xf32>
      %add3A_1397 = arith.addf %exp3A_1382, %exp3A_1384 : vector<16xf32>
      %add3A_1398 = arith.addf %add3A_1397, %exp3A_1386 : vector<16xf32>
      %add3A_1399 = arith.addf %add3A_1398, %exp3A_1388 : vector<16xf32>
      %add3A_1400 = arith.addf %add3A_1399, %exp3A_1390 : vector<16xf32>
      %add3A_1401 = arith.addf %add3A_1400, %exp3A_1392 : vector<16xf32>
      %add3A_1402 = arith.addf %add3A_1401, %exp3A_1394 : vector<16xf32>
      %add3A_1403 = arith.addf %add3A_1402, %exp3A_1396 : vector<16xf32>
      %div3A_1404 = arith.constant 1.000000e+00 : f32
      %div3A_1405 = vector.broadcast %div3A_1404 : f32 to vector<16xf32>
      %div3A_1406 = arith.divf %div3A_1405, %add3A_1403 : vector<16xf32>
      %eq3A_1407 = arith.constant 0 : i32
      %eq3A_1408 = arith.cmpi eq, %arg0, %eq3A_1407 : i32
      %select_n3A_1409 = arith.select %eq3A_1408, %exp3A_1382, %exp3A_1390 : vector<16xf32>
      %mul3A_1410 = arith.mulf %select_n3A_1409, %div3A_1406 : vector<16xf32>
      %swap3A_1411 = arith.constant 0 : i32
      %swap3A_1412 = arith.index_cast %swap3A_1411 : i32 to index
      %swap3A_1413 = arith.constant 64 : index
      %swap3A_1414 = tpu.vector_load %arg14[%swap3A_1412, %swap3A_1413] {strides = array<i32>} : memref<4x80xf32, #tpu.memory_space<vmem>>, vector<16xf32>,
      tpu.vector_store %arg14[%swap3A_1412, %swap3A_1413], %mul3A_1410 {strides = array<i32>} : memref<4x80xf32, #tpu.memory_space<vmem>>, vector<16xf32>,
      %eq3A_1415 = arith.constant 0 : i32
      %eq3A_1416 = arith.cmpi eq, %arg0, %eq3A_1415 : i32
      %select_n3A_1417 = arith.select %eq3A_1416, %exp3A_1384, %exp3A_1392 : vector<16xf32>
      %mul3A_1418 = arith.mulf %select_n3A_1417, %div3A_1406 : vector<16xf32>
      %swap3A_1419 = arith.constant 1 : i32
      %swap3A_1420 = arith.index_cast %swap3A_1419 : i32 to index
      %swap3A_1421 = arith.constant 64 : index
      %swap3A_1422 = tpu.vector_load %arg14[%swap3A_1420, %swap3A_1421] {strides = array<i32>} : memref<4x80xf32, #tpu.memory_space<vmem>>, vector<16xf32>,
      tpu.vector_store %arg14[%swap3A_1420, %swap3A_1421], %mul3A_1418 {strides = array<i32>} : memref<4x80xf32, #tpu.memory_space<vmem>>, vector<16xf32>,
      %eq3A_1423 = arith.constant 0 : i32
      %eq3A_1424 = arith.cmpi eq, %arg0, %eq3A_1423 : i32
      %select_n3A_1425 = arith.select %eq3A_1424, %exp3A_1386, %exp3A_1394 : vector<16xf32>
      %mul3A_1426 = arith.mulf %select_n3A_1425, %div3A_1406 : vector<16xf32>
      %swap3A_1427 = arith.constant 2 : i32
      %swap3A_1428 = arith.index_cast %swap3A_1427 : i32 to index
      %swap3A_1429 = arith.constant 64 : index
      %swap3A_1430 = tpu.vector_load %arg14[%swap3A_1428, %swap3A_1429] {strides = array<i32>} : memref<4x80xf32, #tpu.memory_space<vmem>>, vector<16xf32>,
      tpu.vector_store %arg14[%swap3A_1428, %swap3A_1429], %mul3A_1426 {strides = array<i32>} : memref<4x80xf32, #tpu.memory_space<vmem>>, vector<16xf32>,
      %eq3A_1431 = arith.constant 0 : i32
      %eq3A_1432 = arith.cmpi eq, %arg0, %eq3A_1431 : i32
      %select_n3A_1433 = arith.select %eq3A_1432, %exp3A_1388, %exp3A_1396 : vector<16xf32>
      %mul3A_1434 = arith.mulf %select_n3A_1433, %div3A_1406 : vector<16xf32>
      %swap3A_1435 = arith.constant 3 : i32
      %swap3A_1436 = arith.index_cast %swap3A_1435 : i32 to index
      %swap3A_1437 = arith.constant 64 : index
      %swap3A_1438 = tpu.vector_load %arg14[%swap3A_1436, %swap3A_1437] {strides = array<i32>} : memref<4x80xf32, #tpu.memory_space<vmem>>, vector<16xf32>,
      tpu.vector_store %arg14[%swap3A_1436, %swap3A_1437], %mul3A_1434 {strides = array<i32>} : memref<4x80xf32, #tpu.memory_space<vmem>>, vector<16xf32>,
      %scan3A_1439 = arith.constant 0 : i32
      %scan3A_1440 = arith.constant 0 : i32
      %scan3A_1441 = arith.constant 80 : i32
      %scan3A_1442 = arith.addi %scan3A_1440, %scan3A_1441 : i32
      %scan3A_1443 = arith.constant 4 : i32
      scf.for %scan3A_2813 = %scan3A_1440 to %scan3A_1442 step %scan3A_1443  : i32 {
        %broadcast_in_dim3A_2814 = vector.broadcast %scan3A_2813 : i32 to vector<16xi32>
        %broadcast_in_dim3A_2815 = arith.constant 0 : i32
        %broadcast_in_dim3A_2816 = vector.broadcast %broadcast_in_dim3A_2815 : i32 to vector<16xi32>
        %gather3A_2817 = tpu.vector_load_idx %arg14[%broadcast_in_dim3A_2816, %broadcast_in_dim3A_2814] : memref<4x80xf32, #tpu.memory_space<vmem>>[vector<16xi32>, vector<16xi32>], vector<16xf32>,
        %get3A_2818 = arith.constant 0 : i32
        %get3A_2819 = arith.index_cast %get3A_2818 : i32 to index
        %get3A_2820 = arith.index_cast %scan3A_2813 : i32 to index
        %get3A_2821 = arith.constant 0 : index
        %get3A_2822 = tpu.vector_load %arg13[%get3A_2819, %get3A_2820, %get3A_2821] {strides = array<i32>} : memref<2x80x144xf32, #tpu.memory_space<vmem>>, vector<16xf32>,
        %mul3A_2823 = arith.mulf %get3A_2822, %gather3A_2817 : vector<16xf32>
        %swap3A_2824 = arith.constant 0 : i32
        %swap3A_2825 = arith.index_cast %swap3A_2824 : i32 to index
        %swap3A_2826 = arith.index_cast %scan3A_2813 : i32 to index
        %swap3A_2827 = arith.constant 0 : index
        %swap3A_2828 = tpu.vector_load %arg13[%swap3A_2825, %swap3A_2826, %swap3A_2827] {strides = array<i32>} : memref<2x80x144xf32, #tpu.memory_space<vmem>>, vector<16xf32>,
        tpu.vector_store %arg13[%swap3A_2825, %swap3A_2826, %swap3A_2827], %mul3A_2823 {strides = array<i32>} : memref<2x80x144xf32, #tpu.memory_space<vmem>>, vector<16xf32>,
        %get3A_2829 = arith.constant 0 : i32
        %get3A_2830 = arith.index_cast %get3A_2829 : i32 to index
        %get3A_2831 = arith.index_cast %scan3A_2813 : i32 to index
        %get3A_2832 = arith.constant 16 : index
        %get3A_2833 = tpu.vector_load %arg13[%get3A_2830, %get3A_2831, %get3A_2832] {strides = array<i32>} : memref<2x80x144xf32, #tpu.memory_space<vmem>>, vector<16xf32>,
        %mul3A_2834 = arith.mulf %get3A_2833, %gather3A_2817 : vector<16xf32>
        %swap3A_2835 = arith.constant 0 : i32
        %swap3A_2836 = arith.index_cast %swap3A_2835 : i32 to index
        %swap3A_2837 = arith.index_cast %scan3A_2813 : i32 to index
        %swap3A_2838 = arith.constant 16 : index
        %swap3A_2839 = tpu.vector_load %arg13[%swap3A_2836, %swap3A_2837, %swap3A_2838] {strides = array<i32>} : memref<2x80x144xf32, #tpu.memory_space<vmem>>, vector<16xf32>,
        tpu.vector_store %arg13[%swap3A_2836, %swap3A_2837, %swap3A_2838], %mul3A_2834 {strides = array<i32>} : memref<2x80x144xf32, #tpu.memory_space<vmem>>, vector<16xf32>,
        %broadcast_in_dim3A_2840 = arith.constant 1 : i32
        %broadcast_in_dim3A_2841 = vector.broadcast %broadcast_in_dim3A_2840 : i32 to vector<16xi32>
        %gather3A_2842 = tpu.vector_load_idx %arg14[%broadcast_in_dim3A_2841, %broadcast_in_dim3A_2814] : memref<4x80xf32, #tpu.memory_space<vmem>>[vector<16xi32>, vector<16xi32>], vector<16xf32>,
        %get3A_2843 = arith.constant 0 : i32
        %get3A_2844 = arith.index_cast %get3A_2843 : i32 to index
        %get3A_2845 = arith.index_cast %scan3A_2813 : i32 to index
        %get3A_2846 = arith.constant 32 : index
        %get3A_2847 = tpu.vector_load %arg13[%get3A_2844, %get3A_2845, %get3A_2846] {strides = array<i32>} : memref<2x80x144xf32, #tpu.memory_space<vmem>>, vector<16xf32>,
        %mul3A_2848 = arith.mulf %get3A_2847, %gather3A_2842 : vector<16xf32>
        %swap3A_2849 = arith.constant 0 : i32
        %swap3A_2850 = arith.index_cast %swap3A_2849 : i32 to index
        %swap3A_2851 = arith.index_cast %scan3A_2813 : i32 to index
        %swap3A_2852 = arith.constant 32 : index
        %swap3A_2853 = tpu.vector_load %arg13[%swap3A_2850, %swap3A_2851, %swap3A_2852] {strides = array<i32>} : memref<2x80x144xf32, #tpu.memory_space<vmem>>, vector<16xf32>,
        tpu.vector_store %arg13[%swap3A_2850, %swap3A_2851, %swap3A_2852], %mul3A_2848 {strides = array<i32>} : memref<2x80x144xf32, #tpu.memory_space<vmem>>, vector<16xf32>,
        %get3A_2854 = arith.constant 0 : i32
        %get3A_2855 = arith.index_cast %get3A_2854 : i32 to index
        %get3A_2856 = arith.index_cast %scan3A_2813 : i32 to index
        %get3A_2857 = arith.constant 48 : index
        %get3A_2858 = tpu.vector_load %arg13[%get3A_2855, %get3A_2856, %get3A_2857] {strides = array<i32>} : memref<2x80x144xf32, #tpu.memory_space<vmem>>, vector<16xf32>,
        %mul3A_2859 = arith.mulf %get3A_2858, %gather3A_2842 : vector<16xf32>
        %swap3A_2860 = arith.constant 0 : i32
        %swap3A_2861 = arith.index_cast %swap3A_2860 : i32 to index
        %swap3A_2862 = arith.index_cast %scan3A_2813 : i32 to index
        %swap3A_2863 = arith.constant 48 : index
        %swap3A_2864 = tpu.vector_load %arg13[%swap3A_2861, %swap3A_2862, %swap3A_2863] {strides = array<i32>} : memref<2x80x144xf32, #tpu.memory_space<vmem>>, vector<16xf32>,
        tpu.vector_store %arg13[%swap3A_2861, %swap3A_2862, %swap3A_2863], %mul3A_2859 {strides = array<i32>} : memref<2x80x144xf32, #tpu.memory_space<vmem>>, vector<16xf32>,
        %broadcast_in_dim3A_2865 = arith.constant 2 : i32
        %broadcast_in_dim3A_2866 = vector.broadcast %broadcast_in_dim3A_2865 : i32 to vector<16xi32>
        %gather3A_2867 = tpu.vector_load_idx %arg14[%broadcast_in_dim3A_2866, %broadcast_in_dim3A_2814] : memref<4x80xf32, #tpu.memory_space<vmem>>[vector<16xi32>, vector<16xi32>], vector<16xf32>,
        %get3A_2868 = arith.constant 0 : i32
        %get3A_2869 = arith.index_cast %get3A_2868 : i32 to index
        %get3A_2870 = arith.index_cast %scan3A_2813 : i32 to index
        %get3A_2871 = arith.constant 64 : index
        %get3A_2872 = tpu.vector_load %arg13[%get3A_2869, %get3A_2870, %get3A_2871] {strides = array<i32>} : memref<2x80x144xf32, #tpu.memory_space<vmem>>, vector<16xf32>,
        %mul3A_2873 = arith.mulf %get3A_2872, %gather3A_2867 : vector<16xf32>
        %swap3A_2874 = arith.constant 0 : i32
        %swap3A_2875 = arith.index_cast %swap3A_2874 : i32 to index
        %swap3A_2876 = arith.index_cast %scan3A_2813 : i32 to index
        %swap3A_2877 = arith.constant 64 : index
        %swap3A_2878 = tpu.vector_load %arg13[%swap3A_2875, %swap3A_2876, %swap3A_2877] {strides = array<i32>} : memref<2x80x144xf32, #tpu.memory_space<vmem>>, vector<16xf32>,
        tpu.vector_store %arg13[%swap3A_2875, %swap3A_2876, %swap3A_2877], %mul3A_2873 {strides = array<i32>} : memref<2x80x144xf32, #tpu.memory_space<vmem>>, vector<16xf32>,
        %get3A_2879 = arith.constant 0 : i32
        %get3A_2880 = arith.index_cast %get3A_2879 : i32 to index
        %get3A_2881 = arith.index_cast %scan3A_2813 : i32 to index
        %get3A_2882 = arith.constant 80 : index
        %get3A_2883 = tpu.vector_load %arg13[%get3A_2880, %get3A_2881, %get3A_2882] {strides = array<i32>} : memref<2x80x144xf32, #tpu.memory_space<vmem>>, vector<16xf32>,
        %mul3A_2884 = arith.mulf %get3A_2883, %gather3A_2867 : vector<16xf32>
        %swap3A_2885 = arith.constant 0 : i32
        %swap3A_2886 = arith.index_cast %swap3A_2885 : i32 to index
        %swap3A_2887 = arith.index_cast %scan3A_2813 : i32 to index
        %swap3A_2888 = arith.constant 80 : index
        %swap3A_2889 = tpu.vector_load %arg13[%swap3A_2886, %swap3A_2887, %swap3A_2888] {strides = array<i32>} : memref<2x80x144xf32, #tpu.memory_space<vmem>>, vector<16xf32>,
        tpu.vector_store %arg13[%swap3A_2886, %swap3A_2887, %swap3A_2888], %mul3A_2884 {strides = array<i32>} : memref<2x80x144xf32, #tpu.memory_space<vmem>>, vector<16xf32>,
        %broadcast_in_dim3A_2890 = arith.constant 3 : i32
        %broadcast_in_dim3A_2891 = vector.broadcast %broadcast_in_dim3A_2890 : i32 to vector<16xi32>
        %gather3A_2892 = tpu.vector_load_idx %arg14[%broadcast_in_dim3A_2891, %broadcast_in_dim3A_2814] : memref<4x80xf32, #tpu.memory_space<vmem>>[vector<16xi32>, vector<16xi32>], vector<16xf32>,
        %get3A_2893 = arith.constant 0 : i32
        %get3A_2894 = arith.index_cast %get3A_2893 : i32 to index
        %get3A_2895 = arith.index_cast %scan3A_2813 : i32 to index
        %get3A_2896 = arith.constant 96 : index
        %get3A_2897 = tpu.vector_load %arg13[%get3A_2894, %get3A_2895, %get3A_2896] {strides = array<i32>} : memref<2x80x144xf32, #tpu.memory_space<vmem>>, vector<16xf32>,
        %mul3A_2898 = arith.mulf %get3A_2897, %gather3A_2892 : vector<16xf32>
        %swap3A_2899 = arith.constant 0 : i32
        %swap3A_2900 = arith.index_cast %swap3A_2899 : i32 to index
        %swap3A_2901 = arith.index_cast %scan3A_2813 : i32 to index
        %swap3A_2902 = arith.constant 96 : index
        %swap3A_2903 = tpu.vector_load %arg13[%swap3A_2900, %swap3A_2901, %swap3A_2902] {strides = array<i32>} : memref<2x80x144xf32, #tpu.memory_space<vmem>>, vector<16xf32>,
        tpu.vector_store %arg13[%swap3A_2900, %swap3A_2901, %swap3A_2902], %mul3A_2898 {strides = array<i32>} : memref<2x80x144xf32, #tpu.memory_space<vmem>>, vector<16xf32>,
        %get3A_2904 = arith.constant 0 : i32
        %get3A_2905 = arith.index_cast %get3A_2904 : i32 to index
        %get3A_2906 = arith.index_cast %scan3A_2813 : i32 to index
        %get3A_2907 = arith.constant 112 : index
        %get3A_2908 = tpu.vector_load %arg13[%get3A_2905, %get3A_2906, %get3A_2907] {strides = array<i32>} : memref<2x80x144xf32, #tpu.memory_space<vmem>>, vector<16xf32>,
        %mul3A_2909 = arith.mulf %get3A_2908, %gather3A_2892 : vector<16xf32>
        %swap3A_2910 = arith.constant 0 : i32
        %swap3A_2911 = arith.index_cast %swap3A_2910 : i32 to index
        %swap3A_2912 = arith.index_cast %scan3A_2813 : i32 to index
        %swap3A_2913 = arith.constant 112 : index
        %swap3A_2914 = tpu.vector_load %arg13[%swap3A_2911, %swap3A_2912, %swap3A_2913] {strides = array<i32>} : memref<2x80x144xf32, #tpu.memory_space<vmem>>, vector<16xf32>,
        tpu.vector_store %arg13[%swap3A_2911, %swap3A_2912, %swap3A_2913], %mul3A_2909 {strides = array<i32>} : memref<2x80x144xf32, #tpu.memory_space<vmem>>, vector<16xf32>,
        %scan3A_2915 = arith.constant 1 : i32
        %scan3A_2916 = arith.addi %scan3A_2813, %scan3A_2915 : i32
        %broadcast_in_dim3A_2917 = vector.broadcast %scan3A_2916 : i32 to vector<16xi32>
        %broadcast_in_dim3A_2918 = arith.constant 0 : i32
        %broadcast_in_dim3A_2919 = vector.broadcast %broadcast_in_dim3A_2918 : i32 to vector<16xi32>
        %gather3A_2920 = tpu.vector_load_idx %arg14[%broadcast_in_dim3A_2919, %broadcast_in_dim3A_2917] : memref<4x80xf32, #tpu.memory_space<vmem>>[vector<16xi32>, vector<16xi32>], vector<16xf32>,
        %get3A_2921 = arith.constant 0 : i32
        %get3A_2922 = arith.index_cast %get3A_2921 : i32 to index
        %get3A_2923 = arith.index_cast %scan3A_2916 : i32 to index
        %get3A_2924 = arith.constant 0 : index
        %get3A_2925 = tpu.vector_load %arg13[%get3A_2922, %get3A_2923, %get3A_2924] {strides = array<i32>} : memref<2x80x144xf32, #tpu.memory_space<vmem>>, vector<16xf32>,
        %mul3A_2926 = arith.mulf %get3A_2925, %gather3A_2920 : vector<16xf32>
        %swap3A_2927 = arith.constant 0 : i32
        %swap3A_2928 = arith.index_cast %swap3A_2927 : i32 to index
        %swap3A_2929 = arith.index_cast %scan3A_2916 : i32 to index
        %swap3A_2930 = arith.constant 0 : index
        %swap3A_2931 = tpu.vector_load %arg13[%swap3A_2928, %swap3A_2929, %swap3A_2930] {strides = array<i32>} : memref<2x80x144xf32, #tpu.memory_space<vmem>>, vector<16xf32>,
        tpu.vector_store %arg13[%swap3A_2928, %swap3A_2929, %swap3A_2930], %mul3A_2926 {strides = array<i32>} : memref<2x80x144xf32, #tpu.memory_space<vmem>>, vector<16xf32>,
        %get3A_2932 = arith.constant 0 : i32
        %get3A_2933 = arith.index_cast %get3A_2932 : i32 to index
        %get3A_2934 = arith.index_cast %scan3A_2916 : i32 to index
        %get3A_2935 = arith.constant 16 : index
        %get3A_2936 = tpu.vector_load %arg13[%get3A_2933, %get3A_2934, %get3A_2935] {strides = array<i32>} : memref<2x80x144xf32, #tpu.memory_space<vmem>>, vector<16xf32>,
        %mul3A_2937 = arith.mulf %get3A_2936, %gather3A_2920 : vector<16xf32>
        %swap3A_2938 = arith.constant 0 : i32
        %swap3A_2939 = arith.index_cast %swap3A_2938 : i32 to index
        %swap3A_2940 = arith.index_cast %scan3A_2916 : i32 to index
        %swap3A_2941 = arith.constant 16 : index
        %swap3A_2942 = tpu.vector_load %arg13[%swap3A_2939, %swap3A_2940, %swap3A_2941] {strides = array<i32>} : memref<2x80x144xf32, #tpu.memory_space<vmem>>, vector<16xf32>,
        tpu.vector_store %arg13[%swap3A_2939, %swap3A_2940, %swap3A_2941], %mul3A_2937 {strides = array<i32>} : memref<2x80x144xf32, #tpu.memory_space<vmem>>, vector<16xf32>,
        %broadcast_in_dim3A_2943 = arith.constant 1 : i32
        %broadcast_in_dim3A_2944 = vector.broadcast %broadcast_in_dim3A_2943 : i32 to vector<16xi32>
        %gather3A_2945 = tpu.vector_load_idx %arg14[%broadcast_in_dim3A_2944, %broadcast_in_dim3A_2917] : memref<4x80xf32, #tpu.memory_space<vmem>>[vector<16xi32>, vector<16xi32>], vector<16xf32>,
        %get3A_2946 = arith.constant 0 : i32
        %get3A_2947 = arith.index_cast %get3A_2946 : i32 to index
        %get3A_2948 = arith.index_cast %scan3A_2916 : i32 to index
        %get3A_2949 = arith.constant 32 : index
        %get3A_2950 = tpu.vector_load %arg13[%get3A_2947, %get3A_2948, %get3A_2949] {strides = array<i32>} : memref<2x80x144xf32, #tpu.memory_space<vmem>>, vector<16xf32>,
        %mul3A_2951 = arith.mulf %get3A_2950, %gather3A_2945 : vector<16xf32>
        %swap3A_2952 = arith.constant 0 : i32
        %swap3A_2953 = arith.index_cast %swap3A_2952 : i32 to index
        %swap3A_2954 = arith.index_cast %scan3A_2916 : i32 to index
        %swap3A_2955 = arith.constant 32 : index
        %swap3A_2956 = tpu.vector_load %arg13[%swap3A_2953, %swap3A_2954, %swap3A_2955] {strides = array<i32>} : memref<2x80x144xf32, #tpu.memory_space<vmem>>, vector<16xf32>,
        tpu.vector_store %arg13[%swap3A_2953, %swap3A_2954, %swap3A_2955], %mul3A_2951 {strides = array<i32>} : memref<2x80x144xf32, #tpu.memory_space<vmem>>, vector<16xf32>,
        %get3A_2957 = arith.constant 0 : i32
        %get3A_2958 = arith.index_cast %get3A_2957 : i32 to index
        %get3A_2959 = arith.index_cast %scan3A_2916 : i32 to index
        %get3A_2960 = arith.constant 48 : index
        %get3A_2961 = tpu.vector_load %arg13[%get3A_2958, %get3A_2959, %get3A_2960] {strides = array<i32>} : memref<2x80x144xf32, #tpu.memory_space<vmem>>, vector<16xf32>,
        %mul3A_2962 = arith.mulf %get3A_2961, %gather3A_2945 : vector<16xf32>
        %swap3A_2963 = arith.constant 0 : i32
        %swap3A_2964 = arith.index_cast %swap3A_2963 : i32 to index
        %swap3A_2965 = arith.index_cast %scan3A_2916 : i32 to index
        %swap3A_2966 = arith.constant 48 : index
        %swap3A_2967 = tpu.vector_load %arg13[%swap3A_2964, %swap3A_2965, %swap3A_2966] {strides = array<i32>} : memref<2x80x144xf32, #tpu.memory_space<vmem>>, vector<16xf32>,
        tpu.vector_store %arg13[%swap3A_2964, %swap3A_2965, %swap3A_2966], %mul3A_2962 {strides = array<i32>} : memref<2x80x144xf32, #tpu.memory_space<vmem>>, vector<16xf32>,
        %broadcast_in_dim3A_2968 = arith.constant 2 : i32
        %broadcast_in_dim3A_2969 = vector.broadcast %broadcast_in_dim3A_2968 : i32 to vector<16xi32>
        %gather3A_2970 = tpu.vector_load_idx %arg14[%broadcast_in_dim3A_2969, %broadcast_in_dim3A_2917] : memref<4x80xf32, #tpu.memory_space<vmem>>[vector<16xi32>, vector<16xi32>], vector<16xf32>,
        %get3A_2971 = arith.constant 0 : i32
        %get3A_2972 = arith.index_cast %get3A_2971 : i32 to index
        %get3A_2973 = arith.index_cast %scan3A_2916 : i32 to index
        %get3A_2974 = arith.constant 64 : index
        %get3A_2975 = tpu.vector_load %arg13[%get3A_2972, %get3A_2973, %get3A_2974] {strides = array<i32>} : memref<2x80x144xf32, #tpu.memory_space<vmem>>, vector<16xf32>,
        %mul3A_2976 = arith.mulf %get3A_2975, %gather3A_2970 : vector<16xf32>
        %swap3A_2977 = arith.constant 0 : i32
        %swap3A_2978 = arith.index_cast %swap3A_2977 : i32 to index
        %swap3A_2979 = arith.index_cast %scan3A_2916 : i32 to index
        %swap3A_2980 = arith.constant 64 : index
        %swap3A_2981 = tpu.vector_load %arg13[%swap3A_2978, %swap3A_2979, %swap3A_2980] {strides = array<i32>} : memref<2x80x144xf32, #tpu.memory_space<vmem>>, vector<16xf32>,
        tpu.vector_store %arg13[%swap3A_2978, %swap3A_2979, %swap3A_2980], %mul3A_2976 {strides = array<i32>} : memref<2x80x144xf32, #tpu.memory_space<vmem>>, vector<16xf32>,
        %get3A_2982 = arith.constant 0 : i32
        %get3A_2983 = arith.index_cast %get3A_2982 : i32 to index
        %get3A_2984 = arith.index_cast %scan3A_2916 : i32 to index
        %get3A_2985 = arith.constant 80 : index
        %get3A_2986 = tpu.vector_load %arg13[%get3A_2983, %get3A_2984, %get3A_2985] {strides = array<i32>} : memref<2x80x144xf32, #tpu.memory_space<vmem>>, vector<16xf32>,
        %mul3A_2987 = arith.mulf %get3A_2986, %gather3A_2970 : vector<16xf32>
        %swap3A_2988 = arith.constant 0 : i32
        %swap3A_2989 = arith.index_cast %swap3A_2988 : i32 to index
        %swap3A_2990 = arith.index_cast %scan3A_2916 : i32 to index
        %swap3A_2991 = arith.constant 80 : index
        %swap3A_2992 = tpu.vector_load %arg13[%swap3A_2989, %swap3A_2990, %swap3A_2991] {strides = array<i32>} : memref<2x80x144xf32, #tpu.memory_space<vmem>>, vector<16xf32>,
        tpu.vector_store %arg13[%swap3A_2989, %swap3A_2990, %swap3A_2991], %mul3A_2987 {strides = array<i32>} : memref<2x80x144xf32, #tpu.memory_space<vmem>>, vector<16xf32>,
        %broadcast_in_dim3A_2993 = arith.constant 3 : i32
        %broadcast_in_dim3A_2994 = vector.broadcast %broadcast_in_dim3A_2993 : i32 to vector<16xi32>
        %gather3A_2995 = tpu.vector_load_idx %arg14[%broadcast_in_dim3A_2994, %broadcast_in_dim3A_2917] : memref<4x80xf32, #tpu.memory_space<vmem>>[vector<16xi32>, vector<16xi32>], vector<16xf32>,
        %get3A_2996 = arith.constant 0 : i32
        %get3A_2997 = arith.index_cast %get3A_2996 : i32 to index
        %get3A_2998 = arith.index_cast %scan3A_2916 : i32 to index
        %get3A_2999 = arith.constant 96 : index
        %get3A_3000 = tpu.vector_load %arg13[%get3A_2997, %get3A_2998, %get3A_2999] {strides = array<i32>} : memref<2x80x144xf32, #tpu.memory_space<vmem>>, vector<16xf32>,
        %mul3A_3001 = arith.mulf %get3A_3000, %gather3A_2995 : vector<16xf32>
        %swap3A_3002 = arith.constant 0 : i32
        %swap3A_3003 = arith.index_cast %swap3A_3002 : i32 to index
        %swap3A_3004 = arith.index_cast %scan3A_2916 : i32 to index
        %swap3A_3005 = arith.constant 96 : index
        %swap3A_3006 = tpu.vector_load %arg13[%swap3A_3003, %swap3A_3004, %swap3A_3005] {strides = array<i32>} : memref<2x80x144xf32, #tpu.memory_space<vmem>>, vector<16xf32>,
        tpu.vector_store %arg13[%swap3A_3003, %swap3A_3004, %swap3A_3005], %mul3A_3001 {strides = array<i32>} : memref<2x80x144xf32, #tpu.memory_space<vmem>>, vector<16xf32>,
        %get3A_3007 = arith.constant 0 : i32
        %get3A_3008 = arith.index_cast %get3A_3007 : i32 to index
        %get3A_3009 = arith.index_cast %scan3A_2916 : i32 to index
        %get3A_3010 = arith.constant 112 : index
        %get3A_3011 = tpu.vector_load %arg13[%get3A_3008, %get3A_3009, %get3A_3010] {strides = array<i32>} : memref<2x80x144xf32, #tpu.memory_space<vmem>>, vector<16xf32>,
        %mul3A_3012 = arith.mulf %get3A_3011, %gather3A_2995 : vector<16xf32>
        %swap3A_3013 = arith.constant 0 : i32
        %swap3A_3014 = arith.index_cast %swap3A_3013 : i32 to index
        %swap3A_3015 = arith.index_cast %scan3A_2916 : i32 to index
        %swap3A_3016 = arith.constant 112 : index
        %swap3A_3017 = tpu.vector_load %arg13[%swap3A_3014, %swap3A_3015, %swap3A_3016] {strides = array<i32>} : memref<2x80x144xf32, #tpu.memory_space<vmem>>, vector<16xf32>,
        tpu.vector_store %arg13[%swap3A_3014, %swap3A_3015, %swap3A_3016], %mul3A_3012 {strides = array<i32>} : memref<2x80x144xf32, #tpu.memory_space<vmem>>, vector<16xf32>,
        %scan3A_3018 = arith.constant 2 : i32
        %scan3A_3019 = arith.addi %scan3A_2813, %scan3A_3018 : i32
        %broadcast_in_dim3A_3020 = vector.broadcast %scan3A_3019 : i32 to vector<16xi32>
        %broadcast_in_dim3A_3021 = arith.constant 0 : i32
        %broadcast_in_dim3A_3022 = vector.broadcast %broadcast_in_dim3A_3021 : i32 to vector<16xi32>
        %gather3A_3023 = tpu.vector_load_idx %arg14[%broadcast_in_dim3A_3022, %broadcast_in_dim3A_3020] : memref<4x80xf32, #tpu.memory_space<vmem>>[vector<16xi32>, vector<16xi32>], vector<16xf32>,
        %get3A_3024 = arith.constant 0 : i32
        %get3A_3025 = arith.index_cast %get3A_3024 : i32 to index
        %get3A_3026 = arith.index_cast %scan3A_3019 : i32 to index
        %get3A_3027 = arith.constant 0 : index
        %get3A_3028 = tpu.vector_load %arg13[%get3A_3025, %get3A_3026, %get3A_3027] {strides = array<i32>} : memref<2x80x144xf32, #tpu.memory_space<vmem>>, vector<16xf32>,
        %mul3A_3029 = arith.mulf %get3A_3028, %gather3A_3023 : vector<16xf32>
        %swap3A_3030 = arith.constant 0 : i32
        %swap3A_3031 = arith.index_cast %swap3A_3030 : i32 to index
        %swap3A_3032 = arith.index_cast %scan3A_3019 : i32 to index
        %swap3A_3033 = arith.constant 0 : index
        %swap3A_3034 = tpu.vector_load %arg13[%swap3A_3031, %swap3A_3032, %swap3A_3033] {strides = array<i32>} : memref<2x80x144xf32, #tpu.memory_space<vmem>>, vector<16xf32>,
        tpu.vector_store %arg13[%swap3A_3031, %swap3A_3032, %swap3A_3033], %mul3A_3029 {strides = array<i32>} : memref<2x80x144xf32, #tpu.memory_space<vmem>>, vector<16xf32>,
        %get3A_3035 = arith.constant 0 : i32
        %get3A_3036 = arith.index_cast %get3A_3035 : i32 to index
        %get3A_3037 = arith.index_cast %scan3A_3019 : i32 to index
        %get3A_3038 = arith.constant 16 : index
        %get3A_3039 = tpu.vector_load %arg13[%get3A_3036, %get3A_3037, %get3A_3038] {strides = array<i32>} : memref<2x80x144xf32, #tpu.memory_space<vmem>>, vector<16xf32>,
        %mul3A_3040 = arith.mulf %get3A_3039, %gather3A_3023 : vector<16xf32>
        %swap3A_3041 = arith.constant 0 : i32
        %swap3A_3042 = arith.index_cast %swap3A_3041 : i32 to index
        %swap3A_3043 = arith.index_cast %scan3A_3019 : i32 to index
        %swap3A_3044 = arith.constant 16 : index
        %swap3A_3045 = tpu.vector_load %arg13[%swap3A_3042, %swap3A_3043, %swap3A_3044] {strides = array<i32>} : memref<2x80x144xf32, #tpu.memory_space<vmem>>, vector<16xf32>,
        tpu.vector_store %arg13[%swap3A_3042, %swap3A_3043, %swap3A_3044], %mul3A_3040 {strides = array<i32>} : memref<2x80x144xf32, #tpu.memory_space<vmem>>, vector<16xf32>,
        %broadcast_in_dim3A_3046 = arith.constant 1 : i32
        %broadcast_in_dim3A_3047 = vector.broadcast %broadcast_in_dim3A_3046 : i32 to vector<16xi32>
        %gather3A_3048 = tpu.vector_load_idx %arg14[%broadcast_in_dim3A_3047, %broadcast_in_dim3A_3020] : memref<4x80xf32, #tpu.memory_space<vmem>>[vector<16xi32>, vector<16xi32>], vector<16xf32>,
        %get3A_3049 = arith.constant 0 : i32
        %get3A_3050 = arith.index_cast %get3A_3049 : i32 to index
        %get3A_3051 = arith.index_cast %scan3A_3019 : i32 to index
        %get3A_3052 = arith.constant 32 : index
        %get3A_3053 = tpu.vector_load %arg13[%get3A_3050, %get3A_3051, %get3A_3052] {strides = array<i32>} : memref<2x80x144xf32, #tpu.memory_space<vmem>>, vector<16xf32>,
        %mul3A_3054 = arith.mulf %get3A_3053, %gather3A_3048 : vector<16xf32>
        %swap3A_3055 = arith.constant 0 : i32
        %swap3A_3056 = arith.index_cast %swap3A_3055 : i32 to index
        %swap3A_3057 = arith.index_cast %scan3A_3019 : i32 to index
        %swap3A_3058 = arith.constant 32 : index
        %swap3A_3059 = tpu.vector_load %arg13[%swap3A_3056, %swap3A_3057, %swap3A_3058] {strides = array<i32>} : memref<2x80x144xf32, #tpu.memory_space<vmem>>, vector<16xf32>,
        tpu.vector_store %arg13[%swap3A_3056, %swap3A_3057, %swap3A_3058], %mul3A_3054 {strides = array<i32>} : memref<2x80x144xf32, #tpu.memory_space<vmem>>, vector<16xf32>,
        %get3A_3060 = arith.constant 0 : i32
        %get3A_3061 = arith.index_cast %get3A_3060 : i32 to index
        %get3A_3062 = arith.index_cast %scan3A_3019 : i32 to index
        %get3A_3063 = arith.constant 48 : index
        %get3A_3064 = tpu.vector_load %arg13[%get3A_3061, %get3A_3062, %get3A_3063] {strides = array<i32>} : memref<2x80x144xf32, #tpu.memory_space<vmem>>, vector<16xf32>,
        %mul3A_3065 = arith.mulf %get3A_3064, %gather3A_3048 : vector<16xf32>
        %swap3A_3066 = arith.constant 0 : i32
        %swap3A_3067 = arith.index_cast %swap3A_3066 : i32 to index
        %swap3A_3068 = arith.index_cast %scan3A_3019 : i32 to index
        %swap3A_3069 = arith.constant 48 : index
        %swap3A_3070 = tpu.vector_load %arg13[%swap3A_3067, %swap3A_3068, %swap3A_3069] {strides = array<i32>} : memref<2x80x144xf32, #tpu.memory_space<vmem>>, vector<16xf32>,
        tpu.vector_store %arg13[%swap3A_3067, %swap3A_3068, %swap3A_3069], %mul3A_3065 {strides = array<i32>} : memref<2x80x144xf32, #tpu.memory_space<vmem>>, vector<16xf32>,
        %broadcast_in_dim3A_3071 = arith.constant 2 : i32
        %broadcast_in_dim3A_3072 = vector.broadcast %broadcast_in_dim3A_3071 : i32 to vector<16xi32>
        %gather3A_3073 = tpu.vector_load_idx %arg14[%broadcast_in_dim3A_3072, %broadcast_in_dim3A_3020] : memref<4x80xf32, #tpu.memory_space<vmem>>[vector<16xi32>, vector<16xi32>], vector<16xf32>,
        %get3A_3074 = arith.constant 0 : i32
        %get3A_3075 = arith.index_cast %get3A_3074 : i32 to index
        %get3A_3076 = arith.index_cast %scan3A_3019 : i32 to index
        %get3A_3077 = arith.constant 64 : index
        %get3A_3078 = tpu.vector_load %arg13[%get3A_3075, %get3A_3076, %get3A_3077] {strides = array<i32>} : memref<2x80x144xf32, #tpu.memory_space<vmem>>, vector<16xf32>,
        %mul3A_3079 = arith.mulf %get3A_3078, %gather3A_3073 : vector<16xf32>
        %swap3A_3080 = arith.constant 0 : i32
        %swap3A_3081 = arith.index_cast %swap3A_3080 : i32 to index
        %swap3A_3082 = arith.index_cast %scan3A_3019 : i32 to index
        %swap3A_3083 = arith.constant 64 : index
        %swap3A_3084 = tpu.vector_load %arg13[%swap3A_3081, %swap3A_3082, %swap3A_3083] {strides = array<i32>} : memref<2x80x144xf32, #tpu.memory_space<vmem>>, vector<16xf32>,
        tpu.vector_store %arg13[%swap3A_3081, %swap3A_3082, %swap3A_3083], %mul3A_3079 {strides = array<i32>} : memref<2x80x144xf32, #tpu.memory_space<vmem>>, vector<16xf32>,
        %get3A_3085 = arith.constant 0 : i32
        %get3A_3086 = arith.index_cast %get3A_3085 : i32 to index
        %get3A_3087 = arith.index_cast %scan3A_3019 : i32 to index
        %get3A_3088 = arith.constant 80 : index
        %get3A_3089 = tpu.vector_load %arg13[%get3A_3086, %get3A_3087, %get3A_3088] {strides = array<i32>} : memref<2x80x144xf32, #tpu.memory_space<vmem>>, vector<16xf32>,
        %mul3A_3090 = arith.mulf %get3A_3089, %gather3A_3073 : vector<16xf32>
        %swap3A_3091 = arith.constant 0 : i32
        %swap3A_3092 = arith.index_cast %swap3A_3091 : i32 to index
        %swap3A_3093 = arith.index_cast %scan3A_3019 : i32 to index
        %swap3A_3094 = arith.constant 80 : index
        %swap3A_3095 = tpu.vector_load %arg13[%swap3A_3092, %swap3A_3093, %swap3A_3094] {strides = array<i32>} : memref<2x80x144xf32, #tpu.memory_space<vmem>>, vector<16xf32>,
        tpu.vector_store %arg13[%swap3A_3092, %swap3A_3093, %swap3A_3094], %mul3A_3090 {strides = array<i32>} : memref<2x80x144xf32, #tpu.memory_space<vmem>>, vector<16xf32>,
        %broadcast_in_dim3A_3096 = arith.constant 3 : i32
        %broadcast_in_dim3A_3097 = vector.broadcast %broadcast_in_dim3A_3096 : i32 to vector<16xi32>
        %gather3A_3098 = tpu.vector_load_idx %arg14[%broadcast_in_dim3A_3097, %broadcast_in_dim3A_3020] : memref<4x80xf32, #tpu.memory_space<vmem>>[vector<16xi32>, vector<16xi32>], vector<16xf32>,
        %get3A_3099 = arith.constant 0 : i32
        %get3A_3100 = arith.index_cast %get3A_3099 : i32 to index
        %get3A_3101 = arith.index_cast %scan3A_3019 : i32 to index
        %get3A_3102 = arith.constant 96 : index
        %get3A_3103 = tpu.vector_load %arg13[%get3A_3100, %get3A_3101, %get3A_3102] {strides = array<i32>} : memref<2x80x144xf32, #tpu.memory_space<vmem>>, vector<16xf32>,
        %mul3A_3104 = arith.mulf %get3A_3103, %gather3A_3098 : vector<16xf32>
        %swap3A_3105 = arith.constant 0 : i32
        %swap3A_3106 = arith.index_cast %swap3A_3105 : i32 to index
        %swap3A_3107 = arith.index_cast %scan3A_3019 : i32 to index
        %swap3A_3108 = arith.constant 96 : index
        %swap3A_3109 = tpu.vector_load %arg13[%swap3A_3106, %swap3A_3107, %swap3A_3108] {strides = array<i32>} : memref<2x80x144xf32, #tpu.memory_space<vmem>>, vector<16xf32>,
        tpu.vector_store %arg13[%swap3A_3106, %swap3A_3107, %swap3A_3108], %mul3A_3104 {strides = array<i32>} : memref<2x80x144xf32, #tpu.memory_space<vmem>>, vector<16xf32>,
        %get3A_3110 = arith.constant 0 : i32
        %get3A_3111 = arith.index_cast %get3A_3110 : i32 to index
        %get3A_3112 = arith.index_cast %scan3A_3019 : i32 to index
        %get3A_3113 = arith.constant 112 : index
        %get3A_3114 = tpu.vector_load %arg13[%get3A_3111, %get3A_3112, %get3A_3113] {strides = array<i32>} : memref<2x80x144xf32, #tpu.memory_space<vmem>>, vector<16xf32>,
        %mul3A_3115 = arith.mulf %get3A_3114, %gather3A_3098 : vector<16xf32>
        %swap3A_3116 = arith.constant 0 : i32
        %swap3A_3117 = arith.index_cast %swap3A_3116 : i32 to index
        %swap3A_3118 = arith.index_cast %scan3A_3019 : i32 to index
        %swap3A_3119 = arith.constant 112 : index
        %swap3A_3120 = tpu.vector_load %arg13[%swap3A_3117, %swap3A_3118, %swap3A_3119] {strides = array<i32>} : memref<2x80x144xf32, #tpu.memory_space<vmem>>, vector<16xf32>,
        tpu.vector_store %arg13[%swap3A_3117, %swap3A_3118, %swap3A_3119], %mul3A_3115 {strides = array<i32>} : memref<2x80x144xf32, #tpu.memory_space<vmem>>, vector<16xf32>,
        %scan3A_3121 = arith.constant 3 : i32
        %scan3A_3122 = arith.addi %scan3A_2813, %scan3A_3121 : i32
        %broadcast_in_dim3A_3123 = vector.broadcast %scan3A_3122 : i32 to vector<16xi32>
        %broadcast_in_dim3A_3124 = arith.constant 0 : i32
        %broadcast_in_dim3A_3125 = vector.broadcast %broadcast_in_dim3A_3124 : i32 to vector<16xi32>
        %gather3A_3126 = tpu.vector_load_idx %arg14[%broadcast_in_dim3A_3125, %broadcast_in_dim3A_3123] : memref<4x80xf32, #tpu.memory_space<vmem>>[vector<16xi32>, vector<16xi32>], vector<16xf32>,
        %get3A_3127 = arith.constant 0 : i32
        %get3A_3128 = arith.index_cast %get3A_3127 : i32 to index
        %get3A_3129 = arith.index_cast %scan3A_3122 : i32 to index
        %get3A_3130 = arith.constant 0 : index
        %get3A_3131 = tpu.vector_load %arg13[%get3A_3128, %get3A_3129, %get3A_3130] {strides = array<i32>} : memref<2x80x144xf32, #tpu.memory_space<vmem>>, vector<16xf32>,
        %mul3A_3132 = arith.mulf %get3A_3131, %gather3A_3126 : vector<16xf32>
        %swap3A_3133 = arith.constant 0 : i32
        %swap3A_3134 = arith.index_cast %swap3A_3133 : i32 to index
        %swap3A_3135 = arith.index_cast %scan3A_3122 : i32 to index
        %swap3A_3136 = arith.constant 0 : index
        %swap3A_3137 = tpu.vector_load %arg13[%swap3A_3134, %swap3A_3135, %swap3A_3136] {strides = array<i32>} : memref<2x80x144xf32, #tpu.memory_space<vmem>>, vector<16xf32>,
        tpu.vector_store %arg13[%swap3A_3134, %swap3A_3135, %swap3A_3136], %mul3A_3132 {strides = array<i32>} : memref<2x80x144xf32, #tpu.memory_space<vmem>>, vector<16xf32>,
        %get3A_3138 = arith.constant 0 : i32
        %get3A_3139 = arith.index_cast %get3A_3138 : i32 to index
        %get3A_3140 = arith.index_cast %scan3A_3122 : i32 to index
        %get3A_3141 = arith.constant 16 : index
        %get3A_3142 = tpu.vector_load %arg13[%get3A_3139, %get3A_3140, %get3A_3141] {strides = array<i32>} : memref<2x80x144xf32, #tpu.memory_space<vmem>>, vector<16xf32>,
        %mul3A_3143 = arith.mulf %get3A_3142, %gather3A_3126 : vector<16xf32>
        %swap3A_3144 = arith.constant 0 : i32
        %swap3A_3145 = arith.index_cast %swap3A_3144 : i32 to index
        %swap3A_3146 = arith.index_cast %scan3A_3122 : i32 to index
        %swap3A_3147 = arith.constant 16 : index
        %swap3A_3148 = tpu.vector_load %arg13[%swap3A_3145, %swap3A_3146, %swap3A_3147] {strides = array<i32>} : memref<2x80x144xf32, #tpu.memory_space<vmem>>, vector<16xf32>,
        tpu.vector_store %arg13[%swap3A_3145, %swap3A_3146, %swap3A_3147], %mul3A_3143 {strides = array<i32>} : memref<2x80x144xf32, #tpu.memory_space<vmem>>, vector<16xf32>,
        %broadcast_in_dim3A_3149 = arith.constant 1 : i32
        %broadcast_in_dim3A_3150 = vector.broadcast %broadcast_in_dim3A_3149 : i32 to vector<16xi32>
        %gather3A_3151 = tpu.vector_load_idx %arg14[%broadcast_in_dim3A_3150, %broadcast_in_dim3A_3123] : memref<4x80xf32, #tpu.memory_space<vmem>>[vector<16xi32>, vector<16xi32>], vector<16xf32>,
        %get3A_3152 = arith.constant 0 : i32
        %get3A_3153 = arith.index_cast %get3A_3152 : i32 to index
        %get3A_3154 = arith.index_cast %scan3A_3122 : i32 to index
        %get3A_3155 = arith.constant 32 : index
        %get3A_3156 = tpu.vector_load %arg13[%get3A_3153, %get3A_3154, %get3A_3155] {strides = array<i32>} : memref<2x80x144xf32, #tpu.memory_space<vmem>>, vector<16xf32>,
        %mul3A_3157 = arith.mulf %get3A_3156, %gather3A_3151 : vector<16xf32>
        %swap3A_3158 = arith.constant 0 : i32
        %swap3A_3159 = arith.index_cast %swap3A_3158 : i32 to index
        %swap3A_3160 = arith.index_cast %scan3A_3122 : i32 to index
        %swap3A_3161 = arith.constant 32 : index
        %swap3A_3162 = tpu.vector_load %arg13[%swap3A_3159, %swap3A_3160, %swap3A_3161] {strides = array<i32>} : memref<2x80x144xf32, #tpu.memory_space<vmem>>, vector<16xf32>,
        tpu.vector_store %arg13[%swap3A_3159, %swap3A_3160, %swap3A_3161], %mul3A_3157 {strides = array<i32>} : memref<2x80x144xf32, #tpu.memory_space<vmem>>, vector<16xf32>,
        %get3A_3163 = arith.constant 0 : i32
        %get3A_3164 = arith.index_cast %get3A_3163 : i32 to index
        %get3A_3165 = arith.index_cast %scan3A_3122 : i32 to index
        %get3A_3166 = arith.constant 48 : index
        %get3A_3167 = tpu.vector_load %arg13[%get3A_3164, %get3A_3165, %get3A_3166] {strides = array<i32>} : memref<2x80x144xf32, #tpu.memory_space<vmem>>, vector<16xf32>,
        %mul3A_3168 = arith.mulf %get3A_3167, %gather3A_3151 : vector<16xf32>
        %swap3A_3169 = arith.constant 0 : i32
        %swap3A_3170 = arith.index_cast %swap3A_3169 : i32 to index
        %swap3A_3171 = arith.index_cast %scan3A_3122 : i32 to index
        %swap3A_3172 = arith.constant 48 : index
        %swap3A_3173 = tpu.vector_load %arg13[%swap3A_3170, %swap3A_3171, %swap3A_3172] {strides = array<i32>} : memref<2x80x144xf32, #tpu.memory_space<vmem>>, vector<16xf32>,
        tpu.vector_store %arg13[%swap3A_3170, %swap3A_3171, %swap3A_3172], %mul3A_3168 {strides = array<i32>} : memref<2x80x144xf32, #tpu.memory_space<vmem>>, vector<16xf32>,
        %broadcast_in_dim3A_3174 = arith.constant 2 : i32
        %broadcast_in_dim3A_3175 = vector.broadcast %broadcast_in_dim3A_3174 : i32 to vector<16xi32>
        %gather3A_3176 = tpu.vector_load_idx %arg14[%broadcast_in_dim3A_3175, %broadcast_in_dim3A_3123] : memref<4x80xf32, #tpu.memory_space<vmem>>[vector<16xi32>, vector<16xi32>], vector<16xf32>,
        %get3A_3177 = arith.constant 0 : i32
        %get3A_3178 = arith.index_cast %get3A_3177 : i32 to index
        %get3A_3179 = arith.index_cast %scan3A_3122 : i32 to index
        %get3A_3180 = arith.constant 64 : index
        %get3A_3181 = tpu.vector_load %arg13[%get3A_3178, %get3A_3179, %get3A_3180] {strides = array<i32>} : memref<2x80x144xf32, #tpu.memory_space<vmem>>, vector<16xf32>,
        %mul3A_3182 = arith.mulf %get3A_3181, %gather3A_3176 : vector<16xf32>
        %swap3A_3183 = arith.constant 0 : i32
        %swap3A_3184 = arith.index_cast %swap3A_3183 : i32 to index
        %swap3A_3185 = arith.index_cast %scan3A_3122 : i32 to index
        %swap3A_3186 = arith.constant 64 : index
        %swap3A_3187 = tpu.vector_load %arg13[%swap3A_3184, %swap3A_3185, %swap3A_3186] {strides = array<i32>} : memref<2x80x144xf32, #tpu.memory_space<vmem>>, vector<16xf32>,
        tpu.vector_store %arg13[%swap3A_3184, %swap3A_3185, %swap3A_3186], %mul3A_3182 {strides = array<i32>} : memref<2x80x144xf32, #tpu.memory_space<vmem>>, vector<16xf32>,
        %get3A_3188 = arith.constant 0 : i32
        %get3A_3189 = arith.index_cast %get3A_3188 : i32 to index
        %get3A_3190 = arith.index_cast %scan3A_3122 : i32 to index
        %get3A_3191 = arith.constant 80 : index
        %get3A_3192 = tpu.vector_load %arg13[%get3A_3189, %get3A_3190, %get3A_3191] {strides = array<i32>} : memref<2x80x144xf32, #tpu.memory_space<vmem>>, vector<16xf32>,
        %mul3A_3193 = arith.mulf %get3A_3192, %gather3A_3176 : vector<16xf32>
        %swap3A_3194 = arith.constant 0 : i32
        %swap3A_3195 = arith.index_cast %swap3A_3194 : i32 to index
        %swap3A_3196 = arith.index_cast %scan3A_3122 : i32 to index
        %swap3A_3197 = arith.constant 80 : index
        %swap3A_3198 = tpu.vector_load %arg13[%swap3A_3195, %swap3A_3196, %swap3A_3197] {strides = array<i32>} : memref<2x80x144xf32, #tpu.memory_space<vmem>>, vector<16xf32>,
        tpu.vector_store %arg13[%swap3A_3195, %swap3A_3196, %swap3A_3197], %mul3A_3193 {strides = array<i32>} : memref<2x80x144xf32, #tpu.memory_space<vmem>>, vector<16xf32>,
        %broadcast_in_dim3A_3199 = arith.constant 3 : i32
        %broadcast_in_dim3A_3200 = vector.broadcast %broadcast_in_dim3A_3199 : i32 to vector<16xi32>
        %gather3A_3201 = tpu.vector_load_idx %arg14[%broadcast_in_dim3A_3200, %broadcast_in_dim3A_3123] : memref<4x80xf32, #tpu.memory_space<vmem>>[vector<16xi32>, vector<16xi32>], vector<16xf32>,
        %get3A_3202 = arith.constant 0 : i32
        %get3A_3203 = arith.index_cast %get3A_3202 : i32 to index
        %get3A_3204 = arith.index_cast %scan3A_3122 : i32 to index
        %get3A_3205 = arith.constant 96 : index
        %get3A_3206 = tpu.vector_load %arg13[%get3A_3203, %get3A_3204, %get3A_3205] {strides = array<i32>} : memref<2x80x144xf32, #tpu.memory_space<vmem>>, vector<16xf32>,
        %mul3A_3207 = arith.mulf %get3A_3206, %gather3A_3201 : vector<16xf32>
        %swap3A_3208 = arith.constant 0 : i32
        %swap3A_3209 = arith.index_cast %swap3A_3208 : i32 to index
        %swap3A_3210 = arith.index_cast %scan3A_3122 : i32 to index
        %swap3A_3211 = arith.constant 96 : index
        %swap3A_3212 = tpu.vector_load %arg13[%swap3A_3209, %swap3A_3210, %swap3A_3211] {strides = array<i32>} : memref<2x80x144xf32, #tpu.memory_space<vmem>>, vector<16xf32>,
        tpu.vector_store %arg13[%swap3A_3209, %swap3A_3210, %swap3A_3211], %mul3A_3207 {strides = array<i32>} : memref<2x80x144xf32, #tpu.memory_space<vmem>>, vector<16xf32>,
        %get3A_3213 = arith.constant 0 : i32
        %get3A_3214 = arith.index_cast %get3A_3213 : i32 to index
        %get3A_3215 = arith.index_cast %scan3A_3122 : i32 to index
        %get3A_3216 = arith.constant 112 : index
        %get3A_3217 = tpu.vector_load %arg13[%get3A_3214, %get3A_3215, %get3A_3216] {strides = array<i32>} : memref<2x80x144xf32, #tpu.memory_space<vmem>>, vector<16xf32>,
        %mul3A_3218 = arith.mulf %get3A_3217, %gather3A_3201 : vector<16xf32>
        %swap3A_3219 = arith.constant 0 : i32
        %swap3A_3220 = arith.index_cast %swap3A_3219 : i32 to index
        %swap3A_3221 = arith.index_cast %scan3A_3122 : i32 to index
        %swap3A_3222 = arith.constant 112 : index
        %swap3A_3223 = tpu.vector_load %arg13[%swap3A_3220, %swap3A_3221, %swap3A_3222] {strides = array<i32>} : memref<2x80x144xf32, #tpu.memory_space<vmem>>, vector<16xf32>,
        tpu.vector_store %arg13[%swap3A_3220, %swap3A_3221, %swap3A_3222], %mul3A_3218 {strides = array<i32>} : memref<2x80x144xf32, #tpu.memory_space<vmem>>, vector<16xf32>,
      }
      %scan3A_1444 = arith.constant 80 : i32
      %dma_start3A_1445 = arith.constant 0 : i32
      %dma_start3A_1446 = arith.constant 0 : i32
      %dma_start3A_1447 = arith.constant 0 : i32
      %dma_start3A_1448 = arith.constant 0 : i32
      %dma_start3A_1449 = tpu.memref_slice %arg13[%dma_start3A_1445, %dma_start3A_1447, %dma_start3A_1448] : memref<2x80x144xf32, #tpu.memory_space<vmem>> -> memref<1x80x144xf32, #tpu.memory_space<vmem>>
      %dma_start3A_1450 = tpu.memref_squeeze %dma_start3A_1449 : memref<1x80x144xf32, #tpu.memory_space<vmem>> -> memref<80x144xf32, #tpu.memory_space<vmem>>
      %dma_start3A_1451 = arith.constant 0 : i32
      %dma_start3A_1452 = tpu.memref_slice %arg10[%dma_start3A_1446, %dma_start3A_1451] : memref<2x80xi32, #tpu.memory_space<vmem>> -> memref<1x80xi32, #tpu.memory_space<vmem>>
      %dma_start3A_1453 = tpu.memref_squeeze %dma_start3A_1452 : memref<1x80xi32, #tpu.memory_space<vmem>> -> memref<80xi32, #tpu.memory_space<vmem>>
      %dma_start3A_1454 = arith.constant 0 : i32
      %dma_start3A_1455 = arith.constant 0 : i32
      %dma_start3A_1456 = tpu.memref_slice %arg8[%dma_start3A_1454, %dma_start3A_1455] : memref<10240x144xf32, #tpu.memory_space<vmem_shared>> -> memref<10240x144xf32, #tpu.memory_space<vmem_shared>>
      tpu.enqueue_indirect_dma source(%dma_start3A_1450 : memref<80x144xf32, #tpu.memory_space<vmem>>) target(%dma_start3A_1456 : memref<10240x144xf32, #tpu.memory_space<vmem_shared>>) offsets(%dma_start3A_1453 : memref<80xi32, #tpu.memory_space<vmem>>) semaphore(%arg17 : memref<!tpu.dma_semaphore, #tpu.memory_space<semaphore_mem>>) {add = true}
      %mul3A_1457 = arith.constant 2 : i32
      %mul3A_1458 = arith.muli %mul3A_1457, %scan3A_109 : i32
      %add3A_1459 = arith.constant 1 : i32
      %add3A_1460 = arith.addi %mul3A_1458, %add3A_1459 : i32
      %ge3A_1461 = arith.constant 1 : i32
      %ge3A_1462 = arith.cmpi sge, %add3A_1460, %ge3A_1461 : i32
      %convert_element_type3A_1463 = arith.extui %ge3A_1462 : i1 to i32
      %cond3A_1464 = arith.constant 0 : i32
      %cond3A_1465 = arith.cmpi ne, %convert_element_type3A_1463, %cond3A_1464 : i32
      scf.if %cond3A_1465 {
        %dma_wait3A_2813 = arith.constant 0 : i32
        %dma_wait3A_2814 = arith.constant 0 : i32
        %dma_wait3A_2815 = arith.constant 0 : i32
        %dma_wait3A_2816 = arith.constant 0 : i32
        %dma_wait3A_2817 = tpu.memref_slice %arg13[%dma_wait3A_2813, %dma_wait3A_2815, %dma_wait3A_2816] : memref<2x80x144xf32, #tpu.memory_space<vmem>> -> memref<1x80x144xf32, #tpu.memory_space<vmem>>
        %dma_wait3A_2818 = tpu.memref_squeeze %dma_wait3A_2817 : memref<1x80x144xf32, #tpu.memory_space<vmem>> -> memref<80x144xf32, #tpu.memory_space<vmem>>
        %dma_wait3A_2819 = arith.constant 0 : i32
        %dma_wait3A_2820 = tpu.memref_slice %arg10[%dma_wait3A_2814, %dma_wait3A_2819] : memref<2x80xi32, #tpu.memory_space<vmem>> -> memref<1x80xi32, #tpu.memory_space<vmem>>
        %dma_wait3A_2821 = tpu.memref_squeeze %dma_wait3A_2820 : memref<1x80xi32, #tpu.memory_space<vmem>> -> memref<80xi32, #tpu.memory_space<vmem>>
        %dma_wait3A_2822 = arith.constant 0 : i32
        %dma_wait3A_2823 = arith.constant 0 : i32
        %dma_wait3A_2824 = tpu.memref_slice %arg8[%dma_wait3A_2822, %dma_wait3A_2823] : memref<10240x144xf32, #tpu.memory_space<vmem_shared>> -> memref<10240x144xf32, #tpu.memory_space<vmem_shared>>
        tpu.wait_indirect_dma semaphore(%arg17 : memref<!tpu.dma_semaphore, #tpu.memory_space<semaphore_mem>>) src(%dma_wait3A_2818 : memref<80x144xf32, #tpu.memory_space<vmem>>) dst(%dma_wait3A_2824 : memref<10240x144xf32, #tpu.memory_space<vmem_shared>>)
      } else {
      }
      %add3A_1466 = arith.constant 1 : i32
      %add3A_1467 = arith.addi %add3A_1460, %add3A_1466 : i32
      %lt3A_1468 = arith.constant 128 : i32
      %lt3A_1469 = arith.cmpi slt, %add3A_1467, %lt3A_1468 : i32
      %convert_element_type3A_1470 = arith.extui %lt3A_1469 : i1 to i32
      %cond3A_1471 = arith.constant 0 : i32
      %cond3A_1472 = arith.cmpi ne, %convert_element_type3A_1470, %cond3A_1471 : i32
      scf.if %cond3A_1472 {
        %add3A_2813 = arith.constant 1 : i32
        %add3A_2814 = arith.addi %add3A_1460, %add3A_2813 : i32
        %get3A_2815 = arith.index_cast %add3A_2814 : i32 to index
        %get3A_2816 = arith.constant 0 : index
        %get3A_2817 = tpu.vector_load %arg9[%get3A_2815, %get3A_2816] {strides = array<i32>} : memref<128x80xi32, #tpu.memory_space<vmem>>, vector<16xi32>,
        %and3A_2818 = arith.andi %get3A_2817, %broadcast_in_dim3A_1 : vector<16xi32>
        %swap3A_2819 = arith.constant 0 : i32
        %swap3A_2820 = arith.index_cast %swap3A_2819 : i32 to index
        %swap3A_2821 = arith.constant 0 : index
        %swap3A_2822 = tpu.vector_load %arg10[%swap3A_2820, %swap3A_2821] {strides = array<i32>} : memref<2x80xi32, #tpu.memory_space<vmem>>, vector<16xi32>,
        tpu.vector_store %arg10[%swap3A_2820, %swap3A_2821], %and3A_2818 {strides = array<i32>} : memref<2x80xi32, #tpu.memory_space<vmem>>, vector<16xi32>,
        %shift_right_logical3A_2823 = arith.shrui %get3A_2817, %broadcast_in_dim3A_3 : vector<16xi32>
        %swap3A_2824 = arith.constant 0 : i32
        %swap3A_2825 = arith.index_cast %swap3A_2824 : i32 to index
        %swap3A_2826 = arith.constant 0 : index
        %swap3A_2827 = tpu.vector_load %arg11[%swap3A_2825, %swap3A_2826] {strides = array<i32>} : memref<2x80xi32, #tpu.memory_space<vmem>>, vector<16xi32>,
        tpu.vector_store %arg11[%swap3A_2825, %swap3A_2826], %shift_right_logical3A_2823 {strides = array<i32>} : memref<2x80xi32, #tpu.memory_space<vmem>>, vector<16xi32>,
        %get3A_2828 = arith.index_cast %add3A_2814 : i32 to index
        %get3A_2829 = arith.constant 16 : index
        %get3A_2830 = tpu.vector_load %arg9[%get3A_2828, %get3A_2829] {strides = array<i32>} : memref<128x80xi32, #tpu.memory_space<vmem>>, vector<16xi32>,
        %and3A_2831 = arith.andi %get3A_2830, %broadcast_in_dim3A_1 : vector<16xi32>
        %swap3A_2832 = arith.constant 0 : i32
        %swap3A_2833 = arith.index_cast %swap3A_2832 : i32 to index
        %swap3A_2834 = arith.constant 16 : index
        %swap3A_2835 = tpu.vector_load %arg10[%swap3A_2833, %swap3A_2834] {strides = array<i32>} : memref<2x80xi32, #tpu.memory_space<vmem>>, vector<16xi32>,
        tpu.vector_store %arg10[%swap3A_2833, %swap3A_2834], %and3A_2831 {strides = array<i32>} : memref<2x80xi32, #tpu.memory_space<vmem>>, vector<16xi32>,
        %shift_right_logical3A_2836 = arith.shrui %get3A_2830, %broadcast_in_dim3A_3 : vector<16xi32>
        %swap3A_2837 = arith.constant 0 : i32
        %swap3A_2838 = arith.index_cast %swap3A_2837 : i32 to index
        %swap3A_2839 = arith.constant 16 : index
        %swap3A_2840 = tpu.vector_load %arg11[%swap3A_2838, %swap3A_2839] {strides = array<i32>} : memref<2x80xi32, #tpu.memory_space<vmem>>, vector<16xi32>,
        tpu.vector_store %arg11[%swap3A_2838, %swap3A_2839], %shift_right_logical3A_2836 {strides = array<i32>} : memref<2x80xi32, #tpu.memory_space<vmem>>, vector<16xi32>,
        %get3A_2841 = arith.index_cast %add3A_2814 : i32 to index
        %get3A_2842 = arith.constant 32 : index
        %get3A_2843 = tpu.vector_load %arg9[%get3A_2841, %get3A_2842] {strides = array<i32>} : memref<128x80xi32, #tpu.memory_space<vmem>>, vector<16xi32>,
        %and3A_2844 = arith.andi %get3A_2843, %broadcast_in_dim3A_1 : vector<16xi32>
        %swap3A_2845 = arith.constant 0 : i32
        %swap3A_2846 = arith.index_cast %swap3A_2845 : i32 to index
        %swap3A_2847 = arith.constant 32 : index
        %swap3A_2848 = tpu.vector_load %arg10[%swap3A_2846, %swap3A_2847] {strides = array<i32>} : memref<2x80xi32, #tpu.memory_space<vmem>>, vector<16xi32>,
        tpu.vector_store %arg10[%swap3A_2846, %swap3A_2847], %and3A_2844 {strides = array<i32>} : memref<2x80xi32, #tpu.memory_space<vmem>>, vector<16xi32>,
        %shift_right_logical3A_2849 = arith.shrui %get3A_2843, %broadcast_in_dim3A_3 : vector<16xi32>
        %swap3A_2850 = arith.constant 0 : i32
        %swap3A_2851 = arith.index_cast %swap3A_2850 : i32 to index
        %swap3A_2852 = arith.constant 32 : index
        %swap3A_2853 = tpu.vector_load %arg11[%swap3A_2851, %swap3A_2852] {strides = array<i32>} : memref<2x80xi32, #tpu.memory_space<vmem>>, vector<16xi32>,
        tpu.vector_store %arg11[%swap3A_2851, %swap3A_2852], %shift_right_logical3A_2849 {strides = array<i32>} : memref<2x80xi32, #tpu.memory_space<vmem>>, vector<16xi32>,
        %get3A_2854 = arith.index_cast %add3A_2814 : i32 to index
        %get3A_2855 = arith.constant 48 : index
        %get3A_2856 = tpu.vector_load %arg9[%get3A_2854, %get3A_2855] {strides = array<i32>} : memref<128x80xi32, #tpu.memory_space<vmem>>, vector<16xi32>,
        %and3A_2857 = arith.andi %get3A_2856, %broadcast_in_dim3A_1 : vector<16xi32>
        %swap3A_2858 = arith.constant 0 : i32
        %swap3A_2859 = arith.index_cast %swap3A_2858 : i32 to index
        %swap3A_2860 = arith.constant 48 : index
        %swap3A_2861 = tpu.vector_load %arg10[%swap3A_2859, %swap3A_2860] {strides = array<i32>} : memref<2x80xi32, #tpu.memory_space<vmem>>, vector<16xi32>,
        tpu.vector_store %arg10[%swap3A_2859, %swap3A_2860], %and3A_2857 {strides = array<i32>} : memref<2x80xi32, #tpu.memory_space<vmem>>, vector<16xi32>,
        %shift_right_logical3A_2862 = arith.shrui %get3A_2856, %broadcast_in_dim3A_3 : vector<16xi32>
        %swap3A_2863 = arith.constant 0 : i32
        %swap3A_2864 = arith.index_cast %swap3A_2863 : i32 to index
        %swap3A_2865 = arith.constant 48 : index
        %swap3A_2866 = tpu.vector_load %arg11[%swap3A_2864, %swap3A_2865] {strides = array<i32>} : memref<2x80xi32, #tpu.memory_space<vmem>>, vector<16xi32>,
        tpu.vector_store %arg11[%swap3A_2864, %swap3A_2865], %shift_right_logical3A_2862 {strides = array<i32>} : memref<2x80xi32, #tpu.memory_space<vmem>>, vector<16xi32>,
        %get3A_2867 = arith.index_cast %add3A_2814 : i32 to index
        %get3A_2868 = arith.constant 64 : index
        %get3A_2869 = tpu.vector_load %arg9[%get3A_2867, %get3A_2868] {strides = array<i32>} : memref<128x80xi32, #tpu.memory_space<vmem>>, vector<16xi32>,
        %and3A_2870 = arith.andi %get3A_2869, %broadcast_in_dim3A_1 : vector<16xi32>
        %swap3A_2871 = arith.constant 0 : i32
        %swap3A_2872 = arith.index_cast %swap3A_2871 : i32 to index
        %swap3A_2873 = arith.constant 64 : index
        %swap3A_2874 = tpu.vector_load %arg10[%swap3A_2872, %swap3A_2873] {strides = array<i32>} : memref<2x80xi32, #tpu.memory_space<vmem>>, vector<16xi32>,
        tpu.vector_store %arg10[%swap3A_2872, %swap3A_2873], %and3A_2870 {strides = array<i32>} : memref<2x80xi32, #tpu.memory_space<vmem>>, vector<16xi32>,
        %shift_right_logical3A_2875 = arith.shrui %get3A_2869, %broadcast_in_dim3A_3 : vector<16xi32>
        %swap3A_2876 = arith.constant 0 : i32
        %swap3A_2877 = arith.index_cast %swap3A_2876 : i32 to index
        %swap3A_2878 = arith.constant 64 : index
        %swap3A_2879 = tpu.vector_load %arg11[%swap3A_2877, %swap3A_2878] {strides = array<i32>} : memref<2x80xi32, #tpu.memory_space<vmem>>, vector<16xi32>,
        tpu.vector_store %arg11[%swap3A_2877, %swap3A_2878], %shift_right_logical3A_2875 {strides = array<i32>} : memref<2x80xi32, #tpu.memory_space<vmem>>, vector<16xi32>,
        %dma_start3A_2880 = arith.constant 0 : i32
        %dma_start3A_2881 = arith.constant 0 : i32
        %dma_start3A_2882 = arith.constant 0 : i32
        %dma_start3A_2883 = arith.constant 0 : i32
        %dma_start3A_2884 = tpu.memref_slice %arg12[%dma_start3A_2881, %dma_start3A_2882, %dma_start3A_2883] : memref<2x80x16xf32, #tpu.memory_space<vmem>> -> memref<1x80x16xf32, #tpu.memory_space<vmem>>
        %dma_start3A_2885 = tpu.memref_squeeze %dma_start3A_2884 : memref<1x80x16xf32, #tpu.memory_space<vmem>> -> memref<80x16xf32, #tpu.memory_space<vmem>>
        %dma_start3A_2886 = arith.constant 0 : i32
        %dma_start3A_2887 = tpu.memref_slice %arg10[%dma_start3A_2880, %dma_start3A_2886] : memref<2x80xi32, #tpu.memory_space<vmem>> -> memref<1x80xi32, #tpu.memory_space<vmem>>
        %dma_start3A_2888 = tpu.memref_squeeze %dma_start3A_2887 : memref<1x80xi32, #tpu.memory_space<vmem>> -> memref<80xi32, #tpu.memory_space<vmem>>
        %dma_start3A_2889 = arith.constant 0 : i32
        %dma_start3A_2890 = arith.constant 0 : i32
        %dma_start3A_2891 = tpu.memref_slice %arg4[%dma_start3A_2889, %dma_start3A_2890] : memref<10240x16xf32, #tpu.memory_space<hbm>> -> memref<10240x16xf32, #tpu.memory_space<hbm>>
        tpu.enqueue_indirect_dma source(%dma_start3A_2891 : memref<10240x16xf32, #tpu.memory_space<hbm>>) target(%dma_start3A_2885 : memref<80x16xf32, #tpu.memory_space<vmem>>) offsets(%dma_start3A_2888 : memref<80xi32, #tpu.memory_space<vmem>>) semaphore(%arg15 : memref<!tpu.dma_semaphore, #tpu.memory_space<semaphore_mem>>)
        %eq3A_2892 = arith.constant 0 : i32
        %eq3A_2893 = arith.cmpi eq, %arg0, %eq3A_2892 : i32
        %convert_element_type3A_2894 = arith.extui %eq3A_2893 : i1 to i32
        %cond3A_2895 = arith.constant 0 : i32
        %cond3A_2896 = arith.cmpi ne, %convert_element_type3A_2894, %cond3A_2895 : i32
        scf.if %cond3A_2896 {
          %dma_start3A_2902 = arith.constant 0 : i32
          %dma_start3A_2903 = arith.constant 0 : i32
          %dma_start3A_2904 = arith.constant 0 : i32
          %dma_start3A_2905 = arith.constant 0 : i32
          %dma_start3A_2906 = tpu.memref_slice %arg13[%dma_start3A_2903, %dma_start3A_2904, %dma_start3A_2905] : memref<2x80x144xf32, #tpu.memory_space<vmem>> -> memref<1x80x144xf32, #tpu.memory_space<vmem>>
          %dma_start3A_2907 = tpu.memref_squeeze %dma_start3A_2906 : memref<1x80x144xf32, #tpu.memory_space<vmem>> -> memref<80x144xf32, #tpu.memory_space<vmem>>
          %dma_start3A_2908 = arith.constant 0 : i32
          %dma_start3A_2909 = tpu.memref_slice %arg11[%dma_start3A_2902, %dma_start3A_2908] : memref<2x80xi32, #tpu.memory_space<vmem>> -> memref<1x80xi32, #tpu.memory_space<vmem>>
          %dma_start3A_2910 = tpu.memref_squeeze %dma_start3A_2909 : memref<1x80xi32, #tpu.memory_space<vmem>> -> memref<80xi32, #tpu.memory_space<vmem>>
          %dma_start3A_2911 = arith.constant 0 : i32
          %dma_start3A_2912 = arith.constant 0 : i32
          %dma_start3A_2913 = tpu.memref_slice %arg2[%dma_start3A_2911, %dma_start3A_2912] : memref<10240x144xf32, #tpu.memory_space<hbm>> -> memref<10240x144xf32, #tpu.memory_space<hbm>>
          tpu.enqueue_indirect_dma source(%dma_start3A_2913 : memref<10240x144xf32, #tpu.memory_space<hbm>>) target(%dma_start3A_2907 : memref<80x144xf32, #tpu.memory_space<vmem>>) offsets(%dma_start3A_2910 : memref<80xi32, #tpu.memory_space<vmem>>) semaphore(%arg15 : memref<!tpu.dma_semaphore, #tpu.memory_space<semaphore_mem>>)
        } else {
        }
        %eq3A_2897 = arith.constant 1 : i32
        %eq3A_2898 = arith.cmpi eq, %arg0, %eq3A_2897 : i32
        %convert_element_type3A_2899 = arith.extui %eq3A_2898 : i1 to i32
        %cond3A_2900 = arith.constant 0 : i32
        %cond3A_2901 = arith.cmpi ne, %convert_element_type3A_2899, %cond3A_2900 : i32
        scf.if %cond3A_2901 {
          %dma_start3A_2902 = arith.constant 0 : i32
          %dma_start3A_2903 = arith.constant 0 : i32
          %dma_start3A_2904 = arith.constant 0 : i32
          %dma_start3A_2905 = arith.constant 0 : i32
          %dma_start3A_2906 = tpu.memref_slice %arg13[%dma_start3A_2903, %dma_start3A_2904, %dma_start3A_2905] : memref<2x80x144xf32, #tpu.memory_space<vmem>> -> memref<1x80x144xf32, #tpu.memory_space<vmem>>
          %dma_start3A_2907 = tpu.memref_squeeze %dma_start3A_2906 : memref<1x80x144xf32, #tpu.memory_space<vmem>> -> memref<80x144xf32, #tpu.memory_space<vmem>>
          %dma_start3A_2908 = arith.constant 0 : i32
          %dma_start3A_2909 = tpu.memref_slice %arg11[%dma_start3A_2902, %dma_start3A_2908] : memref<2x80xi32, #tpu.memory_space<vmem>> -> memref<1x80xi32, #tpu.memory_space<vmem>>
          %dma_start3A_2910 = tpu.memref_squeeze %dma_start3A_2909 : memref<1x80xi32, #tpu.memory_space<vmem>> -> memref<80xi32, #tpu.memory_space<vmem>>
          %dma_start3A_2911 = arith.constant 0 : i32
          %dma_start3A_2912 = arith.constant 0 : i32
          %dma_start3A_2913 = tpu.memref_slice %arg3[%dma_start3A_2911, %dma_start3A_2912] : memref<10240x144xf32, #tpu.memory_space<hbm>> -> memref<10240x144xf32, #tpu.memory_space<hbm>>
          tpu.enqueue_indirect_dma source(%dma_start3A_2913 : memref<10240x144xf32, #tpu.memory_space<hbm>>) target(%dma_start3A_2907 : memref<80x144xf32, #tpu.memory_space<vmem>>) offsets(%dma_start3A_2910 : memref<80xi32, #tpu.memory_space<vmem>>) semaphore(%arg15 : memref<!tpu.dma_semaphore, #tpu.memory_space<semaphore_mem>>)
        } else {
        }
      } else {
      }
      %dma_wait3A_1473 = arith.constant 1 : i32
      %dma_wait3A_1474 = arith.constant 1 : i32
      %dma_wait3A_1475 = arith.constant 0 : i32
      %dma_wait3A_1476 = arith.constant 0 : i32
      %dma_wait3A_1477 = tpu.memref_slice %arg12[%dma_wait3A_1474, %dma_wait3A_1475, %dma_wait3A_1476] : memref<2x80x16xf32, #tpu.memory_space<vmem>> -> memref<1x80x16xf32, #tpu.memory_space<vmem>>
      %dma_wait3A_1478 = tpu.memref_squeeze %dma_wait3A_1477 : memref<1x80x16xf32, #tpu.memory_space<vmem>> -> memref<80x16xf32, #tpu.memory_space<vmem>>
      %dma_wait3A_1479 = arith.constant 0 : i32
      %dma_wait3A_1480 = tpu.memref_slice %arg10[%dma_wait3A_1473, %dma_wait3A_1479] : memref<2x80xi32, #tpu.memory_space<vmem>> -> memref<1x80xi32, #tpu.memory_space<vmem>>
      %dma_wait3A_1481 = tpu.memref_squeeze %dma_wait3A_1480 : memref<1x80xi32, #tpu.memory_space<vmem>> -> memref<80xi32, #tpu.memory_space<vmem>>
      %dma_wait3A_1482 = arith.constant 0 : i32
      %dma_wait3A_1483 = arith.constant 0 : i32
      %dma_wait3A_1484 = tpu.memref_slice %arg4[%dma_wait3A_1482, %dma_wait3A_1483] : memref<10240x16xf32, #tpu.memory_space<hbm>> -> memref<10240x16xf32, #tpu.memory_space<hbm>>
      tpu.wait_indirect_dma semaphore(%arg16 : memref<!tpu.dma_semaphore, #tpu.memory_space<semaphore_mem>>) src(%dma_wait3A_1484 : memref<10240x16xf32, #tpu.memory_space<hbm>>) dst(%dma_wait3A_1478 : memref<80x16xf32, #tpu.memory_space<vmem>>)
      %eq3A_1485 = arith.constant 0 : i32
      %eq3A_1486 = arith.cmpi eq, %arg0, %eq3A_1485 : i32
      %convert_element_type3A_1487 = arith.extui %eq3A_1486 : i1 to i32
      %cond3A_1488 = arith.constant 0 : i32
      %cond3A_1489 = arith.cmpi ne, %convert_element_type3A_1487, %cond3A_1488 : i32
      scf.if %cond3A_1489 {
        %dma_wait3A_2813 = arith.constant 1 : i32
        %dma_wait3A_2814 = arith.constant 1 : i32
        %dma_wait3A_2815 = arith.constant 0 : i32
        %dma_wait3A_2816 = arith.constant 0 : i32
        %dma_wait3A_2817 = tpu.memref_slice %arg13[%dma_wait3A_2814, %dma_wait3A_2815, %dma_wait3A_2816] : memref<2x80x144xf32, #tpu.memory_space<vmem>> -> memref<1x80x144xf32, #tpu.memory_space<vmem>>
        %dma_wait3A_2818 = tpu.memref_squeeze %dma_wait3A_2817 : memref<1x80x144xf32, #tpu.memory_space<vmem>> -> memref<80x144xf32, #tpu.memory_space<vmem>>
        %dma_wait3A_2819 = arith.constant 0 : i32
        %dma_wait3A_2820 = tpu.memref_slice %arg11[%dma_wait3A_2813, %dma_wait3A_2819] : memref<2x80xi32, #tpu.memory_space<vmem>> -> memref<1x80xi32, #tpu.memory_space<vmem>>
        %dma_wait3A_2821 = tpu.memref_squeeze %dma_wait3A_2820 : memref<1x80xi32, #tpu.memory_space<vmem>> -> memref<80xi32, #tpu.memory_space<vmem>>
        %dma_wait3A_2822 = arith.constant 0 : i32
        %dma_wait3A_2823 = arith.constant 0 : i32
        %dma_wait3A_2824 = tpu.memref_slice %arg2[%dma_wait3A_2822, %dma_wait3A_2823] : memref<10240x144xf32, #tpu.memory_space<hbm>> -> memref<10240x144xf32, #tpu.memory_space<hbm>>
        tpu.wait_indirect_dma semaphore(%arg16 : memref<!tpu.dma_semaphore, #tpu.memory_space<semaphore_mem>>) src(%dma_wait3A_2824 : memref<10240x144xf32, #tpu.memory_space<hbm>>) dst(%dma_wait3A_2818 : memref<80x144xf32, #tpu.memory_space<vmem>>)
      } else {
      }
      %eq3A_1490 = arith.constant 1 : i32
      %eq3A_1491 = arith.cmpi eq, %arg0, %eq3A_1490 : i32
      %convert_element_type3A_1492 = arith.extui %eq3A_1491 : i1 to i32
      %cond3A_1493 = arith.constant 0 : i32
      %cond3A_1494 = arith.cmpi ne, %convert_element_type3A_1492, %cond3A_1493 : i32
      scf.if %cond3A_1494 {
        %dma_wait3A_2813 = arith.constant 1 : i32
        %dma_wait3A_2814 = arith.constant 1 : i32
        %dma_wait3A_2815 = arith.constant 0 : i32
        %dma_wait3A_2816 = arith.constant 0 : i32
        %dma_wait3A_2817 = tpu.memref_slice %arg13[%dma_wait3A_2814, %dma_wait3A_2815, %dma_wait3A_2816] : memref<2x80x144xf32, #tpu.memory_space<vmem>> -> memref<1x80x144xf32, #tpu.memory_space<vmem>>
        %dma_wait3A_2818 = tpu.memref_squeeze %dma_wait3A_2817 : memref<1x80x144xf32, #tpu.memory_space<vmem>> -> memref<80x144xf32, #tpu.memory_space<vmem>>
        %dma_wait3A_2819 = arith.constant 0 : i32
        %dma_wait3A_2820 = tpu.memref_slice %arg11[%dma_wait3A_2813, %dma_wait3A_2819] : memref<2x80xi32, #tpu.memory_space<vmem>> -> memref<1x80xi32, #tpu.memory_space<vmem>>
        %dma_wait3A_2821 = tpu.memref_squeeze %dma_wait3A_2820 : memref<1x80xi32, #tpu.memory_space<vmem>> -> memref<80xi32, #tpu.memory_space<vmem>>
        %dma_wait3A_2822 = arith.constant 0 : i32
        %dma_wait3A_2823 = arith.constant 0 : i32
        %dma_wait3A_2824 = tpu.memref_slice %arg3[%dma_wait3A_2822, %dma_wait3A_2823] : memref<10240x144xf32, #tpu.memory_space<hbm>> -> memref<10240x144xf32, #tpu.memory_space<hbm>>
        tpu.wait_indirect_dma semaphore(%arg16 : memref<!tpu.dma_semaphore, #tpu.memory_space<semaphore_mem>>) src(%dma_wait3A_2824 : memref<10240x144xf32, #tpu.memory_space<hbm>>) dst(%dma_wait3A_2818 : memref<80x144xf32, #tpu.memory_space<vmem>>)
      } else {
      }
      %add3A_1495 = arith.constant 0 : i32
      %add3A_1496 = vector.broadcast %add3A_1495 : i32 to vector<16xi32>
      %add3A_1497 = arith.addi %iota3A, %add3A_1496 : vector<16xi32>
      %broadcast_in_dim3A_1498 = arith.constant 0 : i32
      %broadcast_in_dim3A_1499 = vector.broadcast %broadcast_in_dim3A_1498 : i32 to vector<16xi32>
      %gather3A_1500 = arith.constant 1 : i32
      %gather3A_1501 = arith.constant 0 : i32
      %gather3A_1502 = arith.constant 0 : i32
      %gather3A_1503 = tpu.memref_slice %arg12[%gather3A_1500, %gather3A_1501, %gather3A_1502] : memref<2x80x16xf32, #tpu.memory_space<vmem>> -> memref<1x80x16xf32, #tpu.memory_space<vmem>>
      %gather3A_1504 = tpu.memref_squeeze %gather3A_1503 : memref<1x80x16xf32, #tpu.memory_space<vmem>> -> memref<80x16xf32, #tpu.memory_space<vmem>>
      %gather3A_1505 = tpu.vector_load_idx %gather3A_1504[%add3A_1497, %broadcast_in_dim3A_1499] : memref<80x16xf32, #tpu.memory_space<vmem>>[vector<16xi32>, vector<16xi32>], vector<16xf32>,
      %broadcast_in_dim3A_1506 = arith.constant 136 : i32
      %broadcast_in_dim3A_1507 = vector.broadcast %broadcast_in_dim3A_1506 : i32 to vector<16xi32>
      %gather3A_1508 = arith.constant 1 : i32
      %gather3A_1509 = arith.constant 0 : i32
      %gather3A_1510 = arith.constant 0 : i32
      %gather3A_1511 = tpu.memref_slice %arg13[%gather3A_1508, %gather3A_1509, %gather3A_1510] : memref<2x80x144xf32, #tpu.memory_space<vmem>> -> memref<1x80x144xf32, #tpu.memory_space<vmem>>
      %gather3A_1512 = tpu.memref_squeeze %gather3A_1511 : memref<1x80x144xf32, #tpu.memory_space<vmem>> -> memref<80x144xf32, #tpu.memory_space<vmem>>
      %gather3A_1513 = tpu.vector_load_idx %gather3A_1512[%add3A_1497, %broadcast_in_dim3A_1507] : memref<80x144xf32, #tpu.memory_space<vmem>>[vector<16xi32>, vector<16xi32>], vector<16xf32>,
      %add3A_1514 = arith.addf %gather3A_1505, %gather3A_1513 : vector<16xf32>
      %ge3A_1515 = arith.constant 0.000000e+00 : f32
      %ge3A_1516 = vector.broadcast %ge3A_1515 : f32 to vector<16xf32>
      %ge3A_1517 = arith.cmpf oge, %add3A_1514, %ge3A_1516 : vector<16xf32>
      %mul3A_1518 = arith.constant 2.000000e-01 : f32
      %mul3A_1519 = vector.broadcast %mul3A_1518 : f32 to vector<16xf32>
      %mul3A_1520 = arith.mulf %mul3A_1519, %add3A_1514 : vector<16xf32>
      %select_n3A_1521 = arith.select %ge3A_1517, %add3A_1514, %mul3A_1520 : vector<16xi1>, vector<16xf32>
      %broadcast_in_dim3A_1522 = arith.constant 1 : i32
      %broadcast_in_dim3A_1523 = vector.broadcast %broadcast_in_dim3A_1522 : i32 to vector<16xi32>
      %gather3A_1524 = arith.constant 1 : i32
      %gather3A_1525 = arith.constant 0 : i32
      %gather3A_1526 = arith.constant 0 : i32
      %gather3A_1527 = tpu.memref_slice %arg12[%gather3A_1524, %gather3A_1525, %gather3A_1526] : memref<2x80x16xf32, #tpu.memory_space<vmem>> -> memref<1x80x16xf32, #tpu.memory_space<vmem>>
      %gather3A_1528 = tpu.memref_squeeze %gather3A_1527 : memref<1x80x16xf32, #tpu.memory_space<vmem>> -> memref<80x16xf32, #tpu.memory_space<vmem>>
      %gather3A_1529 = tpu.vector_load_idx %gather3A_1528[%add3A_1497, %broadcast_in_dim3A_1523] : memref<80x16xf32, #tpu.memory_space<vmem>>[vector<16xi32>, vector<16xi32>], vector<16xf32>,
      %broadcast_in_dim3A_1530 = arith.constant 137 : i32
      %broadcast_in_dim3A_1531 = vector.broadcast %broadcast_in_dim3A_1530 : i32 to vector<16xi32>
      %gather3A_1532 = arith.constant 1 : i32
      %gather3A_1533 = arith.constant 0 : i32
      %gather3A_1534 = arith.constant 0 : i32
      %gather3A_1535 = tpu.memref_slice %arg13[%gather3A_1532, %gather3A_1533, %gather3A_1534] : memref<2x80x144xf32, #tpu.memory_space<vmem>> -> memref<1x80x144xf32, #tpu.memory_space<vmem>>
      %gather3A_1536 = tpu.memref_squeeze %gather3A_1535 : memref<1x80x144xf32, #tpu.memory_space<vmem>> -> memref<80x144xf32, #tpu.memory_space<vmem>>
      %gather3A_1537 = tpu.vector_load_idx %gather3A_1536[%add3A_1497, %broadcast_in_dim3A_1531] : memref<80x144xf32, #tpu.memory_space<vmem>>[vector<16xi32>, vector<16xi32>], vector<16xf32>,
      %add3A_1538 = arith.addf %gather3A_1529, %gather3A_1537 : vector<16xf32>
      %ge3A_1539 = arith.constant 0.000000e+00 : f32
      %ge3A_1540 = vector.broadcast %ge3A_1539 : f32 to vector<16xf32>
      %ge3A_1541 = arith.cmpf oge, %add3A_1538, %ge3A_1540 : vector<16xf32>
      %mul3A_1542 = arith.constant 2.000000e-01 : f32
      %mul3A_1543 = vector.broadcast %mul3A_1542 : f32 to vector<16xf32>
      %mul3A_1544 = arith.mulf %mul3A_1543, %add3A_1538 : vector<16xf32>
      %select_n3A_1545 = arith.select %ge3A_1541, %add3A_1538, %mul3A_1544 : vector<16xi1>, vector<16xf32>
      %broadcast_in_dim3A_1546 = arith.constant 2 : i32
      %broadcast_in_dim3A_1547 = vector.broadcast %broadcast_in_dim3A_1546 : i32 to vector<16xi32>
      %gather3A_1548 = arith.constant 1 : i32
      %gather3A_1549 = arith.constant 0 : i32
      %gather3A_1550 = arith.constant 0 : i32
      %gather3A_1551 = tpu.memref_slice %arg12[%gather3A_1548, %gather3A_1549, %gather3A_1550] : memref<2x80x16xf32, #tpu.memory_space<vmem>> -> memref<1x80x16xf32, #tpu.memory_space<vmem>>
      %gather3A_1552 = tpu.memref_squeeze %gather3A_1551 : memref<1x80x16xf32, #tpu.memory_space<vmem>> -> memref<80x16xf32, #tpu.memory_space<vmem>>
      %gather3A_1553 = tpu.vector_load_idx %gather3A_1552[%add3A_1497, %broadcast_in_dim3A_1547] : memref<80x16xf32, #tpu.memory_space<vmem>>[vector<16xi32>, vector<16xi32>], vector<16xf32>,
      %broadcast_in_dim3A_1554 = arith.constant 138 : i32
      %broadcast_in_dim3A_1555 = vector.broadcast %broadcast_in_dim3A_1554 : i32 to vector<16xi32>
      %gather3A_1556 = arith.constant 1 : i32
      %gather3A_1557 = arith.constant 0 : i32
      %gather3A_1558 = arith.constant 0 : i32
      %gather3A_1559 = tpu.memref_slice %arg13[%gather3A_1556, %gather3A_1557, %gather3A_1558] : memref<2x80x144xf32, #tpu.memory_space<vmem>> -> memref<1x80x144xf32, #tpu.memory_space<vmem>>
      %gather3A_1560 = tpu.memref_squeeze %gather3A_1559 : memref<1x80x144xf32, #tpu.memory_space<vmem>> -> memref<80x144xf32, #tpu.memory_space<vmem>>
      %gather3A_1561 = tpu.vector_load_idx %gather3A_1560[%add3A_1497, %broadcast_in_dim3A_1555] : memref<80x144xf32, #tpu.memory_space<vmem>>[vector<16xi32>, vector<16xi32>], vector<16xf32>,
      %add3A_1562 = arith.addf %gather3A_1553, %gather3A_1561 : vector<16xf32>
      %ge3A_1563 = arith.constant 0.000000e+00 : f32
      %ge3A_1564 = vector.broadcast %ge3A_1563 : f32 to vector<16xf32>
      %ge3A_1565 = arith.cmpf oge, %add3A_1562, %ge3A_1564 : vector<16xf32>
      %mul3A_1566 = arith.constant 2.000000e-01 : f32
      %mul3A_1567 = vector.broadcast %mul3A_1566 : f32 to vector<16xf32>
      %mul3A_1568 = arith.mulf %mul3A_1567, %add3A_1562 : vector<16xf32>
      %select_n3A_1569 = arith.select %ge3A_1565, %add3A_1562, %mul3A_1568 : vector<16xi1>, vector<16xf32>
      %broadcast_in_dim3A_1570 = arith.constant 3 : i32
      %broadcast_in_dim3A_1571 = vector.broadcast %broadcast_in_dim3A_1570 : i32 to vector<16xi32>
      %gather3A_1572 = arith.constant 1 : i32
      %gather3A_1573 = arith.constant 0 : i32
      %gather3A_1574 = arith.constant 0 : i32
      %gather3A_1575 = tpu.memref_slice %arg12[%gather3A_1572, %gather3A_1573, %gather3A_1574] : memref<2x80x16xf32, #tpu.memory_space<vmem>> -> memref<1x80x16xf32, #tpu.memory_space<vmem>>
      %gather3A_1576 = tpu.memref_squeeze %gather3A_1575 : memref<1x80x16xf32, #tpu.memory_space<vmem>> -> memref<80x16xf32, #tpu.memory_space<vmem>>
      %gather3A_1577 = tpu.vector_load_idx %gather3A_1576[%add3A_1497, %broadcast_in_dim3A_1571] : memref<80x16xf32, #tpu.memory_space<vmem>>[vector<16xi32>, vector<16xi32>], vector<16xf32>,
      %broadcast_in_dim3A_1578 = arith.constant 139 : i32
      %broadcast_in_dim3A_1579 = vector.broadcast %broadcast_in_dim3A_1578 : i32 to vector<16xi32>
      %gather3A_1580 = arith.constant 1 : i32
      %gather3A_1581 = arith.constant 0 : i32
      %gather3A_1582 = arith.constant 0 : i32
      %gather3A_1583 = tpu.memref_slice %arg13[%gather3A_1580, %gather3A_1581, %gather3A_1582] : memref<2x80x144xf32, #tpu.memory_space<vmem>> -> memref<1x80x144xf32, #tpu.memory_space<vmem>>
      %gather3A_1584 = tpu.memref_squeeze %gather3A_1583 : memref<1x80x144xf32, #tpu.memory_space<vmem>> -> memref<80x144xf32, #tpu.memory_space<vmem>>
      %gather3A_1585 = tpu.vector_load_idx %gather3A_1584[%add3A_1497, %broadcast_in_dim3A_1579] : memref<80x144xf32, #tpu.memory_space<vmem>>[vector<16xi32>, vector<16xi32>], vector<16xf32>,
      %add3A_1586 = arith.addf %gather3A_1577, %gather3A_1585 : vector<16xf32>
      %ge3A_1587 = arith.constant 0.000000e+00 : f32
      %ge3A_1588 = vector.broadcast %ge3A_1587 : f32 to vector<16xf32>
      %ge3A_1589 = arith.cmpf oge, %add3A_1586, %ge3A_1588 : vector<16xf32>
      %mul3A_1590 = arith.constant 2.000000e-01 : f32
      %mul3A_1591 = vector.broadcast %mul3A_1590 : f32 to vector<16xf32>
      %mul3A_1592 = arith.mulf %mul3A_1591, %add3A_1586 : vector<16xf32>
      %select_n3A_1593 = arith.select %ge3A_1589, %add3A_1586, %mul3A_1592 : vector<16xi1>, vector<16xf32>
      %broadcast_in_dim3A_1594 = arith.constant 4 : i32
      %broadcast_in_dim3A_1595 = vector.broadcast %broadcast_in_dim3A_1594 : i32 to vector<16xi32>
      %gather3A_1596 = arith.constant 1 : i32
      %gather3A_1597 = arith.constant 0 : i32
      %gather3A_1598 = arith.constant 0 : i32
      %gather3A_1599 = tpu.memref_slice %arg12[%gather3A_1596, %gather3A_1597, %gather3A_1598] : memref<2x80x16xf32, #tpu.memory_space<vmem>> -> memref<1x80x16xf32, #tpu.memory_space<vmem>>
      %gather3A_1600 = tpu.memref_squeeze %gather3A_1599 : memref<1x80x16xf32, #tpu.memory_space<vmem>> -> memref<80x16xf32, #tpu.memory_space<vmem>>
      %gather3A_1601 = tpu.vector_load_idx %gather3A_1600[%add3A_1497, %broadcast_in_dim3A_1595] : memref<80x16xf32, #tpu.memory_space<vmem>>[vector<16xi32>, vector<16xi32>], vector<16xf32>,
      %broadcast_in_dim3A_1602 = arith.constant 140 : i32
      %broadcast_in_dim3A_1603 = vector.broadcast %broadcast_in_dim3A_1602 : i32 to vector<16xi32>
      %gather3A_1604 = arith.constant 1 : i32
      %gather3A_1605 = arith.constant 0 : i32
      %gather3A_1606 = arith.constant 0 : i32
      %gather3A_1607 = tpu.memref_slice %arg13[%gather3A_1604, %gather3A_1605, %gather3A_1606] : memref<2x80x144xf32, #tpu.memory_space<vmem>> -> memref<1x80x144xf32, #tpu.memory_space<vmem>>
      %gather3A_1608 = tpu.memref_squeeze %gather3A_1607 : memref<1x80x144xf32, #tpu.memory_space<vmem>> -> memref<80x144xf32, #tpu.memory_space<vmem>>
      %gather3A_1609 = tpu.vector_load_idx %gather3A_1608[%add3A_1497, %broadcast_in_dim3A_1603] : memref<80x144xf32, #tpu.memory_space<vmem>>[vector<16xi32>, vector<16xi32>], vector<16xf32>,
      %add3A_1610 = arith.addf %gather3A_1601, %gather3A_1609 : vector<16xf32>
      %ge3A_1611 = arith.constant 0.000000e+00 : f32
      %ge3A_1612 = vector.broadcast %ge3A_1611 : f32 to vector<16xf32>
      %ge3A_1613 = arith.cmpf oge, %add3A_1610, %ge3A_1612 : vector<16xf32>
      %mul3A_1614 = arith.constant 2.000000e-01 : f32
      %mul3A_1615 = vector.broadcast %mul3A_1614 : f32 to vector<16xf32>
      %mul3A_1616 = arith.mulf %mul3A_1615, %add3A_1610 : vector<16xf32>
      %select_n3A_1617 = arith.select %ge3A_1613, %add3A_1610, %mul3A_1616 : vector<16xi1>, vector<16xf32>
      %broadcast_in_dim3A_1618 = arith.constant 5 : i32
      %broadcast_in_dim3A_1619 = vector.broadcast %broadcast_in_dim3A_1618 : i32 to vector<16xi32>
      %gather3A_1620 = arith.constant 1 : i32
      %gather3A_1621 = arith.constant 0 : i32
      %gather3A_1622 = arith.constant 0 : i32
      %gather3A_1623 = tpu.memref_slice %arg12[%gather3A_1620, %gather3A_1621, %gather3A_1622] : memref<2x80x16xf32, #tpu.memory_space<vmem>> -> memref<1x80x16xf32, #tpu.memory_space<vmem>>
      %gather3A_1624 = tpu.memref_squeeze %gather3A_1623 : memref<1x80x16xf32, #tpu.memory_space<vmem>> -> memref<80x16xf32, #tpu.memory_space<vmem>>
      %gather3A_1625 = tpu.vector_load_idx %gather3A_1624[%add3A_1497, %broadcast_in_dim3A_1619] : memref<80x16xf32, #tpu.memory_space<vmem>>[vector<16xi32>, vector<16xi32>], vector<16xf32>,
      %broadcast_in_dim3A_1626 = arith.constant 141 : i32
      %broadcast_in_dim3A_1627 = vector.broadcast %broadcast_in_dim3A_1626 : i32 to vector<16xi32>
      %gather3A_1628 = arith.constant 1 : i32
      %gather3A_1629 = arith.constant 0 : i32
      %gather3A_1630 = arith.constant 0 : i32
      %gather3A_1631 = tpu.memref_slice %arg13[%gather3A_1628, %gather3A_1629, %gather3A_1630] : memref<2x80x144xf32, #tpu.memory_space<vmem>> -> memref<1x80x144xf32, #tpu.memory_space<vmem>>
      %gather3A_1632 = tpu.memref_squeeze %gather3A_1631 : memref<1x80x144xf32, #tpu.memory_space<vmem>> -> memref<80x144xf32, #tpu.memory_space<vmem>>
      %gather3A_1633 = tpu.vector_load_idx %gather3A_1632[%add3A_1497, %broadcast_in_dim3A_1627] : memref<80x144xf32, #tpu.memory_space<vmem>>[vector<16xi32>, vector<16xi32>], vector<16xf32>,
      %add3A_1634 = arith.addf %gather3A_1625, %gather3A_1633 : vector<16xf32>
      %ge3A_1635 = arith.constant 0.000000e+00 : f32
      %ge3A_1636 = vector.broadcast %ge3A_1635 : f32 to vector<16xf32>
      %ge3A_1637 = arith.cmpf oge, %add3A_1634, %ge3A_1636 : vector<16xf32>
      %mul3A_1638 = arith.constant 2.000000e-01 : f32
      %mul3A_1639 = vector.broadcast %mul3A_1638 : f32 to vector<16xf32>
      %mul3A_1640 = arith.mulf %mul3A_1639, %add3A_1634 : vector<16xf32>
      %select_n3A_1641 = arith.select %ge3A_1637, %add3A_1634, %mul3A_1640 : vector<16xi1>, vector<16xf32>
      %broadcast_in_dim3A_1642 = arith.constant 6 : i32
      %broadcast_in_dim3A_1643 = vector.broadcast %broadcast_in_dim3A_1642 : i32 to vector<16xi32>
      %gather3A_1644 = arith.constant 1 : i32
      %gather3A_1645 = arith.constant 0 : i32
      %gather3A_1646 = arith.constant 0 : i32
      %gather3A_1647 = tpu.memref_slice %arg12[%gather3A_1644, %gather3A_1645, %gather3A_1646] : memref<2x80x16xf32, #tpu.memory_space<vmem>> -> memref<1x80x16xf32, #tpu.memory_space<vmem>>
      %gather3A_1648 = tpu.memref_squeeze %gather3A_1647 : memref<1x80x16xf32, #tpu.memory_space<vmem>> -> memref<80x16xf32, #tpu.memory_space<vmem>>
      %gather3A_1649 = tpu.vector_load_idx %gather3A_1648[%add3A_1497, %broadcast_in_dim3A_1643] : memref<80x16xf32, #tpu.memory_space<vmem>>[vector<16xi32>, vector<16xi32>], vector<16xf32>,
      %broadcast_in_dim3A_1650 = arith.constant 142 : i32
      %broadcast_in_dim3A_1651 = vector.broadcast %broadcast_in_dim3A_1650 : i32 to vector<16xi32>
      %gather3A_1652 = arith.constant 1 : i32
      %gather3A_1653 = arith.constant 0 : i32
      %gather3A_1654 = arith.constant 0 : i32
      %gather3A_1655 = tpu.memref_slice %arg13[%gather3A_1652, %gather3A_1653, %gather3A_1654] : memref<2x80x144xf32, #tpu.memory_space<vmem>> -> memref<1x80x144xf32, #tpu.memory_space<vmem>>
      %gather3A_1656 = tpu.memref_squeeze %gather3A_1655 : memref<1x80x144xf32, #tpu.memory_space<vmem>> -> memref<80x144xf32, #tpu.memory_space<vmem>>
      %gather3A_1657 = tpu.vector_load_idx %gather3A_1656[%add3A_1497, %broadcast_in_dim3A_1651] : memref<80x144xf32, #tpu.memory_space<vmem>>[vector<16xi32>, vector<16xi32>], vector<16xf32>,
      %add3A_1658 = arith.addf %gather3A_1649, %gather3A_1657 : vector<16xf32>
      %ge3A_1659 = arith.constant 0.000000e+00 : f32
      %ge3A_1660 = vector.broadcast %ge3A_1659 : f32 to vector<16xf32>
      %ge3A_1661 = arith.cmpf oge, %add3A_1658, %ge3A_1660 : vector<16xf32>
      %mul3A_1662 = arith.constant 2.000000e-01 : f32
      %mul3A_1663 = vector.broadcast %mul3A_1662 : f32 to vector<16xf32>
      %mul3A_1664 = arith.mulf %mul3A_1663, %add3A_1658 : vector<16xf32>
      %select_n3A_1665 = arith.select %ge3A_1661, %add3A_1658, %mul3A_1664 : vector<16xi1>, vector<16xf32>
      %broadcast_in_dim3A_1666 = arith.constant 7 : i32
      %broadcast_in_dim3A_1667 = vector.broadcast %broadcast_in_dim3A_1666 : i32 to vector<16xi32>
      %gather3A_1668 = arith.constant 1 : i32
      %gather3A_1669 = arith.constant 0 : i32
      %gather3A_1670 = arith.constant 0 : i32
      %gather3A_1671 = tpu.memref_slice %arg12[%gather3A_1668, %gather3A_1669, %gather3A_1670] : memref<2x80x16xf32, #tpu.memory_space<vmem>> -> memref<1x80x16xf32, #tpu.memory_space<vmem>>
      %gather3A_1672 = tpu.memref_squeeze %gather3A_1671 : memref<1x80x16xf32, #tpu.memory_space<vmem>> -> memref<80x16xf32, #tpu.memory_space<vmem>>
      %gather3A_1673 = tpu.vector_load_idx %gather3A_1672[%add3A_1497, %broadcast_in_dim3A_1667] : memref<80x16xf32, #tpu.memory_space<vmem>>[vector<16xi32>, vector<16xi32>], vector<16xf32>,
      %broadcast_in_dim3A_1674 = arith.constant 143 : i32
      %broadcast_in_dim3A_1675 = vector.broadcast %broadcast_in_dim3A_1674 : i32 to vector<16xi32>
      %gather3A_1676 = arith.constant 1 : i32
      %gather3A_1677 = arith.constant 0 : i32
      %gather3A_1678 = arith.constant 0 : i32
      %gather3A_1679 = tpu.memref_slice %arg13[%gather3A_1676, %gather3A_1677, %gather3A_1678] : memref<2x80x144xf32, #tpu.memory_space<vmem>> -> memref<1x80x144xf32, #tpu.memory_space<vmem>>
      %gather3A_1680 = tpu.memref_squeeze %gather3A_1679 : memref<1x80x144xf32, #tpu.memory_space<vmem>> -> memref<80x144xf32, #tpu.memory_space<vmem>>
      %gather3A_1681 = tpu.vector_load_idx %gather3A_1680[%add3A_1497, %broadcast_in_dim3A_1675] : memref<80x144xf32, #tpu.memory_space<vmem>>[vector<16xi32>, vector<16xi32>], vector<16xf32>,
      %add3A_1682 = arith.addf %gather3A_1673, %gather3A_1681 : vector<16xf32>
      %ge3A_1683 = arith.constant 0.000000e+00 : f32
      %ge3A_1684 = vector.broadcast %ge3A_1683 : f32 to vector<16xf32>
      %ge3A_1685 = arith.cmpf oge, %add3A_1682, %ge3A_1684 : vector<16xf32>
      %mul3A_1686 = arith.constant 2.000000e-01 : f32
      %mul3A_1687 = vector.broadcast %mul3A_1686 : f32 to vector<16xf32>
      %mul3A_1688 = arith.mulf %mul3A_1687, %add3A_1682 : vector<16xf32>
      %select_n3A_1689 = arith.select %ge3A_1685, %add3A_1682, %mul3A_1688 : vector<16xi1>, vector<16xf32>
      %max3A_1690 = arith.maximumf %select_n3A_1521, %select_n3A_1545 : vector<16xf32>
      %max3A_1691 = arith.maximumf %max3A_1690, %select_n3A_1569 : vector<16xf32>
      %max3A_1692 = arith.maximumf %max3A_1691, %select_n3A_1593 : vector<16xf32>
      %max3A_1693 = arith.maximumf %max3A_1692, %select_n3A_1617 : vector<16xf32>
      %max3A_1694 = arith.maximumf %max3A_1693, %select_n3A_1641 : vector<16xf32>
      %max3A_1695 = arith.maximumf %max3A_1694, %select_n3A_1665 : vector<16xf32>
      %max3A_1696 = arith.maximumf %max3A_1695, %select_n3A_1689 : vector<16xf32>
      %sub3A_1697 = arith.subf %select_n3A_1521, %max3A_1696 : vector<16xf32>
      %exp3A_1698 = math.exp %sub3A_1697 : vector<16xf32>
      %sub3A_1699 = arith.subf %select_n3A_1545, %max3A_1696 : vector<16xf32>
      %exp3A_1700 = math.exp %sub3A_1699 : vector<16xf32>
      %sub3A_1701 = arith.subf %select_n3A_1569, %max3A_1696 : vector<16xf32>
      %exp3A_1702 = math.exp %sub3A_1701 : vector<16xf32>
      %sub3A_1703 = arith.subf %select_n3A_1593, %max3A_1696 : vector<16xf32>
      %exp3A_1704 = math.exp %sub3A_1703 : vector<16xf32>
      %sub3A_1705 = arith.subf %select_n3A_1617, %max3A_1696 : vector<16xf32>
      %exp3A_1706 = math.exp %sub3A_1705 : vector<16xf32>
      %sub3A_1707 = arith.subf %select_n3A_1641, %max3A_1696 : vector<16xf32>
      %exp3A_1708 = math.exp %sub3A_1707 : vector<16xf32>
      %sub3A_1709 = arith.subf %select_n3A_1665, %max3A_1696 : vector<16xf32>
      %exp3A_1710 = math.exp %sub3A_1709 : vector<16xf32>
      %sub3A_1711 = arith.subf %select_n3A_1689, %max3A_1696 : vector<16xf32>
      %exp3A_1712 = math.exp %sub3A_1711 : vector<16xf32>
      %add3A_1713 = arith.addf %exp3A_1698, %exp3A_1700 : vector<16xf32>
      %add3A_1714 = arith.addf %add3A_1713, %exp3A_1702 : vector<16xf32>
      %add3A_1715 = arith.addf %add3A_1714, %exp3A_1704 : vector<16xf32>
      %add3A_1716 = arith.addf %add3A_1715, %exp3A_1706 : vector<16xf32>
      %add3A_1717 = arith.addf %add3A_1716, %exp3A_1708 : vector<16xf32>
      %add3A_1718 = arith.addf %add3A_1717, %exp3A_1710 : vector<16xf32>
      %add3A_1719 = arith.addf %add3A_1718, %exp3A_1712 : vector<16xf32>
      %div3A_1720 = arith.constant 1.000000e+00 : f32
      %div3A_1721 = vector.broadcast %div3A_1720 : f32 to vector<16xf32>
      %div3A_1722 = arith.divf %div3A_1721, %add3A_1719 : vector<16xf32>
      %eq3A_1723 = arith.constant 0 : i32
      %eq3A_1724 = arith.cmpi eq, %arg0, %eq3A_1723 : i32
      %select_n3A_1725 = arith.select %eq3A_1724, %exp3A_1698, %exp3A_1706 : vector<16xf32>
      %mul3A_1726 = arith.mulf %select_n3A_1725, %div3A_1722 : vector<16xf32>
      %swap3A_1727 = arith.constant 0 : i32
      %swap3A_1728 = arith.index_cast %swap3A_1727 : i32 to index
      %swap3A_1729 = arith.constant 0 : index
      %swap3A_1730 = tpu.vector_load %arg14[%swap3A_1728, %swap3A_1729] {strides = array<i32>} : memref<4x80xf32, #tpu.memory_space<vmem>>, vector<16xf32>,
      tpu.vector_store %arg14[%swap3A_1728, %swap3A_1729], %mul3A_1726 {strides = array<i32>} : memref<4x80xf32, #tpu.memory_space<vmem>>, vector<16xf32>,
      %eq3A_1731 = arith.constant 0 : i32
      %eq3A_1732 = arith.cmpi eq, %arg0, %eq3A_1731 : i32
      %select_n3A_1733 = arith.select %eq3A_1732, %exp3A_1700, %exp3A_1708 : vector<16xf32>
      %mul3A_1734 = arith.mulf %select_n3A_1733, %div3A_1722 : vector<16xf32>
      %swap3A_1735 = arith.constant 1 : i32
      %swap3A_1736 = arith.index_cast %swap3A_1735 : i32 to index
      %swap3A_1737 = arith.constant 0 : index
      %swap3A_1738 = tpu.vector_load %arg14[%swap3A_1736, %swap3A_1737] {strides = array<i32>} : memref<4x80xf32, #tpu.memory_space<vmem>>, vector<16xf32>,
      tpu.vector_store %arg14[%swap3A_1736, %swap3A_1737], %mul3A_1734 {strides = array<i32>} : memref<4x80xf32, #tpu.memory_space<vmem>>, vector<16xf32>,
      %eq3A_1739 = arith.constant 0 : i32
      %eq3A_1740 = arith.cmpi eq, %arg0, %eq3A_1739 : i32
      %select_n3A_1741 = arith.select %eq3A_1740, %exp3A_1702, %exp3A_1710 : vector<16xf32>
      %mul3A_1742 = arith.mulf %select_n3A_1741, %div3A_1722 : vector<16xf32>
      %swap3A_1743 = arith.constant 2 : i32
      %swap3A_1744 = arith.index_cast %swap3A_1743 : i32 to index
      %swap3A_1745 = arith.constant 0 : index
      %swap3A_1746 = tpu.vector_load %arg14[%swap3A_1744, %swap3A_1745] {strides = array<i32>} : memref<4x80xf32, #tpu.memory_space<vmem>>, vector<16xf32>,
      tpu.vector_store %arg14[%swap3A_1744, %swap3A_1745], %mul3A_1742 {strides = array<i32>} : memref<4x80xf32, #tpu.memory_space<vmem>>, vector<16xf32>,
      %eq3A_1747 = arith.constant 0 : i32
      %eq3A_1748 = arith.cmpi eq, %arg0, %eq3A_1747 : i32
      %select_n3A_1749 = arith.select %eq3A_1748, %exp3A_1704, %exp3A_1712 : vector<16xf32>
      %mul3A_1750 = arith.mulf %select_n3A_1749, %div3A_1722 : vector<16xf32>
      %swap3A_1751 = arith.constant 3 : i32
      %swap3A_1752 = arith.index_cast %swap3A_1751 : i32 to index
      %swap3A_1753 = arith.constant 0 : index
      %swap3A_1754 = tpu.vector_load %arg14[%swap3A_1752, %swap3A_1753] {strides = array<i32>} : memref<4x80xf32, #tpu.memory_space<vmem>>, vector<16xf32>,
      tpu.vector_store %arg14[%swap3A_1752, %swap3A_1753], %mul3A_1750 {strides = array<i32>} : memref<4x80xf32, #tpu.memory_space<vmem>>, vector<16xf32>,
      %add3A_1755 = arith.constant 16 : i32
      %add3A_1756 = vector.broadcast %add3A_1755 : i32 to vector<16xi32>
      %add3A_1757 = arith.addi %iota3A, %add3A_1756 : vector<16xi32>
      %broadcast_in_dim3A_1758 = arith.constant 0 : i32
      %broadcast_in_dim3A_1759 = vector.broadcast %broadcast_in_dim3A_1758 : i32 to vector<16xi32>
      %gather3A_1760 = arith.constant 1 : i32
      %gather3A_1761 = arith.constant 0 : i32
      %gather3A_1762 = arith.constant 0 : i32
      %gather3A_1763 = tpu.memref_slice %arg12[%gather3A_1760, %gather3A_1761, %gather3A_1762] : memref<2x80x16xf32, #tpu.memory_space<vmem>> -> memref<1x80x16xf32, #tpu.memory_space<vmem>>
      %gather3A_1764 = tpu.memref_squeeze %gather3A_1763 : memref<1x80x16xf32, #tpu.memory_space<vmem>> -> memref<80x16xf32, #tpu.memory_space<vmem>>
      %gather3A_1765 = tpu.vector_load_idx %gather3A_1764[%add3A_1757, %broadcast_in_dim3A_1759] : memref<80x16xf32, #tpu.memory_space<vmem>>[vector<16xi32>, vector<16xi32>], vector<16xf32>,
      %broadcast_in_dim3A_1766 = arith.constant 136 : i32
      %broadcast_in_dim3A_1767 = vector.broadcast %broadcast_in_dim3A_1766 : i32 to vector<16xi32>
      %gather3A_1768 = arith.constant 1 : i32
      %gather3A_1769 = arith.constant 0 : i32
      %gather3A_1770 = arith.constant 0 : i32
      %gather3A_1771 = tpu.memref_slice %arg13[%gather3A_1768, %gather3A_1769, %gather3A_1770] : memref<2x80x144xf32, #tpu.memory_space<vmem>> -> memref<1x80x144xf32, #tpu.memory_space<vmem>>
      %gather3A_1772 = tpu.memref_squeeze %gather3A_1771 : memref<1x80x144xf32, #tpu.memory_space<vmem>> -> memref<80x144xf32, #tpu.memory_space<vmem>>
      %gather3A_1773 = tpu.vector_load_idx %gather3A_1772[%add3A_1757, %broadcast_in_dim3A_1767] : memref<80x144xf32, #tpu.memory_space<vmem>>[vector<16xi32>, vector<16xi32>], vector<16xf32>,
      %add3A_1774 = arith.addf %gather3A_1765, %gather3A_1773 : vector<16xf32>
      %ge3A_1775 = arith.constant 0.000000e+00 : f32
      %ge3A_1776 = vector.broadcast %ge3A_1775 : f32 to vector<16xf32>
      %ge3A_1777 = arith.cmpf oge, %add3A_1774, %ge3A_1776 : vector<16xf32>
      %mul3A_1778 = arith.constant 2.000000e-01 : f32
      %mul3A_1779 = vector.broadcast %mul3A_1778 : f32 to vector<16xf32>
      %mul3A_1780 = arith.mulf %mul3A_1779, %add3A_1774 : vector<16xf32>
      %select_n3A_1781 = arith.select %ge3A_1777, %add3A_1774, %mul3A_1780 : vector<16xi1>, vector<16xf32>
      %broadcast_in_dim3A_1782 = arith.constant 1 : i32
      %broadcast_in_dim3A_1783 = vector.broadcast %broadcast_in_dim3A_1782 : i32 to vector<16xi32>
      %gather3A_1784 = arith.constant 1 : i32
      %gather3A_1785 = arith.constant 0 : i32
      %gather3A_1786 = arith.constant 0 : i32
      %gather3A_1787 = tpu.memref_slice %arg12[%gather3A_1784, %gather3A_1785, %gather3A_1786] : memref<2x80x16xf32, #tpu.memory_space<vmem>> -> memref<1x80x16xf32, #tpu.memory_space<vmem>>
      %gather3A_1788 = tpu.memref_squeeze %gather3A_1787 : memref<1x80x16xf32, #tpu.memory_space<vmem>> -> memref<80x16xf32, #tpu.memory_space<vmem>>
      %gather3A_1789 = tpu.vector_load_idx %gather3A_1788[%add3A_1757, %broadcast_in_dim3A_1783] : memref<80x16xf32, #tpu.memory_space<vmem>>[vector<16xi32>, vector<16xi32>], vector<16xf32>,
      %broadcast_in_dim3A_1790 = arith.constant 137 : i32
      %broadcast_in_dim3A_1791 = vector.broadcast %broadcast_in_dim3A_1790 : i32 to vector<16xi32>
      %gather3A_1792 = arith.constant 1 : i32
      %gather3A_1793 = arith.constant 0 : i32
      %gather3A_1794 = arith.constant 0 : i32
      %gather3A_1795 = tpu.memref_slice %arg13[%gather3A_1792, %gather3A_1793, %gather3A_1794] : memref<2x80x144xf32, #tpu.memory_space<vmem>> -> memref<1x80x144xf32, #tpu.memory_space<vmem>>
      %gather3A_1796 = tpu.memref_squeeze %gather3A_1795 : memref<1x80x144xf32, #tpu.memory_space<vmem>> -> memref<80x144xf32, #tpu.memory_space<vmem>>
      %gather3A_1797 = tpu.vector_load_idx %gather3A_1796[%add3A_1757, %broadcast_in_dim3A_1791] : memref<80x144xf32, #tpu.memory_space<vmem>>[vector<16xi32>, vector<16xi32>], vector<16xf32>,
      %add3A_1798 = arith.addf %gather3A_1789, %gather3A_1797 : vector<16xf32>
      %ge3A_1799 = arith.constant 0.000000e+00 : f32
      %ge3A_1800 = vector.broadcast %ge3A_1799 : f32 to vector<16xf32>
      %ge3A_1801 = arith.cmpf oge, %add3A_1798, %ge3A_1800 : vector<16xf32>
      %mul3A_1802 = arith.constant 2.000000e-01 : f32
      %mul3A_1803 = vector.broadcast %mul3A_1802 : f32 to vector<16xf32>
      %mul3A_1804 = arith.mulf %mul3A_1803, %add3A_1798 : vector<16xf32>
      %select_n3A_1805 = arith.select %ge3A_1801, %add3A_1798, %mul3A_1804 : vector<16xi1>, vector<16xf32>
      %broadcast_in_dim3A_1806 = arith.constant 2 : i32
      %broadcast_in_dim3A_1807 = vector.broadcast %broadcast_in_dim3A_1806 : i32 to vector<16xi32>
      %gather3A_1808 = arith.constant 1 : i32
      %gather3A_1809 = arith.constant 0 : i32
      %gather3A_1810 = arith.constant 0 : i32
      %gather3A_1811 = tpu.memref_slice %arg12[%gather3A_1808, %gather3A_1809, %gather3A_1810] : memref<2x80x16xf32, #tpu.memory_space<vmem>> -> memref<1x80x16xf32, #tpu.memory_space<vmem>>
      %gather3A_1812 = tpu.memref_squeeze %gather3A_1811 : memref<1x80x16xf32, #tpu.memory_space<vmem>> -> memref<80x16xf32, #tpu.memory_space<vmem>>
      %gather3A_1813 = tpu.vector_load_idx %gather3A_1812[%add3A_1757, %broadcast_in_dim3A_1807] : memref<80x16xf32, #tpu.memory_space<vmem>>[vector<16xi32>, vector<16xi32>], vector<16xf32>,
      %broadcast_in_dim3A_1814 = arith.constant 138 : i32
      %broadcast_in_dim3A_1815 = vector.broadcast %broadcast_in_dim3A_1814 : i32 to vector<16xi32>
      %gather3A_1816 = arith.constant 1 : i32
      %gather3A_1817 = arith.constant 0 : i32
      %gather3A_1818 = arith.constant 0 : i32
      %gather3A_1819 = tpu.memref_slice %arg13[%gather3A_1816, %gather3A_1817, %gather3A_1818] : memref<2x80x144xf32, #tpu.memory_space<vmem>> -> memref<1x80x144xf32, #tpu.memory_space<vmem>>
      %gather3A_1820 = tpu.memref_squeeze %gather3A_1819 : memref<1x80x144xf32, #tpu.memory_space<vmem>> -> memref<80x144xf32, #tpu.memory_space<vmem>>
      %gather3A_1821 = tpu.vector_load_idx %gather3A_1820[%add3A_1757, %broadcast_in_dim3A_1815] : memref<80x144xf32, #tpu.memory_space<vmem>>[vector<16xi32>, vector<16xi32>], vector<16xf32>,
      %add3A_1822 = arith.addf %gather3A_1813, %gather3A_1821 : vector<16xf32>
      %ge3A_1823 = arith.constant 0.000000e+00 : f32
      %ge3A_1824 = vector.broadcast %ge3A_1823 : f32 to vector<16xf32>
      %ge3A_1825 = arith.cmpf oge, %add3A_1822, %ge3A_1824 : vector<16xf32>
      %mul3A_1826 = arith.constant 2.000000e-01 : f32
      %mul3A_1827 = vector.broadcast %mul3A_1826 : f32 to vector<16xf32>
      %mul3A_1828 = arith.mulf %mul3A_1827, %add3A_1822 : vector<16xf32>
      %select_n3A_1829 = arith.select %ge3A_1825, %add3A_1822, %mul3A_1828 : vector<16xi1>, vector<16xf32>
      %broadcast_in_dim3A_1830 = arith.constant 3 : i32
      %broadcast_in_dim3A_1831 = vector.broadcast %broadcast_in_dim3A_1830 : i32 to vector<16xi32>
      %gather3A_1832 = arith.constant 1 : i32
      %gather3A_1833 = arith.constant 0 : i32
      %gather3A_1834 = arith.constant 0 : i32
      %gather3A_1835 = tpu.memref_slice %arg12[%gather3A_1832, %gather3A_1833, %gather3A_1834] : memref<2x80x16xf32, #tpu.memory_space<vmem>> -> memref<1x80x16xf32, #tpu.memory_space<vmem>>
      %gather3A_1836 = tpu.memref_squeeze %gather3A_1835 : memref<1x80x16xf32, #tpu.memory_space<vmem>> -> memref<80x16xf32, #tpu.memory_space<vmem>>
      %gather3A_1837 = tpu.vector_load_idx %gather3A_1836[%add3A_1757, %broadcast_in_dim3A_1831] : memref<80x16xf32, #tpu.memory_space<vmem>>[vector<16xi32>, vector<16xi32>], vector<16xf32>,
      %broadcast_in_dim3A_1838 = arith.constant 139 : i32
      %broadcast_in_dim3A_1839 = vector.broadcast %broadcast_in_dim3A_1838 : i32 to vector<16xi32>
      %gather3A_1840 = arith.constant 1 : i32
      %gather3A_1841 = arith.constant 0 : i32
      %gather3A_1842 = arith.constant 0 : i32
      %gather3A_1843 = tpu.memref_slice %arg13[%gather3A_1840, %gather3A_1841, %gather3A_1842] : memref<2x80x144xf32, #tpu.memory_space<vmem>> -> memref<1x80x144xf32, #tpu.memory_space<vmem>>
      %gather3A_1844 = tpu.memref_squeeze %gather3A_1843 : memref<1x80x144xf32, #tpu.memory_space<vmem>> -> memref<80x144xf32, #tpu.memory_space<vmem>>
      %gather3A_1845 = tpu.vector_load_idx %gather3A_1844[%add3A_1757, %broadcast_in_dim3A_1839] : memref<80x144xf32, #tpu.memory_space<vmem>>[vector<16xi32>, vector<16xi32>], vector<16xf32>,
      %add3A_1846 = arith.addf %gather3A_1837, %gather3A_1845 : vector<16xf32>
      %ge3A_1847 = arith.constant 0.000000e+00 : f32
      %ge3A_1848 = vector.broadcast %ge3A_1847 : f32 to vector<16xf32>
      %ge3A_1849 = arith.cmpf oge, %add3A_1846, %ge3A_1848 : vector<16xf32>
      %mul3A_1850 = arith.constant 2.000000e-01 : f32
      %mul3A_1851 = vector.broadcast %mul3A_1850 : f32 to vector<16xf32>
      %mul3A_1852 = arith.mulf %mul3A_1851, %add3A_1846 : vector<16xf32>
      %select_n3A_1853 = arith.select %ge3A_1849, %add3A_1846, %mul3A_1852 : vector<16xi1>, vector<16xf32>
      %broadcast_in_dim3A_1854 = arith.constant 4 : i32
      %broadcast_in_dim3A_1855 = vector.broadcast %broadcast_in_dim3A_1854 : i32 to vector<16xi32>
      %gather3A_1856 = arith.constant 1 : i32
      %gather3A_1857 = arith.constant 0 : i32
      %gather3A_1858 = arith.constant 0 : i32
      %gather3A_1859 = tpu.memref_slice %arg12[%gather3A_1856, %gather3A_1857, %gather3A_1858] : memref<2x80x16xf32, #tpu.memory_space<vmem>> -> memref<1x80x16xf32, #tpu.memory_space<vmem>>
      %gather3A_1860 = tpu.memref_squeeze %gather3A_1859 : memref<1x80x16xf32, #tpu.memory_space<vmem>> -> memref<80x16xf32, #tpu.memory_space<vmem>>
      %gather3A_1861 = tpu.vector_load_idx %gather3A_1860[%add3A_1757, %broadcast_in_dim3A_1855] : memref<80x16xf32, #tpu.memory_space<vmem>>[vector<16xi32>, vector<16xi32>], vector<16xf32>,
      %broadcast_in_dim3A_1862 = arith.constant 140 : i32
      %broadcast_in_dim3A_1863 = vector.broadcast %broadcast_in_dim3A_1862 : i32 to vector<16xi32>
      %gather3A_1864 = arith.constant 1 : i32
      %gather3A_1865 = arith.constant 0 : i32
      %gather3A_1866 = arith.constant 0 : i32
      %gather3A_1867 = tpu.memref_slice %arg13[%gather3A_1864, %gather3A_1865, %gather3A_1866] : memref<2x80x144xf32, #tpu.memory_space<vmem>> -> memref<1x80x144xf32, #tpu.memory_space<vmem>>
      %gather3A_1868 = tpu.memref_squeeze %gather3A_1867 : memref<1x80x144xf32, #tpu.memory_space<vmem>> -> memref<80x144xf32, #tpu.memory_space<vmem>>
      %gather3A_1869 = tpu.vector_load_idx %gather3A_1868[%add3A_1757, %broadcast_in_dim3A_1863] : memref<80x144xf32, #tpu.memory_space<vmem>>[vector<16xi32>, vector<16xi32>], vector<16xf32>,
      %add3A_1870 = arith.addf %gather3A_1861, %gather3A_1869 : vector<16xf32>
      %ge3A_1871 = arith.constant 0.000000e+00 : f32
      %ge3A_1872 = vector.broadcast %ge3A_1871 : f32 to vector<16xf32>
      %ge3A_1873 = arith.cmpf oge, %add3A_1870, %ge3A_1872 : vector<16xf32>
      %mul3A_1874 = arith.constant 2.000000e-01 : f32
      %mul3A_1875 = vector.broadcast %mul3A_1874 : f32 to vector<16xf32>
      %mul3A_1876 = arith.mulf %mul3A_1875, %add3A_1870 : vector<16xf32>
      %select_n3A_1877 = arith.select %ge3A_1873, %add3A_1870, %mul3A_1876 : vector<16xi1>, vector<16xf32>
      %broadcast_in_dim3A_1878 = arith.constant 5 : i32
      %broadcast_in_dim3A_1879 = vector.broadcast %broadcast_in_dim3A_1878 : i32 to vector<16xi32>
      %gather3A_1880 = arith.constant 1 : i32
      %gather3A_1881 = arith.constant 0 : i32
      %gather3A_1882 = arith.constant 0 : i32
      %gather3A_1883 = tpu.memref_slice %arg12[%gather3A_1880, %gather3A_1881, %gather3A_1882] : memref<2x80x16xf32, #tpu.memory_space<vmem>> -> memref<1x80x16xf32, #tpu.memory_space<vmem>>
      %gather3A_1884 = tpu.memref_squeeze %gather3A_1883 : memref<1x80x16xf32, #tpu.memory_space<vmem>> -> memref<80x16xf32, #tpu.memory_space<vmem>>
      %gather3A_1885 = tpu.vector_load_idx %gather3A_1884[%add3A_1757, %broadcast_in_dim3A_1879] : memref<80x16xf32, #tpu.memory_space<vmem>>[vector<16xi32>, vector<16xi32>], vector<16xf32>,
      %broadcast_in_dim3A_1886 = arith.constant 141 : i32
      %broadcast_in_dim3A_1887 = vector.broadcast %broadcast_in_dim3A_1886 : i32 to vector<16xi32>
      %gather3A_1888 = arith.constant 1 : i32
      %gather3A_1889 = arith.constant 0 : i32
      %gather3A_1890 = arith.constant 0 : i32
      %gather3A_1891 = tpu.memref_slice %arg13[%gather3A_1888, %gather3A_1889, %gather3A_1890] : memref<2x80x144xf32, #tpu.memory_space<vmem>> -> memref<1x80x144xf32, #tpu.memory_space<vmem>>
      %gather3A_1892 = tpu.memref_squeeze %gather3A_1891 : memref<1x80x144xf32, #tpu.memory_space<vmem>> -> memref<80x144xf32, #tpu.memory_space<vmem>>
      %gather3A_1893 = tpu.vector_load_idx %gather3A_1892[%add3A_1757, %broadcast_in_dim3A_1887] : memref<80x144xf32, #tpu.memory_space<vmem>>[vector<16xi32>, vector<16xi32>], vector<16xf32>,
      %add3A_1894 = arith.addf %gather3A_1885, %gather3A_1893 : vector<16xf32>
      %ge3A_1895 = arith.constant 0.000000e+00 : f32
      %ge3A_1896 = vector.broadcast %ge3A_1895 : f32 to vector<16xf32>
      %ge3A_1897 = arith.cmpf oge, %add3A_1894, %ge3A_1896 : vector<16xf32>
      %mul3A_1898 = arith.constant 2.000000e-01 : f32
      %mul3A_1899 = vector.broadcast %mul3A_1898 : f32 to vector<16xf32>
      %mul3A_1900 = arith.mulf %mul3A_1899, %add3A_1894 : vector<16xf32>
      %select_n3A_1901 = arith.select %ge3A_1897, %add3A_1894, %mul3A_1900 : vector<16xi1>, vector<16xf32>
      %broadcast_in_dim3A_1902 = arith.constant 6 : i32
      %broadcast_in_dim3A_1903 = vector.broadcast %broadcast_in_dim3A_1902 : i32 to vector<16xi32>
      %gather3A_1904 = arith.constant 1 : i32
      %gather3A_1905 = arith.constant 0 : i32
      %gather3A_1906 = arith.constant 0 : i32
      %gather3A_1907 = tpu.memref_slice %arg12[%gather3A_1904, %gather3A_1905, %gather3A_1906] : memref<2x80x16xf32, #tpu.memory_space<vmem>> -> memref<1x80x16xf32, #tpu.memory_space<vmem>>
      %gather3A_1908 = tpu.memref_squeeze %gather3A_1907 : memref<1x80x16xf32, #tpu.memory_space<vmem>> -> memref<80x16xf32, #tpu.memory_space<vmem>>
      %gather3A_1909 = tpu.vector_load_idx %gather3A_1908[%add3A_1757, %broadcast_in_dim3A_1903] : memref<80x16xf32, #tpu.memory_space<vmem>>[vector<16xi32>, vector<16xi32>], vector<16xf32>,
      %broadcast_in_dim3A_1910 = arith.constant 142 : i32
      %broadcast_in_dim3A_1911 = vector.broadcast %broadcast_in_dim3A_1910 : i32 to vector<16xi32>
      %gather3A_1912 = arith.constant 1 : i32
      %gather3A_1913 = arith.constant 0 : i32
      %gather3A_1914 = arith.constant 0 : i32
      %gather3A_1915 = tpu.memref_slice %arg13[%gather3A_1912, %gather3A_1913, %gather3A_1914] : memref<2x80x144xf32, #tpu.memory_space<vmem>> -> memref<1x80x144xf32, #tpu.memory_space<vmem>>
      %gather3A_1916 = tpu.memref_squeeze %gather3A_1915 : memref<1x80x144xf32, #tpu.memory_space<vmem>> -> memref<80x144xf32, #tpu.memory_space<vmem>>
      %gather3A_1917 = tpu.vector_load_idx %gather3A_1916[%add3A_1757, %broadcast_in_dim3A_1911] : memref<80x144xf32, #tpu.memory_space<vmem>>[vector<16xi32>, vector<16xi32>], vector<16xf32>,
      %add3A_1918 = arith.addf %gather3A_1909, %gather3A_1917 : vector<16xf32>
      %ge3A_1919 = arith.constant 0.000000e+00 : f32
      %ge3A_1920 = vector.broadcast %ge3A_1919 : f32 to vector<16xf32>
      %ge3A_1921 = arith.cmpf oge, %add3A_1918, %ge3A_1920 : vector<16xf32>
      %mul3A_1922 = arith.constant 2.000000e-01 : f32
      %mul3A_1923 = vector.broadcast %mul3A_1922 : f32 to vector<16xf32>
      %mul3A_1924 = arith.mulf %mul3A_1923, %add3A_1918 : vector<16xf32>
      %select_n3A_1925 = arith.select %ge3A_1921, %add3A_1918, %mul3A_1924 : vector<16xi1>, vector<16xf32>
      %broadcast_in_dim3A_1926 = arith.constant 7 : i32
      %broadcast_in_dim3A_1927 = vector.broadcast %broadcast_in_dim3A_1926 : i32 to vector<16xi32>
      %gather3A_1928 = arith.constant 1 : i32
      %gather3A_1929 = arith.constant 0 : i32
      %gather3A_1930 = arith.constant 0 : i32
      %gather3A_1931 = tpu.memref_slice %arg12[%gather3A_1928, %gather3A_1929, %gather3A_1930] : memref<2x80x16xf32, #tpu.memory_space<vmem>> -> memref<1x80x16xf32, #tpu.memory_space<vmem>>
      %gather3A_1932 = tpu.memref_squeeze %gather3A_1931 : memref<1x80x16xf32, #tpu.memory_space<vmem>> -> memref<80x16xf32, #tpu.memory_space<vmem>>
      %gather3A_1933 = tpu.vector_load_idx %gather3A_1932[%add3A_1757, %broadcast_in_dim3A_1927] : memref<80x16xf32, #tpu.memory_space<vmem>>[vector<16xi32>, vector<16xi32>], vector<16xf32>,
      %broadcast_in_dim3A_1934 = arith.constant 143 : i32
      %broadcast_in_dim3A_1935 = vector.broadcast %broadcast_in_dim3A_1934 : i32 to vector<16xi32>
      %gather3A_1936 = arith.constant 1 : i32
      %gather3A_1937 = arith.constant 0 : i32
      %gather3A_1938 = arith.constant 0 : i32
      %gather3A_1939 = tpu.memref_slice %arg13[%gather3A_1936, %gather3A_1937, %gather3A_1938] : memref<2x80x144xf32, #tpu.memory_space<vmem>> -> memref<1x80x144xf32, #tpu.memory_space<vmem>>
      %gather3A_1940 = tpu.memref_squeeze %gather3A_1939 : memref<1x80x144xf32, #tpu.memory_space<vmem>> -> memref<80x144xf32, #tpu.memory_space<vmem>>
      %gather3A_1941 = tpu.vector_load_idx %gather3A_1940[%add3A_1757, %broadcast_in_dim3A_1935] : memref<80x144xf32, #tpu.memory_space<vmem>>[vector<16xi32>, vector<16xi32>], vector<16xf32>,
      %add3A_1942 = arith.addf %gather3A_1933, %gather3A_1941 : vector<16xf32>
      %ge3A_1943 = arith.constant 0.000000e+00 : f32
      %ge3A_1944 = vector.broadcast %ge3A_1943 : f32 to vector<16xf32>
      %ge3A_1945 = arith.cmpf oge, %add3A_1942, %ge3A_1944 : vector<16xf32>
      %mul3A_1946 = arith.constant 2.000000e-01 : f32
      %mul3A_1947 = vector.broadcast %mul3A_1946 : f32 to vector<16xf32>
      %mul3A_1948 = arith.mulf %mul3A_1947, %add3A_1942 : vector<16xf32>
      %select_n3A_1949 = arith.select %ge3A_1945, %add3A_1942, %mul3A_1948 : vector<16xi1>, vector<16xf32>
      %max3A_1950 = arith.maximumf %select_n3A_1781, %select_n3A_1805 : vector<16xf32>
      %max3A_1951 = arith.maximumf %max3A_1950, %select_n3A_1829 : vector<16xf32>
      %max3A_1952 = arith.maximumf %max3A_1951, %select_n3A_1853 : vector<16xf32>
      %max3A_1953 = arith.maximumf %max3A_1952, %select_n3A_1877 : vector<16xf32>
      %max3A_1954 = arith.maximumf %max3A_1953, %select_n3A_1901 : vector<16xf32>
      %max3A_1955 = arith.maximumf %max3A_1954, %select_n3A_1925 : vector<16xf32>
      %max3A_1956 = arith.maximumf %max3A_1955, %select_n3A_1949 : vector<16xf32>
      %sub3A_1957 = arith.subf %select_n3A_1781, %max3A_1956 : vector<16xf32>
      %exp3A_1958 = math.exp %sub3A_1957 : vector<16xf32>
      %sub3A_1959 = arith.subf %select_n3A_1805, %max3A_1956 : vector<16xf32>
      %exp3A_1960 = math.exp %sub3A_1959 : vector<16xf32>
      %sub3A_1961 = arith.subf %select_n3A_1829, %max3A_1956 : vector<16xf32>
      %exp3A_1962 = math.exp %sub3A_1961 : vector<16xf32>
      %sub3A_1963 = arith.subf %select_n3A_1853, %max3A_1956 : vector<16xf32>
      %exp3A_1964 = math.exp %sub3A_1963 : vector<16xf32>
      %sub3A_1965 = arith.subf %select_n3A_1877, %max3A_1956 : vector<16xf32>
      %exp3A_1966 = math.exp %sub3A_1965 : vector<16xf32>
      %sub3A_1967 = arith.subf %select_n3A_1901, %max3A_1956 : vector<16xf32>
      %exp3A_1968 = math.exp %sub3A_1967 : vector<16xf32>
      %sub3A_1969 = arith.subf %select_n3A_1925, %max3A_1956 : vector<16xf32>
      %exp3A_1970 = math.exp %sub3A_1969 : vector<16xf32>
      %sub3A_1971 = arith.subf %select_n3A_1949, %max3A_1956 : vector<16xf32>
      %exp3A_1972 = math.exp %sub3A_1971 : vector<16xf32>
      %add3A_1973 = arith.addf %exp3A_1958, %exp3A_1960 : vector<16xf32>
      %add3A_1974 = arith.addf %add3A_1973, %exp3A_1962 : vector<16xf32>
      %add3A_1975 = arith.addf %add3A_1974, %exp3A_1964 : vector<16xf32>
      %add3A_1976 = arith.addf %add3A_1975, %exp3A_1966 : vector<16xf32>
      %add3A_1977 = arith.addf %add3A_1976, %exp3A_1968 : vector<16xf32>
      %add3A_1978 = arith.addf %add3A_1977, %exp3A_1970 : vector<16xf32>
      %add3A_1979 = arith.addf %add3A_1978, %exp3A_1972 : vector<16xf32>
      %div3A_1980 = arith.constant 1.000000e+00 : f32
      %div3A_1981 = vector.broadcast %div3A_1980 : f32 to vector<16xf32>
      %div3A_1982 = arith.divf %div3A_1981, %add3A_1979 : vector<16xf32>
      %eq3A_1983 = arith.constant 0 : i32
      %eq3A_1984 = arith.cmpi eq, %arg0, %eq3A_1983 : i32
      %select_n3A_1985 = arith.select %eq3A_1984, %exp3A_1958, %exp3A_1966 : vector<16xf32>
      %mul3A_1986 = arith.mulf %select_n3A_1985, %div3A_1982 : vector<16xf32>
      %swap3A_1987 = arith.constant 0 : i32
      %swap3A_1988 = arith.index_cast %swap3A_1987 : i32 to index
      %swap3A_1989 = arith.constant 16 : index
      %swap3A_1990 = tpu.vector_load %arg14[%swap3A_1988, %swap3A_1989] {strides = array<i32>} : memref<4x80xf32, #tpu.memory_space<vmem>>, vector<16xf32>,
      tpu.vector_store %arg14[%swap3A_1988, %swap3A_1989], %mul3A_1986 {strides = array<i32>} : memref<4x80xf32, #tpu.memory_space<vmem>>, vector<16xf32>,
      %eq3A_1991 = arith.constant 0 : i32
      %eq3A_1992 = arith.cmpi eq, %arg0, %eq3A_1991 : i32
      %select_n3A_1993 = arith.select %eq3A_1992, %exp3A_1960, %exp3A_1968 : vector<16xf32>
      %mul3A_1994 = arith.mulf %select_n3A_1993, %div3A_1982 : vector<16xf32>
      %swap3A_1995 = arith.constant 1 : i32
      %swap3A_1996 = arith.index_cast %swap3A_1995 : i32 to index
      %swap3A_1997 = arith.constant 16 : index
      %swap3A_1998 = tpu.vector_load %arg14[%swap3A_1996, %swap3A_1997] {strides = array<i32>} : memref<4x80xf32, #tpu.memory_space<vmem>>, vector<16xf32>,
      tpu.vector_store %arg14[%swap3A_1996, %swap3A_1997], %mul3A_1994 {strides = array<i32>} : memref<4x80xf32, #tpu.memory_space<vmem>>, vector<16xf32>,
      %eq3A_1999 = arith.constant 0 : i32
      %eq3A_2000 = arith.cmpi eq, %arg0, %eq3A_1999 : i32
      %select_n3A_2001 = arith.select %eq3A_2000, %exp3A_1962, %exp3A_1970 : vector<16xf32>
      %mul3A_2002 = arith.mulf %select_n3A_2001, %div3A_1982 : vector<16xf32>
      %swap3A_2003 = arith.constant 2 : i32
      %swap3A_2004 = arith.index_cast %swap3A_2003 : i32 to index
      %swap3A_2005 = arith.constant 16 : index
      %swap3A_2006 = tpu.vector_load %arg14[%swap3A_2004, %swap3A_2005] {strides = array<i32>} : memref<4x80xf32, #tpu.memory_space<vmem>>, vector<16xf32>,
      tpu.vector_store %arg14[%swap3A_2004, %swap3A_2005], %mul3A_2002 {strides = array<i32>} : memref<4x80xf32, #tpu.memory_space<vmem>>, vector<16xf32>,
      %eq3A_2007 = arith.constant 0 : i32
      %eq3A_2008 = arith.cmpi eq, %arg0, %eq3A_2007 : i32
      %select_n3A_2009 = arith.select %eq3A_2008, %exp3A_1964, %exp3A_1972 : vector<16xf32>
      %mul3A_2010 = arith.mulf %select_n3A_2009, %div3A_1982 : vector<16xf32>
      %swap3A_2011 = arith.constant 3 : i32
      %swap3A_2012 = arith.index_cast %swap3A_2011 : i32 to index
      %swap3A_2013 = arith.constant 16 : index
      %swap3A_2014 = tpu.vector_load %arg14[%swap3A_2012, %swap3A_2013] {strides = array<i32>} : memref<4x80xf32, #tpu.memory_space<vmem>>, vector<16xf32>,
      tpu.vector_store %arg14[%swap3A_2012, %swap3A_2013], %mul3A_2010 {strides = array<i32>} : memref<4x80xf32, #tpu.memory_space<vmem>>, vector<16xf32>,
      %add3A_2015 = arith.constant 32 : i32
      %add3A_2016 = vector.broadcast %add3A_2015 : i32 to vector<16xi32>
      %add3A_2017 = arith.addi %iota3A, %add3A_2016 : vector<16xi32>
      %broadcast_in_dim3A_2018 = arith.constant 0 : i32
      %broadcast_in_dim3A_2019 = vector.broadcast %broadcast_in_dim3A_2018 : i32 to vector<16xi32>
      %gather3A_2020 = arith.constant 1 : i32
      %gather3A_2021 = arith.constant 0 : i32
      %gather3A_2022 = arith.constant 0 : i32
      %gather3A_2023 = tpu.memref_slice %arg12[%gather3A_2020, %gather3A_2021, %gather3A_2022] : memref<2x80x16xf32, #tpu.memory_space<vmem>> -> memref<1x80x16xf32, #tpu.memory_space<vmem>>
      %gather3A_2024 = tpu.memref_squeeze %gather3A_2023 : memref<1x80x16xf32, #tpu.memory_space<vmem>> -> memref<80x16xf32, #tpu.memory_space<vmem>>
      %gather3A_2025 = tpu.vector_load_idx %gather3A_2024[%add3A_2017, %broadcast_in_dim3A_2019] : memref<80x16xf32, #tpu.memory_space<vmem>>[vector<16xi32>, vector<16xi32>], vector<16xf32>,
      %broadcast_in_dim3A_2026 = arith.constant 136 : i32
      %broadcast_in_dim3A_2027 = vector.broadcast %broadcast_in_dim3A_2026 : i32 to vector<16xi32>
      %gather3A_2028 = arith.constant 1 : i32
      %gather3A_2029 = arith.constant 0 : i32
      %gather3A_2030 = arith.constant 0 : i32
      %gather3A_2031 = tpu.memref_slice %arg13[%gather3A_2028, %gather3A_2029, %gather3A_2030] : memref<2x80x144xf32, #tpu.memory_space<vmem>> -> memref<1x80x144xf32, #tpu.memory_space<vmem>>
      %gather3A_2032 = tpu.memref_squeeze %gather3A_2031 : memref<1x80x144xf32, #tpu.memory_space<vmem>> -> memref<80x144xf32, #tpu.memory_space<vmem>>
      %gather3A_2033 = tpu.vector_load_idx %gather3A_2032[%add3A_2017, %broadcast_in_dim3A_2027] : memref<80x144xf32, #tpu.memory_space<vmem>>[vector<16xi32>, vector<16xi32>], vector<16xf32>,
      %add3A_2034 = arith.addf %gather3A_2025, %gather3A_2033 : vector<16xf32>
      %ge3A_2035 = arith.constant 0.000000e+00 : f32
      %ge3A_2036 = vector.broadcast %ge3A_2035 : f32 to vector<16xf32>
      %ge3A_2037 = arith.cmpf oge, %add3A_2034, %ge3A_2036 : vector<16xf32>
      %mul3A_2038 = arith.constant 2.000000e-01 : f32
      %mul3A_2039 = vector.broadcast %mul3A_2038 : f32 to vector<16xf32>
      %mul3A_2040 = arith.mulf %mul3A_2039, %add3A_2034 : vector<16xf32>
      %select_n3A_2041 = arith.select %ge3A_2037, %add3A_2034, %mul3A_2040 : vector<16xi1>, vector<16xf32>
      %broadcast_in_dim3A_2042 = arith.constant 1 : i32
      %broadcast_in_dim3A_2043 = vector.broadcast %broadcast_in_dim3A_2042 : i32 to vector<16xi32>
      %gather3A_2044 = arith.constant 1 : i32
      %gather3A_2045 = arith.constant 0 : i32
      %gather3A_2046 = arith.constant 0 : i32
      %gather3A_2047 = tpu.memref_slice %arg12[%gather3A_2044, %gather3A_2045, %gather3A_2046] : memref<2x80x16xf32, #tpu.memory_space<vmem>> -> memref<1x80x16xf32, #tpu.memory_space<vmem>>
      %gather3A_2048 = tpu.memref_squeeze %gather3A_2047 : memref<1x80x16xf32, #tpu.memory_space<vmem>> -> memref<80x16xf32, #tpu.memory_space<vmem>>
      %gather3A_2049 = tpu.vector_load_idx %gather3A_2048[%add3A_2017, %broadcast_in_dim3A_2043] : memref<80x16xf32, #tpu.memory_space<vmem>>[vector<16xi32>, vector<16xi32>], vector<16xf32>,
      %broadcast_in_dim3A_2050 = arith.constant 137 : i32
      %broadcast_in_dim3A_2051 = vector.broadcast %broadcast_in_dim3A_2050 : i32 to vector<16xi32>
      %gather3A_2052 = arith.constant 1 : i32
      %gather3A_2053 = arith.constant 0 : i32
      %gather3A_2054 = arith.constant 0 : i32
      %gather3A_2055 = tpu.memref_slice %arg13[%gather3A_2052, %gather3A_2053, %gather3A_2054] : memref<2x80x144xf32, #tpu.memory_space<vmem>> -> memref<1x80x144xf32, #tpu.memory_space<vmem>>
      %gather3A_2056 = tpu.memref_squeeze %gather3A_2055 : memref<1x80x144xf32, #tpu.memory_space<vmem>> -> memref<80x144xf32, #tpu.memory_space<vmem>>
      %gather3A_2057 = tpu.vector_load_idx %gather3A_2056[%add3A_2017, %broadcast_in_dim3A_2051] : memref<80x144xf32, #tpu.memory_space<vmem>>[vector<16xi32>, vector<16xi32>], vector<16xf32>,
      %add3A_2058 = arith.addf %gather3A_2049, %gather3A_2057 : vector<16xf32>
      %ge3A_2059 = arith.constant 0.000000e+00 : f32
      %ge3A_2060 = vector.broadcast %ge3A_2059 : f32 to vector<16xf32>
      %ge3A_2061 = arith.cmpf oge, %add3A_2058, %ge3A_2060 : vector<16xf32>
      %mul3A_2062 = arith.constant 2.000000e-01 : f32
      %mul3A_2063 = vector.broadcast %mul3A_2062 : f32 to vector<16xf32>
      %mul3A_2064 = arith.mulf %mul3A_2063, %add3A_2058 : vector<16xf32>
      %select_n3A_2065 = arith.select %ge3A_2061, %add3A_2058, %mul3A_2064 : vector<16xi1>, vector<16xf32>
      %broadcast_in_dim3A_2066 = arith.constant 2 : i32
      %broadcast_in_dim3A_2067 = vector.broadcast %broadcast_in_dim3A_2066 : i32 to vector<16xi32>
      %gather3A_2068 = arith.constant 1 : i32
      %gather3A_2069 = arith.constant 0 : i32
      %gather3A_2070 = arith.constant 0 : i32
      %gather3A_2071 = tpu.memref_slice %arg12[%gather3A_2068, %gather3A_2069, %gather3A_2070] : memref<2x80x16xf32, #tpu.memory_space<vmem>> -> memref<1x80x16xf32, #tpu.memory_space<vmem>>
      %gather3A_2072 = tpu.memref_squeeze %gather3A_2071 : memref<1x80x16xf32, #tpu.memory_space<vmem>> -> memref<80x16xf32, #tpu.memory_space<vmem>>
      %gather3A_2073 = tpu.vector_load_idx %gather3A_2072[%add3A_2017, %broadcast_in_dim3A_2067] : memref<80x16xf32, #tpu.memory_space<vmem>>[vector<16xi32>, vector<16xi32>], vector<16xf32>,
      %broadcast_in_dim3A_2074 = arith.constant 138 : i32
      %broadcast_in_dim3A_2075 = vector.broadcast %broadcast_in_dim3A_2074 : i32 to vector<16xi32>
      %gather3A_2076 = arith.constant 1 : i32
      %gather3A_2077 = arith.constant 0 : i32
      %gather3A_2078 = arith.constant 0 : i32
      %gather3A_2079 = tpu.memref_slice %arg13[%gather3A_2076, %gather3A_2077, %gather3A_2078] : memref<2x80x144xf32, #tpu.memory_space<vmem>> -> memref<1x80x144xf32, #tpu.memory_space<vmem>>
      %gather3A_2080 = tpu.memref_squeeze %gather3A_2079 : memref<1x80x144xf32, #tpu.memory_space<vmem>> -> memref<80x144xf32, #tpu.memory_space<vmem>>
      %gather3A_2081 = tpu.vector_load_idx %gather3A_2080[%add3A_2017, %broadcast_in_dim3A_2075] : memref<80x144xf32, #tpu.memory_space<vmem>>[vector<16xi32>, vector<16xi32>], vector<16xf32>,
      %add3A_2082 = arith.addf %gather3A_2073, %gather3A_2081 : vector<16xf32>
      %ge3A_2083 = arith.constant 0.000000e+00 : f32
      %ge3A_2084 = vector.broadcast %ge3A_2083 : f32 to vector<16xf32>
      %ge3A_2085 = arith.cmpf oge, %add3A_2082, %ge3A_2084 : vector<16xf32>
      %mul3A_2086 = arith.constant 2.000000e-01 : f32
      %mul3A_2087 = vector.broadcast %mul3A_2086 : f32 to vector<16xf32>
      %mul3A_2088 = arith.mulf %mul3A_2087, %add3A_2082 : vector<16xf32>
      %select_n3A_2089 = arith.select %ge3A_2085, %add3A_2082, %mul3A_2088 : vector<16xi1>, vector<16xf32>
      %broadcast_in_dim3A_2090 = arith.constant 3 : i32
      %broadcast_in_dim3A_2091 = vector.broadcast %broadcast_in_dim3A_2090 : i32 to vector<16xi32>
      %gather3A_2092 = arith.constant 1 : i32
      %gather3A_2093 = arith.constant 0 : i32
      %gather3A_2094 = arith.constant 0 : i32
      %gather3A_2095 = tpu.memref_slice %arg12[%gather3A_2092, %gather3A_2093, %gather3A_2094] : memref<2x80x16xf32, #tpu.memory_space<vmem>> -> memref<1x80x16xf32, #tpu.memory_space<vmem>>
      %gather3A_2096 = tpu.memref_squeeze %gather3A_2095 : memref<1x80x16xf32, #tpu.memory_space<vmem>> -> memref<80x16xf32, #tpu.memory_space<vmem>>
      %gather3A_2097 = tpu.vector_load_idx %gather3A_2096[%add3A_2017, %broadcast_in_dim3A_2091] : memref<80x16xf32, #tpu.memory_space<vmem>>[vector<16xi32>, vector<16xi32>], vector<16xf32>,
      %broadcast_in_dim3A_2098 = arith.constant 139 : i32
      %broadcast_in_dim3A_2099 = vector.broadcast %broadcast_in_dim3A_2098 : i32 to vector<16xi32>
      %gather3A_2100 = arith.constant 1 : i32
      %gather3A_2101 = arith.constant 0 : i32
      %gather3A_2102 = arith.constant 0 : i32
      %gather3A_2103 = tpu.memref_slice %arg13[%gather3A_2100, %gather3A_2101, %gather3A_2102] : memref<2x80x144xf32, #tpu.memory_space<vmem>> -> memref<1x80x144xf32, #tpu.memory_space<vmem>>
      %gather3A_2104 = tpu.memref_squeeze %gather3A_2103 : memref<1x80x144xf32, #tpu.memory_space<vmem>> -> memref<80x144xf32, #tpu.memory_space<vmem>>
      %gather3A_2105 = tpu.vector_load_idx %gather3A_2104[%add3A_2017, %broadcast_in_dim3A_2099] : memref<80x144xf32, #tpu.memory_space<vmem>>[vector<16xi32>, vector<16xi32>], vector<16xf32>,
      %add3A_2106 = arith.addf %gather3A_2097, %gather3A_2105 : vector<16xf32>
      %ge3A_2107 = arith.constant 0.000000e+00 : f32
      %ge3A_2108 = vector.broadcast %ge3A_2107 : f32 to vector<16xf32>
      %ge3A_2109 = arith.cmpf oge, %add3A_2106, %ge3A_2108 : vector<16xf32>
      %mul3A_2110 = arith.constant 2.000000e-01 : f32
      %mul3A_2111 = vector.broadcast %mul3A_2110 : f32 to vector<16xf32>
      %mul3A_2112 = arith.mulf %mul3A_2111, %add3A_2106 : vector<16xf32>
      %select_n3A_2113 = arith.select %ge3A_2109, %add3A_2106, %mul3A_2112 : vector<16xi1>, vector<16xf32>
      %broadcast_in_dim3A_2114 = arith.constant 4 : i32
      %broadcast_in_dim3A_2115 = vector.broadcast %broadcast_in_dim3A_2114 : i32 to vector<16xi32>
      %gather3A_2116 = arith.constant 1 : i32
      %gather3A_2117 = arith.constant 0 : i32
      %gather3A_2118 = arith.constant 0 : i32
      %gather3A_2119 = tpu.memref_slice %arg12[%gather3A_2116, %gather3A_2117, %gather3A_2118] : memref<2x80x16xf32, #tpu.memory_space<vmem>> -> memref<1x80x16xf32, #tpu.memory_space<vmem>>
      %gather3A_2120 = tpu.memref_squeeze %gather3A_2119 : memref<1x80x16xf32, #tpu.memory_space<vmem>> -> memref<80x16xf32, #tpu.memory_space<vmem>>
      %gather3A_2121 = tpu.vector_load_idx %gather3A_2120[%add3A_2017, %broadcast_in_dim3A_2115] : memref<80x16xf32, #tpu.memory_space<vmem>>[vector<16xi32>, vector<16xi32>], vector<16xf32>,
      %broadcast_in_dim3A_2122 = arith.constant 140 : i32
      %broadcast_in_dim3A_2123 = vector.broadcast %broadcast_in_dim3A_2122 : i32 to vector<16xi32>
      %gather3A_2124 = arith.constant 1 : i32
      %gather3A_2125 = arith.constant 0 : i32
      %gather3A_2126 = arith.constant 0 : i32
      %gather3A_2127 = tpu.memref_slice %arg13[%gather3A_2124, %gather3A_2125, %gather3A_2126] : memref<2x80x144xf32, #tpu.memory_space<vmem>> -> memref<1x80x144xf32, #tpu.memory_space<vmem>>
      %gather3A_2128 = tpu.memref_squeeze %gather3A_2127 : memref<1x80x144xf32, #tpu.memory_space<vmem>> -> memref<80x144xf32, #tpu.memory_space<vmem>>
      %gather3A_2129 = tpu.vector_load_idx %gather3A_2128[%add3A_2017, %broadcast_in_dim3A_2123] : memref<80x144xf32, #tpu.memory_space<vmem>>[vector<16xi32>, vector<16xi32>], vector<16xf32>,
      %add3A_2130 = arith.addf %gather3A_2121, %gather3A_2129 : vector<16xf32>
      %ge3A_2131 = arith.constant 0.000000e+00 : f32
      %ge3A_2132 = vector.broadcast %ge3A_2131 : f32 to vector<16xf32>
      %ge3A_2133 = arith.cmpf oge, %add3A_2130, %ge3A_2132 : vector<16xf32>
      %mul3A_2134 = arith.constant 2.000000e-01 : f32
      %mul3A_2135 = vector.broadcast %mul3A_2134 : f32 to vector<16xf32>
      %mul3A_2136 = arith.mulf %mul3A_2135, %add3A_2130 : vector<16xf32>
      %select_n3A_2137 = arith.select %ge3A_2133, %add3A_2130, %mul3A_2136 : vector<16xi1>, vector<16xf32>
      %broadcast_in_dim3A_2138 = arith.constant 5 : i32
      %broadcast_in_dim3A_2139 = vector.broadcast %broadcast_in_dim3A_2138 : i32 to vector<16xi32>
      %gather3A_2140 = arith.constant 1 : i32
      %gather3A_2141 = arith.constant 0 : i32
      %gather3A_2142 = arith.constant 0 : i32
      %gather3A_2143 = tpu.memref_slice %arg12[%gather3A_2140, %gather3A_2141, %gather3A_2142] : memref<2x80x16xf32, #tpu.memory_space<vmem>> -> memref<1x80x16xf32, #tpu.memory_space<vmem>>
      %gather3A_2144 = tpu.memref_squeeze %gather3A_2143 : memref<1x80x16xf32, #tpu.memory_space<vmem>> -> memref<80x16xf32, #tpu.memory_space<vmem>>
      %gather3A_2145 = tpu.vector_load_idx %gather3A_2144[%add3A_2017, %broadcast_in_dim3A_2139] : memref<80x16xf32, #tpu.memory_space<vmem>>[vector<16xi32>, vector<16xi32>], vector<16xf32>,
      %broadcast_in_dim3A_2146 = arith.constant 141 : i32
      %broadcast_in_dim3A_2147 = vector.broadcast %broadcast_in_dim3A_2146 : i32 to vector<16xi32>
      %gather3A_2148 = arith.constant 1 : i32
      %gather3A_2149 = arith.constant 0 : i32
      %gather3A_2150 = arith.constant 0 : i32
      %gather3A_2151 = tpu.memref_slice %arg13[%gather3A_2148, %gather3A_2149, %gather3A_2150] : memref<2x80x144xf32, #tpu.memory_space<vmem>> -> memref<1x80x144xf32, #tpu.memory_space<vmem>>
      %gather3A_2152 = tpu.memref_squeeze %gather3A_2151 : memref<1x80x144xf32, #tpu.memory_space<vmem>> -> memref<80x144xf32, #tpu.memory_space<vmem>>
      %gather3A_2153 = tpu.vector_load_idx %gather3A_2152[%add3A_2017, %broadcast_in_dim3A_2147] : memref<80x144xf32, #tpu.memory_space<vmem>>[vector<16xi32>, vector<16xi32>], vector<16xf32>,
      %add3A_2154 = arith.addf %gather3A_2145, %gather3A_2153 : vector<16xf32>
      %ge3A_2155 = arith.constant 0.000000e+00 : f32
      %ge3A_2156 = vector.broadcast %ge3A_2155 : f32 to vector<16xf32>
      %ge3A_2157 = arith.cmpf oge, %add3A_2154, %ge3A_2156 : vector<16xf32>
      %mul3A_2158 = arith.constant 2.000000e-01 : f32
      %mul3A_2159 = vector.broadcast %mul3A_2158 : f32 to vector<16xf32>
      %mul3A_2160 = arith.mulf %mul3A_2159, %add3A_2154 : vector<16xf32>
      %select_n3A_2161 = arith.select %ge3A_2157, %add3A_2154, %mul3A_2160 : vector<16xi1>, vector<16xf32>
      %broadcast_in_dim3A_2162 = arith.constant 6 : i32
      %broadcast_in_dim3A_2163 = vector.broadcast %broadcast_in_dim3A_2162 : i32 to vector<16xi32>
      %gather3A_2164 = arith.constant 1 : i32
      %gather3A_2165 = arith.constant 0 : i32
      %gather3A_2166 = arith.constant 0 : i32
      %gather3A_2167 = tpu.memref_slice %arg12[%gather3A_2164, %gather3A_2165, %gather3A_2166] : memref<2x80x16xf32, #tpu.memory_space<vmem>> -> memref<1x80x16xf32, #tpu.memory_space<vmem>>
      %gather3A_2168 = tpu.memref_squeeze %gather3A_2167 : memref<1x80x16xf32, #tpu.memory_space<vmem>> -> memref<80x16xf32, #tpu.memory_space<vmem>>
      %gather3A_2169 = tpu.vector_load_idx %gather3A_2168[%add3A_2017, %broadcast_in_dim3A_2163] : memref<80x16xf32, #tpu.memory_space<vmem>>[vector<16xi32>, vector<16xi32>], vector<16xf32>,
      %broadcast_in_dim3A_2170 = arith.constant 142 : i32
      %broadcast_in_dim3A_2171 = vector.broadcast %broadcast_in_dim3A_2170 : i32 to vector<16xi32>
      %gather3A_2172 = arith.constant 1 : i32
      %gather3A_2173 = arith.constant 0 : i32
      %gather3A_2174 = arith.constant 0 : i32
      %gather3A_2175 = tpu.memref_slice %arg13[%gather3A_2172, %gather3A_2173, %gather3A_2174] : memref<2x80x144xf32, #tpu.memory_space<vmem>> -> memref<1x80x144xf32, #tpu.memory_space<vmem>>
      %gather3A_2176 = tpu.memref_squeeze %gather3A_2175 : memref<1x80x144xf32, #tpu.memory_space<vmem>> -> memref<80x144xf32, #tpu.memory_space<vmem>>
      %gather3A_2177 = tpu.vector_load_idx %gather3A_2176[%add3A_2017, %broadcast_in_dim3A_2171] : memref<80x144xf32, #tpu.memory_space<vmem>>[vector<16xi32>, vector<16xi32>], vector<16xf32>,
      %add3A_2178 = arith.addf %gather3A_2169, %gather3A_2177 : vector<16xf32>
      %ge3A_2179 = arith.constant 0.000000e+00 : f32
      %ge3A_2180 = vector.broadcast %ge3A_2179 : f32 to vector<16xf32>
      %ge3A_2181 = arith.cmpf oge, %add3A_2178, %ge3A_2180 : vector<16xf32>
      %mul3A_2182 = arith.constant 2.000000e-01 : f32
      %mul3A_2183 = vector.broadcast %mul3A_2182 : f32 to vector<16xf32>
      %mul3A_2184 = arith.mulf %mul3A_2183, %add3A_2178 : vector<16xf32>
      %select_n3A_2185 = arith.select %ge3A_2181, %add3A_2178, %mul3A_2184 : vector<16xi1>, vector<16xf32>
      %broadcast_in_dim3A_2186 = arith.constant 7 : i32
      %broadcast_in_dim3A_2187 = vector.broadcast %broadcast_in_dim3A_2186 : i32 to vector<16xi32>
      %gather3A_2188 = arith.constant 1 : i32
      %gather3A_2189 = arith.constant 0 : i32
      %gather3A_2190 = arith.constant 0 : i32
      %gather3A_2191 = tpu.memref_slice %arg12[%gather3A_2188, %gather3A_2189, %gather3A_2190] : memref<2x80x16xf32, #tpu.memory_space<vmem>> -> memref<1x80x16xf32, #tpu.memory_space<vmem>>
      %gather3A_2192 = tpu.memref_squeeze %gather3A_2191 : memref<1x80x16xf32, #tpu.memory_space<vmem>> -> memref<80x16xf32, #tpu.memory_space<vmem>>
      %gather3A_2193 = tpu.vector_load_idx %gather3A_2192[%add3A_2017, %broadcast_in_dim3A_2187] : memref<80x16xf32, #tpu.memory_space<vmem>>[vector<16xi32>, vector<16xi32>], vector<16xf32>,
      %broadcast_in_dim3A_2194 = arith.constant 143 : i32
      %broadcast_in_dim3A_2195 = vector.broadcast %broadcast_in_dim3A_2194 : i32 to vector<16xi32>
      %gather3A_2196 = arith.constant 1 : i32
      %gather3A_2197 = arith.constant 0 : i32
      %gather3A_2198 = arith.constant 0 : i32
      %gather3A_2199 = tpu.memref_slice %arg13[%gather3A_2196, %gather3A_2197, %gather3A_2198] : memref<2x80x144xf32, #tpu.memory_space<vmem>> -> memref<1x80x144xf32, #tpu.memory_space<vmem>>
      %gather3A_2200 = tpu.memref_squeeze %gather3A_2199 : memref<1x80x144xf32, #tpu.memory_space<vmem>> -> memref<80x144xf32, #tpu.memory_space<vmem>>
      %gather3A_2201 = tpu.vector_load_idx %gather3A_2200[%add3A_2017, %broadcast_in_dim3A_2195] : memref<80x144xf32, #tpu.memory_space<vmem>>[vector<16xi32>, vector<16xi32>], vector<16xf32>,
      %add3A_2202 = arith.addf %gather3A_2193, %gather3A_2201 : vector<16xf32>
      %ge3A_2203 = arith.constant 0.000000e+00 : f32
      %ge3A_2204 = vector.broadcast %ge3A_2203 : f32 to vector<16xf32>
      %ge3A_2205 = arith.cmpf oge, %add3A_2202, %ge3A_2204 : vector<16xf32>
      %mul3A_2206 = arith.constant 2.000000e-01 : f32
      %mul3A_2207 = vector.broadcast %mul3A_2206 : f32 to vector<16xf32>
      %mul3A_2208 = arith.mulf %mul3A_2207, %add3A_2202 : vector<16xf32>
      %select_n3A_2209 = arith.select %ge3A_2205, %add3A_2202, %mul3A_2208 : vector<16xi1>, vector<16xf32>
      %max3A_2210 = arith.maximumf %select_n3A_2041, %select_n3A_2065 : vector<16xf32>
      %max3A_2211 = arith.maximumf %max3A_2210, %select_n3A_2089 : vector<16xf32>
      %max3A_2212 = arith.maximumf %max3A_2211, %select_n3A_2113 : vector<16xf32>
      %max3A_2213 = arith.maximumf %max3A_2212, %select_n3A_2137 : vector<16xf32>
      %max3A_2214 = arith.maximumf %max3A_2213, %select_n3A_2161 : vector<16xf32>
      %max3A_2215 = arith.maximumf %max3A_2214, %select_n3A_2185 : vector<16xf32>
      %max3A_2216 = arith.maximumf %max3A_2215, %select_n3A_2209 : vector<16xf32>
      %sub3A_2217 = arith.subf %select_n3A_2041, %max3A_2216 : vector<16xf32>
      %exp3A_2218 = math.exp %sub3A_2217 : vector<16xf32>
      %sub3A_2219 = arith.subf %select_n3A_2065, %max3A_2216 : vector<16xf32>
      %exp3A_2220 = math.exp %sub3A_2219 : vector<16xf32>
      %sub3A_2221 = arith.subf %select_n3A_2089, %max3A_2216 : vector<16xf32>
      %exp3A_2222 = math.exp %sub3A_2221 : vector<16xf32>
      %sub3A_2223 = arith.subf %select_n3A_2113, %max3A_2216 : vector<16xf32>
      %exp3A_2224 = math.exp %sub3A_2223 : vector<16xf32>
      %sub3A_2225 = arith.subf %select_n3A_2137, %max3A_2216 : vector<16xf32>
      %exp3A_2226 = math.exp %sub3A_2225 : vector<16xf32>
      %sub3A_2227 = arith.subf %select_n3A_2161, %max3A_2216 : vector<16xf32>
      %exp3A_2228 = math.exp %sub3A_2227 : vector<16xf32>
      %sub3A_2229 = arith.subf %select_n3A_2185, %max3A_2216 : vector<16xf32>
      %exp3A_2230 = math.exp %sub3A_2229 : vector<16xf32>
      %sub3A_2231 = arith.subf %select_n3A_2209, %max3A_2216 : vector<16xf32>
      %exp3A_2232 = math.exp %sub3A_2231 : vector<16xf32>
      %add3A_2233 = arith.addf %exp3A_2218, %exp3A_2220 : vector<16xf32>
      %add3A_2234 = arith.addf %add3A_2233, %exp3A_2222 : vector<16xf32>
      %add3A_2235 = arith.addf %add3A_2234, %exp3A_2224 : vector<16xf32>
      %add3A_2236 = arith.addf %add3A_2235, %exp3A_2226 : vector<16xf32>
      %add3A_2237 = arith.addf %add3A_2236, %exp3A_2228 : vector<16xf32>
      %add3A_2238 = arith.addf %add3A_2237, %exp3A_2230 : vector<16xf32>
      %add3A_2239 = arith.addf %add3A_2238, %exp3A_2232 : vector<16xf32>
      %div3A_2240 = arith.constant 1.000000e+00 : f32
      %div3A_2241 = vector.broadcast %div3A_2240 : f32 to vector<16xf32>
      %div3A_2242 = arith.divf %div3A_2241, %add3A_2239 : vector<16xf32>
      %eq3A_2243 = arith.constant 0 : i32
      %eq3A_2244 = arith.cmpi eq, %arg0, %eq3A_2243 : i32
      %select_n3A_2245 = arith.select %eq3A_2244, %exp3A_2218, %exp3A_2226 : vector<16xf32>
      %mul3A_2246 = arith.mulf %select_n3A_2245, %div3A_2242 : vector<16xf32>
      %swap3A_2247 = arith.constant 0 : i32
      %swap3A_2248 = arith.index_cast %swap3A_2247 : i32 to index
      %swap3A_2249 = arith.constant 32 : index
      %swap3A_2250 = tpu.vector_load %arg14[%swap3A_2248, %swap3A_2249] {strides = array<i32>} : memref<4x80xf32, #tpu.memory_space<vmem>>, vector<16xf32>,
      tpu.vector_store %arg14[%swap3A_2248, %swap3A_2249], %mul3A_2246 {strides = array<i32>} : memref<4x80xf32, #tpu.memory_space<vmem>>, vector<16xf32>,
      %eq3A_2251 = arith.constant 0 : i32
      %eq3A_2252 = arith.cmpi eq, %arg0, %eq3A_2251 : i32
      %select_n3A_2253 = arith.select %eq3A_2252, %exp3A_2220, %exp3A_2228 : vector<16xf32>
      %mul3A_2254 = arith.mulf %select_n3A_2253, %div3A_2242 : vector<16xf32>
      %swap3A_2255 = arith.constant 1 : i32
      %swap3A_2256 = arith.index_cast %swap3A_2255 : i32 to index
      %swap3A_2257 = arith.constant 32 : index
      %swap3A_2258 = tpu.vector_load %arg14[%swap3A_2256, %swap3A_2257] {strides = array<i32>} : memref<4x80xf32, #tpu.memory_space<vmem>>, vector<16xf32>,
      tpu.vector_store %arg14[%swap3A_2256, %swap3A_2257], %mul3A_2254 {strides = array<i32>} : memref<4x80xf32, #tpu.memory_space<vmem>>, vector<16xf32>,
      %eq3A_2259 = arith.constant 0 : i32
      %eq3A_2260 = arith.cmpi eq, %arg0, %eq3A_2259 : i32
      %select_n3A_2261 = arith.select %eq3A_2260, %exp3A_2222, %exp3A_2230 : vector<16xf32>
      %mul3A_2262 = arith.mulf %select_n3A_2261, %div3A_2242 : vector<16xf32>
      %swap3A_2263 = arith.constant 2 : i32
      %swap3A_2264 = arith.index_cast %swap3A_2263 : i32 to index
      %swap3A_2265 = arith.constant 32 : index
      %swap3A_2266 = tpu.vector_load %arg14[%swap3A_2264, %swap3A_2265] {strides = array<i32>} : memref<4x80xf32, #tpu.memory_space<vmem>>, vector<16xf32>,
      tpu.vector_store %arg14[%swap3A_2264, %swap3A_2265], %mul3A_2262 {strides = array<i32>} : memref<4x80xf32, #tpu.memory_space<vmem>>, vector<16xf32>,
      %eq3A_2267 = arith.constant 0 : i32
      %eq3A_2268 = arith.cmpi eq, %arg0, %eq3A_2267 : i32
      %select_n3A_2269 = arith.select %eq3A_2268, %exp3A_2224, %exp3A_2232 : vector<16xf32>
      %mul3A_2270 = arith.mulf %select_n3A_2269, %div3A_2242 : vector<16xf32>
      %swap3A_2271 = arith.constant 3 : i32
      %swap3A_2272 = arith.index_cast %swap3A_2271 : i32 to index
      %swap3A_2273 = arith.constant 32 : index
      %swap3A_2274 = tpu.vector_load %arg14[%swap3A_2272, %swap3A_2273] {strides = array<i32>} : memref<4x80xf32, #tpu.memory_space<vmem>>, vector<16xf32>,
      tpu.vector_store %arg14[%swap3A_2272, %swap3A_2273], %mul3A_2270 {strides = array<i32>} : memref<4x80xf32, #tpu.memory_space<vmem>>, vector<16xf32>,
      %add3A_2275 = arith.constant 48 : i32
      %add3A_2276 = vector.broadcast %add3A_2275 : i32 to vector<16xi32>
      %add3A_2277 = arith.addi %iota3A, %add3A_2276 : vector<16xi32>
      %broadcast_in_dim3A_2278 = arith.constant 0 : i32
      %broadcast_in_dim3A_2279 = vector.broadcast %broadcast_in_dim3A_2278 : i32 to vector<16xi32>
      %gather3A_2280 = arith.constant 1 : i32
      %gather3A_2281 = arith.constant 0 : i32
      %gather3A_2282 = arith.constant 0 : i32
      %gather3A_2283 = tpu.memref_slice %arg12[%gather3A_2280, %gather3A_2281, %gather3A_2282] : memref<2x80x16xf32, #tpu.memory_space<vmem>> -> memref<1x80x16xf32, #tpu.memory_space<vmem>>
      %gather3A_2284 = tpu.memref_squeeze %gather3A_2283 : memref<1x80x16xf32, #tpu.memory_space<vmem>> -> memref<80x16xf32, #tpu.memory_space<vmem>>
      %gather3A_2285 = tpu.vector_load_idx %gather3A_2284[%add3A_2277, %broadcast_in_dim3A_2279] : memref<80x16xf32, #tpu.memory_space<vmem>>[vector<16xi32>, vector<16xi32>], vector<16xf32>,
      %broadcast_in_dim3A_2286 = arith.constant 136 : i32
      %broadcast_in_dim3A_2287 = vector.broadcast %broadcast_in_dim3A_2286 : i32 to vector<16xi32>
      %gather3A_2288 = arith.constant 1 : i32
      %gather3A_2289 = arith.constant 0 : i32
      %gather3A_2290 = arith.constant 0 : i32
      %gather3A_2291 = tpu.memref_slice %arg13[%gather3A_2288, %gather3A_2289, %gather3A_2290] : memref<2x80x144xf32, #tpu.memory_space<vmem>> -> memref<1x80x144xf32, #tpu.memory_space<vmem>>
      %gather3A_2292 = tpu.memref_squeeze %gather3A_2291 : memref<1x80x144xf32, #tpu.memory_space<vmem>> -> memref<80x144xf32, #tpu.memory_space<vmem>>
      %gather3A_2293 = tpu.vector_load_idx %gather3A_2292[%add3A_2277, %broadcast_in_dim3A_2287] : memref<80x144xf32, #tpu.memory_space<vmem>>[vector<16xi32>, vector<16xi32>], vector<16xf32>,
      %add3A_2294 = arith.addf %gather3A_2285, %gather3A_2293 : vector<16xf32>
      %ge3A_2295 = arith.constant 0.000000e+00 : f32
      %ge3A_2296 = vector.broadcast %ge3A_2295 : f32 to vector<16xf32>
      %ge3A_2297 = arith.cmpf oge, %add3A_2294, %ge3A_2296 : vector<16xf32>
      %mul3A_2298 = arith.constant 2.000000e-01 : f32
      %mul3A_2299 = vector.broadcast %mul3A_2298 : f32 to vector<16xf32>
      %mul3A_2300 = arith.mulf %mul3A_2299, %add3A_2294 : vector<16xf32>
      %select_n3A_2301 = arith.select %ge3A_2297, %add3A_2294, %mul3A_2300 : vector<16xi1>, vector<16xf32>
      %broadcast_in_dim3A_2302 = arith.constant 1 : i32
      %broadcast_in_dim3A_2303 = vector.broadcast %broadcast_in_dim3A_2302 : i32 to vector<16xi32>
      %gather3A_2304 = arith.constant 1 : i32
      %gather3A_2305 = arith.constant 0 : i32
      %gather3A_2306 = arith.constant 0 : i32
      %gather3A_2307 = tpu.memref_slice %arg12[%gather3A_2304, %gather3A_2305, %gather3A_2306] : memref<2x80x16xf32, #tpu.memory_space<vmem>> -> memref<1x80x16xf32, #tpu.memory_space<vmem>>
      %gather3A_2308 = tpu.memref_squeeze %gather3A_2307 : memref<1x80x16xf32, #tpu.memory_space<vmem>> -> memref<80x16xf32, #tpu.memory_space<vmem>>
      %gather3A_2309 = tpu.vector_load_idx %gather3A_2308[%add3A_2277, %broadcast_in_dim3A_2303] : memref<80x16xf32, #tpu.memory_space<vmem>>[vector<16xi32>, vector<16xi32>], vector<16xf32>,
      %broadcast_in_dim3A_2310 = arith.constant 137 : i32
      %broadcast_in_dim3A_2311 = vector.broadcast %broadcast_in_dim3A_2310 : i32 to vector<16xi32>
      %gather3A_2312 = arith.constant 1 : i32
      %gather3A_2313 = arith.constant 0 : i32
      %gather3A_2314 = arith.constant 0 : i32
      %gather3A_2315 = tpu.memref_slice %arg13[%gather3A_2312, %gather3A_2313, %gather3A_2314] : memref<2x80x144xf32, #tpu.memory_space<vmem>> -> memref<1x80x144xf32, #tpu.memory_space<vmem>>
      %gather3A_2316 = tpu.memref_squeeze %gather3A_2315 : memref<1x80x144xf32, #tpu.memory_space<vmem>> -> memref<80x144xf32, #tpu.memory_space<vmem>>
      %gather3A_2317 = tpu.vector_load_idx %gather3A_2316[%add3A_2277, %broadcast_in_dim3A_2311] : memref<80x144xf32, #tpu.memory_space<vmem>>[vector<16xi32>, vector<16xi32>], vector<16xf32>,
      %add3A_2318 = arith.addf %gather3A_2309, %gather3A_2317 : vector<16xf32>
      %ge3A_2319 = arith.constant 0.000000e+00 : f32
      %ge3A_2320 = vector.broadcast %ge3A_2319 : f32 to vector<16xf32>
      %ge3A_2321 = arith.cmpf oge, %add3A_2318, %ge3A_2320 : vector<16xf32>
      %mul3A_2322 = arith.constant 2.000000e-01 : f32
      %mul3A_2323 = vector.broadcast %mul3A_2322 : f32 to vector<16xf32>
      %mul3A_2324 = arith.mulf %mul3A_2323, %add3A_2318 : vector<16xf32>
      %select_n3A_2325 = arith.select %ge3A_2321, %add3A_2318, %mul3A_2324 : vector<16xi1>, vector<16xf32>
      %broadcast_in_dim3A_2326 = arith.constant 2 : i32
      %broadcast_in_dim3A_2327 = vector.broadcast %broadcast_in_dim3A_2326 : i32 to vector<16xi32>
      %gather3A_2328 = arith.constant 1 : i32
      %gather3A_2329 = arith.constant 0 : i32
      %gather3A_2330 = arith.constant 0 : i32
      %gather3A_2331 = tpu.memref_slice %arg12[%gather3A_2328, %gather3A_2329, %gather3A_2330] : memref<2x80x16xf32, #tpu.memory_space<vmem>> -> memref<1x80x16xf32, #tpu.memory_space<vmem>>
      %gather3A_2332 = tpu.memref_squeeze %gather3A_2331 : memref<1x80x16xf32, #tpu.memory_space<vmem>> -> memref<80x16xf32, #tpu.memory_space<vmem>>
      %gather3A_2333 = tpu.vector_load_idx %gather3A_2332[%add3A_2277, %broadcast_in_dim3A_2327] : memref<80x16xf32, #tpu.memory_space<vmem>>[vector<16xi32>, vector<16xi32>], vector<16xf32>,
      %broadcast_in_dim3A_2334 = arith.constant 138 : i32
      %broadcast_in_dim3A_2335 = vector.broadcast %broadcast_in_dim3A_2334 : i32 to vector<16xi32>
      %gather3A_2336 = arith.constant 1 : i32
      %gather3A_2337 = arith.constant 0 : i32
      %gather3A_2338 = arith.constant 0 : i32
      %gather3A_2339 = tpu.memref_slice %arg13[%gather3A_2336, %gather3A_2337, %gather3A_2338] : memref<2x80x144xf32, #tpu.memory_space<vmem>> -> memref<1x80x144xf32, #tpu.memory_space<vmem>>
      %gather3A_2340 = tpu.memref_squeeze %gather3A_2339 : memref<1x80x144xf32, #tpu.memory_space<vmem>> -> memref<80x144xf32, #tpu.memory_space<vmem>>
      %gather3A_2341 = tpu.vector_load_idx %gather3A_2340[%add3A_2277, %broadcast_in_dim3A_2335] : memref<80x144xf32, #tpu.memory_space<vmem>>[vector<16xi32>, vector<16xi32>], vector<16xf32>,
      %add3A_2342 = arith.addf %gather3A_2333, %gather3A_2341 : vector<16xf32>
      %ge3A_2343 = arith.constant 0.000000e+00 : f32
      %ge3A_2344 = vector.broadcast %ge3A_2343 : f32 to vector<16xf32>
      %ge3A_2345 = arith.cmpf oge, %add3A_2342, %ge3A_2344 : vector<16xf32>
      %mul3A_2346 = arith.constant 2.000000e-01 : f32
      %mul3A_2347 = vector.broadcast %mul3A_2346 : f32 to vector<16xf32>
      %mul3A_2348 = arith.mulf %mul3A_2347, %add3A_2342 : vector<16xf32>
      %select_n3A_2349 = arith.select %ge3A_2345, %add3A_2342, %mul3A_2348 : vector<16xi1>, vector<16xf32>
      %broadcast_in_dim3A_2350 = arith.constant 3 : i32
      %broadcast_in_dim3A_2351 = vector.broadcast %broadcast_in_dim3A_2350 : i32 to vector<16xi32>
      %gather3A_2352 = arith.constant 1 : i32
      %gather3A_2353 = arith.constant 0 : i32
      %gather3A_2354 = arith.constant 0 : i32
      %gather3A_2355 = tpu.memref_slice %arg12[%gather3A_2352, %gather3A_2353, %gather3A_2354] : memref<2x80x16xf32, #tpu.memory_space<vmem>> -> memref<1x80x16xf32, #tpu.memory_space<vmem>>
      %gather3A_2356 = tpu.memref_squeeze %gather3A_2355 : memref<1x80x16xf32, #tpu.memory_space<vmem>> -> memref<80x16xf32, #tpu.memory_space<vmem>>
      %gather3A_2357 = tpu.vector_load_idx %gather3A_2356[%add3A_2277, %broadcast_in_dim3A_2351] : memref<80x16xf32, #tpu.memory_space<vmem>>[vector<16xi32>, vector<16xi32>], vector<16xf32>,
      %broadcast_in_dim3A_2358 = arith.constant 139 : i32
      %broadcast_in_dim3A_2359 = vector.broadcast %broadcast_in_dim3A_2358 : i32 to vector<16xi32>
      %gather3A_2360 = arith.constant 1 : i32
      %gather3A_2361 = arith.constant 0 : i32
      %gather3A_2362 = arith.constant 0 : i32
      %gather3A_2363 = tpu.memref_slice %arg13[%gather3A_2360, %gather3A_2361, %gather3A_2362] : memref<2x80x144xf32, #tpu.memory_space<vmem>> -> memref<1x80x144xf32, #tpu.memory_space<vmem>>
      %gather3A_2364 = tpu.memref_squeeze %gather3A_2363 : memref<1x80x144xf32, #tpu.memory_space<vmem>> -> memref<80x144xf32, #tpu.memory_space<vmem>>
      %gather3A_2365 = tpu.vector_load_idx %gather3A_2364[%add3A_2277, %broadcast_in_dim3A_2359] : memref<80x144xf32, #tpu.memory_space<vmem>>[vector<16xi32>, vector<16xi32>], vector<16xf32>,
      %add3A_2366 = arith.addf %gather3A_2357, %gather3A_2365 : vector<16xf32>
      %ge3A_2367 = arith.constant 0.000000e+00 : f32
      %ge3A_2368 = vector.broadcast %ge3A_2367 : f32 to vector<16xf32>
      %ge3A_2369 = arith.cmpf oge, %add3A_2366, %ge3A_2368 : vector<16xf32>
      %mul3A_2370 = arith.constant 2.000000e-01 : f32
      %mul3A_2371 = vector.broadcast %mul3A_2370 : f32 to vector<16xf32>
      %mul3A_2372 = arith.mulf %mul3A_2371, %add3A_2366 : vector<16xf32>
      %select_n3A_2373 = arith.select %ge3A_2369, %add3A_2366, %mul3A_2372 : vector<16xi1>, vector<16xf32>
      %broadcast_in_dim3A_2374 = arith.constant 4 : i32
      %broadcast_in_dim3A_2375 = vector.broadcast %broadcast_in_dim3A_2374 : i32 to vector<16xi32>
      %gather3A_2376 = arith.constant 1 : i32
      %gather3A_2377 = arith.constant 0 : i32
      %gather3A_2378 = arith.constant 0 : i32
      %gather3A_2379 = tpu.memref_slice %arg12[%gather3A_2376, %gather3A_2377, %gather3A_2378] : memref<2x80x16xf32, #tpu.memory_space<vmem>> -> memref<1x80x16xf32, #tpu.memory_space<vmem>>
      %gather3A_2380 = tpu.memref_squeeze %gather3A_2379 : memref<1x80x16xf32, #tpu.memory_space<vmem>> -> memref<80x16xf32, #tpu.memory_space<vmem>>
      %gather3A_2381 = tpu.vector_load_idx %gather3A_2380[%add3A_2277, %broadcast_in_dim3A_2375] : memref<80x16xf32, #tpu.memory_space<vmem>>[vector<16xi32>, vector<16xi32>], vector<16xf32>,
      %broadcast_in_dim3A_2382 = arith.constant 140 : i32
      %broadcast_in_dim3A_2383 = vector.broadcast %broadcast_in_dim3A_2382 : i32 to vector<16xi32>
      %gather3A_2384 = arith.constant 1 : i32
      %gather3A_2385 = arith.constant 0 : i32
      %gather3A_2386 = arith.constant 0 : i32
      %gather3A_2387 = tpu.memref_slice %arg13[%gather3A_2384, %gather3A_2385, %gather3A_2386] : memref<2x80x144xf32, #tpu.memory_space<vmem>> -> memref<1x80x144xf32, #tpu.memory_space<vmem>>
      %gather3A_2388 = tpu.memref_squeeze %gather3A_2387 : memref<1x80x144xf32, #tpu.memory_space<vmem>> -> memref<80x144xf32, #tpu.memory_space<vmem>>
      %gather3A_2389 = tpu.vector_load_idx %gather3A_2388[%add3A_2277, %broadcast_in_dim3A_2383] : memref<80x144xf32, #tpu.memory_space<vmem>>[vector<16xi32>, vector<16xi32>], vector<16xf32>,
      %add3A_2390 = arith.addf %gather3A_2381, %gather3A_2389 : vector<16xf32>
      %ge3A_2391 = arith.constant 0.000000e+00 : f32
      %ge3A_2392 = vector.broadcast %ge3A_2391 : f32 to vector<16xf32>
      %ge3A_2393 = arith.cmpf oge, %add3A_2390, %ge3A_2392 : vector<16xf32>
      %mul3A_2394 = arith.constant 2.000000e-01 : f32
      %mul3A_2395 = vector.broadcast %mul3A_2394 : f32 to vector<16xf32>
      %mul3A_2396 = arith.mulf %mul3A_2395, %add3A_2390 : vector<16xf32>
      %select_n3A_2397 = arith.select %ge3A_2393, %add3A_2390, %mul3A_2396 : vector<16xi1>, vector<16xf32>
      %broadcast_in_dim3A_2398 = arith.constant 5 : i32
      %broadcast_in_dim3A_2399 = vector.broadcast %broadcast_in_dim3A_2398 : i32 to vector<16xi32>
      %gather3A_2400 = arith.constant 1 : i32
      %gather3A_2401 = arith.constant 0 : i32
      %gather3A_2402 = arith.constant 0 : i32
      %gather3A_2403 = tpu.memref_slice %arg12[%gather3A_2400, %gather3A_2401, %gather3A_2402] : memref<2x80x16xf32, #tpu.memory_space<vmem>> -> memref<1x80x16xf32, #tpu.memory_space<vmem>>
      %gather3A_2404 = tpu.memref_squeeze %gather3A_2403 : memref<1x80x16xf32, #tpu.memory_space<vmem>> -> memref<80x16xf32, #tpu.memory_space<vmem>>
      %gather3A_2405 = tpu.vector_load_idx %gather3A_2404[%add3A_2277, %broadcast_in_dim3A_2399] : memref<80x16xf32, #tpu.memory_space<vmem>>[vector<16xi32>, vector<16xi32>], vector<16xf32>,
      %broadcast_in_dim3A_2406 = arith.constant 141 : i32
      %broadcast_in_dim3A_2407 = vector.broadcast %broadcast_in_dim3A_2406 : i32 to vector<16xi32>
      %gather3A_2408 = arith.constant 1 : i32
      %gather3A_2409 = arith.constant 0 : i32
      %gather3A_2410 = arith.constant 0 : i32
      %gather3A_2411 = tpu.memref_slice %arg13[%gather3A_2408, %gather3A_2409, %gather3A_2410] : memref<2x80x144xf32, #tpu.memory_space<vmem>> -> memref<1x80x144xf32, #tpu.memory_space<vmem>>
      %gather3A_2412 = tpu.memref_squeeze %gather3A_2411 : memref<1x80x144xf32, #tpu.memory_space<vmem>> -> memref<80x144xf32, #tpu.memory_space<vmem>>
      %gather3A_2413 = tpu.vector_load_idx %gather3A_2412[%add3A_2277, %broadcast_in_dim3A_2407] : memref<80x144xf32, #tpu.memory_space<vmem>>[vector<16xi32>, vector<16xi32>], vector<16xf32>,
      %add3A_2414 = arith.addf %gather3A_2405, %gather3A_2413 : vector<16xf32>
      %ge3A_2415 = arith.constant 0.000000e+00 : f32
      %ge3A_2416 = vector.broadcast %ge3A_2415 : f32 to vector<16xf32>
      %ge3A_2417 = arith.cmpf oge, %add3A_2414, %ge3A_2416 : vector<16xf32>
      %mul3A_2418 = arith.constant 2.000000e-01 : f32
      %mul3A_2419 = vector.broadcast %mul3A_2418 : f32 to vector<16xf32>
      %mul3A_2420 = arith.mulf %mul3A_2419, %add3A_2414 : vector<16xf32>
      %select_n3A_2421 = arith.select %ge3A_2417, %add3A_2414, %mul3A_2420 : vector<16xi1>, vector<16xf32>
      %broadcast_in_dim3A_2422 = arith.constant 6 : i32
      %broadcast_in_dim3A_2423 = vector.broadcast %broadcast_in_dim3A_2422 : i32 to vector<16xi32>
      %gather3A_2424 = arith.constant 1 : i32
      %gather3A_2425 = arith.constant 0 : i32
      %gather3A_2426 = arith.constant 0 : i32
      %gather3A_2427 = tpu.memref_slice %arg12[%gather3A_2424, %gather3A_2425, %gather3A_2426] : memref<2x80x16xf32, #tpu.memory_space<vmem>> -> memref<1x80x16xf32, #tpu.memory_space<vmem>>
      %gather3A_2428 = tpu.memref_squeeze %gather3A_2427 : memref<1x80x16xf32, #tpu.memory_space<vmem>> -> memref<80x16xf32, #tpu.memory_space<vmem>>
      %gather3A_2429 = tpu.vector_load_idx %gather3A_2428[%add3A_2277, %broadcast_in_dim3A_2423] : memref<80x16xf32, #tpu.memory_space<vmem>>[vector<16xi32>, vector<16xi32>], vector<16xf32>,
      %broadcast_in_dim3A_2430 = arith.constant 142 : i32
      %broadcast_in_dim3A_2431 = vector.broadcast %broadcast_in_dim3A_2430 : i32 to vector<16xi32>
      %gather3A_2432 = arith.constant 1 : i32
      %gather3A_2433 = arith.constant 0 : i32
      %gather3A_2434 = arith.constant 0 : i32
      %gather3A_2435 = tpu.memref_slice %arg13[%gather3A_2432, %gather3A_2433, %gather3A_2434] : memref<2x80x144xf32, #tpu.memory_space<vmem>> -> memref<1x80x144xf32, #tpu.memory_space<vmem>>
      %gather3A_2436 = tpu.memref_squeeze %gather3A_2435 : memref<1x80x144xf32, #tpu.memory_space<vmem>> -> memref<80x144xf32, #tpu.memory_space<vmem>>
      %gather3A_2437 = tpu.vector_load_idx %gather3A_2436[%add3A_2277, %broadcast_in_dim3A_2431] : memref<80x144xf32, #tpu.memory_space<vmem>>[vector<16xi32>, vector<16xi32>], vector<16xf32>,
      %add3A_2438 = arith.addf %gather3A_2429, %gather3A_2437 : vector<16xf32>
      %ge3A_2439 = arith.constant 0.000000e+00 : f32
      %ge3A_2440 = vector.broadcast %ge3A_2439 : f32 to vector<16xf32>
      %ge3A_2441 = arith.cmpf oge, %add3A_2438, %ge3A_2440 : vector<16xf32>
      %mul3A_2442 = arith.constant 2.000000e-01 : f32
      %mul3A_2443 = vector.broadcast %mul3A_2442 : f32 to vector<16xf32>
      %mul3A_2444 = arith.mulf %mul3A_2443, %add3A_2438 : vector<16xf32>
      %select_n3A_2445 = arith.select %ge3A_2441, %add3A_2438, %mul3A_2444 : vector<16xi1>, vector<16xf32>
      %broadcast_in_dim3A_2446 = arith.constant 7 : i32
      %broadcast_in_dim3A_2447 = vector.broadcast %broadcast_in_dim3A_2446 : i32 to vector<16xi32>
      %gather3A_2448 = arith.constant 1 : i32
      %gather3A_2449 = arith.constant 0 : i32
      %gather3A_2450 = arith.constant 0 : i32
      %gather3A_2451 = tpu.memref_slice %arg12[%gather3A_2448, %gather3A_2449, %gather3A_2450] : memref<2x80x16xf32, #tpu.memory_space<vmem>> -> memref<1x80x16xf32, #tpu.memory_space<vmem>>
      %gather3A_2452 = tpu.memref_squeeze %gather3A_2451 : memref<1x80x16xf32, #tpu.memory_space<vmem>> -> memref<80x16xf32, #tpu.memory_space<vmem>>
      %gather3A_2453 = tpu.vector_load_idx %gather3A_2452[%add3A_2277, %broadcast_in_dim3A_2447] : memref<80x16xf32, #tpu.memory_space<vmem>>[vector<16xi32>, vector<16xi32>], vector<16xf32>,
      %broadcast_in_dim3A_2454 = arith.constant 143 : i32
      %broadcast_in_dim3A_2455 = vector.broadcast %broadcast_in_dim3A_2454 : i32 to vector<16xi32>
      %gather3A_2456 = arith.constant 1 : i32
      %gather3A_2457 = arith.constant 0 : i32
      %gather3A_2458 = arith.constant 0 : i32
      %gather3A_2459 = tpu.memref_slice %arg13[%gather3A_2456, %gather3A_2457, %gather3A_2458] : memref<2x80x144xf32, #tpu.memory_space<vmem>> -> memref<1x80x144xf32, #tpu.memory_space<vmem>>
      %gather3A_2460 = tpu.memref_squeeze %gather3A_2459 : memref<1x80x144xf32, #tpu.memory_space<vmem>> -> memref<80x144xf32, #tpu.memory_space<vmem>>
      %gather3A_2461 = tpu.vector_load_idx %gather3A_2460[%add3A_2277, %broadcast_in_dim3A_2455] : memref<80x144xf32, #tpu.memory_space<vmem>>[vector<16xi32>, vector<16xi32>], vector<16xf32>,
      %add3A_2462 = arith.addf %gather3A_2453, %gather3A_2461 : vector<16xf32>
      %ge3A_2463 = arith.constant 0.000000e+00 : f32
      %ge3A_2464 = vector.broadcast %ge3A_2463 : f32 to vector<16xf32>
      %ge3A_2465 = arith.cmpf oge, %add3A_2462, %ge3A_2464 : vector<16xf32>
      %mul3A_2466 = arith.constant 2.000000e-01 : f32
      %mul3A_2467 = vector.broadcast %mul3A_2466 : f32 to vector<16xf32>
      %mul3A_2468 = arith.mulf %mul3A_2467, %add3A_2462 : vector<16xf32>
      %select_n3A_2469 = arith.select %ge3A_2465, %add3A_2462, %mul3A_2468 : vector<16xi1>, vector<16xf32>
      %max3A_2470 = arith.maximumf %select_n3A_2301, %select_n3A_2325 : vector<16xf32>
      %max3A_2471 = arith.maximumf %max3A_2470, %select_n3A_2349 : vector<16xf32>
      %max3A_2472 = arith.maximumf %max3A_2471, %select_n3A_2373 : vector<16xf32>
      %max3A_2473 = arith.maximumf %max3A_2472, %select_n3A_2397 : vector<16xf32>
      %max3A_2474 = arith.maximumf %max3A_2473, %select_n3A_2421 : vector<16xf32>
      %max3A_2475 = arith.maximumf %max3A_2474, %select_n3A_2445 : vector<16xf32>
      %max3A_2476 = arith.maximumf %max3A_2475, %select_n3A_2469 : vector<16xf32>
      %sub3A_2477 = arith.subf %select_n3A_2301, %max3A_2476 : vector<16xf32>
      %exp3A_2478 = math.exp %sub3A_2477 : vector<16xf32>
      %sub3A_2479 = arith.subf %select_n3A_2325, %max3A_2476 : vector<16xf32>
      %exp3A_2480 = math.exp %sub3A_2479 : vector<16xf32>
      %sub3A_2481 = arith.subf %select_n3A_2349, %max3A_2476 : vector<16xf32>
      %exp3A_2482 = math.exp %sub3A_2481 : vector<16xf32>
      %sub3A_2483 = arith.subf %select_n3A_2373, %max3A_2476 : vector<16xf32>
      %exp3A_2484 = math.exp %sub3A_2483 : vector<16xf32>
      %sub3A_2485 = arith.subf %select_n3A_2397, %max3A_2476 : vector<16xf32>
      %exp3A_2486 = math.exp %sub3A_2485 : vector<16xf32>
      %sub3A_2487 = arith.subf %select_n3A_2421, %max3A_2476 : vector<16xf32>
      %exp3A_2488 = math.exp %sub3A_2487 : vector<16xf32>
      %sub3A_2489 = arith.subf %select_n3A_2445, %max3A_2476 : vector<16xf32>
      %exp3A_2490 = math.exp %sub3A_2489 : vector<16xf32>
      %sub3A_2491 = arith.subf %select_n3A_2469, %max3A_2476 : vector<16xf32>
      %exp3A_2492 = math.exp %sub3A_2491 : vector<16xf32>
      %add3A_2493 = arith.addf %exp3A_2478, %exp3A_2480 : vector<16xf32>
      %add3A_2494 = arith.addf %add3A_2493, %exp3A_2482 : vector<16xf32>
      %add3A_2495 = arith.addf %add3A_2494, %exp3A_2484 : vector<16xf32>
      %add3A_2496 = arith.addf %add3A_2495, %exp3A_2486 : vector<16xf32>
      %add3A_2497 = arith.addf %add3A_2496, %exp3A_2488 : vector<16xf32>
      %add3A_2498 = arith.addf %add3A_2497, %exp3A_2490 : vector<16xf32>
      %add3A_2499 = arith.addf %add3A_2498, %exp3A_2492 : vector<16xf32>
      %div3A_2500 = arith.constant 1.000000e+00 : f32
      %div3A_2501 = vector.broadcast %div3A_2500 : f32 to vector<16xf32>
      %div3A_2502 = arith.divf %div3A_2501, %add3A_2499 : vector<16xf32>
      %eq3A_2503 = arith.constant 0 : i32
      %eq3A_2504 = arith.cmpi eq, %arg0, %eq3A_2503 : i32
      %select_n3A_2505 = arith.select %eq3A_2504, %exp3A_2478, %exp3A_2486 : vector<16xf32>
      %mul3A_2506 = arith.mulf %select_n3A_2505, %div3A_2502 : vector<16xf32>
      %swap3A_2507 = arith.constant 0 : i32
      %swap3A_2508 = arith.index_cast %swap3A_2507 : i32 to index
      %swap3A_2509 = arith.constant 48 : index
      %swap3A_2510 = tpu.vector_load %arg14[%swap3A_2508, %swap3A_2509] {strides = array<i32>} : memref<4x80xf32, #tpu.memory_space<vmem>>, vector<16xf32>,
      tpu.vector_store %arg14[%swap3A_2508, %swap3A_2509], %mul3A_2506 {strides = array<i32>} : memref<4x80xf32, #tpu.memory_space<vmem>>, vector<16xf32>,
      %eq3A_2511 = arith.constant 0 : i32
      %eq3A_2512 = arith.cmpi eq, %arg0, %eq3A_2511 : i32
      %select_n3A_2513 = arith.select %eq3A_2512, %exp3A_2480, %exp3A_2488 : vector<16xf32>
      %mul3A_2514 = arith.mulf %select_n3A_2513, %div3A_2502 : vector<16xf32>
      %swap3A_2515 = arith.constant 1 : i32
      %swap3A_2516 = arith.index_cast %swap3A_2515 : i32 to index
      %swap3A_2517 = arith.constant 48 : index
      %swap3A_2518 = tpu.vector_load %arg14[%swap3A_2516, %swap3A_2517] {strides = array<i32>} : memref<4x80xf32, #tpu.memory_space<vmem>>, vector<16xf32>,
      tpu.vector_store %arg14[%swap3A_2516, %swap3A_2517], %mul3A_2514 {strides = array<i32>} : memref<4x80xf32, #tpu.memory_space<vmem>>, vector<16xf32>,
      %eq3A_2519 = arith.constant 0 : i32
      %eq3A_2520 = arith.cmpi eq, %arg0, %eq3A_2519 : i32
      %select_n3A_2521 = arith.select %eq3A_2520, %exp3A_2482, %exp3A_2490 : vector<16xf32>
      %mul3A_2522 = arith.mulf %select_n3A_2521, %div3A_2502 : vector<16xf32>
      %swap3A_2523 = arith.constant 2 : i32
      %swap3A_2524 = arith.index_cast %swap3A_2523 : i32 to index
      %swap3A_2525 = arith.constant 48 : index
      %swap3A_2526 = tpu.vector_load %arg14[%swap3A_2524, %swap3A_2525] {strides = array<i32>} : memref<4x80xf32, #tpu.memory_space<vmem>>, vector<16xf32>,
      tpu.vector_store %arg14[%swap3A_2524, %swap3A_2525], %mul3A_2522 {strides = array<i32>} : memref<4x80xf32, #tpu.memory_space<vmem>>, vector<16xf32>,
      %eq3A_2527 = arith.constant 0 : i32
      %eq3A_2528 = arith.cmpi eq, %arg0, %eq3A_2527 : i32
      %select_n3A_2529 = arith.select %eq3A_2528, %exp3A_2484, %exp3A_2492 : vector<16xf32>
      %mul3A_2530 = arith.mulf %select_n3A_2529, %div3A_2502 : vector<16xf32>
      %swap3A_2531 = arith.constant 3 : i32
      %swap3A_2532 = arith.index_cast %swap3A_2531 : i32 to index
      %swap3A_2533 = arith.constant 48 : index
      %swap3A_2534 = tpu.vector_load %arg14[%swap3A_2532, %swap3A_2533] {strides = array<i32>} : memref<4x80xf32, #tpu.memory_space<vmem>>, vector<16xf32>,
      tpu.vector_store %arg14[%swap3A_2532, %swap3A_2533], %mul3A_2530 {strides = array<i32>} : memref<4x80xf32, #tpu.memory_space<vmem>>, vector<16xf32>,
      %add3A_2535 = arith.constant 64 : i32
      %add3A_2536 = vector.broadcast %add3A_2535 : i32 to vector<16xi32>
      %add3A_2537 = arith.addi %iota3A, %add3A_2536 : vector<16xi32>
      %broadcast_in_dim3A_2538 = arith.constant 0 : i32
      %broadcast_in_dim3A_2539 = vector.broadcast %broadcast_in_dim3A_2538 : i32 to vector<16xi32>
      %gather3A_2540 = arith.constant 1 : i32
      %gather3A_2541 = arith.constant 0 : i32
      %gather3A_2542 = arith.constant 0 : i32
      %gather3A_2543 = tpu.memref_slice %arg12[%gather3A_2540, %gather3A_2541, %gather3A_2542] : memref<2x80x16xf32, #tpu.memory_space<vmem>> -> memref<1x80x16xf32, #tpu.memory_space<vmem>>
      %gather3A_2544 = tpu.memref_squeeze %gather3A_2543 : memref<1x80x16xf32, #tpu.memory_space<vmem>> -> memref<80x16xf32, #tpu.memory_space<vmem>>
      %gather3A_2545 = tpu.vector_load_idx %gather3A_2544[%add3A_2537, %broadcast_in_dim3A_2539] : memref<80x16xf32, #tpu.memory_space<vmem>>[vector<16xi32>, vector<16xi32>], vector<16xf32>,
      %broadcast_in_dim3A_2546 = arith.constant 136 : i32
      %broadcast_in_dim3A_2547 = vector.broadcast %broadcast_in_dim3A_2546 : i32 to vector<16xi32>
      %gather3A_2548 = arith.constant 1 : i32
      %gather3A_2549 = arith.constant 0 : i32
      %gather3A_2550 = arith.constant 0 : i32
      %gather3A_2551 = tpu.memref_slice %arg13[%gather3A_2548, %gather3A_2549, %gather3A_2550] : memref<2x80x144xf32, #tpu.memory_space<vmem>> -> memref<1x80x144xf32, #tpu.memory_space<vmem>>
      %gather3A_2552 = tpu.memref_squeeze %gather3A_2551 : memref<1x80x144xf32, #tpu.memory_space<vmem>> -> memref<80x144xf32, #tpu.memory_space<vmem>>
      %gather3A_2553 = tpu.vector_load_idx %gather3A_2552[%add3A_2537, %broadcast_in_dim3A_2547] : memref<80x144xf32, #tpu.memory_space<vmem>>[vector<16xi32>, vector<16xi32>], vector<16xf32>,
      %add3A_2554 = arith.addf %gather3A_2545, %gather3A_2553 : vector<16xf32>
      %ge3A_2555 = arith.constant 0.000000e+00 : f32
      %ge3A_2556 = vector.broadcast %ge3A_2555 : f32 to vector<16xf32>
      %ge3A_2557 = arith.cmpf oge, %add3A_2554, %ge3A_2556 : vector<16xf32>
      %mul3A_2558 = arith.constant 2.000000e-01 : f32
      %mul3A_2559 = vector.broadcast %mul3A_2558 : f32 to vector<16xf32>
      %mul3A_2560 = arith.mulf %mul3A_2559, %add3A_2554 : vector<16xf32>
      %select_n3A_2561 = arith.select %ge3A_2557, %add3A_2554, %mul3A_2560 : vector<16xi1>, vector<16xf32>
      %broadcast_in_dim3A_2562 = arith.constant 1 : i32
      %broadcast_in_dim3A_2563 = vector.broadcast %broadcast_in_dim3A_2562 : i32 to vector<16xi32>
      %gather3A_2564 = arith.constant 1 : i32
      %gather3A_2565 = arith.constant 0 : i32
      %gather3A_2566 = arith.constant 0 : i32
      %gather3A_2567 = tpu.memref_slice %arg12[%gather3A_2564, %gather3A_2565, %gather3A_2566] : memref<2x80x16xf32, #tpu.memory_space<vmem>> -> memref<1x80x16xf32, #tpu.memory_space<vmem>>
      %gather3A_2568 = tpu.memref_squeeze %gather3A_2567 : memref<1x80x16xf32, #tpu.memory_space<vmem>> -> memref<80x16xf32, #tpu.memory_space<vmem>>
      %gather3A_2569 = tpu.vector_load_idx %gather3A_2568[%add3A_2537, %broadcast_in_dim3A_2563] : memref<80x16xf32, #tpu.memory_space<vmem>>[vector<16xi32>, vector<16xi32>], vector<16xf32>,
      %broadcast_in_dim3A_2570 = arith.constant 137 : i32
      %broadcast_in_dim3A_2571 = vector.broadcast %broadcast_in_dim3A_2570 : i32 to vector<16xi32>
      %gather3A_2572 = arith.constant 1 : i32
      %gather3A_2573 = arith.constant 0 : i32
      %gather3A_2574 = arith.constant 0 : i32
      %gather3A_2575 = tpu.memref_slice %arg13[%gather3A_2572, %gather3A_2573, %gather3A_2574] : memref<2x80x144xf32, #tpu.memory_space<vmem>> -> memref<1x80x144xf32, #tpu.memory_space<vmem>>
      %gather3A_2576 = tpu.memref_squeeze %gather3A_2575 : memref<1x80x144xf32, #tpu.memory_space<vmem>> -> memref<80x144xf32, #tpu.memory_space<vmem>>
      %gather3A_2577 = tpu.vector_load_idx %gather3A_2576[%add3A_2537, %broadcast_in_dim3A_2571] : memref<80x144xf32, #tpu.memory_space<vmem>>[vector<16xi32>, vector<16xi32>], vector<16xf32>,
      %add3A_2578 = arith.addf %gather3A_2569, %gather3A_2577 : vector<16xf32>
      %ge3A_2579 = arith.constant 0.000000e+00 : f32
      %ge3A_2580 = vector.broadcast %ge3A_2579 : f32 to vector<16xf32>
      %ge3A_2581 = arith.cmpf oge, %add3A_2578, %ge3A_2580 : vector<16xf32>
      %mul3A_2582 = arith.constant 2.000000e-01 : f32
      %mul3A_2583 = vector.broadcast %mul3A_2582 : f32 to vector<16xf32>
      %mul3A_2584 = arith.mulf %mul3A_2583, %add3A_2578 : vector<16xf32>
      %select_n3A_2585 = arith.select %ge3A_2581, %add3A_2578, %mul3A_2584 : vector<16xi1>, vector<16xf32>
      %broadcast_in_dim3A_2586 = arith.constant 2 : i32
      %broadcast_in_dim3A_2587 = vector.broadcast %broadcast_in_dim3A_2586 : i32 to vector<16xi32>
      %gather3A_2588 = arith.constant 1 : i32
      %gather3A_2589 = arith.constant 0 : i32
      %gather3A_2590 = arith.constant 0 : i32
      %gather3A_2591 = tpu.memref_slice %arg12[%gather3A_2588, %gather3A_2589, %gather3A_2590] : memref<2x80x16xf32, #tpu.memory_space<vmem>> -> memref<1x80x16xf32, #tpu.memory_space<vmem>>
      %gather3A_2592 = tpu.memref_squeeze %gather3A_2591 : memref<1x80x16xf32, #tpu.memory_space<vmem>> -> memref<80x16xf32, #tpu.memory_space<vmem>>
      %gather3A_2593 = tpu.vector_load_idx %gather3A_2592[%add3A_2537, %broadcast_in_dim3A_2587] : memref<80x16xf32, #tpu.memory_space<vmem>>[vector<16xi32>, vector<16xi32>], vector<16xf32>,
      %broadcast_in_dim3A_2594 = arith.constant 138 : i32
      %broadcast_in_dim3A_2595 = vector.broadcast %broadcast_in_dim3A_2594 : i32 to vector<16xi32>
      %gather3A_2596 = arith.constant 1 : i32
      %gather3A_2597 = arith.constant 0 : i32
      %gather3A_2598 = arith.constant 0 : i32
      %gather3A_2599 = tpu.memref_slice %arg13[%gather3A_2596, %gather3A_2597, %gather3A_2598] : memref<2x80x144xf32, #tpu.memory_space<vmem>> -> memref<1x80x144xf32, #tpu.memory_space<vmem>>
      %gather3A_2600 = tpu.memref_squeeze %gather3A_2599 : memref<1x80x144xf32, #tpu.memory_space<vmem>> -> memref<80x144xf32, #tpu.memory_space<vmem>>
      %gather3A_2601 = tpu.vector_load_idx %gather3A_2600[%add3A_2537, %broadcast_in_dim3A_2595] : memref<80x144xf32, #tpu.memory_space<vmem>>[vector<16xi32>, vector<16xi32>], vector<16xf32>,
      %add3A_2602 = arith.addf %gather3A_2593, %gather3A_2601 : vector<16xf32>
      %ge3A_2603 = arith.constant 0.000000e+00 : f32
      %ge3A_2604 = vector.broadcast %ge3A_2603 : f32 to vector<16xf32>
      %ge3A_2605 = arith.cmpf oge, %add3A_2602, %ge3A_2604 : vector<16xf32>
      %mul3A_2606 = arith.constant 2.000000e-01 : f32
      %mul3A_2607 = vector.broadcast %mul3A_2606 : f32 to vector<16xf32>
      %mul3A_2608 = arith.mulf %mul3A_2607, %add3A_2602 : vector<16xf32>
      %select_n3A_2609 = arith.select %ge3A_2605, %add3A_2602, %mul3A_2608 : vector<16xi1>, vector<16xf32>
      %broadcast_in_dim3A_2610 = arith.constant 3 : i32
      %broadcast_in_dim3A_2611 = vector.broadcast %broadcast_in_dim3A_2610 : i32 to vector<16xi32>
      %gather3A_2612 = arith.constant 1 : i32
      %gather3A_2613 = arith.constant 0 : i32
      %gather3A_2614 = arith.constant 0 : i32
      %gather3A_2615 = tpu.memref_slice %arg12[%gather3A_2612, %gather3A_2613, %gather3A_2614] : memref<2x80x16xf32, #tpu.memory_space<vmem>> -> memref<1x80x16xf32, #tpu.memory_space<vmem>>
      %gather3A_2616 = tpu.memref_squeeze %gather3A_2615 : memref<1x80x16xf32, #tpu.memory_space<vmem>> -> memref<80x16xf32, #tpu.memory_space<vmem>>
      %gather3A_2617 = tpu.vector_load_idx %gather3A_2616[%add3A_2537, %broadcast_in_dim3A_2611] : memref<80x16xf32, #tpu.memory_space<vmem>>[vector<16xi32>, vector<16xi32>], vector<16xf32>,
      %broadcast_in_dim3A_2618 = arith.constant 139 : i32
      %broadcast_in_dim3A_2619 = vector.broadcast %broadcast_in_dim3A_2618 : i32 to vector<16xi32>
      %gather3A_2620 = arith.constant 1 : i32
      %gather3A_2621 = arith.constant 0 : i32
      %gather3A_2622 = arith.constant 0 : i32
      %gather3A_2623 = tpu.memref_slice %arg13[%gather3A_2620, %gather3A_2621, %gather3A_2622] : memref<2x80x144xf32, #tpu.memory_space<vmem>> -> memref<1x80x144xf32, #tpu.memory_space<vmem>>
      %gather3A_2624 = tpu.memref_squeeze %gather3A_2623 : memref<1x80x144xf32, #tpu.memory_space<vmem>> -> memref<80x144xf32, #tpu.memory_space<vmem>>
      %gather3A_2625 = tpu.vector_load_idx %gather3A_2624[%add3A_2537, %broadcast_in_dim3A_2619] : memref<80x144xf32, #tpu.memory_space<vmem>>[vector<16xi32>, vector<16xi32>], vector<16xf32>,
      %add3A_2626 = arith.addf %gather3A_2617, %gather3A_2625 : vector<16xf32>
      %ge3A_2627 = arith.constant 0.000000e+00 : f32
      %ge3A_2628 = vector.broadcast %ge3A_2627 : f32 to vector<16xf32>
      %ge3A_2629 = arith.cmpf oge, %add3A_2626, %ge3A_2628 : vector<16xf32>
      %mul3A_2630 = arith.constant 2.000000e-01 : f32
      %mul3A_2631 = vector.broadcast %mul3A_2630 : f32 to vector<16xf32>
      %mul3A_2632 = arith.mulf %mul3A_2631, %add3A_2626 : vector<16xf32>
      %select_n3A_2633 = arith.select %ge3A_2629, %add3A_2626, %mul3A_2632 : vector<16xi1>, vector<16xf32>
      %broadcast_in_dim3A_2634 = arith.constant 4 : i32
      %broadcast_in_dim3A_2635 = vector.broadcast %broadcast_in_dim3A_2634 : i32 to vector<16xi32>
      %gather3A_2636 = arith.constant 1 : i32
      %gather3A_2637 = arith.constant 0 : i32
      %gather3A_2638 = arith.constant 0 : i32
      %gather3A_2639 = tpu.memref_slice %arg12[%gather3A_2636, %gather3A_2637, %gather3A_2638] : memref<2x80x16xf32, #tpu.memory_space<vmem>> -> memref<1x80x16xf32, #tpu.memory_space<vmem>>
      %gather3A_2640 = tpu.memref_squeeze %gather3A_2639 : memref<1x80x16xf32, #tpu.memory_space<vmem>> -> memref<80x16xf32, #tpu.memory_space<vmem>>
      %gather3A_2641 = tpu.vector_load_idx %gather3A_2640[%add3A_2537, %broadcast_in_dim3A_2635] : memref<80x16xf32, #tpu.memory_space<vmem>>[vector<16xi32>, vector<16xi32>], vector<16xf32>,
      %broadcast_in_dim3A_2642 = arith.constant 140 : i32
      %broadcast_in_dim3A_2643 = vector.broadcast %broadcast_in_dim3A_2642 : i32 to vector<16xi32>
      %gather3A_2644 = arith.constant 1 : i32
      %gather3A_2645 = arith.constant 0 : i32
      %gather3A_2646 = arith.constant 0 : i32
      %gather3A_2647 = tpu.memref_slice %arg13[%gather3A_2644, %gather3A_2645, %gather3A_2646] : memref<2x80x144xf32, #tpu.memory_space<vmem>> -> memref<1x80x144xf32, #tpu.memory_space<vmem>>
      %gather3A_2648 = tpu.memref_squeeze %gather3A_2647 : memref<1x80x144xf32, #tpu.memory_space<vmem>> -> memref<80x144xf32, #tpu.memory_space<vmem>>
      %gather3A_2649 = tpu.vector_load_idx %gather3A_2648[%add3A_2537, %broadcast_in_dim3A_2643] : memref<80x144xf32, #tpu.memory_space<vmem>>[vector<16xi32>, vector<16xi32>], vector<16xf32>,
      %add3A_2650 = arith.addf %gather3A_2641, %gather3A_2649 : vector<16xf32>
      %ge3A_2651 = arith.constant 0.000000e+00 : f32
      %ge3A_2652 = vector.broadcast %ge3A_2651 : f32 to vector<16xf32>
      %ge3A_2653 = arith.cmpf oge, %add3A_2650, %ge3A_2652 : vector<16xf32>
      %mul3A_2654 = arith.constant 2.000000e-01 : f32
      %mul3A_2655 = vector.broadcast %mul3A_2654 : f32 to vector<16xf32>
      %mul3A_2656 = arith.mulf %mul3A_2655, %add3A_2650 : vector<16xf32>
      %select_n3A_2657 = arith.select %ge3A_2653, %add3A_2650, %mul3A_2656 : vector<16xi1>, vector<16xf32>
      %broadcast_in_dim3A_2658 = arith.constant 5 : i32
      %broadcast_in_dim3A_2659 = vector.broadcast %broadcast_in_dim3A_2658 : i32 to vector<16xi32>
      %gather3A_2660 = arith.constant 1 : i32
      %gather3A_2661 = arith.constant 0 : i32
      %gather3A_2662 = arith.constant 0 : i32
      %gather3A_2663 = tpu.memref_slice %arg12[%gather3A_2660, %gather3A_2661, %gather3A_2662] : memref<2x80x16xf32, #tpu.memory_space<vmem>> -> memref<1x80x16xf32, #tpu.memory_space<vmem>>
      %gather3A_2664 = tpu.memref_squeeze %gather3A_2663 : memref<1x80x16xf32, #tpu.memory_space<vmem>> -> memref<80x16xf32, #tpu.memory_space<vmem>>
      %gather3A_2665 = tpu.vector_load_idx %gather3A_2664[%add3A_2537, %broadcast_in_dim3A_2659] : memref<80x16xf32, #tpu.memory_space<vmem>>[vector<16xi32>, vector<16xi32>], vector<16xf32>,
      %broadcast_in_dim3A_2666 = arith.constant 141 : i32
      %broadcast_in_dim3A_2667 = vector.broadcast %broadcast_in_dim3A_2666 : i32 to vector<16xi32>
      %gather3A_2668 = arith.constant 1 : i32
      %gather3A_2669 = arith.constant 0 : i32
      %gather3A_2670 = arith.constant 0 : i32
      %gather3A_2671 = tpu.memref_slice %arg13[%gather3A_2668, %gather3A_2669, %gather3A_2670] : memref<2x80x144xf32, #tpu.memory_space<vmem>> -> memref<1x80x144xf32, #tpu.memory_space<vmem>>
      %gather3A_2672 = tpu.memref_squeeze %gather3A_2671 : memref<1x80x144xf32, #tpu.memory_space<vmem>> -> memref<80x144xf32, #tpu.memory_space<vmem>>
      %gather3A_2673 = tpu.vector_load_idx %gather3A_2672[%add3A_2537, %broadcast_in_dim3A_2667] : memref<80x144xf32, #tpu.memory_space<vmem>>[vector<16xi32>, vector<16xi32>], vector<16xf32>,
      %add3A_2674 = arith.addf %gather3A_2665, %gather3A_2673 : vector<16xf32>
      %ge3A_2675 = arith.constant 0.000000e+00 : f32
      %ge3A_2676 = vector.broadcast %ge3A_2675 : f32 to vector<16xf32>
      %ge3A_2677 = arith.cmpf oge, %add3A_2674, %ge3A_2676 : vector<16xf32>
      %mul3A_2678 = arith.constant 2.000000e-01 : f32
      %mul3A_2679 = vector.broadcast %mul3A_2678 : f32 to vector<16xf32>
      %mul3A_2680 = arith.mulf %mul3A_2679, %add3A_2674 : vector<16xf32>
      %select_n3A_2681 = arith.select %ge3A_2677, %add3A_2674, %mul3A_2680 : vector<16xi1>, vector<16xf32>
      %broadcast_in_dim3A_2682 = arith.constant 6 : i32
      %broadcast_in_dim3A_2683 = vector.broadcast %broadcast_in_dim3A_2682 : i32 to vector<16xi32>
      %gather3A_2684 = arith.constant 1 : i32
      %gather3A_2685 = arith.constant 0 : i32
      %gather3A_2686 = arith.constant 0 : i32
      %gather3A_2687 = tpu.memref_slice %arg12[%gather3A_2684, %gather3A_2685, %gather3A_2686] : memref<2x80x16xf32, #tpu.memory_space<vmem>> -> memref<1x80x16xf32, #tpu.memory_space<vmem>>
      %gather3A_2688 = tpu.memref_squeeze %gather3A_2687 : memref<1x80x16xf32, #tpu.memory_space<vmem>> -> memref<80x16xf32, #tpu.memory_space<vmem>>
      %gather3A_2689 = tpu.vector_load_idx %gather3A_2688[%add3A_2537, %broadcast_in_dim3A_2683] : memref<80x16xf32, #tpu.memory_space<vmem>>[vector<16xi32>, vector<16xi32>], vector<16xf32>,
      %broadcast_in_dim3A_2690 = arith.constant 142 : i32
      %broadcast_in_dim3A_2691 = vector.broadcast %broadcast_in_dim3A_2690 : i32 to vector<16xi32>
      %gather3A_2692 = arith.constant 1 : i32
      %gather3A_2693 = arith.constant 0 : i32
      %gather3A_2694 = arith.constant 0 : i32
      %gather3A_2695 = tpu.memref_slice %arg13[%gather3A_2692, %gather3A_2693, %gather3A_2694] : memref<2x80x144xf32, #tpu.memory_space<vmem>> -> memref<1x80x144xf32, #tpu.memory_space<vmem>>
      %gather3A_2696 = tpu.memref_squeeze %gather3A_2695 : memref<1x80x144xf32, #tpu.memory_space<vmem>> -> memref<80x144xf32, #tpu.memory_space<vmem>>
      %gather3A_2697 = tpu.vector_load_idx %gather3A_2696[%add3A_2537, %broadcast_in_dim3A_2691] : memref<80x144xf32, #tpu.memory_space<vmem>>[vector<16xi32>, vector<16xi32>], vector<16xf32>,
      %add3A_2698 = arith.addf %gather3A_2689, %gather3A_2697 : vector<16xf32>
      %ge3A_2699 = arith.constant 0.000000e+00 : f32
      %ge3A_2700 = vector.broadcast %ge3A_2699 : f32 to vector<16xf32>
      %ge3A_2701 = arith.cmpf oge, %add3A_2698, %ge3A_2700 : vector<16xf32>
      %mul3A_2702 = arith.constant 2.000000e-01 : f32
      %mul3A_2703 = vector.broadcast %mul3A_2702 : f32 to vector<16xf32>
      %mul3A_2704 = arith.mulf %mul3A_2703, %add3A_2698 : vector<16xf32>
      %select_n3A_2705 = arith.select %ge3A_2701, %add3A_2698, %mul3A_2704 : vector<16xi1>, vector<16xf32>
      %broadcast_in_dim3A_2706 = arith.constant 7 : i32
      %broadcast_in_dim3A_2707 = vector.broadcast %broadcast_in_dim3A_2706 : i32 to vector<16xi32>
      %gather3A_2708 = arith.constant 1 : i32
      %gather3A_2709 = arith.constant 0 : i32
      %gather3A_2710 = arith.constant 0 : i32
      %gather3A_2711 = tpu.memref_slice %arg12[%gather3A_2708, %gather3A_2709, %gather3A_2710] : memref<2x80x16xf32, #tpu.memory_space<vmem>> -> memref<1x80x16xf32, #tpu.memory_space<vmem>>
      %gather3A_2712 = tpu.memref_squeeze %gather3A_2711 : memref<1x80x16xf32, #tpu.memory_space<vmem>> -> memref<80x16xf32, #tpu.memory_space<vmem>>
      %gather3A_2713 = tpu.vector_load_idx %gather3A_2712[%add3A_2537, %broadcast_in_dim3A_2707] : memref<80x16xf32, #tpu.memory_space<vmem>>[vector<16xi32>, vector<16xi32>], vector<16xf32>,
      %broadcast_in_dim3A_2714 = arith.constant 143 : i32
      %broadcast_in_dim3A_2715 = vector.broadcast %broadcast_in_dim3A_2714 : i32 to vector<16xi32>
      %gather3A_2716 = arith.constant 1 : i32
      %gather3A_2717 = arith.constant 0 : i32
      %gather3A_2718 = arith.constant 0 : i32
      %gather3A_2719 = tpu.memref_slice %arg13[%gather3A_2716, %gather3A_2717, %gather3A_2718] : memref<2x80x144xf32, #tpu.memory_space<vmem>> -> memref<1x80x144xf32, #tpu.memory_space<vmem>>
      %gather3A_2720 = tpu.memref_squeeze %gather3A_2719 : memref<1x80x144xf32, #tpu.memory_space<vmem>> -> memref<80x144xf32, #tpu.memory_space<vmem>>
      %gather3A_2721 = tpu.vector_load_idx %gather3A_2720[%add3A_2537, %broadcast_in_dim3A_2715] : memref<80x144xf32, #tpu.memory_space<vmem>>[vector<16xi32>, vector<16xi32>], vector<16xf32>,
      %add3A_2722 = arith.addf %gather3A_2713, %gather3A_2721 : vector<16xf32>
      %ge3A_2723 = arith.constant 0.000000e+00 : f32
      %ge3A_2724 = vector.broadcast %ge3A_2723 : f32 to vector<16xf32>
      %ge3A_2725 = arith.cmpf oge, %add3A_2722, %ge3A_2724 : vector<16xf32>
      %mul3A_2726 = arith.constant 2.000000e-01 : f32
      %mul3A_2727 = vector.broadcast %mul3A_2726 : f32 to vector<16xf32>
      %mul3A_2728 = arith.mulf %mul3A_2727, %add3A_2722 : vector<16xf32>
      %select_n3A_2729 = arith.select %ge3A_2725, %add3A_2722, %mul3A_2728 : vector<16xi1>, vector<16xf32>
      %max3A_2730 = arith.maximumf %select_n3A_2561, %select_n3A_2585 : vector<16xf32>
      %max3A_2731 = arith.maximumf %max3A_2730, %select_n3A_2609 : vector<16xf32>
      %max3A_2732 = arith.maximumf %max3A_2731, %select_n3A_2633 : vector<16xf32>
      %max3A_2733 = arith.maximumf %max3A_2732, %select_n3A_2657 : vector<16xf32>
      %max3A_2734 = arith.maximumf %max3A_2733, %select_n3A_2681 : vector<16xf32>
      %max3A_2735 = arith.maximumf %max3A_2734, %select_n3A_2705 : vector<16xf32>
      %max3A_2736 = arith.maximumf %max3A_2735, %select_n3A_2729 : vector<16xf32>
      %sub3A_2737 = arith.subf %select_n3A_2561, %max3A_2736 : vector<16xf32>
      %exp3A_2738 = math.exp %sub3A_2737 : vector<16xf32>
      %sub3A_2739 = arith.subf %select_n3A_2585, %max3A_2736 : vector<16xf32>
      %exp3A_2740 = math.exp %sub3A_2739 : vector<16xf32>
      %sub3A_2741 = arith.subf %select_n3A_2609, %max3A_2736 : vector<16xf32>
      %exp3A_2742 = math.exp %sub3A_2741 : vector<16xf32>
      %sub3A_2743 = arith.subf %select_n3A_2633, %max3A_2736 : vector<16xf32>
      %exp3A_2744 = math.exp %sub3A_2743 : vector<16xf32>
      %sub3A_2745 = arith.subf %select_n3A_2657, %max3A_2736 : vector<16xf32>
      %exp3A_2746 = math.exp %sub3A_2745 : vector<16xf32>
      %sub3A_2747 = arith.subf %select_n3A_2681, %max3A_2736 : vector<16xf32>
      %exp3A_2748 = math.exp %sub3A_2747 : vector<16xf32>
      %sub3A_2749 = arith.subf %select_n3A_2705, %max3A_2736 : vector<16xf32>
      %exp3A_2750 = math.exp %sub3A_2749 : vector<16xf32>
      %sub3A_2751 = arith.subf %select_n3A_2729, %max3A_2736 : vector<16xf32>
      %exp3A_2752 = math.exp %sub3A_2751 : vector<16xf32>
      %add3A_2753 = arith.addf %exp3A_2738, %exp3A_2740 : vector<16xf32>
      %add3A_2754 = arith.addf %add3A_2753, %exp3A_2742 : vector<16xf32>
      %add3A_2755 = arith.addf %add3A_2754, %exp3A_2744 : vector<16xf32>
      %add3A_2756 = arith.addf %add3A_2755, %exp3A_2746 : vector<16xf32>
      %add3A_2757 = arith.addf %add3A_2756, %exp3A_2748 : vector<16xf32>
      %add3A_2758 = arith.addf %add3A_2757, %exp3A_2750 : vector<16xf32>
      %add3A_2759 = arith.addf %add3A_2758, %exp3A_2752 : vector<16xf32>
      %div3A_2760 = arith.constant 1.000000e+00 : f32
      %div3A_2761 = vector.broadcast %div3A_2760 : f32 to vector<16xf32>
      %div3A_2762 = arith.divf %div3A_2761, %add3A_2759 : vector<16xf32>
      %eq3A_2763 = arith.constant 0 : i32
      %eq3A_2764 = arith.cmpi eq, %arg0, %eq3A_2763 : i32
      %select_n3A_2765 = arith.select %eq3A_2764, %exp3A_2738, %exp3A_2746 : vector<16xf32>
      %mul3A_2766 = arith.mulf %select_n3A_2765, %div3A_2762 : vector<16xf32>
      %swap3A_2767 = arith.constant 0 : i32
      %swap3A_2768 = arith.index_cast %swap3A_2767 : i32 to index
      %swap3A_2769 = arith.constant 64 : index
      %swap3A_2770 = tpu.vector_load %arg14[%swap3A_2768, %swap3A_2769] {strides = array<i32>} : memref<4x80xf32, #tpu.memory_space<vmem>>, vector<16xf32>,
      tpu.vector_store %arg14[%swap3A_2768, %swap3A_2769], %mul3A_2766 {strides = array<i32>} : memref<4x80xf32, #tpu.memory_space<vmem>>, vector<16xf32>,
      %eq3A_2771 = arith.constant 0 : i32
      %eq3A_2772 = arith.cmpi eq, %arg0, %eq3A_2771 : i32
      %select_n3A_2773 = arith.select %eq3A_2772, %exp3A_2740, %exp3A_2748 : vector<16xf32>
      %mul3A_2774 = arith.mulf %select_n3A_2773, %div3A_2762 : vector<16xf32>
      %swap3A_2775 = arith.constant 1 : i32
      %swap3A_2776 = arith.index_cast %swap3A_2775 : i32 to index
      %swap3A_2777 = arith.constant 64 : index
      %swap3A_2778 = tpu.vector_load %arg14[%swap3A_2776, %swap3A_2777] {strides = array<i32>} : memref<4x80xf32, #tpu.memory_space<vmem>>, vector<16xf32>,
      tpu.vector_store %arg14[%swap3A_2776, %swap3A_2777], %mul3A_2774 {strides = array<i32>} : memref<4x80xf32, #tpu.memory_space<vmem>>, vector<16xf32>,
      %eq3A_2779 = arith.constant 0 : i32
      %eq3A_2780 = arith.cmpi eq, %arg0, %eq3A_2779 : i32
      %select_n3A_2781 = arith.select %eq3A_2780, %exp3A_2742, %exp3A_2750 : vector<16xf32>
      %mul3A_2782 = arith.mulf %select_n3A_2781, %div3A_2762 : vector<16xf32>
      %swap3A_2783 = arith.constant 2 : i32
      %swap3A_2784 = arith.index_cast %swap3A_2783 : i32 to index
      %swap3A_2785 = arith.constant 64 : index
      %swap3A_2786 = tpu.vector_load %arg14[%swap3A_2784, %swap3A_2785] {strides = array<i32>} : memref<4x80xf32, #tpu.memory_space<vmem>>, vector<16xf32>,
      tpu.vector_store %arg14[%swap3A_2784, %swap3A_2785], %mul3A_2782 {strides = array<i32>} : memref<4x80xf32, #tpu.memory_space<vmem>>, vector<16xf32>,
      %eq3A_2787 = arith.constant 0 : i32
      %eq3A_2788 = arith.cmpi eq, %arg0, %eq3A_2787 : i32
      %select_n3A_2789 = arith.select %eq3A_2788, %exp3A_2744, %exp3A_2752 : vector<16xf32>
      %mul3A_2790 = arith.mulf %select_n3A_2789, %div3A_2762 : vector<16xf32>
      %swap3A_2791 = arith.constant 3 : i32
      %swap3A_2792 = arith.index_cast %swap3A_2791 : i32 to index
      %swap3A_2793 = arith.constant 64 : index
      %swap3A_2794 = tpu.vector_load %arg14[%swap3A_2792, %swap3A_2793] {strides = array<i32>} : memref<4x80xf32, #tpu.memory_space<vmem>>, vector<16xf32>,
      tpu.vector_store %arg14[%swap3A_2792, %swap3A_2793], %mul3A_2790 {strides = array<i32>} : memref<4x80xf32, #tpu.memory_space<vmem>>, vector<16xf32>,
      %scan3A_2795 = arith.constant 0 : i32
      %scan3A_2796 = arith.constant 0 : i32
      %scan3A_2797 = arith.constant 80 : i32
      %scan3A_2798 = arith.addi %scan3A_2796, %scan3A_2797 : i32
      %scan3A_2799 = arith.constant 4 : i32
      scf.for %scan3A_2813 = %scan3A_2796 to %scan3A_2798 step %scan3A_2799  : i32 {
        %broadcast_in_dim3A_2814 = vector.broadcast %scan3A_2813 : i32 to vector<16xi32>
        %broadcast_in_dim3A_2815 = arith.constant 0 : i32
        %broadcast_in_dim3A_2816 = vector.broadcast %broadcast_in_dim3A_2815 : i32 to vector<16xi32>
        %gather3A_2817 = tpu.vector_load_idx %arg14[%broadcast_in_dim3A_2816, %broadcast_in_dim3A_2814] : memref<4x80xf32, #tpu.memory_space<vmem>>[vector<16xi32>, vector<16xi32>], vector<16xf32>,
        %get3A_2818 = arith.constant 1 : i32
        %get3A_2819 = arith.index_cast %get3A_2818 : i32 to index
        %get3A_2820 = arith.index_cast %scan3A_2813 : i32 to index
        %get3A_2821 = arith.constant 0 : index
        %get3A_2822 = tpu.vector_load %arg13[%get3A_2819, %get3A_2820, %get3A_2821] {strides = array<i32>} : memref<2x80x144xf32, #tpu.memory_space<vmem>>, vector<16xf32>,
        %mul3A_2823 = arith.mulf %get3A_2822, %gather3A_2817 : vector<16xf32>
        %swap3A_2824 = arith.constant 1 : i32
        %swap3A_2825 = arith.index_cast %swap3A_2824 : i32 to index
        %swap3A_2826 = arith.index_cast %scan3A_2813 : i32 to index
        %swap3A_2827 = arith.constant 0 : index
        %swap3A_2828 = tpu.vector_load %arg13[%swap3A_2825, %swap3A_2826, %swap3A_2827] {strides = array<i32>} : memref<2x80x144xf32, #tpu.memory_space<vmem>>, vector<16xf32>,
        tpu.vector_store %arg13[%swap3A_2825, %swap3A_2826, %swap3A_2827], %mul3A_2823 {strides = array<i32>} : memref<2x80x144xf32, #tpu.memory_space<vmem>>, vector<16xf32>,
        %get3A_2829 = arith.constant 1 : i32
        %get3A_2830 = arith.index_cast %get3A_2829 : i32 to index
        %get3A_2831 = arith.index_cast %scan3A_2813 : i32 to index
        %get3A_2832 = arith.constant 16 : index
        %get3A_2833 = tpu.vector_load %arg13[%get3A_2830, %get3A_2831, %get3A_2832] {strides = array<i32>} : memref<2x80x144xf32, #tpu.memory_space<vmem>>, vector<16xf32>,
        %mul3A_2834 = arith.mulf %get3A_2833, %gather3A_2817 : vector<16xf32>
        %swap3A_2835 = arith.constant 1 : i32
        %swap3A_2836 = arith.index_cast %swap3A_2835 : i32 to index
        %swap3A_2837 = arith.index_cast %scan3A_2813 : i32 to index
        %swap3A_2838 = arith.constant 16 : index
        %swap3A_2839 = tpu.vector_load %arg13[%swap3A_2836, %swap3A_2837, %swap3A_2838] {strides = array<i32>} : memref<2x80x144xf32, #tpu.memory_space<vmem>>, vector<16xf32>,
        tpu.vector_store %arg13[%swap3A_2836, %swap3A_2837, %swap3A_2838], %mul3A_2834 {strides = array<i32>} : memref<2x80x144xf32, #tpu.memory_space<vmem>>, vector<16xf32>,
        %broadcast_in_dim3A_2840 = arith.constant 1 : i32
        %broadcast_in_dim3A_2841 = vector.broadcast %broadcast_in_dim3A_2840 : i32 to vector<16xi32>
        %gather3A_2842 = tpu.vector_load_idx %arg14[%broadcast_in_dim3A_2841, %broadcast_in_dim3A_2814] : memref<4x80xf32, #tpu.memory_space<vmem>>[vector<16xi32>, vector<16xi32>], vector<16xf32>,
        %get3A_2843 = arith.constant 1 : i32
        %get3A_2844 = arith.index_cast %get3A_2843 : i32 to index
        %get3A_2845 = arith.index_cast %scan3A_2813 : i32 to index
        %get3A_2846 = arith.constant 32 : index
        %get3A_2847 = tpu.vector_load %arg13[%get3A_2844, %get3A_2845, %get3A_2846] {strides = array<i32>} : memref<2x80x144xf32, #tpu.memory_space<vmem>>, vector<16xf32>,
        %mul3A_2848 = arith.mulf %get3A_2847, %gather3A_2842 : vector<16xf32>
        %swap3A_2849 = arith.constant 1 : i32
        %swap3A_2850 = arith.index_cast %swap3A_2849 : i32 to index
        %swap3A_2851 = arith.index_cast %scan3A_2813 : i32 to index
        %swap3A_2852 = arith.constant 32 : index
        %swap3A_2853 = tpu.vector_load %arg13[%swap3A_2850, %swap3A_2851, %swap3A_2852] {strides = array<i32>} : memref<2x80x144xf32, #tpu.memory_space<vmem>>, vector<16xf32>,
        tpu.vector_store %arg13[%swap3A_2850, %swap3A_2851, %swap3A_2852], %mul3A_2848 {strides = array<i32>} : memref<2x80x144xf32, #tpu.memory_space<vmem>>, vector<16xf32>,
        %get3A_2854 = arith.constant 1 : i32
        %get3A_2855 = arith.index_cast %get3A_2854 : i32 to index
        %get3A_2856 = arith.index_cast %scan3A_2813 : i32 to index
        %get3A_2857 = arith.constant 48 : index
        %get3A_2858 = tpu.vector_load %arg13[%get3A_2855, %get3A_2856, %get3A_2857] {strides = array<i32>} : memref<2x80x144xf32, #tpu.memory_space<vmem>>, vector<16xf32>,
        %mul3A_2859 = arith.mulf %get3A_2858, %gather3A_2842 : vector<16xf32>
        %swap3A_2860 = arith.constant 1 : i32
        %swap3A_2861 = arith.index_cast %swap3A_2860 : i32 to index
        %swap3A_2862 = arith.index_cast %scan3A_2813 : i32 to index
        %swap3A_2863 = arith.constant 48 : index
        %swap3A_2864 = tpu.vector_load %arg13[%swap3A_2861, %swap3A_2862, %swap3A_2863] {strides = array<i32>} : memref<2x80x144xf32, #tpu.memory_space<vmem>>, vector<16xf32>,
        tpu.vector_store %arg13[%swap3A_2861, %swap3A_2862, %swap3A_2863], %mul3A_2859 {strides = array<i32>} : memref<2x80x144xf32, #tpu.memory_space<vmem>>, vector<16xf32>,
        %broadcast_in_dim3A_2865 = arith.constant 2 : i32
        %broadcast_in_dim3A_2866 = vector.broadcast %broadcast_in_dim3A_2865 : i32 to vector<16xi32>
        %gather3A_2867 = tpu.vector_load_idx %arg14[%broadcast_in_dim3A_2866, %broadcast_in_dim3A_2814] : memref<4x80xf32, #tpu.memory_space<vmem>>[vector<16xi32>, vector<16xi32>], vector<16xf32>,
        %get3A_2868 = arith.constant 1 : i32
        %get3A_2869 = arith.index_cast %get3A_2868 : i32 to index
        %get3A_2870 = arith.index_cast %scan3A_2813 : i32 to index
        %get3A_2871 = arith.constant 64 : index
        %get3A_2872 = tpu.vector_load %arg13[%get3A_2869, %get3A_2870, %get3A_2871] {strides = array<i32>} : memref<2x80x144xf32, #tpu.memory_space<vmem>>, vector<16xf32>,
        %mul3A_2873 = arith.mulf %get3A_2872, %gather3A_2867 : vector<16xf32>
        %swap3A_2874 = arith.constant 1 : i32
        %swap3A_2875 = arith.index_cast %swap3A_2874 : i32 to index
        %swap3A_2876 = arith.index_cast %scan3A_2813 : i32 to index
        %swap3A_2877 = arith.constant 64 : index
        %swap3A_2878 = tpu.vector_load %arg13[%swap3A_2875, %swap3A_2876, %swap3A_2877] {strides = array<i32>} : memref<2x80x144xf32, #tpu.memory_space<vmem>>, vector<16xf32>,
        tpu.vector_store %arg13[%swap3A_2875, %swap3A_2876, %swap3A_2877], %mul3A_2873 {strides = array<i32>} : memref<2x80x144xf32, #tpu.memory_space<vmem>>, vector<16xf32>,
        %get3A_2879 = arith.constant 1 : i32
        %get3A_2880 = arith.index_cast %get3A_2879 : i32 to index
        %get3A_2881 = arith.index_cast %scan3A_2813 : i32 to index
        %get3A_2882 = arith.constant 80 : index
        %get3A_2883 = tpu.vector_load %arg13[%get3A_2880, %get3A_2881, %get3A_2882] {strides = array<i32>} : memref<2x80x144xf32, #tpu.memory_space<vmem>>, vector<16xf32>,
        %mul3A_2884 = arith.mulf %get3A_2883, %gather3A_2867 : vector<16xf32>
        %swap3A_2885 = arith.constant 1 : i32
        %swap3A_2886 = arith.index_cast %swap3A_2885 : i32 to index
        %swap3A_2887 = arith.index_cast %scan3A_2813 : i32 to index
        %swap3A_2888 = arith.constant 80 : index
        %swap3A_2889 = tpu.vector_load %arg13[%swap3A_2886, %swap3A_2887, %swap3A_2888] {strides = array<i32>} : memref<2x80x144xf32, #tpu.memory_space<vmem>>, vector<16xf32>,
        tpu.vector_store %arg13[%swap3A_2886, %swap3A_2887, %swap3A_2888], %mul3A_2884 {strides = array<i32>} : memref<2x80x144xf32, #tpu.memory_space<vmem>>, vector<16xf32>,
        %broadcast_in_dim3A_2890 = arith.constant 3 : i32
        %broadcast_in_dim3A_2891 = vector.broadcast %broadcast_in_dim3A_2890 : i32 to vector<16xi32>
        %gather3A_2892 = tpu.vector_load_idx %arg14[%broadcast_in_dim3A_2891, %broadcast_in_dim3A_2814] : memref<4x80xf32, #tpu.memory_space<vmem>>[vector<16xi32>, vector<16xi32>], vector<16xf32>,
        %get3A_2893 = arith.constant 1 : i32
        %get3A_2894 = arith.index_cast %get3A_2893 : i32 to index
        %get3A_2895 = arith.index_cast %scan3A_2813 : i32 to index
        %get3A_2896 = arith.constant 96 : index
        %get3A_2897 = tpu.vector_load %arg13[%get3A_2894, %get3A_2895, %get3A_2896] {strides = array<i32>} : memref<2x80x144xf32, #tpu.memory_space<vmem>>, vector<16xf32>,
        %mul3A_2898 = arith.mulf %get3A_2897, %gather3A_2892 : vector<16xf32>
        %swap3A_2899 = arith.constant 1 : i32
        %swap3A_2900 = arith.index_cast %swap3A_2899 : i32 to index
        %swap3A_2901 = arith.index_cast %scan3A_2813 : i32 to index
        %swap3A_2902 = arith.constant 96 : index
        %swap3A_2903 = tpu.vector_load %arg13[%swap3A_2900, %swap3A_2901, %swap3A_2902] {strides = array<i32>} : memref<2x80x144xf32, #tpu.memory_space<vmem>>, vector<16xf32>,
        tpu.vector_store %arg13[%swap3A_2900, %swap3A_2901, %swap3A_2902], %mul3A_2898 {strides = array<i32>} : memref<2x80x144xf32, #tpu.memory_space<vmem>>, vector<16xf32>,
        %get3A_2904 = arith.constant 1 : i32
        %get3A_2905 = arith.index_cast %get3A_2904 : i32 to index
        %get3A_2906 = arith.index_cast %scan3A_2813 : i32 to index
        %get3A_2907 = arith.constant 112 : index
        %get3A_2908 = tpu.vector_load %arg13[%get3A_2905, %get3A_2906, %get3A_2907] {strides = array<i32>} : memref<2x80x144xf32, #tpu.memory_space<vmem>>, vector<16xf32>,
        %mul3A_2909 = arith.mulf %get3A_2908, %gather3A_2892 : vector<16xf32>
        %swap3A_2910 = arith.constant 1 : i32
        %swap3A_2911 = arith.index_cast %swap3A_2910 : i32 to index
        %swap3A_2912 = arith.index_cast %scan3A_2813 : i32 to index
        %swap3A_2913 = arith.constant 112 : index
        %swap3A_2914 = tpu.vector_load %arg13[%swap3A_2911, %swap3A_2912, %swap3A_2913] {strides = array<i32>} : memref<2x80x144xf32, #tpu.memory_space<vmem>>, vector<16xf32>,
        tpu.vector_store %arg13[%swap3A_2911, %swap3A_2912, %swap3A_2913], %mul3A_2909 {strides = array<i32>} : memref<2x80x144xf32, #tpu.memory_space<vmem>>, vector<16xf32>,
        %scan3A_2915 = arith.constant 1 : i32
        %scan3A_2916 = arith.addi %scan3A_2813, %scan3A_2915 : i32
        %broadcast_in_dim3A_2917 = vector.broadcast %scan3A_2916 : i32 to vector<16xi32>
        %broadcast_in_dim3A_2918 = arith.constant 0 : i32
        %broadcast_in_dim3A_2919 = vector.broadcast %broadcast_in_dim3A_2918 : i32 to vector<16xi32>
        %gather3A_2920 = tpu.vector_load_idx %arg14[%broadcast_in_dim3A_2919, %broadcast_in_dim3A_2917] : memref<4x80xf32, #tpu.memory_space<vmem>>[vector<16xi32>, vector<16xi32>], vector<16xf32>,
        %get3A_2921 = arith.constant 1 : i32
        %get3A_2922 = arith.index_cast %get3A_2921 : i32 to index
        %get3A_2923 = arith.index_cast %scan3A_2916 : i32 to index
        %get3A_2924 = arith.constant 0 : index
        %get3A_2925 = tpu.vector_load %arg13[%get3A_2922, %get3A_2923, %get3A_2924] {strides = array<i32>} : memref<2x80x144xf32, #tpu.memory_space<vmem>>, vector<16xf32>,
        %mul3A_2926 = arith.mulf %get3A_2925, %gather3A_2920 : vector<16xf32>
        %swap3A_2927 = arith.constant 1 : i32
        %swap3A_2928 = arith.index_cast %swap3A_2927 : i32 to index
        %swap3A_2929 = arith.index_cast %scan3A_2916 : i32 to index
        %swap3A_2930 = arith.constant 0 : index
        %swap3A_2931 = tpu.vector_load %arg13[%swap3A_2928, %swap3A_2929, %swap3A_2930] {strides = array<i32>} : memref<2x80x144xf32, #tpu.memory_space<vmem>>, vector<16xf32>,
        tpu.vector_store %arg13[%swap3A_2928, %swap3A_2929, %swap3A_2930], %mul3A_2926 {strides = array<i32>} : memref<2x80x144xf32, #tpu.memory_space<vmem>>, vector<16xf32>,
        %get3A_2932 = arith.constant 1 : i32
        %get3A_2933 = arith.index_cast %get3A_2932 : i32 to index
        %get3A_2934 = arith.index_cast %scan3A_2916 : i32 to index
        %get3A_2935 = arith.constant 16 : index
        %get3A_2936 = tpu.vector_load %arg13[%get3A_2933, %get3A_2934, %get3A_2935] {strides = array<i32>} : memref<2x80x144xf32, #tpu.memory_space<vmem>>, vector<16xf32>,
        %mul3A_2937 = arith.mulf %get3A_2936, %gather3A_2920 : vector<16xf32>
        %swap3A_2938 = arith.constant 1 : i32
        %swap3A_2939 = arith.index_cast %swap3A_2938 : i32 to index
        %swap3A_2940 = arith.index_cast %scan3A_2916 : i32 to index
        %swap3A_2941 = arith.constant 16 : index
        %swap3A_2942 = tpu.vector_load %arg13[%swap3A_2939, %swap3A_2940, %swap3A_2941] {strides = array<i32>} : memref<2x80x144xf32, #tpu.memory_space<vmem>>, vector<16xf32>,
        tpu.vector_store %arg13[%swap3A_2939, %swap3A_2940, %swap3A_2941], %mul3A_2937 {strides = array<i32>} : memref<2x80x144xf32, #tpu.memory_space<vmem>>, vector<16xf32>,
        %broadcast_in_dim3A_2943 = arith.constant 1 : i32
        %broadcast_in_dim3A_2944 = vector.broadcast %broadcast_in_dim3A_2943 : i32 to vector<16xi32>
        %gather3A_2945 = tpu.vector_load_idx %arg14[%broadcast_in_dim3A_2944, %broadcast_in_dim3A_2917] : memref<4x80xf32, #tpu.memory_space<vmem>>[vector<16xi32>, vector<16xi32>], vector<16xf32>,
        %get3A_2946 = arith.constant 1 : i32
        %get3A_2947 = arith.index_cast %get3A_2946 : i32 to index
        %get3A_2948 = arith.index_cast %scan3A_2916 : i32 to index
        %get3A_2949 = arith.constant 32 : index
        %get3A_2950 = tpu.vector_load %arg13[%get3A_2947, %get3A_2948, %get3A_2949] {strides = array<i32>} : memref<2x80x144xf32, #tpu.memory_space<vmem>>, vector<16xf32>,
        %mul3A_2951 = arith.mulf %get3A_2950, %gather3A_2945 : vector<16xf32>
        %swap3A_2952 = arith.constant 1 : i32
        %swap3A_2953 = arith.index_cast %swap3A_2952 : i32 to index
        %swap3A_2954 = arith.index_cast %scan3A_2916 : i32 to index
        %swap3A_2955 = arith.constant 32 : index
        %swap3A_2956 = tpu.vector_load %arg13[%swap3A_2953, %swap3A_2954, %swap3A_2955] {strides = array<i32>} : memref<2x80x144xf32, #tpu.memory_space<vmem>>, vector<16xf32>,
        tpu.vector_store %arg13[%swap3A_2953, %swap3A_2954, %swap3A_2955], %mul3A_2951 {strides = array<i32>} : memref<2x80x144xf32, #tpu.memory_space<vmem>>, vector<16xf32>,
        %get3A_2957 = arith.constant 1 : i32
        %get3A_2958 = arith.index_cast %get3A_2957 : i32 to index
        %get3A_2959 = arith.index_cast %scan3A_2916 : i32 to index
        %get3A_2960 = arith.constant 48 : index
        %get3A_2961 = tpu.vector_load %arg13[%get3A_2958, %get3A_2959, %get3A_2960] {strides = array<i32>} : memref<2x80x144xf32, #tpu.memory_space<vmem>>, vector<16xf32>,
        %mul3A_2962 = arith.mulf %get3A_2961, %gather3A_2945 : vector<16xf32>
        %swap3A_2963 = arith.constant 1 : i32
        %swap3A_2964 = arith.index_cast %swap3A_2963 : i32 to index
        %swap3A_2965 = arith.index_cast %scan3A_2916 : i32 to index
        %swap3A_2966 = arith.constant 48 : index
        %swap3A_2967 = tpu.vector_load %arg13[%swap3A_2964, %swap3A_2965, %swap3A_2966] {strides = array<i32>} : memref<2x80x144xf32, #tpu.memory_space<vmem>>, vector<16xf32>,
        tpu.vector_store %arg13[%swap3A_2964, %swap3A_2965, %swap3A_2966], %mul3A_2962 {strides = array<i32>} : memref<2x80x144xf32, #tpu.memory_space<vmem>>, vector<16xf32>,
        %broadcast_in_dim3A_2968 = arith.constant 2 : i32
        %broadcast_in_dim3A_2969 = vector.broadcast %broadcast_in_dim3A_2968 : i32 to vector<16xi32>
        %gather3A_2970 = tpu.vector_load_idx %arg14[%broadcast_in_dim3A_2969, %broadcast_in_dim3A_2917] : memref<4x80xf32, #tpu.memory_space<vmem>>[vector<16xi32>, vector<16xi32>], vector<16xf32>,
        %get3A_2971 = arith.constant 1 : i32
        %get3A_2972 = arith.index_cast %get3A_2971 : i32 to index
        %get3A_2973 = arith.index_cast %scan3A_2916 : i32 to index
        %get3A_2974 = arith.constant 64 : index
        %get3A_2975 = tpu.vector_load %arg13[%get3A_2972, %get3A_2973, %get3A_2974] {strides = array<i32>} : memref<2x80x144xf32, #tpu.memory_space<vmem>>, vector<16xf32>,
        %mul3A_2976 = arith.mulf %get3A_2975, %gather3A_2970 : vector<16xf32>
        %swap3A_2977 = arith.constant 1 : i32
        %swap3A_2978 = arith.index_cast %swap3A_2977 : i32 to index
        %swap3A_2979 = arith.index_cast %scan3A_2916 : i32 to index
        %swap3A_2980 = arith.constant 64 : index
        %swap3A_2981 = tpu.vector_load %arg13[%swap3A_2978, %swap3A_2979, %swap3A_2980] {strides = array<i32>} : memref<2x80x144xf32, #tpu.memory_space<vmem>>, vector<16xf32>,
        tpu.vector_store %arg13[%swap3A_2978, %swap3A_2979, %swap3A_2980], %mul3A_2976 {strides = array<i32>} : memref<2x80x144xf32, #tpu.memory_space<vmem>>, vector<16xf32>,
        %get3A_2982 = arith.constant 1 : i32
        %get3A_2983 = arith.index_cast %get3A_2982 : i32 to index
        %get3A_2984 = arith.index_cast %scan3A_2916 : i32 to index
        %get3A_2985 = arith.constant 80 : index
        %get3A_2986 = tpu.vector_load %arg13[%get3A_2983, %get3A_2984, %get3A_2985] {strides = array<i32>} : memref<2x80x144xf32, #tpu.memory_space<vmem>>, vector<16xf32>,
        %mul3A_2987 = arith.mulf %get3A_2986, %gather3A_2970 : vector<16xf32>
        %swap3A_2988 = arith.constant 1 : i32
        %swap3A_2989 = arith.index_cast %swap3A_2988 : i32 to index
        %swap3A_2990 = arith.index_cast %scan3A_2916 : i32 to index
        %swap3A_2991 = arith.constant 80 : index
        %swap3A_2992 = tpu.vector_load %arg13[%swap3A_2989, %swap3A_2990, %swap3A_2991] {strides = array<i32>} : memref<2x80x144xf32, #tpu.memory_space<vmem>>, vector<16xf32>,
        tpu.vector_store %arg13[%swap3A_2989, %swap3A_2990, %swap3A_2991], %mul3A_2987 {strides = array<i32>} : memref<2x80x144xf32, #tpu.memory_space<vmem>>, vector<16xf32>,
        %broadcast_in_dim3A_2993 = arith.constant 3 : i32
        %broadcast_in_dim3A_2994 = vector.broadcast %broadcast_in_dim3A_2993 : i32 to vector<16xi32>
        %gather3A_2995 = tpu.vector_load_idx %arg14[%broadcast_in_dim3A_2994, %broadcast_in_dim3A_2917] : memref<4x80xf32, #tpu.memory_space<vmem>>[vector<16xi32>, vector<16xi32>], vector<16xf32>,
        %get3A_2996 = arith.constant 1 : i32
        %get3A_2997 = arith.index_cast %get3A_2996 : i32 to index
        %get3A_2998 = arith.index_cast %scan3A_2916 : i32 to index
        %get3A_2999 = arith.constant 96 : index
        %get3A_3000 = tpu.vector_load %arg13[%get3A_2997, %get3A_2998, %get3A_2999] {strides = array<i32>} : memref<2x80x144xf32, #tpu.memory_space<vmem>>, vector<16xf32>,
        %mul3A_3001 = arith.mulf %get3A_3000, %gather3A_2995 : vector<16xf32>
        %swap3A_3002 = arith.constant 1 : i32
        %swap3A_3003 = arith.index_cast %swap3A_3002 : i32 to index
        %swap3A_3004 = arith.index_cast %scan3A_2916 : i32 to index
        %swap3A_3005 = arith.constant 96 : index
        %swap3A_3006 = tpu.vector_load %arg13[%swap3A_3003, %swap3A_3004, %swap3A_3005] {strides = array<i32>} : memref<2x80x144xf32, #tpu.memory_space<vmem>>, vector<16xf32>,
        tpu.vector_store %arg13[%swap3A_3003, %swap3A_3004, %swap3A_3005], %mul3A_3001 {strides = array<i32>} : memref<2x80x144xf32, #tpu.memory_space<vmem>>, vector<16xf32>,
        %get3A_3007 = arith.constant 1 : i32
        %get3A_3008 = arith.index_cast %get3A_3007 : i32 to index
        %get3A_3009 = arith.index_cast %scan3A_2916 : i32 to index
        %get3A_3010 = arith.constant 112 : index
        %get3A_3011 = tpu.vector_load %arg13[%get3A_3008, %get3A_3009, %get3A_3010] {strides = array<i32>} : memref<2x80x144xf32, #tpu.memory_space<vmem>>, vector<16xf32>,
        %mul3A_3012 = arith.mulf %get3A_3011, %gather3A_2995 : vector<16xf32>
        %swap3A_3013 = arith.constant 1 : i32
        %swap3A_3014 = arith.index_cast %swap3A_3013 : i32 to index
        %swap3A_3015 = arith.index_cast %scan3A_2916 : i32 to index
        %swap3A_3016 = arith.constant 112 : index
        %swap3A_3017 = tpu.vector_load %arg13[%swap3A_3014, %swap3A_3015, %swap3A_3016] {strides = array<i32>} : memref<2x80x144xf32, #tpu.memory_space<vmem>>, vector<16xf32>,
        tpu.vector_store %arg13[%swap3A_3014, %swap3A_3015, %swap3A_3016], %mul3A_3012 {strides = array<i32>} : memref<2x80x144xf32, #tpu.memory_space<vmem>>, vector<16xf32>,
        %scan3A_3018 = arith.constant 2 : i32
        %scan3A_3019 = arith.addi %scan3A_2813, %scan3A_3018 : i32
        %broadcast_in_dim3A_3020 = vector.broadcast %scan3A_3019 : i32 to vector<16xi32>
        %broadcast_in_dim3A_3021 = arith.constant 0 : i32
        %broadcast_in_dim3A_3022 = vector.broadcast %broadcast_in_dim3A_3021 : i32 to vector<16xi32>
        %gather3A_3023 = tpu.vector_load_idx %arg14[%broadcast_in_dim3A_3022, %broadcast_in_dim3A_3020] : memref<4x80xf32, #tpu.memory_space<vmem>>[vector<16xi32>, vector<16xi32>], vector<16xf32>,
        %get3A_3024 = arith.constant 1 : i32
        %get3A_3025 = arith.index_cast %get3A_3024 : i32 to index
        %get3A_3026 = arith.index_cast %scan3A_3019 : i32 to index
        %get3A_3027 = arith.constant 0 : index
        %get3A_3028 = tpu.vector_load %arg13[%get3A_3025, %get3A_3026, %get3A_3027] {strides = array<i32>} : memref<2x80x144xf32, #tpu.memory_space<vmem>>, vector<16xf32>,
        %mul3A_3029 = arith.mulf %get3A_3028, %gather3A_3023 : vector<16xf32>
        %swap3A_3030 = arith.constant 1 : i32
        %swap3A_3031 = arith.index_cast %swap3A_3030 : i32 to index
        %swap3A_3032 = arith.index_cast %scan3A_3019 : i32 to index
        %swap3A_3033 = arith.constant 0 : index
        %swap3A_3034 = tpu.vector_load %arg13[%swap3A_3031, %swap3A_3032, %swap3A_3033] {strides = array<i32>} : memref<2x80x144xf32, #tpu.memory_space<vmem>>, vector<16xf32>,
        tpu.vector_store %arg13[%swap3A_3031, %swap3A_3032, %swap3A_3033], %mul3A_3029 {strides = array<i32>} : memref<2x80x144xf32, #tpu.memory_space<vmem>>, vector<16xf32>,
        %get3A_3035 = arith.constant 1 : i32
        %get3A_3036 = arith.index_cast %get3A_3035 : i32 to index
        %get3A_3037 = arith.index_cast %scan3A_3019 : i32 to index
        %get3A_3038 = arith.constant 16 : index
        %get3A_3039 = tpu.vector_load %arg13[%get3A_3036, %get3A_3037, %get3A_3038] {strides = array<i32>} : memref<2x80x144xf32, #tpu.memory_space<vmem>>, vector<16xf32>,
        %mul3A_3040 = arith.mulf %get3A_3039, %gather3A_3023 : vector<16xf32>
        %swap3A_3041 = arith.constant 1 : i32
        %swap3A_3042 = arith.index_cast %swap3A_3041 : i32 to index
        %swap3A_3043 = arith.index_cast %scan3A_3019 : i32 to index
        %swap3A_3044 = arith.constant 16 : index
        %swap3A_3045 = tpu.vector_load %arg13[%swap3A_3042, %swap3A_3043, %swap3A_3044] {strides = array<i32>} : memref<2x80x144xf32, #tpu.memory_space<vmem>>, vector<16xf32>,
        tpu.vector_store %arg13[%swap3A_3042, %swap3A_3043, %swap3A_3044], %mul3A_3040 {strides = array<i32>} : memref<2x80x144xf32, #tpu.memory_space<vmem>>, vector<16xf32>,
        %broadcast_in_dim3A_3046 = arith.constant 1 : i32
        %broadcast_in_dim3A_3047 = vector.broadcast %broadcast_in_dim3A_3046 : i32 to vector<16xi32>
        %gather3A_3048 = tpu.vector_load_idx %arg14[%broadcast_in_dim3A_3047, %broadcast_in_dim3A_3020] : memref<4x80xf32, #tpu.memory_space<vmem>>[vector<16xi32>, vector<16xi32>], vector<16xf32>,
        %get3A_3049 = arith.constant 1 : i32
        %get3A_3050 = arith.index_cast %get3A_3049 : i32 to index
        %get3A_3051 = arith.index_cast %scan3A_3019 : i32 to index
        %get3A_3052 = arith.constant 32 : index
        %get3A_3053 = tpu.vector_load %arg13[%get3A_3050, %get3A_3051, %get3A_3052] {strides = array<i32>} : memref<2x80x144xf32, #tpu.memory_space<vmem>>, vector<16xf32>,
        %mul3A_3054 = arith.mulf %get3A_3053, %gather3A_3048 : vector<16xf32>
        %swap3A_3055 = arith.constant 1 : i32
        %swap3A_3056 = arith.index_cast %swap3A_3055 : i32 to index
        %swap3A_3057 = arith.index_cast %scan3A_3019 : i32 to index
        %swap3A_3058 = arith.constant 32 : index
        %swap3A_3059 = tpu.vector_load %arg13[%swap3A_3056, %swap3A_3057, %swap3A_3058] {strides = array<i32>} : memref<2x80x144xf32, #tpu.memory_space<vmem>>, vector<16xf32>,
        tpu.vector_store %arg13[%swap3A_3056, %swap3A_3057, %swap3A_3058], %mul3A_3054 {strides = array<i32>} : memref<2x80x144xf32, #tpu.memory_space<vmem>>, vector<16xf32>,
        %get3A_3060 = arith.constant 1 : i32
        %get3A_3061 = arith.index_cast %get3A_3060 : i32 to index
        %get3A_3062 = arith.index_cast %scan3A_3019 : i32 to index
        %get3A_3063 = arith.constant 48 : index
        %get3A_3064 = tpu.vector_load %arg13[%get3A_3061, %get3A_3062, %get3A_3063] {strides = array<i32>} : memref<2x80x144xf32, #tpu.memory_space<vmem>>, vector<16xf32>,
        %mul3A_3065 = arith.mulf %get3A_3064, %gather3A_3048 : vector<16xf32>
        %swap3A_3066 = arith.constant 1 : i32
        %swap3A_3067 = arith.index_cast %swap3A_3066 : i32 to index
        %swap3A_3068 = arith.index_cast %scan3A_3019 : i32 to index
        %swap3A_3069 = arith.constant 48 : index
        %swap3A_3070 = tpu.vector_load %arg13[%swap3A_3067, %swap3A_3068, %swap3A_3069] {strides = array<i32>} : memref<2x80x144xf32, #tpu.memory_space<vmem>>, vector<16xf32>,
        tpu.vector_store %arg13[%swap3A_3067, %swap3A_3068, %swap3A_3069], %mul3A_3065 {strides = array<i32>} : memref<2x80x144xf32, #tpu.memory_space<vmem>>, vector<16xf32>,
        %broadcast_in_dim3A_3071 = arith.constant 2 : i32
        %broadcast_in_dim3A_3072 = vector.broadcast %broadcast_in_dim3A_3071 : i32 to vector<16xi32>
        %gather3A_3073 = tpu.vector_load_idx %arg14[%broadcast_in_dim3A_3072, %broadcast_in_dim3A_3020] : memref<4x80xf32, #tpu.memory_space<vmem>>[vector<16xi32>, vector<16xi32>], vector<16xf32>,
        %get3A_3074 = arith.constant 1 : i32
        %get3A_3075 = arith.index_cast %get3A_3074 : i32 to index
        %get3A_3076 = arith.index_cast %scan3A_3019 : i32 to index
        %get3A_3077 = arith.constant 64 : index
        %get3A_3078 = tpu.vector_load %arg13[%get3A_3075, %get3A_3076, %get3A_3077] {strides = array<i32>} : memref<2x80x144xf32, #tpu.memory_space<vmem>>, vector<16xf32>,
        %mul3A_3079 = arith.mulf %get3A_3078, %gather3A_3073 : vector<16xf32>
        %swap3A_3080 = arith.constant 1 : i32
        %swap3A_3081 = arith.index_cast %swap3A_3080 : i32 to index
        %swap3A_3082 = arith.index_cast %scan3A_3019 : i32 to index
        %swap3A_3083 = arith.constant 64 : index
        %swap3A_3084 = tpu.vector_load %arg13[%swap3A_3081, %swap3A_3082, %swap3A_3083] {strides = array<i32>} : memref<2x80x144xf32, #tpu.memory_space<vmem>>, vector<16xf32>,
        tpu.vector_store %arg13[%swap3A_3081, %swap3A_3082, %swap3A_3083], %mul3A_3079 {strides = array<i32>} : memref<2x80x144xf32, #tpu.memory_space<vmem>>, vector<16xf32>,
        %get3A_3085 = arith.constant 1 : i32
        %get3A_3086 = arith.index_cast %get3A_3085 : i32 to index
        %get3A_3087 = arith.index_cast %scan3A_3019 : i32 to index
        %get3A_3088 = arith.constant 80 : index
        %get3A_3089 = tpu.vector_load %arg13[%get3A_3086, %get3A_3087, %get3A_3088] {strides = array<i32>} : memref<2x80x144xf32, #tpu.memory_space<vmem>>, vector<16xf32>,
        %mul3A_3090 = arith.mulf %get3A_3089, %gather3A_3073 : vector<16xf32>
        %swap3A_3091 = arith.constant 1 : i32
        %swap3A_3092 = arith.index_cast %swap3A_3091 : i32 to index
        %swap3A_3093 = arith.index_cast %scan3A_3019 : i32 to index
        %swap3A_3094 = arith.constant 80 : index
        %swap3A_3095 = tpu.vector_load %arg13[%swap3A_3092, %swap3A_3093, %swap3A_3094] {strides = array<i32>} : memref<2x80x144xf32, #tpu.memory_space<vmem>>, vector<16xf32>,
        tpu.vector_store %arg13[%swap3A_3092, %swap3A_3093, %swap3A_3094], %mul3A_3090 {strides = array<i32>} : memref<2x80x144xf32, #tpu.memory_space<vmem>>, vector<16xf32>,
        %broadcast_in_dim3A_3096 = arith.constant 3 : i32
        %broadcast_in_dim3A_3097 = vector.broadcast %broadcast_in_dim3A_3096 : i32 to vector<16xi32>
        %gather3A_3098 = tpu.vector_load_idx %arg14[%broadcast_in_dim3A_3097, %broadcast_in_dim3A_3020] : memref<4x80xf32, #tpu.memory_space<vmem>>[vector<16xi32>, vector<16xi32>], vector<16xf32>,
        %get3A_3099 = arith.constant 1 : i32
        %get3A_3100 = arith.index_cast %get3A_3099 : i32 to index
        %get3A_3101 = arith.index_cast %scan3A_3019 : i32 to index
        %get3A_3102 = arith.constant 96 : index
        %get3A_3103 = tpu.vector_load %arg13[%get3A_3100, %get3A_3101, %get3A_3102] {strides = array<i32>} : memref<2x80x144xf32, #tpu.memory_space<vmem>>, vector<16xf32>,
        %mul3A_3104 = arith.mulf %get3A_3103, %gather3A_3098 : vector<16xf32>
        %swap3A_3105 = arith.constant 1 : i32
        %swap3A_3106 = arith.index_cast %swap3A_3105 : i32 to index
        %swap3A_3107 = arith.index_cast %scan3A_3019 : i32 to index
        %swap3A_3108 = arith.constant 96 : index
        %swap3A_3109 = tpu.vector_load %arg13[%swap3A_3106, %swap3A_3107, %swap3A_3108] {strides = array<i32>} : memref<2x80x144xf32, #tpu.memory_space<vmem>>, vector<16xf32>,
        tpu.vector_store %arg13[%swap3A_3106, %swap3A_3107, %swap3A_3108], %mul3A_3104 {strides = array<i32>} : memref<2x80x144xf32, #tpu.memory_space<vmem>>, vector<16xf32>,
        %get3A_3110 = arith.constant 1 : i32
        %get3A_3111 = arith.index_cast %get3A_3110 : i32 to index
        %get3A_3112 = arith.index_cast %scan3A_3019 : i32 to index
        %get3A_3113 = arith.constant 112 : index
        %get3A_3114 = tpu.vector_load %arg13[%get3A_3111, %get3A_3112, %get3A_3113] {strides = array<i32>} : memref<2x80x144xf32, #tpu.memory_space<vmem>>, vector<16xf32>,
        %mul3A_3115 = arith.mulf %get3A_3114, %gather3A_3098 : vector<16xf32>
        %swap3A_3116 = arith.constant 1 : i32
        %swap3A_3117 = arith.index_cast %swap3A_3116 : i32 to index
        %swap3A_3118 = arith.index_cast %scan3A_3019 : i32 to index
        %swap3A_3119 = arith.constant 112 : index
        %swap3A_3120 = tpu.vector_load %arg13[%swap3A_3117, %swap3A_3118, %swap3A_3119] {strides = array<i32>} : memref<2x80x144xf32, #tpu.memory_space<vmem>>, vector<16xf32>,
        tpu.vector_store %arg13[%swap3A_3117, %swap3A_3118, %swap3A_3119], %mul3A_3115 {strides = array<i32>} : memref<2x80x144xf32, #tpu.memory_space<vmem>>, vector<16xf32>,
        %scan3A_3121 = arith.constant 3 : i32
        %scan3A_3122 = arith.addi %scan3A_2813, %scan3A_3121 : i32
        %broadcast_in_dim3A_3123 = vector.broadcast %scan3A_3122 : i32 to vector<16xi32>
        %broadcast_in_dim3A_3124 = arith.constant 0 : i32
        %broadcast_in_dim3A_3125 = vector.broadcast %broadcast_in_dim3A_3124 : i32 to vector<16xi32>
        %gather3A_3126 = tpu.vector_load_idx %arg14[%broadcast_in_dim3A_3125, %broadcast_in_dim3A_3123] : memref<4x80xf32, #tpu.memory_space<vmem>>[vector<16xi32>, vector<16xi32>], vector<16xf32>,
        %get3A_3127 = arith.constant 1 : i32
        %get3A_3128 = arith.index_cast %get3A_3127 : i32 to index
        %get3A_3129 = arith.index_cast %scan3A_3122 : i32 to index
        %get3A_3130 = arith.constant 0 : index
        %get3A_3131 = tpu.vector_load %arg13[%get3A_3128, %get3A_3129, %get3A_3130] {strides = array<i32>} : memref<2x80x144xf32, #tpu.memory_space<vmem>>, vector<16xf32>,
        %mul3A_3132 = arith.mulf %get3A_3131, %gather3A_3126 : vector<16xf32>
        %swap3A_3133 = arith.constant 1 : i32
        %swap3A_3134 = arith.index_cast %swap3A_3133 : i32 to index
        %swap3A_3135 = arith.index_cast %scan3A_3122 : i32 to index
        %swap3A_3136 = arith.constant 0 : index
        %swap3A_3137 = tpu.vector_load %arg13[%swap3A_3134, %swap3A_3135, %swap3A_3136] {strides = array<i32>} : memref<2x80x144xf32, #tpu.memory_space<vmem>>, vector<16xf32>,
        tpu.vector_store %arg13[%swap3A_3134, %swap3A_3135, %swap3A_3136], %mul3A_3132 {strides = array<i32>} : memref<2x80x144xf32, #tpu.memory_space<vmem>>, vector<16xf32>,
        %get3A_3138 = arith.constant 1 : i32
        %get3A_3139 = arith.index_cast %get3A_3138 : i32 to index
        %get3A_3140 = arith.index_cast %scan3A_3122 : i32 to index
        %get3A_3141 = arith.constant 16 : index
        %get3A_3142 = tpu.vector_load %arg13[%get3A_3139, %get3A_3140, %get3A_3141] {strides = array<i32>} : memref<2x80x144xf32, #tpu.memory_space<vmem>>, vector<16xf32>,
        %mul3A_3143 = arith.mulf %get3A_3142, %gather3A_3126 : vector<16xf32>
        %swap3A_3144 = arith.constant 1 : i32
        %swap3A_3145 = arith.index_cast %swap3A_3144 : i32 to index
        %swap3A_3146 = arith.index_cast %scan3A_3122 : i32 to index
        %swap3A_3147 = arith.constant 16 : index
        %swap3A_3148 = tpu.vector_load %arg13[%swap3A_3145, %swap3A_3146, %swap3A_3147] {strides = array<i32>} : memref<2x80x144xf32, #tpu.memory_space<vmem>>, vector<16xf32>,
        tpu.vector_store %arg13[%swap3A_3145, %swap3A_3146, %swap3A_3147], %mul3A_3143 {strides = array<i32>} : memref<2x80x144xf32, #tpu.memory_space<vmem>>, vector<16xf32>,
        %broadcast_in_dim3A_3149 = arith.constant 1 : i32
        %broadcast_in_dim3A_3150 = vector.broadcast %broadcast_in_dim3A_3149 : i32 to vector<16xi32>
        %gather3A_3151 = tpu.vector_load_idx %arg14[%broadcast_in_dim3A_3150, %broadcast_in_dim3A_3123] : memref<4x80xf32, #tpu.memory_space<vmem>>[vector<16xi32>, vector<16xi32>], vector<16xf32>,
        %get3A_3152 = arith.constant 1 : i32
        %get3A_3153 = arith.index_cast %get3A_3152 : i32 to index
        %get3A_3154 = arith.index_cast %scan3A_3122 : i32 to index
        %get3A_3155 = arith.constant 32 : index
        %get3A_3156 = tpu.vector_load %arg13[%get3A_3153, %get3A_3154, %get3A_3155] {strides = array<i32>} : memref<2x80x144xf32, #tpu.memory_space<vmem>>, vector<16xf32>,
        %mul3A_3157 = arith.mulf %get3A_3156, %gather3A_3151 : vector<16xf32>
        %swap3A_3158 = arith.constant 1 : i32
        %swap3A_3159 = arith.index_cast %swap3A_3158 : i32 to index
        %swap3A_3160 = arith.index_cast %scan3A_3122 : i32 to index
        %swap3A_3161 = arith.constant 32 : index
        %swap3A_3162 = tpu.vector_load %arg13[%swap3A_3159, %swap3A_3160, %swap3A_3161] {strides = array<i32>} : memref<2x80x144xf32, #tpu.memory_space<vmem>>, vector<16xf32>,
        tpu.vector_store %arg13[%swap3A_3159, %swap3A_3160, %swap3A_3161], %mul3A_3157 {strides = array<i32>} : memref<2x80x144xf32, #tpu.memory_space<vmem>>, vector<16xf32>,
        %get3A_3163 = arith.constant 1 : i32
        %get3A_3164 = arith.index_cast %get3A_3163 : i32 to index
        %get3A_3165 = arith.index_cast %scan3A_3122 : i32 to index
        %get3A_3166 = arith.constant 48 : index
        %get3A_3167 = tpu.vector_load %arg13[%get3A_3164, %get3A_3165, %get3A_3166] {strides = array<i32>} : memref<2x80x144xf32, #tpu.memory_space<vmem>>, vector<16xf32>,
        %mul3A_3168 = arith.mulf %get3A_3167, %gather3A_3151 : vector<16xf32>
        %swap3A_3169 = arith.constant 1 : i32
        %swap3A_3170 = arith.index_cast %swap3A_3169 : i32 to index
        %swap3A_3171 = arith.index_cast %scan3A_3122 : i32 to index
        %swap3A_3172 = arith.constant 48 : index
        %swap3A_3173 = tpu.vector_load %arg13[%swap3A_3170, %swap3A_3171, %swap3A_3172] {strides = array<i32>} : memref<2x80x144xf32, #tpu.memory_space<vmem>>, vector<16xf32>,
        tpu.vector_store %arg13[%swap3A_3170, %swap3A_3171, %swap3A_3172], %mul3A_3168 {strides = array<i32>} : memref<2x80x144xf32, #tpu.memory_space<vmem>>, vector<16xf32>,
        %broadcast_in_dim3A_3174 = arith.constant 2 : i32
        %broadcast_in_dim3A_3175 = vector.broadcast %broadcast_in_dim3A_3174 : i32 to vector<16xi32>
        %gather3A_3176 = tpu.vector_load_idx %arg14[%broadcast_in_dim3A_3175, %broadcast_in_dim3A_3123] : memref<4x80xf32, #tpu.memory_space<vmem>>[vector<16xi32>, vector<16xi32>], vector<16xf32>,
        %get3A_3177 = arith.constant 1 : i32
        %get3A_3178 = arith.index_cast %get3A_3177 : i32 to index
        %get3A_3179 = arith.index_cast %scan3A_3122 : i32 to index
        %get3A_3180 = arith.constant 64 : index
        %get3A_3181 = tpu.vector_load %arg13[%get3A_3178, %get3A_3179, %get3A_3180] {strides = array<i32>} : memref<2x80x144xf32, #tpu.memory_space<vmem>>, vector<16xf32>,
        %mul3A_3182 = arith.mulf %get3A_3181, %gather3A_3176 : vector<16xf32>
        %swap3A_3183 = arith.constant 1 : i32
        %swap3A_3184 = arith.index_cast %swap3A_3183 : i32 to index
        %swap3A_3185 = arith.index_cast %scan3A_3122 : i32 to index
        %swap3A_3186 = arith.constant 64 : index
        %swap3A_3187 = tpu.vector_load %arg13[%swap3A_3184, %swap3A_3185, %swap3A_3186] {strides = array<i32>} : memref<2x80x144xf32, #tpu.memory_space<vmem>>, vector<16xf32>,
        tpu.vector_store %arg13[%swap3A_3184, %swap3A_3185, %swap3A_3186], %mul3A_3182 {strides = array<i32>} : memref<2x80x144xf32, #tpu.memory_space<vmem>>, vector<16xf32>,
        %get3A_3188 = arith.constant 1 : i32
        %get3A_3189 = arith.index_cast %get3A_3188 : i32 to index
        %get3A_3190 = arith.index_cast %scan3A_3122 : i32 to index
        %get3A_3191 = arith.constant 80 : index
        %get3A_3192 = tpu.vector_load %arg13[%get3A_3189, %get3A_3190, %get3A_3191] {strides = array<i32>} : memref<2x80x144xf32, #tpu.memory_space<vmem>>, vector<16xf32>,
        %mul3A_3193 = arith.mulf %get3A_3192, %gather3A_3176 : vector<16xf32>
        %swap3A_3194 = arith.constant 1 : i32
        %swap3A_3195 = arith.index_cast %swap3A_3194 : i32 to index
        %swap3A_3196 = arith.index_cast %scan3A_3122 : i32 to index
        %swap3A_3197 = arith.constant 80 : index
        %swap3A_3198 = tpu.vector_load %arg13[%swap3A_3195, %swap3A_3196, %swap3A_3197] {strides = array<i32>} : memref<2x80x144xf32, #tpu.memory_space<vmem>>, vector<16xf32>,
        tpu.vector_store %arg13[%swap3A_3195, %swap3A_3196, %swap3A_3197], %mul3A_3193 {strides = array<i32>} : memref<2x80x144xf32, #tpu.memory_space<vmem>>, vector<16xf32>,
        %broadcast_in_dim3A_3199 = arith.constant 3 : i32
        %broadcast_in_dim3A_3200 = vector.broadcast %broadcast_in_dim3A_3199 : i32 to vector<16xi32>
        %gather3A_3201 = tpu.vector_load_idx %arg14[%broadcast_in_dim3A_3200, %broadcast_in_dim3A_3123] : memref<4x80xf32, #tpu.memory_space<vmem>>[vector<16xi32>, vector<16xi32>], vector<16xf32>,
        %get3A_3202 = arith.constant 1 : i32
        %get3A_3203 = arith.index_cast %get3A_3202 : i32 to index
        %get3A_3204 = arith.index_cast %scan3A_3122 : i32 to index
        %get3A_3205 = arith.constant 96 : index
        %get3A_3206 = tpu.vector_load %arg13[%get3A_3203, %get3A_3204, %get3A_3205] {strides = array<i32>} : memref<2x80x144xf32, #tpu.memory_space<vmem>>, vector<16xf32>,
        %mul3A_3207 = arith.mulf %get3A_3206, %gather3A_3201 : vector<16xf32>
        %swap3A_3208 = arith.constant 1 : i32
        %swap3A_3209 = arith.index_cast %swap3A_3208 : i32 to index
        %swap3A_3210 = arith.index_cast %scan3A_3122 : i32 to index
        %swap3A_3211 = arith.constant 96 : index
        %swap3A_3212 = tpu.vector_load %arg13[%swap3A_3209, %swap3A_3210, %swap3A_3211] {strides = array<i32>} : memref<2x80x144xf32, #tpu.memory_space<vmem>>, vector<16xf32>,
        tpu.vector_store %arg13[%swap3A_3209, %swap3A_3210, %swap3A_3211], %mul3A_3207 {strides = array<i32>} : memref<2x80x144xf32, #tpu.memory_space<vmem>>, vector<16xf32>,
        %get3A_3213 = arith.constant 1 : i32
        %get3A_3214 = arith.index_cast %get3A_3213 : i32 to index
        %get3A_3215 = arith.index_cast %scan3A_3122 : i32 to index
        %get3A_3216 = arith.constant 112 : index
        %get3A_3217 = tpu.vector_load %arg13[%get3A_3214, %get3A_3215, %get3A_3216] {strides = array<i32>} : memref<2x80x144xf32, #tpu.memory_space<vmem>>, vector<16xf32>,
        %mul3A_3218 = arith.mulf %get3A_3217, %gather3A_3201 : vector<16xf32>
        %swap3A_3219 = arith.constant 1 : i32
        %swap3A_3220 = arith.index_cast %swap3A_3219 : i32 to index
        %swap3A_3221 = arith.index_cast %scan3A_3122 : i32 to index
        %swap3A_3222 = arith.constant 112 : index
        %swap3A_3223 = tpu.vector_load %arg13[%swap3A_3220, %swap3A_3221, %swap3A_3222] {strides = array<i32>} : memref<2x80x144xf32, #tpu.memory_space<vmem>>, vector<16xf32>,
        tpu.vector_store %arg13[%swap3A_3220, %swap3A_3221, %swap3A_3222], %mul3A_3218 {strides = array<i32>} : memref<2x80x144xf32, #tpu.memory_space<vmem>>, vector<16xf32>,
      }
      %scan3A_2800 = arith.constant 80 : i32
      %dma_start3A_2801 = arith.constant 1 : i32
      %dma_start3A_2802 = arith.constant 1 : i32
      %dma_start3A_2803 = arith.constant 0 : i32
      %dma_start3A_2804 = arith.constant 0 : i32
      %dma_start3A_2805 = tpu.memref_slice %arg13[%dma_start3A_2801, %dma_start3A_2803, %dma_start3A_2804] : memref<2x80x144xf32, #tpu.memory_space<vmem>> -> memref<1x80x144xf32, #tpu.memory_space<vmem>>
      %dma_start3A_2806 = tpu.memref_squeeze %dma_start3A_2805 : memref<1x80x144xf32, #tpu.memory_space<vmem>> -> memref<80x144xf32, #tpu.memory_space<vmem>>
      %dma_start3A_2807 = arith.constant 0 : i32
      %dma_start3A_2808 = tpu.memref_slice %arg10[%dma_start3A_2802, %dma_start3A_2807] : memref<2x80xi32, #tpu.memory_space<vmem>> -> memref<1x80xi32, #tpu.memory_space<vmem>>
      %dma_start3A_2809 = tpu.memref_squeeze %dma_start3A_2808 : memref<1x80xi32, #tpu.memory_space<vmem>> -> memref<80xi32, #tpu.memory_space<vmem>>
      %dma_start3A_2810 = arith.constant 0 : i32
      %dma_start3A_2811 = arith.constant 0 : i32
      %dma_start3A_2812 = tpu.memref_slice %arg8[%dma_start3A_2810, %dma_start3A_2811] : memref<10240x144xf32, #tpu.memory_space<vmem_shared>> -> memref<10240x144xf32, #tpu.memory_space<vmem_shared>>
      tpu.enqueue_indirect_dma source(%dma_start3A_2806 : memref<80x144xf32, #tpu.memory_space<vmem>>) target(%dma_start3A_2812 : memref<10240x144xf32, #tpu.memory_space<vmem_shared>>) offsets(%dma_start3A_2809 : memref<80xi32, #tpu.memory_space<vmem>>) semaphore(%arg18 : memref<!tpu.dma_semaphore, #tpu.memory_space<semaphore_mem>>) {add = true}
    }
    %scan3A_92 = arith.constant 64 : i32
    %dma_wait3A = arith.constant 1 : i32
    %dma_wait3A_93 = arith.constant 1 : i32
    %dma_wait3A_94 = arith.constant 0 : i32
    %dma_wait3A_95 = arith.constant 0 : i32
    %dma_wait3A_96 = tpu.memref_slice %arg13[%dma_wait3A, %dma_wait3A_94, %dma_wait3A_95] : memref<2x80x144xf32, #tpu.memory_space<vmem>> -> memref<1x80x144xf32, #tpu.memory_space<vmem>>
    %dma_wait3A_97 = tpu.memref_squeeze %dma_wait3A_96 : memref<1x80x144xf32, #tpu.memory_space<vmem>> -> memref<80x144xf32, #tpu.memory_space<vmem>>
    %dma_wait3A_98 = arith.constant 0 : i32
    %dma_wait3A_99 = tpu.memref_slice %arg10[%dma_wait3A_93, %dma_wait3A_98] : memref<2x80xi32, #tpu.memory_space<vmem>> -> memref<1x80xi32, #tpu.memory_space<vmem>>
    %dma_wait3A_100 = tpu.memref_squeeze %dma_wait3A_99 : memref<1x80xi32, #tpu.memory_space<vmem>> -> memref<80xi32, #tpu.memory_space<vmem>>
    %dma_wait3A_101 = arith.constant 0 : i32
    %dma_wait3A_102 = arith.constant 0 : i32
    %dma_wait3A_103 = tpu.memref_slice %arg8[%dma_wait3A_101, %dma_wait3A_102] : memref<10240x144xf32, #tpu.memory_space<vmem_shared>> -> memref<10240x144xf32, #tpu.memory_space<vmem_shared>>
    tpu.wait_indirect_dma semaphore(%arg18 : memref<!tpu.dma_semaphore, #tpu.memory_space<semaphore_mem>>) src(%dma_wait3A_97 : memref<80x144xf32, #tpu.memory_space<vmem>>) dst(%dma_wait3A_103 : memref<10240x144xf32, #tpu.memory_space<vmem_shared>>)
    %barrier3A_104 = arith.constant 0 : index
    tpu.barrier barrier_id(%barrier3A_104)
    %mul3A_105 = arith.constant 640 : i32
    %mul3A_106 = arith.muli %arg1, %mul3A_105 : i32
    %mul3A_107 = arith.constant 640 : i32
    %mul3A_108 = arith.muli %arg1, %mul3A_107 : i32
    "tpu.region"() ({
      %run_scoped3A = tpu.sem_alloc : memref<!tpu.dma_semaphore, #tpu.memory_space<semaphore_mem>>
      %dma_start3A_109 = arith.constant 0 : i32
      %dma_start3A_110 = tpu.memref_slice %arg7[%arg0, %mul3A_108, %dma_start3A_109] : memref<2x10240x128xf32, #tpu.memory_space<hbm>> -> memref<1x640x128xf32, #tpu.memory_space<hbm>>
      %dma_start3A_111 = tpu.memref_squeeze %dma_start3A_110 : memref<1x640x128xf32, #tpu.memory_space<hbm>> -> memref<640x128xf32, #tpu.memory_space<hbm>>
      %dma_start3A_112 = arith.constant 0 : i32
      %dma_start3A_113 = tpu.memref_slice %arg8[%mul3A_106, %dma_start3A_112] : memref<10240x144xf32, #tpu.memory_space<vmem_shared>> -> memref<640x128xf32, #tpu.memory_space<vmem_shared>>
      tpu.enqueue_dma source(%dma_start3A_113 : memref<640x128xf32, #tpu.memory_space<vmem_shared>>) target(%dma_start3A_111 : memref<640x128xf32, #tpu.memory_space<hbm>>) target_semaphore(%run_scoped3A : memref<!tpu.dma_semaphore, #tpu.memory_space<semaphore_mem>>)
      %dma_wait3A_114 = arith.constant 0 : i32
      %dma_wait3A_115 = tpu.memref_slice %arg7[%arg0, %mul3A_108, %dma_wait3A_114] : memref<2x10240x128xf32, #tpu.memory_space<hbm>> -> memref<1x640x128xf32, #tpu.memory_space<hbm>>
      %dma_wait3A_116 = tpu.memref_squeeze %dma_wait3A_115 : memref<1x640x128xf32, #tpu.memory_space<hbm>> -> memref<640x128xf32, #tpu.memory_space<hbm>>
      %dma_wait3A_117 = arith.constant 0 : i32
      %dma_wait3A_118 = tpu.memref_slice %arg8[%mul3A_106, %dma_wait3A_117] : memref<10240x144xf32, #tpu.memory_space<vmem_shared>> -> memref<640x128xf32, #tpu.memory_space<vmem_shared>>
      tpu.wait_dma2 semaphore(%run_scoped3A : memref<!tpu.dma_semaphore, #tpu.memory_space<semaphore_mem>>) src(%dma_wait3A_118 : memref<640x128xf32, #tpu.memory_space<vmem_shared>>) dst(%dma_wait3A_116 : memref<640x128xf32, #tpu.memory_space<hbm>>)
      tpu.yield
    }) : () -> ()
    return
  }
}

module attributes {stable_mosaic.version = 14 : i64} {
  func.func @_prep_body(%arg0: i32, %arg1: memref<512x256xf32, #tpu.memory_space<vmem>>, %arg2: memref<256x256xf32, #tpu.memory_space<vmem>>, %arg3: memref<1x256xf32, #tpu.memory_space<vmem>>, %arg4: memref<256x16xf32, #tpu.memory_space<vmem>>, %arg5: memref<512x144xf32, #tpu.memory_space<vmem>>, %arg6: memref<512x144xf32, #tpu.memory_space<vmem>>, %arg7: memref<512x16xf32, #tpu.memory_space<vmem>>) attributes {dimension_semantics = [#tpu.dimension_semantics<arbitrary>], iteration_bounds = array<i64: 20>, scalar_prefetch = 0 : i64, scratch_operands = 0 : i64, tpu.core_type = #tpu.core_type<tc>, window_params = [{transform_indices = @transform_0, window_bounds = array<i64: 512, 256>}, {pipeline_mode = #tpu.pipeline_mode<synchronous>, transform_indices = @transform_1, window_bounds = array<i64: 256, 256>}, {pipeline_mode = #tpu.pipeline_mode<synchronous>, transform_indices = @transform_2, window_bounds = array<i64: 1, 256>}, {pipeline_mode = #tpu.pipeline_mode<synchronous>, transform_indices = @transform_3, window_bounds = array<i64: 256, 16>}, {transform_indices = @transform_4, window_bounds = array<i64: 512, 144>}, {transform_indices = @transform_5, window_bounds = array<i64: 512, 144>}, {transform_indices = @transform_6, window_bounds = array<i64: 512, 16>}]} {
    %get3A = arith.constant 0 : index
    %get3A_0 = arith.constant 0 : index
    %get3A_1 = vector.load %arg1[%get3A, %get3A_0] : memref<512x256xf32, #tpu.memory_space<vmem>>, vector<512x256xf32>
    %get3A_2 = arith.constant 0 : index
    %get3A_3 = arith.constant 0 : index
    %get3A_4 = vector.load %arg2[%get3A_2, %get3A_3] : memref<256x256xf32, #tpu.memory_space<vmem>>, vector<256x256xf32>
    %dot_general3A = arith.constant dense<0.000000e+00> : vector<512x256xf32>
    %dot_general3A_5 = tpu.matmul %get3A_1, %get3A_4, %dot_general3A {dimension_numbers = #tpu.dot_dimension_numbers<[1], [0], [0], [1], [0, 0, 1, 1], [], []>, transpose_lhs_hint = false} : vector<512x256xf32>, vector<256x256xf32>, vector<512x256xf32> -> vector<512x256xf32>
    %get3A_6 = arith.constant 0 : index
    %get3A_7 = arith.constant 0 : index
    %get3A_8 = vector.load %arg3[%get3A_6, %get3A_7] : memref<1x256xf32, #tpu.memory_space<vmem>>, vector<1x256xf32>
    %add3A = vector.broadcast %get3A_8 : vector<1x256xf32> to vector<512x256xf32>
    %add3A_9 = arith.addf %dot_general3A_5, %add3A : vector<512x256xf32>
    %get3A_10 = arith.constant 0 : index
    %get3A_11 = arith.constant 0 : index
    %get3A_12 = vector.load %arg4[%get3A_10, %get3A_11] : memref<256x16xf32, #tpu.memory_space<vmem>>, vector<256x16xf32>
    %dot_general3A_13 = arith.constant dense<0.000000e+00> : vector<512x16xf32>
    %dot_general3A_14 = tpu.matmul %add3A_9, %get3A_12, %dot_general3A_13 {dimension_numbers = #tpu.dot_dimension_numbers<[1], [0], [0], [1], [0, 0, 1, 1], [], []>, transpose_lhs_hint = false} : vector<512x256xf32>, vector<256x16xf32>, vector<512x16xf32> -> vector<512x16xf32>
    %slice3A = vector.extract_strided_slice %add3A_9 {offsets = [0, 0], sizes = [512, 128], strides = [1, 1]} : vector<512x256xf32> to vector<512x128xf32>
    %concatenate3A = tpu.concatenate %slice3A, %dot_general3A_14 in 1 : vector<512x128xf32>, vector<512x16xf32> -> vector<512x144xf32>
    %swap3A = arith.constant 0 : index
    %swap3A_15 = arith.constant 0 : index
    %swap3A_16 = vector.load %arg5[%swap3A, %swap3A_15] : memref<512x144xf32, #tpu.memory_space<vmem>>, vector<512x144xf32>
    tpu.vector_store %arg5[%swap3A, %swap3A_15], %concatenate3A {strides = array<i32>} : memref<512x144xf32, #tpu.memory_space<vmem>>, vector<512x144xf32>,
    %slice3A_17 = vector.extract_strided_slice %add3A_9 {offsets = [0, 128], sizes = [512, 128], strides = [1, 1]} : vector<512x256xf32> to vector<512x128xf32>
    %concatenate3A_18 = tpu.concatenate %slice3A_17, %dot_general3A_14 in 1 : vector<512x128xf32>, vector<512x16xf32> -> vector<512x144xf32>
    %swap3A_19 = arith.constant 0 : index
    %swap3A_20 = arith.constant 0 : index
    %swap3A_21 = vector.load %arg6[%swap3A_19, %swap3A_20] : memref<512x144xf32, #tpu.memory_space<vmem>>, vector<512x144xf32>
    tpu.vector_store %arg6[%swap3A_19, %swap3A_20], %concatenate3A_18 {strides = array<i32>} : memref<512x144xf32, #tpu.memory_space<vmem>>, vector<512x144xf32>,
    %swap3A_22 = arith.constant 0 : index
    %swap3A_23 = arith.constant 0 : index
    %swap3A_24 = vector.load %arg7[%swap3A_22, %swap3A_23] : memref<512x16xf32, #tpu.memory_space<vmem>>, vector<512x16xf32>
    tpu.vector_store %arg7[%swap3A_22, %swap3A_23], %dot_general3A_14 {strides = array<i32>} : memref<512x16xf32, #tpu.memory_space<vmem>>, vector<512x16xf32>,
    return
  }
  func.func @transform_0(%arg0: i32) -> (i32, i32) {
    %c0_i32 = arith.constant 0 : i32
    %c0_i32_0 = arith.constant 0 : i32
    return %arg0, %c0_i32 : i32, i32
  }
  func.func @transform_1(%arg0: i32) -> (i32, i32) {
    %c0_i32 = arith.constant 0 : i32
    %c0_i32_0 = arith.constant 0 : i32
    %c0_i32_1 = arith.constant 0 : i32
    return %c0_i32, %c0_i32_0 : i32, i32
  }
  func.func @transform_2(%arg0: i32) -> (i32, i32) {
    %c0_i32 = arith.constant 0 : i32
    %c0_i32_0 = arith.constant 0 : i32
    %c0_i32_1 = arith.constant 0 : i32
    return %c0_i32, %c0_i32_0 : i32, i32
  }
  func.func @transform_3(%arg0: i32) -> (i32, i32) {
    %c0_i32 = arith.constant 0 : i32
    %c0_i32_0 = arith.constant 0 : i32
    %c0_i32_1 = arith.constant 0 : i32
    return %c0_i32, %c0_i32_0 : i32, i32
  }
  func.func @transform_4(%arg0: i32) -> (i32, i32) {
    %c0_i32 = arith.constant 0 : i32
    %c0_i32_0 = arith.constant 0 : i32
    return %arg0, %c0_i32 : i32, i32
  }
  func.func @transform_5(%arg0: i32) -> (i32, i32) {
    %c0_i32 = arith.constant 0 : i32
    %c0_i32_0 = arith.constant 0 : i32
    return %arg0, %c0_i32 : i32, i32
  }
  func.func @transform_6(%arg0: i32) -> (i32, i32) {
    %c0_i32 = arith.constant 0 : i32
    %c0_i32_0 = arith.constant 0 : i32
    return %arg0, %c0_i32 : i32, i32
  }
}

module attributes {stable_mosaic.version = 14 : i64} {
  func.func @_post_body(%arg0: i32, %arg1: memref<2x1000x128xf32, #tpu.memory_space<vmem>>, %arg2: memref<1000x256xf32, #tpu.memory_space<vmem>>, %arg3: memref<1x256xf32, #tpu.memory_space<vmem>>, %arg4: memref<1x256xf32, #tpu.memory_space<vmem>>, %arg5: memref<1000x256xf32, #tpu.memory_space<vmem>>) attributes {dimension_semantics = [#tpu.dimension_semantics<arbitrary>], iteration_bounds = array<i64: 10>, scalar_prefetch = 0 : i64, scratch_operands = 0 : i64, tpu.core_type = #tpu.core_type<tc>, window_params = [{transform_indices = @transform_0, window_bounds = array<i64: 2, 1000, 128>}, {transform_indices = @transform_1, window_bounds = array<i64: 1000, 256>}, {pipeline_mode = #tpu.pipeline_mode<synchronous>, transform_indices = @transform_2, window_bounds = array<i64: 1, 256>}, {pipeline_mode = #tpu.pipeline_mode<synchronous>, transform_indices = @transform_3, window_bounds = array<i64: 1, 256>}, {transform_indices = @transform_4, window_bounds = array<i64: 1000, 256>}]} {
    %get3A = arith.constant 0 : index
    %get3A_0 = arith.constant 0 : index
    %get3A_1 = arith.constant 0 : index
    %get3A_2 = vector.load %arg1[%get3A, %get3A_0, %get3A_1] : memref<2x1000x128xf32, #tpu.memory_space<vmem>>, vector<2x1000x128xf32>
    %slice3A = vector.extract_strided_slice %get3A_2 {offsets = [0, 0, 0], sizes = [1, 1000, 128], strides = [1, 1, 1]} : vector<2x1000x128xf32> to vector<1x1000x128xf32>
    %squeeze3A = vector.shape_cast %slice3A : vector<1x1000x128xf32> to vector<1000x128xf32>
    %slice3A_3 = vector.extract_strided_slice %get3A_2 {offsets = [1, 0, 0], sizes = [1, 1000, 128], strides = [1, 1, 1]} : vector<2x1000x128xf32> to vector<1x1000x128xf32>
    %squeeze3A_4 = vector.shape_cast %slice3A_3 : vector<1x1000x128xf32> to vector<1000x128xf32>
    %concatenate3A = tpu.concatenate %squeeze3A, %squeeze3A_4 in 1 : vector<1000x128xf32>, vector<1000x128xf32> -> vector<1000x256xf32>
    %get3A_5 = arith.constant 0 : index
    %get3A_6 = arith.constant 0 : index
    %get3A_7 = vector.load %arg2[%get3A_5, %get3A_6] : memref<1000x256xf32, #tpu.memory_space<vmem>>, vector<1000x256xf32>
    %add3A = arith.addf %concatenate3A, %get3A_7 : vector<1000x256xf32>
    %reduce_sum3A = arith.constant dense<0.000000e+00> : vector<1000xf32>
    %reduce_sum3A_8 = vector.multi_reduction <add>, %add3A, %reduce_sum3A [1] : vector<1000x256xf32> to vector<1000xf32>
    %broadcast_in_dim3A = vector.shape_cast %reduce_sum3A_8 : vector<1000xf32> to vector<1000x1xf32>
    %div3A = arith.constant 2.560000e+02 : f32
    %div3A_9 = vector.broadcast %div3A : f32 to vector<1000x1xf32>
    %div3A_10 = arith.divf %broadcast_in_dim3A, %div3A_9 : vector<1000x1xf32>
    %sub3A = vector.broadcast %div3A_10 : vector<1000x1xf32> to vector<1000x256xf32>
    %sub3A_11 = arith.subf %add3A, %sub3A : vector<1000x256xf32>
    %mul3A = arith.mulf %sub3A_11, %sub3A_11 : vector<1000x256xf32>
    %reduce_sum3A_12 = arith.constant dense<0.000000e+00> : vector<1000xf32>
    %reduce_sum3A_13 = vector.multi_reduction <add>, %mul3A, %reduce_sum3A_12 [1] : vector<1000x256xf32> to vector<1000xf32>
    %broadcast_in_dim3A_14 = vector.shape_cast %reduce_sum3A_13 : vector<1000xf32> to vector<1000x1xf32>
    %div3A_15 = arith.constant 2.560000e+02 : f32
    %div3A_16 = vector.broadcast %div3A_15 : f32 to vector<1000x1xf32>
    %div3A_17 = arith.divf %broadcast_in_dim3A_14, %div3A_16 : vector<1000x1xf32>
    %add3A_18 = arith.constant 9.99999974E-6 : f32
    %add3A_19 = vector.broadcast %add3A_18 : f32 to vector<1000x1xf32>
    %add3A_20 = arith.addf %div3A_17, %add3A_19 : vector<1000x1xf32>
    %rsqrt3A = math.rsqrt %add3A_20 : vector<1000x1xf32>
    %mul3A_21 = vector.broadcast %rsqrt3A : vector<1000x1xf32> to vector<1000x256xf32>
    %mul3A_22 = arith.mulf %sub3A_11, %mul3A_21 : vector<1000x256xf32>
    %get3A_23 = arith.constant 0 : index
    %get3A_24 = arith.constant 0 : index
    %get3A_25 = vector.load %arg3[%get3A_23, %get3A_24] : memref<1x256xf32, #tpu.memory_space<vmem>>, vector<1x256xf32>
    %mul3A_26 = vector.broadcast %get3A_25 : vector<1x256xf32> to vector<1000x256xf32>
    %mul3A_27 = arith.mulf %mul3A_22, %mul3A_26 : vector<1000x256xf32>
    %get3A_28 = arith.constant 0 : index
    %get3A_29 = arith.constant 0 : index
    %get3A_30 = vector.load %arg4[%get3A_28, %get3A_29] : memref<1x256xf32, #tpu.memory_space<vmem>>, vector<1x256xf32>
    %add3A_31 = vector.broadcast %get3A_30 : vector<1x256xf32> to vector<1000x256xf32>
    %add3A_32 = arith.addf %mul3A_27, %add3A_31 : vector<1000x256xf32>
    %mul3A_33 = arith.mulf %add3A_32, %add3A_32 : vector<1000x256xf32>
    %reduce_sum3A_34 = arith.constant dense<0.000000e+00> : vector<1000xf32>
    %reduce_sum3A_35 = vector.multi_reduction <add>, %mul3A_33, %reduce_sum3A_34 [1] : vector<1000x256xf32> to vector<1000xf32>
    %broadcast_in_dim3A_36 = vector.shape_cast %reduce_sum3A_35 : vector<1000xf32> to vector<1000x1xf32>
    %max3A = arith.constant 1.000000e-24 : f32
    %max3A_37 = vector.broadcast %max3A : f32 to vector<1000x1xf32>
    %max3A_38 = arith.maximumf %broadcast_in_dim3A_36, %max3A_37 : vector<1000x1xf32>
    %rsqrt3A_39 = math.rsqrt %max3A_38 : vector<1000x1xf32>
    %mul3A_40 = vector.broadcast %rsqrt3A_39 : vector<1000x1xf32> to vector<1000x256xf32>
    %mul3A_41 = arith.mulf %add3A_32, %mul3A_40 : vector<1000x256xf32>
    %swap3A = arith.constant 0 : index
    %swap3A_42 = arith.constant 0 : index
    %swap3A_43 = vector.load %arg5[%swap3A, %swap3A_42] : memref<1000x256xf32, #tpu.memory_space<vmem>>, vector<1000x256xf32>
    tpu.vector_store %arg5[%swap3A, %swap3A_42], %mul3A_41 {strides = array<i32>} : memref<1000x256xf32, #tpu.memory_space<vmem>>, vector<1000x256xf32>,
    return
  }
  func.func @transform_0(%arg0: i32) -> (i32, i32, i32) {
    %c0_i32 = arith.constant 0 : i32
    %c0_i32_0 = arith.constant 0 : i32
    %c0_i32_1 = arith.constant 0 : i32
    return %c0_i32, %arg0, %c0_i32_0 : i32, i32, i32
  }
  func.func @transform_1(%arg0: i32) -> (i32, i32) {
    %c0_i32 = arith.constant 0 : i32
    %c0_i32_0 = arith.constant 0 : i32
    return %arg0, %c0_i32 : i32, i32
  }
  func.func @transform_2(%arg0: i32) -> (i32, i32) {
    %c0_i32 = arith.constant 0 : i32
    %c0_i32_0 = arith.constant 0 : i32
    %c0_i32_1 = arith.constant 0 : i32
    return %c0_i32, %c0_i32_0 : i32, i32
  }
  func.func @transform_3(%arg0: i32) -> (i32, i32) {
    %c0_i32 = arith.constant 0 : i32
    %c0_i32_0 = arith.constant 0 : i32
    %c0_i32_1 = arith.constant 0 : i32
    return %c0_i32, %c0_i32_0 : i32, i32
  }
  func.func @transform_4(%arg0: i32) -> (i32, i32) {
    %c0_i32 = arith.constant 0 : i32
    %c0_i32_0 = arith.constant 0 : i32
    return %arg0, %c0_i32 : i32, i32
  }
}

</mosaic_0001>

<sc_bundles>
// kernel: kernel.5.cloned.1.call-start
scs
__scs_entry_jumppad:
0x0: {  	(pc) =	sbr.rel $0x88, $3  }
0x1: {  	(tag) =	ssettag $0x0;
	lr =	simm.s32 $0x1  }
0x2: {  	[smem:$0x3F9A] =	sst lr;
	_ =	strace $0xD0000000  }
0x3: {  	_ = 	snop  }
0x4: {  	_ = 	snop  }
0x5: {  	_ = 	snop  }
0x6: {  	_ = 	snop  }
0x7: {  	_ = 	snop  }
__scs_overlays_trampoline_lowered:
0x8: {  	[smem:$0x3FA9] =	sst s0  }
0x9: {  	[smem:$0x3FAA] =	sst s1  }
0xa: {  	[smem:$0x3FAB] =	sst s2  }
0xb: {  	[smem:$0x3FAC] =	sst s3  }
0xc: {  	[smem:$0x3FAD] =	sst s4  }
0xd: {  	[smem:$0x3FAE] =	sst s5  }
0xe: {  	[smem:$0x3FAF] =	sst s6  }
0xf: {  	[smem:$0x3FB0] =	sst s7  }
0x10: {  	[smem:$0x3FB1] =	sst s8  }
0x11: {  	[smem:$0x3FB2] =	sst s9;
	s0 =	simm.s32 @!p0 $0x0  }
0x12: {  	s1 =	sld [smem:$0x3F98];
	s0 =	simm.s32 @p0 $0x1  }
0x13: {  	[smem:$0x3FB3] =	sst s0;
	s0 =	simm.s32 @!p1 $0x0  }
0x14: {  	s2 =	sld [smem:$0x3F97];
	s0 =	simm.s32 @p1 $0x1  }
0x15: {  	[smem:$0x3FB4] =	sst s0;
	s0 =	simm.s32 @!p2 $0x0  }
0x16: {  	s3 =	sld [smem:$0x3FDB];
	s0 =	simm.s32 @p2 $0x1  }
0x17: {  	s4 =	simm.s32 $0x1BF5;
	[smem:$0x3FB6] =	sst s0  }
0x18: {  	s0 =	sld [smem:$0x3F99];
	_ =	swait.ge [sflag:s4], $0x0  }
0x19: {  	s7 =	sld [smem:$0x3F9A]  }
0x1a: {  	s8 =	sadd.s32 $0xFFFFE003, lr  }
0x1b: {  	s9 =	sadd.s32 $0xFFFFFEF7, lr;
	s5 =	simm.s32 $0xFFFFFFFF;
	p2 =	slt.u32 s8, $0xFFFFF086  }
0x1c: {  	p1 =	slt.u32 s9, $0xF7A;
	s5 =	simm.s32 @!p2 $0x0  }
0x1d: {  	s5 =	simm.s32 @p1 $0x1;
	p0 =	seq.s32 s7, s2  }
0x1e: {  	s7 =	smul.u32 @!p0 $0xF7A, s2;
	p2 =	seq.s32 @!p0 s5, $0x0  }
0x1f: {  	s9 =	smul.u32 $0xF7A, s1;
	s8 =	simm.s32 @!p0 $0x1BF5;
	p2 =	por !p2, p0  }
0x20: {  	[sflag:s8] =	ssyncset.s32 @!p0 $0xFFFFF086;
	s6 =	sadd.s32 @!p0 s3, s7;
	s7 =	simm.s32 @!p0 $0x108  }
0x21: {  	s3 =	sadd.s32 s3, s9;
	s6 =	sadd.s32 @!p0 $0x88, s6;
	s7 =	simm.s32 @p2 $0x1082  }
0x22: {  	[simem:s7], [sflag:s8] =	dma.local @!p0 [hbm:s6], $0xF7A  }
0x23: {  	s9 =	sor.u32 $0xD0000000, s2;
	s6 =	simm.s32 $0x108;
	_ =	swait.ge @!p0 [sflag:s8], $0x0  }
0x24: {  	s3 =	sadd.s32 $0x88, s3;
	s6 =	simm.s32 @!p1 $0x1082;
	[sflag:s4] =	ssyncset.s32 $0xFFFFF086  }
0x25: {  	[simem:s6], [sflag:s4] =	dma.local [hbm:s3], $0xF7A  }
0x26: {  	[smem:$0x3F9A] =	sst s1;
	(tag) =	ssettag s2;
	_ =	strace s9  }
0x27: {  	s1 =	sld [smem:$0x3FAA]  }
0x28: {  	s2 =	sld [smem:$0x3FAB]  }
0x29: {  	s4 =	sld [smem:$0x3FAD]  }
0x2a: {  	p0 =	seq.s32 s5, $0x0;
	s5 =	sld [smem:$0x3FAE]  }
0x2b: {  	s6 =	sld [smem:$0x3FAF]  }
0x2c: {  	s7 =	sld [smem:$0x3FB0]  }
0x2d: {  	s3 =	simm.s32 $0x108;
	s8 =	sld [smem:$0x3FB1]  }
0x2e: {  	s3 =	simm.s32 @!p0 $0x1082;
	s9 =	sld [smem:$0x3FB2]  }
0x2f: {  	lr =	sadd.s32 s0, s3;
	s0 =	sld [smem:$0x3FA9]  }
0x30: {  	s3 =	sld [smem:$0x3FAC]  }
0x31: {  	[smem:$0x3FB5] =	sst s10  }
0x32: {  	s10 =	sld [smem:$0x3FB3];
	_ =	sdelay $0x3  }
0x33: {  	p0 =	seq.s32 s10, $0x1;
	s10 =	sld [smem:$0x3FB5];
	_ =	sdelay $0x3  }
0x34: {  	[smem:$0x3FB5] =	sst s10  }
0x35: {  	s10 =	sld [smem:$0x3FB4];
	_ =	sdelay $0x3  }
0x36: {  	p1 =	seq.s32 s10, $0x1;
	s10 =	sld [smem:$0x3FB5];
	_ =	sdelay $0x3  }
0x37: {  	[smem:$0x3FB5] =	sst s10  }
0x38: {  	s10 =	sld [smem:$0x3FB6]  }
0x39: {  	_ = 	snop;
	(pc) =	sbr.ind lr, $3  }
0x3a: {  	_ = 	snop  }
0x3b: {  	_ = 	snop  }
0x3c: {  	p2 =	seq.s32 s10, $0x1;
	s10 =	sld [smem:$0x3FB5]  }
0x3d: {  	_ =	shalt  }
0x3e: {  	_ =	shalt  }
0x3f: {  	_ =	shalt  }
0x40: {  	_ =	shalt  }
0x41: {  	_ =	shalt  }
0x42: {  	_ =	shalt  }
0x43: {  	_ =	shalt  }
0x44: {  	_ =	shalt  }
0x45: {  	_ =	shalt  }
0x46: {  	_ =	shalt  }
0x47: {  	_ =	shalt  }
0x48: {  	_ =	shalt  }
0x49: {  	_ =	shalt  }
0x4a: {  	_ =	shalt  }
0x4b: {  	_ =	shalt  }
0x4c: {  	_ =	shalt  }
0x4d: {  	_ =	shalt  }
0x4e: {  	_ =	shalt  }
0x4f: {  	_ =	shalt  }
0x50: {  	_ =	shalt  }
0x51: {  	_ =	shalt  }
0x52: {  	_ =	shalt  }
0x53: {  	_ =	shalt  }
0x54: {  	_ =	shalt  }
0x55: {  	_ =	shalt  }
0x56: {  	_ =	shalt  }
0x57: {  	_ =	shalt  }
0x58: {  	_ =	shalt  }
0x59: {  	_ =	shalt  }
0x5a: {  	_ =	shalt  }
0x5b: {  	_ =	shalt  }
0x5c: {  	_ =	shalt  }
0x5d: {  	_ =	shalt  }
0x5e: {  	_ =	shalt  }
0x5f: {  	_ =	shalt  }
0x60: {  	_ =	shalt  }
0x61: {  	_ =	shalt  }
0x62: {  	_ =	shalt  }
0x63: {  	_ =	shalt  }
0x64: {  	_ =	shalt  }
0x65: {  	_ =	shalt  }
0x66: {  	_ =	shalt  }
0x67: {  	_ =	shalt  }
0x68: {  	_ =	shalt  }
0x69: {  	_ =	shalt  }
0x6a: {  	_ =	shalt  }
0x6b: {  	_ =	shalt  }
0x6c: {  	_ =	shalt  }
0x6d: {  	_ =	shalt  }
0x6e: {  	_ =	shalt  }
0x6f: {  	_ =	shalt  }
0x70: {  	_ =	shalt  }
0x71: {  	_ =	shalt  }
0x72: {  	_ =	shalt  }
0x73: {  	_ =	shalt  }
0x74: {  	_ =	shalt  }
0x75: {  	_ =	shalt  }
0x76: {  	_ =	shalt  }
0x77: {  	_ =	shalt  }
0x78: {  	_ =	shalt  }
0x79: {  	_ =	shalt  }
0x7a: {  	_ =	shalt  }
0x7b: {  	_ =	shalt  }
0x7c: {  	_ =	shalt  }
0x7d: {  	_ =	shalt  }
0x7e: {  	_ =	shalt  }
0x7f: {  	_ =	shalt  }
0x80: {  	_ =	shalt  }
0x81: {  	_ =	shalt  }
0x82: {  	_ =	shalt  }
0x83: {  	_ =	shalt  }
0x84: {  	_ =	shalt  }
0x85: {  	_ =	shalt  }
0x86: {  	_ =	shalt  }
0x87: {  	_ =	shalt  }
.Lfunc_end0:
.L_simem_size_0:
called_computation_lowered:
.L_overlay_start_0:
0x88: {  	s2 =	sld [smem:$0x3FD9]  }
0x89: {  	s3 =	sld [smem:$0x3FFE];
	_ =	sdelay $0x1  }
0x8a: {  	s1 =	srdreg.scid  }
0x8b: {  	s0 =	sand.u32 $0x1, s1  }
0x8c: {  	s17 =	sshll.u32 s0, $0xA;
	s2 =	sadd.s32 s3, s2  }
0x8d: {  	s2 =	sadd.s32 s2, s17  }
0x8e: {  	[smem:$0x3FC1] =	sst s2  }
0x8f: {  	_ = 	snop  }
0x90: {  	s2 =	sld [smem:$0x3FD0];
	(tm) =	ssettm $0x1  }
0x91: {  	s18 =	sld [smem:$0x3FFB];
	_ =	sdelay $0x3  }
0x92: {  	_ =	strace s18  }
0x93: {  	s3 =	sld [smem:$0x3FFC];
	_ =	sdelay $0x3  }
0x94: {  	_ =	strace s3  }
0x95: {  	s3 =	sld [smem:$0x3FFD];
	_ =	sdelay $0x3  }
0x96: {  	_ =	strace s3  }
0x97: {  	_ =	strace $0x8FFFFFFF  }
0x98: {  	s19 =	sld [smem:$0x3FDB];
	_ =	sdelay $0x1  }
0x99: {  	s4 =	simm.s32 $_scs_section_size  }
0x9a: {  	s5 =	simm.s32 $_size__tile_overlayer_lowered;
	s6 =	simm.s32 $_tile_overlayer_lowered  }
0x9b: {  	s22 =	simm.s32 $0x1BFF;
	s21 =	sshll.u32 s6, $0x1;
	s3 =	sadd.s32 s4, s19  }
0x9c: {  	s7 =	simm.s32 $0x0;
	s20 =	sshll.u32 s5, $0x1;
	s5 =	sadd.s32 s21, s3  }
0x9d: {  	[timem:s7], [sflag:s22] =	dma.local [hbm:s5], s20  }
0x9e: {  	_ =	swait.ge [sflag:s22], s20  }
0x9f: {  	s4 =	ssub.s32 $0x0, s20;
	[sflag:s22] =	ssyncset.done $0x0  }
0xa0: {  	[sflag:s22] =	ssyncadd.s32 s4;
	_ =	sdelay $0x1  }
0xa1: {  	s23 =	simm.s32 $0x1B8B  }
0xa2: {  	_ =	swait.ge [sflag:s23], $0x1  }
0xa3: {  	[sflag:s23] =	ssyncset.done $0x0  }
0xa4: {  	s25 =	simm.s32 $0x1B8E;
	s24 =	sld [smem:$0x3FFE];
	[sflag:s23] =	ssyncadd.s32 $0xFFFFFFFF  }
0xa5: {  	s26 =	simm.s32 $execute0_lowered;
	[smem:$0x3FD2] =	sst s25  }
0xa6: {  	s5 =	sshll.u32 s26, $0x1;
	_ =	strace $0x80000046;
	[dreg:$0x1] =	wrdreg $0xFFFFFFFF  }
0xa7: {  	s28 =	simm.s32 $_size_execute0_lowered;
	s3 =	sadd.s32 s3, s5;
	[dreg:$0x0] =	wrdreg $0x0  }
0xa8: {  	s5 =	sshll.u32 s28, $0x1;
	[dreg:$0x2] =	wrdreg s3  }
0xa9: {  	[dreg:$0x3] =	wrdreg s5  }
0xaa: {  	[dreg:$0x4] =	wrdreg $0xC0  }
0xab: {  	_ =	task [dreg:s7], $0x5FFFF  }
0xac: {  	[dreg:$0x1] =	wrdreg $0xFFFFFFFF  }
0xad: {  	[dreg:$0x0] =	wrdreg $0x60  }
0xae: {  	[dreg:$0x2] =	wrdreg s2  }
0xaf: {  	[dreg:$0x3] =	wrdreg s24  }
0xb0: {  	[dreg:$0x4] =	wrdreg $0x0  }
0xb1: {  	[dreg:$0x5] =	wrdreg $0x9  }
0xb2: {  	_ =	task.clear_ibuf [dreg:s7], $0x6FFFF;
	_ =	strace $0x90000046  }
0xb3: {  	s29 =	simm.s32 $0x9;
	_ =	strace $0x80000048  }
0xb4: {  	_ =	swait.ge [sflag:s29], $0x1  }
0xb5: {  	[sflag:s29] =	ssyncadd.s32 $0xFFFFFFFF  }
0xb6: {  	_ =	strace $0x90000048  }
0xb7: {  	_ =	sfence  }
0xb8: {  	s30 =	sld [smem:$0x0];
	_ =	sdelay $0x2  }
0xb9: {  	s31 =	sshll.u32 s1, $0xD;
	s1 =	sshrl.u32 s1, $0x2  }
0xba: {  	s3 =	sand.u32 $0x4000, s31;
	s1 =	sadd.s32 s1, s30  }
0xbb: {  	s0 =	sor.u32 s3, s0;
	s1 =	sshll.u32 s1, $0x11  }
0xbc: {  	s0 =	sor.u32 s1, s0  }
0xbd: {  	s0 =	sadd.s32 $0x8F2B, s0  }
0xbe: {  	[sflag:s0] =	ssyncadd.remote.s32 $0x1  }
0xbf: {  	_ =	sfence.sel $0xFFFF  }
0xc0: {  	[dreg:$0x0] =	wrdreg $0xFFFFFFFF;
	(pc) =	sbr.abs _section_cstart, $3  }
0xc1: {  	[dreg:$0x1] =	wrdreg $0xFFFFFFFF  }
0xc2: {  	_ =	task.clear_ibuf [dreg:s7], $0x2FFFF;
	_ =	strace $0x9FFFFFFF  }
0xc3: {  	(tm) =	ssettm $0x7FFFFFFF  }
tec
execute0_lowered:
.L_overlay_start_1:
0x0: {  	(tag) =	ssettag $0x1  }
0x1: {  	v1 =	vlaneseq.u32  }
0x2: {  	v0 =	vmul.u32 $0x10, v1;
	v1 =	vmul.u32 $0x90, v1;
	_ =	sdelay $0x1  }
0x3: {  	v2 =	vadd.s32 $0x88, v1  }
0x4: {  	[tilespmem:$0x1FE20] =	vst v2;
	v2 =	vor.u32 $0x1, v0  }
0x5: {  	[tilespmem:$0x1FE30] =	vst v2;
	v2 =	vadd.s32 $0x89, v1  }
0x6: {  	[tilespmem:$0x1FE40] =	vst v2;
	v2 =	vor.u32 $0x2, v0  }
0x7: {  	[tilespmem:$0x1FE50] =	vst v2;
	v2 =	vadd.s32 $0x8A, v1  }
0x8: {  	[tilespmem:$0x1FE60] =	vst v2;
	v2 =	vor.u32 $0x3, v0  }
0x9: {  	[tilespmem:$0x1FE70] =	vst v2;
	v2 =	vadd.s32 $0x8B, v1  }
0xa: {  	[tilespmem:$0x1FE80] =	vst v2;
	v2 =	vor.u32 $0x4, v0  }
0xb: {  	[tilespmem:$0x1FE90] =	vst v2;
	v2 =	vadd.s32 $0x8C, v1  }
0xc: {  	[tilespmem:$0x1FEA0] =	vst v2;
	v2 =	vor.u32 $0x5, v0  }
0xd: {  	[tilespmem:$0x1FEB0] =	vst v2;
	v2 =	vadd.s32 $0x8D, v1  }
0xe: {  	[tilespmem:$0x1FEC0] =	vst v2;
	v2 =	vor.u32 $0x6, v0  }
0xf: {  	s0 =	rddreg [dreg:$0x0];
	[tilespmem:$0x1FED0] =	vst v2;
	v2 =	vadd.s32 $0x8E, v1  }
0x10: {  	s1 =	rddreg [dreg:$0x1];
	s4 =	simm.s32 $0x0;
	[tilespmem:$0x1FEE0] =	vst v2;
	v2 =	vor.u32 $0x7, v0  }
0x11: {  	[smem:$0x7FF] =	sst s4;
	[tilespmem:$0x1FEF0] =	vst v2;
	v2 =	vadd.s32 $0x8F, v1  }
0x12: {  	s2 =	rddreg [dreg:$0x2];
	_ =	strace $0x80000047;
	[tilespmem:$0x1FF00] =	vst v2;
	v2 =	vor.u32 $0x100, v0  }
0x13: {  	[tilespmem:$0x1FF10] =	vst v2;
	v2 =	vadd.s32 $0x988, v1  }
0x14: {  	s12 =	stileid.u32;
	s14 =	simm.s32 $0x50;
	s15 =	simm.s32 $0x19000;
	[tilespmem:$0x1FF20] =	vst v2;
	v2 =	vor.u32 $0x101, v0  }
0x15: {  	s16 =	simm.s32 $0x19140;
	s18 =	simm.s32 $0x19B40;
	s19 =	simm.s32 $0x19050;
	v32 =	vadd.s32 $0x98F, v1;
	[tilespmem:$0x1FF30] =	vst v2;
	v2 =	vadd.s32 $0x989, v1  }
0x16: {  	s3 =	srdreg.scid;
	s20 =	simm.s32 $0x19640;
	s21 =	simm.s32 $0x190F0;
	v33 =	vor.u32 $0x200, v0;
	v34 =	vadd.s32 $0x1288, v1;
	[tilespmem:$0x1FF40] =	vst v2;
	v2 =	vor.u32 $0x102, v0  }
0x17: {  	s22 =	simm.s32 $0x1C840;
	s28 =	simm.s32 $0x4;
	s6 =	smul.u32 $0x500, s12;
	v35 =	vor.u32 $0x201, v0;
	v36 =	vadd.s32 $0x1289, v1;
	[tilespmem:$0x1FF50] =	vst v2;
	v2 =	vadd.s32 $0x98A, v1  }
0x18: {  	s31 =	simm.s32 $0x0;
	s8 =	smul.u32 $0x14000, s12;
	s4 =	sadd.s32 $0x1800, s1;
	v37 =	vor.u32 $0x202, v0;
	v38 =	vadd.s32 $0x128A, v1;
	[tilespmem:$0x1FF60] =	vst v2;
	v2 =	vor.u32 $0x103, v0  }
0x19: {  	s3 =	sand.u32 $0x1, s3;
	s5 =	sadd.s32 $0x2E800, s1;
	s10 =	smul.u32 $0x5A000, s12;
	v39 =	vor.u32 $0x203, v0;
	v40 =	vadd.s32 $0x128B, v1;
	[tilespmem:$0x1FF70] =	vst v2;
	v2 =	vadd.s32 $0x98B, v1  }
0x1a: {  	s29 =	sshll.u32 s12, $0x6;
	s12 =	simm.s32 $0x5;
	s7 =	smul.u32 $0x140000, s3;
	v41 =	vor.u32 $0x204, v0;
	v42 =	vadd.s32 $0x128C, v1;
	[tilespmem:$0x1FF80] =	vst v2;
	v2 =	vor.u32 $0x104, v0  }
0x1b: {  	s24 =	ssub.s32 $0x2, s3;
	p0 =	seq.s32 s3, $0x0;
	s9 =	sadd.s32 s6, s1;
	v43 =	vor.u32 $0x205, v0;
	v44 =	vadd.s32 $0x128D, v1;
	[tilespmem:$0x1FF90] =	vst v2;
	v2 =	vadd.s32 $0x98C, v1  }
0x1c: {  	s6 =	sadd.s32 $0x38800, s1;
	s25 =	sshrl.u32 s24, $0x1;
	s26 =	sshrl.u32 s10, $0x2;
	v45 =	vor.u32 $0x206, v0;
	v46 =	vadd.s32 $0x128E, v1;
	[tilespmem:$0x1FFA0] =	vst v2;
	v2 =	vor.u32 $0x105, v0  }
0x1d: {  	s4 =	smov.u32 @p0 s0;
	v47 =	vor.u32 $0x207, v0;
	v48 =	vadd.s32 $0x128F, v1;
	s23 =	sadd.s32 s8, s7;
	s11 =	ssub.s32 s24, s25;
	[tilespmem:$0x1FFB0] =	vst v2;
	v2 =	vadd.s32 $0x98D, v1  }
0x1e: {  	v49 =	vor.u32 $0x300, v0;
	v50 =	vadd.s32 $0x1B88, v1;
	s30 =	sadd.s32 s26, s2;
	s8 =	sadd.s32 $0x33800, s9;
	s24 =	simm.s32 $0x1F540;
	[tilespmem:$0x1FFC0] =	vst v2;
	v2 =	vor.u32 $0x106, v0  }
0x1f: {  	v51 =	vor.u32 $0x301, v0;
	v52 =	vadd.s32 $0x1B89, v1;
	s25 =	simm.s32 $0x3;
	s26 =	simm.s32 $0x2;
	s7 =	sshrl.u32 s23, $0x3;
	[tilespmem:$0x1FFD0] =	vst v2;
	v2 =	vadd.s32 $0x98E, v1  }
0x20: {  	v53 =	vor.u32 $0x302, v0;
	v54 =	vadd.s32 $0x1B8A, v1;
	s10 =	smax.u32 s11, $0x1;
	s11 =	sshrl.u32 s30, $0x3;
	s1 =	sadd.s32 s7, s1;
	[tilespmem:$0x1FFE0] =	vst v2;
	v2 =	vor.u32 $0x107, v0  }
0x21: {  	v55 =	vor.u32 $0x303, v0;
	v56 =	vadd.s32 $0x1B8B, v1;
	v57 =	vor.u32 $0x304, v0;
	s23 =	simm.s32 $0x1;
	s7 =	sor.u32 $0x1C05, s29;
	s9 =	sadd.s32 $0x3B600, s1;
	[tilespmem:$0x1FFF0] =	vst v2  }
.LBB2_1:
0x22: {  	[spmem:s11], [sflag:s7] =	dma.local [hbm:s6], $0x2D00  }
0x23: {  	_ =	swait.ge [sflag:s12], $0x2D00  }
0x24: {  	[sflag:s12] =	ssyncset.done $0x0  }
0x25: {  	[sflag:s12] =	ssyncadd.s32 $0xFFFFD300  }
0x26: {  	s0 =	simm.s32 $0x0;
	s1 =	simm.s32 $0x16800;
	[bflag:$0x0] =	sbarrier.arrive $0xFFFF  }
0x27: {  	[tilespmem:s1], [sflag:$0x5] =	stream.linear.gather [hbm4b:s8+s0], $0x2800, $0x38;
	[tilespmem:$0x1F680] =	vst v63  }
0x28: {  	_ =	swait.ge [sflag:s12], $0x2800  }
0x29: {  	[sflag:s12] =	ssyncset.done $0x0  }
0x2a: {  	[sflag:s12] =	ssyncadd.s32 $0xFFFFD800  }
0x2b: {  	v2 =	vld [tilespmem:$0x16800];
	_ =	sdelay $0x1  }
0x2c: {  	v3 =	vld [tilespmem:$0x16810];
	_ =	sdelay $0x1  }
0x2d: {  	v4 =	vld [tilespmem:$0x16820]  }
0x2e: {  	v5 =	vand.u32 $0xFFFF, v2  }
0x2f: {  	v63 =	vld [tilespmem:$0x16830];
	v2 =	vshrl.u32 v2, $0x10;
	[tilespmem:$0x19000] =	vst v5  }
0x30: {  	[tilespmem:$0x190A0] =	vst v2;
	v2 =	vand.u32 $0xFFFF, v3  }
0x31: {  	[tilespmem:$0x19010] =	vst v2;
	v2 =	vshrl.u32 v3, $0x10;
	v3 =	vld [tilespmem:$0x16840]  }
0x32: {  	[tilespmem:$0x190B0] =	vst v2;
	v2 =	vand.u32 $0xFFFF, v4  }
0x33: {  	[tilespmem:$0x19020] =	vst v2;
	v2 =	vshrl.u32 v4, $0x10  }
0x34: {  	[tilespmem:$0x190C0] =	vst v2;
	v2 =	vand.u32 $0xFFFF, v63  }
0x35: {  	[tilespmem:$0x19030] =	vst v2;
	v2 =	vshrl.u32 v63, $0x10  }
0x36: {  	[tilespmem:$0x190D0] =	vst v2;
	v2 =	vand.u32 $0xFFFF, v3  }
0x37: {  	[tilespmem:$0x19040] =	vst v2;
	v2 =	vshrl.u32 v3, $0x10  }
0x38: {  	[tilespmem:$0x190E0] =	vst v2  }
0x39: {  	[tilespmem:s16], [sflag:$0x1] =	stream.indirect.gather [hbm4b:s5+s14], $0x10, s15, s14, $0xb8;
	[tilespmem:$0x1F680] =	vst v63  }
0x3a: {  	s30 =	simm.s32 $0x190A0;
	s1 =	simm.s32 $0x0  }
0x3b: {  	[tilespmem:s18], [sflag:$0x1] =	stream.indirect.gather [hbm4b:s4+s14], $0x90, s30, s14, $0xb8;
	[tilespmem:$0x1F680] =	vst v63  }
.LBB2_2:
0x3c: {  	p1 =	seq.s32 s1, $0x0  }
0x3d: {  	s0 =	simm.s32 @!p1 $0x4  }
0x3e: {  	s3 =	smul.u32 $0x280, s1;
	_ =	swait.ge @!p1 [sflag:s0], $0x2D00  }
0x3f: {  	[sflag:s0] =	ssyncset.done @!p1 $0x0  }
0x40: {  	[sflag:s0] =	ssyncadd.s32 @!p1 $0xFFFFD300;
	s0 =	sshra.s32 s3, $0x2  }
0x41: {  	v2 =	vld [tilespmem:s0+$0x16850];
	_ =	sdelay $0x4  }
0x42: {  	v3 =	vand.u32 $0xFFFF, v2  }
0x43: {  	v2 =	vshrl.u32 v2, $0x10;
	[tilespmem:$0x19050] =	vst v3  }
0x44: {  	[tilespmem:$0x190F0] =	vst v2  }
0x45: {  	v2 =	vld [tilespmem:s0+$0x16860];
	_ =	sdelay $0x4  }
0x46: {  	v3 =	vand.u32 $0xFFFF, v2  }
0x47: {  	v2 =	vshrl.u32 v2, $0x10;
	[tilespmem:$0x19060] =	vst v3  }
0x48: {  	[tilespmem:$0x19100] =	vst v2  }
0x49: {  	v2 =	vld [tilespmem:s0+$0x16870];
	_ =	sdelay $0x4  }
0x4a: {  	v3 =	vand.u32 $0xFFFF, v2  }
0x4b: {  	v2 =	vshrl.u32 v2, $0x10;
	[tilespmem:$0x19070] =	vst v3  }
0x4c: {  	[tilespmem:$0x19110] =	vst v2  }
0x4d: {  	v2 =	vld [tilespmem:s0+$0x16880];
	_ =	sdelay $0x4  }
0x4e: {  	v3 =	vand.u32 $0xFFFF, v2  }
0x4f: {  	v2 =	vshrl.u32 v2, $0x10;
	[tilespmem:$0x19080] =	vst v3  }
0x50: {  	[tilespmem:$0x19120] =	vst v2  }
0x51: {  	v2 =	vld [tilespmem:s0+$0x16890];
	_ =	sdelay $0x4  }
0x52: {  	v3 =	vand.u32 $0xFFFF, v2  }
0x53: {  	v2 =	vshrl.u32 v2, $0x10;
	[tilespmem:$0x19090] =	vst v3  }
0x54: {  	[tilespmem:$0x19130] =	vst v2  }
0x55: {  	[tilespmem:s20], [sflag:$0x2] =	stream.indirect.gather [hbm4b:s5+s14], $0x10, s19, s14, $0xb8;
	[tilespmem:$0x1F680] =	vst v63  }
0x56: {  	_ = 	snop  }
0x57: {  	[tilespmem:s22], [sflag:$0x2] =	stream.indirect.gather [hbm4b:s4+s14], $0x90, s21, s14, $0xb8;
	[tilespmem:$0x1F680] =	vst v63  }
0x58: {  	_ =	swait.ge [sflag:s23], $0x500  }
0x59: {  	[sflag:s23] =	ssyncset.done $0x0  }
0x5a: {  	[sflag:s23] =	ssyncadd.s32 $0xFFFFFB00  }
0x5b: {  	_ =	swait.ge [sflag:s23], $0x2D00  }
0x5c: {  	v3 =	vld [tilespmem:$0x1FE20]  }
0x5d: {  	v4 =	vld [tilespmem:$0x1FE30]  }
0x5e: {  	v5 =	vld [tilespmem:$0x1FE40]  }
0x5f: {  	v6 =	vld [tilespmem:$0x1FE50]  }
0x60: {  	v7 =	vld [tilespmem:$0x1FE60]  }
0x61: {  	v8 =	vld [tilespmem:$0x1FE70]  }
0x62: {  	v9 =	vld [tilespmem:$0x1FE80]  }
0x63: {  	[sflag:s23] =	ssyncset.done $0x0;
	v10 =	vld [tilespmem:$0x1FE90]  }
0x64: {  	v11 =	vld [tilespmem:$0x1FEA0];
	[sflag:s23] =	ssyncadd.s32 $0xFFFFD300  }
0x65: {  	v2 =	vld.idx.msk [tilespmem:v0+s16+$0x0], $0xffff  }
0x66: {  	v3 =	vld.idx.msk [tilespmem:v3+s18+$0x0], $0xffff  }
0x67: {  	v4 =	vld.idx.msk [tilespmem:v4+s16+$0x0], $0xffff  }
0x68: {  	v5 =	vld.idx.msk [tilespmem:v5+s18+$0x0], $0xffff  }
0x69: {  	v6 =	vld.idx.msk [tilespmem:v6+s16+$0x0], $0xffff  }
0x6a: {  	v7 =	vld.idx.msk [tilespmem:v7+s18+$0x0], $0xffff  }
0x6b: {  	v8 =	vld.idx.msk [tilespmem:v8+s16+$0x0], $0xffff  }
0x6c: {  	v9 =	vld.idx.msk [tilespmem:v9+s18+$0x0], $0xffff  }
0x6d: {  	v10 =	vld.idx.msk [tilespmem:v10+s16+$0x0], $0xffff  }
0x6e: {  	v11 =	vld.idx.msk [tilespmem:v11+s18+$0x0], $0xffff  }
0x6f: {  	v12 =	vld [tilespmem:$0x1FED0]  }
0x70: {  	v2 =	vadd.f32 v3, v2;
	v3 =	vld [tilespmem:$0x1FEB0]  }
0x71: {  	v4 =	vadd.f32 v5, v4;
	v5 =	vld [tilespmem:$0x1FEC0]  }
0x72: {  	v6 =	vadd.f32 v7, v6;
	v7 =	vld [tilespmem:$0x1FEE0];
	v13 =	vmul.f32 $2.000000030e-01, v2  }
0x73: {  	v8 =	vadd.f32 v9, v8;
	v9 =	vadd.f32 v11, v10;
	v10 =	vld [tilespmem:$0x1FEF0];
	vm0 =	vge.f32 v2, $0.0e+00  }
0x74: {  	v2 =	vsel vm0, v2, v13;
	v13 =	vld [tilespmem:$0x1FF00];
	_ =	sdelay $0x2  }
0x75: {  	v12 =	vld.idx.msk [tilespmem:v12+s16+$0x0], $0xffff  }
0x76: {  	v3 =	vld.idx.msk [tilespmem:v3+s16+$0x0], $0xffff  }
0x77: {  	v5 =	vld.idx.msk [tilespmem:v5+s18+$0x0], $0xffff  }
0x78: {  	v7 =	vld.idx.msk [tilespmem:v7+s18+$0x0], $0xffff  }
0x79: {  	v14 =	vmul.f32 $2.000000030e-01, v4;
	v10 =	vld.idx.msk [tilespmem:v10+s16+$0x0], $0xffff  }
0x7a: {  	vm1 =	vge.f32 v4, $0.0e+00;
	v11 =	vmul.f32 $2.000000030e-01, v6;
	vm15 =	vge.f32 v6, $0.0e+00;
	v13 =	vld.idx.msk [tilespmem:v13+s18+$0x0], $0xffff  }
0x7b: {  	v15 =	vmul.f32 $2.000000030e-01, v9;
	v4 =	vsel vm1, v4, v14;
	v14 =	vmul.f32 $2.000000030e-01, v8  }
0x7c: {  	vm4 =	vge.f32 v8, $0.0e+00;
	vm2 =	vge.f32 v9, $0.0e+00;
	v3 =	vadd.f32 v5, v3  }
0x7d: {  	v5 =	vsel vm15, v6, v11;
	v6 =	vsel vm4, v8, v14;
	v8 =	vsel vm2, v9, v15  }
0x7e: {  	v7 =	vadd.f32 v7, v12;
	v11 =	vmax.f32 v2, v4;
	v9 =	vmul.f32 $2.000000030e-01, v3  }
0x7f: {  	v11 =	vmax.f32 v11, v5;
	vm5 =	vge.f32 v3, $0.0e+00;
	v10 =	vadd.f32 v13, v10  }
0x80: {  	v11 =	vmax.f32 v11, v6;
	v3 =	vsel vm5, v3, v9;
	v9 =	vmul.f32 $2.000000030e-01, v7  }
0x81: {  	vm6 =	vge.f32 v7, $0.0e+00;
	v11 =	vmax.f32 v11, v8;
	v12 =	vmul.f32 $2.000000030e-01, v10  }
0x82: {  	v7 =	vsel vm6, v7, v9;
	vm7 =	vge.f32 v10, $0.0e+00;
	v9 =	vmax.f32 v11, v3  }
0x83: {  	v9 =	vmax.f32 v9, v7;
	v10 =	vsel vm7, v10, v12  }
0x84: {  	v9 =	vmax.f32 v9, v10  }
0x85: {  	v2 =	vsub.f32 v2, v9  }
0x86: {  	v4 =	vsub.f32 v4, v9  }
0x87: {  	v2 =	vmul.f32 $1.442695020e+00, v2  }
0x88: {  	v5 =	vsub.f32 v5, v9;
	v4 =	vmul.f32 $1.442695020e+00, v4  }
0x89: {  	(erf) = vpow2.f32 v2  }
0x8a: {  	v2 =	vmul.f32 $1.442695020e+00, v5;
	(erf) = vpow2.f32 v4;
	v4 =	vsub.f32 v6, v9;
	_ =	sdelay $0x1  }
0x8b: {  	(erf) = vpow2.f32 v2;
	v2 =	vmul.f32 $1.442695020e+00, v4;
	v4 =	vsub.f32 v8, v9;
	_ =	sdelay $0x1  }
0x8c: {  	v3 =	vsub.f32 v3, v9;
	(erf) = vpow2.f32 v2;
	v2 =	vmul.f32 $1.442695020e+00, v4;
	_ =	sdelay $0x1  }
0x8d: {  	(erf) = vpow2.f32 v2;
	v2 =	vmul.f32 $1.442695020e+00, v3;
	v3 =	vsub.f32 v7, v9;
	_ =	sdelay $0x1  }
0x8e: {  	v4 =	vpop (erf);
	(erf) = vpow2.f32 v2;
	v2 =	vmul.f32 $1.442695020e+00, v3;
	v3 =	vsub.f32 v10, v9  }
0x8f: {  	v5 =	vpop (erf)  }
0x90: {  	(erf) = vpow2.f32 v2;
	v2 =	vmul.f32 $1.442695020e+00, v3;
	v3 =	vadd.f32 v5, v4;
	_ =	sdelay $0x1  }
0x91: {  	v6 =	vpop (erf)  }
0x92: {  	(erf) = vpow2.f32 v2;
	v2 =	vadd.f32 v3, v6  }
0x93: {  	v3 =	vpop (erf)  }
0x94: {  	v2 =	vadd.f32 v2, v3  }
0x95: {  	v7 =	vpop (erf)  }
0x96: {  	v2 =	vadd.f32 v2, v7  }
0x97: {  	v8 =	vpop (erf)  }
0x98: {  	v2 =	vadd.f32 v2, v8  }
0x99: {  	v9 =	vpop (erf)  }
0x9a: {  	v2 =	vadd.f32 v2, v9  }
0x9b: {  	v10 =	vpop (erf)  }
0x9c: {  	v2 =	vadd.f32 v2, v10;
	_ =	sdelay $0x1  }
0x9d: {  	(erf) = vrcp.f32 v2;
	_ =	sdelay $0x6  }
0x9e: {  	v11 =	vld [tilespmem:$0x1FFA0]  }
0x9f: {  	v4 =	vpsel p0, v4, v7;
	v7 =	vld [tilespmem:$0x1FF60]  }
0xa0: {  	v5 =	vpsel p0, v5, v8;
	v8 =	vld [tilespmem:$0x1FF70];
	v2 =	vpop (erf)  }
0xa1: {  	v6 =	vpsel p0, v6, v9;
	v9 =	vld [tilespmem:$0x1FF80];
	v4 =	vmul.f32 v2, v4  }
0xa2: {  	v3 =	vpsel p0, v3, v10;
	v10 =	vld [tilespmem:$0x1FF90];
	v5 =	vmul.f32 v2, v5  }
0xa3: {  	[tilespmem:$0x1F540] =	vst v4;
	v4 =	vmul.f32 v2, v6;
	v2 =	vmul.f32 v2, v3;
	v3 =	vld [tilespmem:$0x1FF20]  }
0xa4: {  	[tilespmem:$0x1F590] =	vst v5;
	v5 =	vld [tilespmem:$0x1FF40]  }
0xa5: {  	v6 =	vld [tilespmem:$0x1FF50]  }
0xa6: {  	[tilespmem:$0x1F630] =	vst v2;
	v2 =	vld [tilespmem:$0x1FF10]  }
0xa7: {  	[tilespmem:$0x1F5E0] =	vst v4;
	v4 =	vld [tilespmem:$0x1FF30]  }
0xa8: {  	v7 =	vld.idx.msk [tilespmem:v7+s18+$0x0], $0xffff  }
0xa9: {  	v8 =	vld.idx.msk [tilespmem:v8+s16+$0x0], $0xffff  }
0xaa: {  	v9 =	vld.idx.msk [tilespmem:v9+s18+$0x0], $0xffff  }
0xab: {  	v10 =	vld.idx.msk [tilespmem:v10+s16+$0x0], $0xffff  }
0xac: {  	v3 =	vld.idx.msk [tilespmem:v3+s18+$0x0], $0xffff  }
0xad: {  	v5 =	vld.idx.msk [tilespmem:v5+s18+$0x0], $0xffff  }
0xae: {  	v2 =	vld.idx.msk [tilespmem:v2+s16+$0x0], $0xffff  }
0xaf: {  	v4 =	vld.idx.msk [tilespmem:v4+s16+$0x0], $0xffff  }
0xb0: {  	v6 =	vld.idx.msk [tilespmem:v6+s16+$0x0], $0xffff  }
0xb1: {  	v11 =	vld.idx.msk [tilespmem:v11+s18+$0x0], $0xffff  }
0xb2: {  	v12 =	vld [tilespmem:$0x1FFD0]  }
0xb3: {  	v2 =	vadd.f32 v3, v2;
	v3 =	vld [tilespmem:$0x1FFB0]  }
0xb4: {  	v4 =	vadd.f32 v5, v4;
	v5 =	vld [tilespmem:$0x1FFC0]  }
0xb5: {  	v6 =	vadd.f32 v7, v6;
	v7 =	vld [tilespmem:$0x1FFE0]  }
0xb6: {  	v8 =	vadd.f32 v9, v8;
	v9 =	vadd.f32 v11, v10;
	v10 =	vld [tilespmem:$0x1FFF0];
	_ =	sdelay $0x3  }
0xb7: {  	v12 =	vld.idx.msk [tilespmem:v12+s16+$0x0], $0xffff  }
0xb8: {  	v3 =	vld.idx.msk [tilespmem:v3+s16+$0x0], $0xffff  }
0xb9: {  	v5 =	vld.idx.msk [tilespmem:v5+s18+$0x0], $0xffff  }
0xba: {  	v13 =	vmul.f32 $2.000000030e-01, v2;
	v7 =	vld.idx.msk [tilespmem:v7+s18+$0x0], $0xffff  }
0xbb: {  	v15 =	vmul.f32 $2.000000030e-01, v9;
	v10 =	vld.idx.msk [tilespmem:v10+s16+$0x0], $0xffff;
	vm8 =	vge.f32 v2, $0.0e+00;
	v14 =	vmul.f32 $2.000000030e-01, v4  }
0xbc: {  	vm11 =	vge.f32 v8, $0.0e+00;
	vm9 =	vge.f32 v4, $0.0e+00;
	v2 =	vsel vm8, v2, v13;
	v13 =	vld.idx.msk [tilespmem:v32+s18+$0x0], $0xffff  }
0xbd: {  	v11 =	vmul.f32 $2.000000030e-01, v6;
	v4 =	vsel vm9, v4, v14;
	v14 =	vmul.f32 $2.000000030e-01, v8  }
0xbe: {  	vm12 =	vge.f32 v9, $0.0e+00;
	vm10 =	vge.f32 v6, $0.0e+00;
	v3 =	vadd.f32 v5, v3  }
0xbf: {  	v7 =	vadd.f32 v7, v12;
	v5 =	vsel vm10, v6, v11;
	v6 =	vsel vm11, v8, v14  }
0xc0: {  	v8 =	vsel vm12, v9, v15;
	v11 =	vmax.f32 v2, v4;
	v9 =	vmul.f32 $2.000000030e-01, v3  }
0xc1: {  	v10 =	vadd.f32 v13, v10;
	v11 =	vmax.f32 v11, v5;
	vm13 =	vge.f32 v3, $0.0e+00  }
0xc2: {  	v11 =	vmax.f32 v11, v6;
	v3 =	vsel vm13, v3, v9;
	v9 =	vmul.f32 $2.000000030e-01, v7  }
0xc3: {  	v12 =	vmul.f32 $2.000000030e-01, v10;
	vm14 =	vge.f32 v7, $0.0e+00;
	v11 =	vmax.f32 v11, v8  }
0xc4: {  	vm15 =	vge.f32 v10, $0.0e+00;
	v7 =	vsel vm14, v7, v9;
	v9 =	vmax.f32 v11, v3  }
0xc5: {  	v10 =	vsel vm15, v10, v12;
	v9 =	vmax.f32 v9, v7  }
0xc6: {  	v9 =	vmax.f32 v9, v10  }
0xc7: {  	v2 =	vsub.f32 v2, v9  }
0xc8: {  	v4 =	vsub.f32 v4, v9  }
0xc9: {  	v2 =	vmul.f32 $1.442695020e+00, v2  }
0xca: {  	v5 =	vsub.f32 v5, v9;
	v4 =	vmul.f32 $1.442695020e+00, v4  }
0xcb: {  	(erf) = vpow2.f32 v2  }
0xcc: {  	v2 =	vmul.f32 $1.442695020e+00, v5;
	(erf) = vpow2.f32 v4;
	v4 =	vsub.f32 v6, v9;
	_ =	sdelay $0x1  }
0xcd: {  	(erf) = vpow2.f32 v2;
	v2 =	vmul.f32 $1.442695020e+00, v4;
	v4 =	vsub.f32 v8, v9;
	_ =	sdelay $0x1  }
0xce: {  	v3 =	vsub.f32 v3, v9;
	(erf) = vpow2.f32 v2;
	v2 =	vmul.f32 $1.442695020e+00, v4;
	_ =	sdelay $0x1  }
0xcf: {  	(erf) = vpow2.f32 v2;
	v2 =	vmul.f32 $1.442695020e+00, v3;
	v3 =	vsub.f32 v7, v9;
	_ =	sdelay $0x1  }
0xd0: {  	v4 =	vpop (erf);
	(erf) = vpow2.f32 v2;
	v2 =	vmul.f32 $1.442695020e+00, v3;
	v3 =	vsub.f32 v10, v9  }
0xd1: {  	v5 =	vpop (erf)  }
0xd2: {  	(erf) = vpow2.f32 v2;
	v2 =	vmul.f32 $1.442695020e+00, v3;
	v3 =	vadd.f32 v5, v4;
	_ =	sdelay $0x1  }
0xd3: {  	v6 =	vpop (erf)  }
0xd4: {  	(erf) = vpow2.f32 v2;
	v2 =	vadd.f32 v3, v6  }
0xd5: {  	v3 =	vpop (erf)  }
0xd6: {  	v2 =	vadd.f32 v2, v3  }
0xd7: {  	v7 =	vpop (erf)  }
0xd8: {  	v2 =	vadd.f32 v2, v7  }
0xd9: {  	v8 =	vpop (erf)  }
0xda: {  	v2 =	vadd.f32 v2, v8  }
0xdb: {  	v9 =	vpop (erf)  }
0xdc: {  	v2 =	vadd.f32 v2, v9  }
0xdd: {  	v10 =	vpop (erf)  }
0xde: {  	v2 =	vadd.f32 v2, v10;
	_ =	sdelay $0x1  }
0xdf: {  	(erf) = vrcp.f32 v2;
	_ =	sdelay $0x8  }
0xe0: {  	v4 =	vpsel p0, v4, v7;
	v2 =	vpop (erf)  }
0xe1: {  	v5 =	vpsel p0, v5, v8;
	v4 =	vmul.f32 v2, v4  }
0xe2: {  	v6 =	vpsel p0, v6, v9;
	v5 =	vmul.f32 v2, v5  }
0xe3: {  	v3 =	vpsel p0, v3, v10;
	[tilespmem:$0x1F550] =	vst v4;
	v4 =	vmul.f32 v2, v6  }
0xe4: {  	[tilespmem:$0x1F5A0] =	vst v5;
	v2 =	vmul.f32 v2, v3  }
0xe5: {  	[tilespmem:$0x1F5F0] =	vst v4  }
0xe6: {  	[tilespmem:$0x1F640] =	vst v2  }
0xe7: {  	v2 =	vld.idx.msk [tilespmem:v33+s16+$0x0], $0xffff  }
0xe8: {  	v3 =	vld.idx.msk [tilespmem:v34+s18+$0x0], $0xffff  }
0xe9: {  	v4 =	vld.idx.msk [tilespmem:v35+s16+$0x0], $0xffff  }
0xea: {  	v5 =	vld.idx.msk [tilespmem:v36+s18+$0x0], $0xffff  }
0xeb: {  	v6 =	vld.idx.msk [tilespmem:v37+s16+$0x0], $0xffff  }
0xec: {  	v7 =	vld.idx.msk [tilespmem:v38+s18+$0x0], $0xffff  }
0xed: {  	v8 =	vld.idx.msk [tilespmem:v39+s16+$0x0], $0xffff  }
0xee: {  	v9 =	vld.idx.msk [tilespmem:v40+s18+$0x0], $0xffff  }
0xef: {  	v10 =	vld.idx.msk [tilespmem:v41+s16+$0x0], $0xffff  }
0xf0: {  	v11 =	vld.idx.msk [tilespmem:v42+s18+$0x0], $0xffff;
	_ =	sdelay $0x1  }
0xf1: {  	v12 =	vld.idx.msk [tilespmem:v45+s16+$0x0], $0xffff  }
0xf2: {  	v2 =	vadd.f32 v3, v2;
	v3 =	vld.idx.msk [tilespmem:v43+s16+$0x0], $0xffff  }
0xf3: {  	v4 =	vadd.f32 v5, v4;
	v5 =	vld.idx.msk [tilespmem:v44+s18+$0x0], $0xffff;
	v6 =	vadd.f32 v7, v6  }
0xf4: {  	v7 =	vld.idx.msk [tilespmem:v46+s18+$0x0], $0xffff;
	v8 =	vadd.f32 v9, v8;
	v9 =	vadd.f32 v11, v10;
	v13 =	vmul.f32 $2.000000030e-01, v2  }
0xf5: {  	v10 =	vld.idx.msk [tilespmem:v47+s16+$0x0], $0xffff;
	vm4 =	vge.f32 v2, $0.0e+00;
	v14 =	vmul.f32 $2.000000030e-01, v4;
	vm5 =	vge.f32 v4, $0.0e+00  }
0xf6: {  	v11 =	vmul.f32 $2.000000030e-01, v6;
	vm6 =	vge.f32 v6, $0.0e+00;
	v2 =	vsel vm4, v2, v13;
	v13 =	vld.idx.msk [tilespmem:v48+s18+$0x0], $0xffff  }
0xf7: {  	v15 =	vmul.f32 $2.000000030e-01, v9;
	vm7 =	vge.f32 v8, $0.0e+00;
	vm8 =	vge.f32 v9, $0.0e+00  }
0xf8: {  	v4 =	vsel vm5, v4, v14;
	v14 =	vmul.f32 $2.000000030e-01, v8;
	v3 =	vadd.f32 v5, v3  }
0xf9: {  	v5 =	vsel vm6, v6, v11;
	v7 =	vadd.f32 v7, v12;
	v11 =	vmax.f32 v2, v4  }
0xfa: {  	v6 =	vsel vm7, v8, v14;
	v8 =	vsel vm8, v9, v15;
	v9 =	vmul.f32 $2.000000030e-01, v3  }
0xfb: {  	v11 =	vmax.f32 v11, v5;
	vm9 =	vge.f32 v3, $0.0e+00;
	v10 =	vadd.f32 v13, v10  }
0xfc: {  	v11 =	vmax.f32 v11, v6;
	v3 =	vsel vm9, v3, v9;
	v9 =	vmul.f32 $2.000000030e-01, v7  }
0xfd: {  	vm10 =	vge.f32 v7, $0.0e+00;
	v11 =	vmax.f32 v11, v8;
	v12 =	vmul.f32 $2.000000030e-01, v10  }
0xfe: {  	v7 =	vsel vm10, v7, v9;
	vm11 =	vge.f32 v10, $0.0e+00;
	v9 =	vmax.f32 v11, v3  }
0xff: {  	v9 =	vmax.f32 v9, v7;
	v10 =	vsel vm11, v10, v12  }
0x100: {  	v9 =	vmax.f32 v9, v10  }
0x101: {  	v2 =	vsub.f32 v2, v9  }
0x102: {  	v4 =	vsub.f32 v4, v9  }
0x103: {  	v2 =	vmul.f32 $1.442695020e+00, v2  }
0x104: {  	v5 =	vsub.f32 v5, v9;
	v4 =	vmul.f32 $1.442695020e+00, v4  }
0x105: {  	(erf) = vpow2.f32 v2  }
0x106: {  	v2 =	vmul.f32 $1.442695020e+00, v5;
	(erf) = vpow2.f32 v4;
	v4 =	vsub.f32 v6, v9;
	_ =	sdelay $0x1  }
0x107: {  	(erf) = vpow2.f32 v2;
	v2 =	vmul.f32 $1.442695020e+00, v4;
	v4 =	vsub.f32 v8, v9;
	_ =	sdelay $0x1  }
0x108: {  	v3 =	vsub.f32 v3, v9;
	(erf) = vpow2.f32 v2;
	v2 =	vmul.f32 $1.442695020e+00, v4;
	_ =	sdelay $0x1  }
0x109: {  	(erf) = vpow2.f32 v2;
	v2 =	vmul.f32 $1.442695020e+00, v3;
	v3 =	vsub.f32 v7, v9;
	_ =	sdelay $0x1  }
0x10a: {  	v4 =	vpop (erf);
	(erf) = vpow2.f32 v2;
	v2 =	vmul.f32 $1.442695020e+00, v3;
	v3 =	vsub.f32 v10, v9  }
0x10b: {  	v5 =	vpop (erf)  }
0x10c: {  	(erf) = vpow2.f32 v2;
	v2 =	vmul.f32 $1.442695020e+00, v3;
	v3 =	vadd.f32 v5, v4;
	_ =	sdelay $0x1  }
0x10d: {  	v6 =	vpop (erf)  }
0x10e: {  	(erf) = vpow2.f32 v2;
	v2 =	vadd.f32 v3, v6  }
0x10f: {  	v3 =	vpop (erf)  }
0x110: {  	v2 =	vadd.f32 v2, v3  }
0x111: {  	v7 =	vpop (erf)  }
0x112: {  	v2 =	vadd.f32 v2, v7  }
0x113: {  	v8 =	vpop (erf)  }
0x114: {  	v2 =	vadd.f32 v2, v8  }
0x115: {  	v9 =	vpop (erf)  }
0x116: {  	v2 =	vadd.f32 v2, v9  }
0x117: {  	v10 =	vpop (erf)  }
0x118: {  	v2 =	vadd.f32 v2, v10;
	_ =	sdelay $0x1  }
0x119: {  	(erf) = vrcp.f32 v2;
	_ =	sdelay $0x8  }
0x11a: {  	v4 =	vpsel p0, v4, v7;
	v2 =	vpop (erf)  }
0x11b: {  	v5 =	vpsel p0, v5, v8;
	v4 =	vmul.f32 v2, v4  }
0x11c: {  	v6 =	vpsel p0, v6, v9;
	v5 =	vmul.f32 v2, v5  }
0x11d: {  	v3 =	vpsel p0, v3, v10;
	[tilespmem:$0x1F560] =	vst v4;
	v4 =	vmul.f32 v2, v6  }
0x11e: {  	[tilespmem:$0x1F5B0] =	vst v5;
	v2 =	vmul.f32 v2, v3  }
0x11f: {  	[tilespmem:$0x1F600] =	vst v4  }
0x120: {  	[tilespmem:$0x1F650] =	vst v2  }
0x121: {  	v3 =	vld.idx.msk [tilespmem:v49+s16+$0x0], $0xffff  }
0x122: {  	v4 =	vld.idx.msk [tilespmem:v50+s18+$0x0], $0xffff  }
0x123: {  	v5 =	vld.idx.msk [tilespmem:v51+s16+$0x0], $0xffff  }
0x124: {  	v6 =	vld.idx.msk [tilespmem:v52+s18+$0x0], $0xffff  }
0x125: {  	v61 =	vadd.s32 $0x1B8C, v1;
	v7 =	vld.idx.msk [tilespmem:v53+s16+$0x0], $0xffff  }
0x126: {  	v8 =	vld.idx.msk [tilespmem:v54+s18+$0x0], $0xffff  }
0x127: {  	v63 =	vor.u32 $0x306, v0;
	v9 =	vld.idx.msk [tilespmem:v55+s16+$0x0], $0xffff  }
0x128: {  	v2 =	vor.u32 $0x305, v0;
	v10 =	vld.idx.msk [tilespmem:v56+s18+$0x0], $0xffff  }
0x129: {  	v62 =	vadd.s32 $0x1B8D, v1;
	v11 =	vld.idx.msk [tilespmem:v57+s16+$0x0], $0xffff  }
0x12a: {  	v60 =	vadd.s32 $0x1B8E, v1;
	v12 =	vld.idx.msk [tilespmem:v61+s18+$0x0], $0xffff  }
0x12b: {  	v59 =	vor.u32 $0x307, v0  }
0x12c: {  	v58 =	vadd.s32 $0x1B8F, v1;
	v13 =	vld.idx.msk [tilespmem:v63+s16+$0x0], $0xffff  }
0x12d: {  	v3 =	vadd.f32 v4, v3;
	v4 =	vld.idx.msk [tilespmem:v2+s16+$0x0], $0xffff  }
0x12e: {  	v5 =	vadd.f32 v6, v5;
	v6 =	vld.idx.msk [tilespmem:v62+s18+$0x0], $0xffff;
	v7 =	vadd.f32 v8, v7  }
0x12f: {  	v8 =	vld.idx.msk [tilespmem:v60+s18+$0x0], $0xffff;
	v9 =	vadd.f32 v10, v9;
	v10 =	vadd.f32 v12, v11;
	v14 =	vmul.f32 $2.000000030e-01, v3  }
0x130: {  	v11 =	vld.idx.msk [tilespmem:v59+s16+$0x0], $0xffff;
	vm12 =	vge.f32 v3, $0.0e+00;
	v15 =	vmul.f32 $2.000000030e-01, v5;
	vm13 =	vge.f32 v5, $0.0e+00  }
0x131: {  	v12 =	vmul.f32 $2.000000030e-01, v7;
	vm14 =	vge.f32 v7, $0.0e+00;
	v3 =	vsel vm12, v3, v14;
	v14 =	vld.idx.msk [tilespmem:v58+s18+$0x0], $0xffff  }
0x132: {  	v16 =	vmul.f32 $2.000000030e-01, v10;
	vm15 =	vge.f32 v9, $0.0e+00;
	vm4 =	vge.f32 v10, $0.0e+00  }
0x133: {  	v5 =	vsel vm13, v5, v15;
	v15 =	vmul.f32 $2.000000030e-01, v9;
	v4 =	vadd.f32 v6, v4  }
0x134: {  	v6 =	vsel vm14, v7, v12;
	v8 =	vadd.f32 v8, v13;
	v12 =	vmax.f32 v3, v5  }
0x135: {  	v7 =	vsel vm15, v9, v15;
	v9 =	vsel vm4, v10, v16;
	v10 =	vmul.f32 $2.000000030e-01, v4  }
0x136: {  	v12 =	vmax.f32 v12, v6;
	vm5 =	vge.f32 v4, $0.0e+00;
	v11 =	vadd.f32 v14, v11  }
0x137: {  	v12 =	vmax.f32 v12, v7;
	v4 =	vsel vm5, v4, v10;
	v10 =	vmul.f32 $2.000000030e-01, v8  }
0x138: {  	vm6 =	vge.f32 v8, $0.0e+00;
	v12 =	vmax.f32 v12, v9;
	v13 =	vmul.f32 $2.000000030e-01, v11  }
0x139: {  	v8 =	vsel vm6, v8, v10;
	vm7 =	vge.f32 v11, $0.0e+00;
	v10 =	vmax.f32 v12, v4  }
0x13a: {  	v10 =	vmax.f32 v10, v8;
	v11 =	vsel vm7, v11, v13  }
0x13b: {  	v10 =	vmax.f32 v10, v11  }
0x13c: {  	v3 =	vsub.f32 v3, v10  }
0x13d: {  	v5 =	vsub.f32 v5, v10  }
0x13e: {  	v3 =	vmul.f32 $1.442695020e+00, v3  }
0x13f: {  	v6 =	vsub.f32 v6, v10;
	v5 =	vmul.f32 $1.442695020e+00, v5  }
0x140: {  	(erf) = vpow2.f32 v3  }
0x141: {  	v3 =	vmul.f32 $1.442695020e+00, v6;
	(erf) = vpow2.f32 v5;
	v5 =	vsub.f32 v7, v10;
	_ =	sdelay $0x1  }
0x142: {  	(erf) = vpow2.f32 v3;
	v3 =	vmul.f32 $1.442695020e+00, v5;
	v5 =	vsub.f32 v9, v10;
	_ =	sdelay $0x1  }
0x143: {  	v4 =	vsub.f32 v4, v10;
	(erf) = vpow2.f32 v3;
	v3 =	vmul.f32 $1.442695020e+00, v5;
	_ =	sdelay $0x1  }
0x144: {  	(erf) = vpow2.f32 v3;
	v3 =	vmul.f32 $1.442695020e+00, v4;
	v4 =	vsub.f32 v8, v10;
	_ =	sdelay $0x1  }
0x145: {  	v5 =	vpop (erf);
	(erf) = vpow2.f32 v3;
	v3 =	vmul.f32 $1.442695020e+00, v4;
	v4 =	vsub.f32 v11, v10  }
0x146: {  	v6 =	vpop (erf)  }
0x147: {  	(erf) = vpow2.f32 v3;
	v3 =	vmul.f32 $1.442695020e+00, v4;
	v4 =	vadd.f32 v6, v5;
	_ =	sdelay $0x1  }
0x148: {  	v7 =	vpop (erf)  }
0x149: {  	(erf) = vpow2.f32 v3;
	v3 =	vadd.f32 v4, v7  }
0x14a: {  	v4 =	vpop (erf)  }
0x14b: {  	v3 =	vadd.f32 v3, v4  }
0x14c: {  	v8 =	vpop (erf)  }
0x14d: {  	v3 =	vadd.f32 v3, v8  }
0x14e: {  	v9 =	vpop (erf)  }
0x14f: {  	v3 =	vadd.f32 v3, v9  }
0x150: {  	v10 =	vpop (erf)  }
0x151: {  	v3 =	vadd.f32 v3, v10  }
0x152: {  	v11 =	vpop (erf)  }
0x153: {  	v3 =	vadd.f32 v3, v11;
	_ =	sdelay $0x1  }
0x154: {  	(erf) = vrcp.f32 v3;
	_ =	sdelay $0x8  }
0x155: {  	v3 =	vpsel p0, v5, v8;
	v12 =	vpop (erf)  }
0x156: {  	v7 =	vpsel p0, v7, v10;
	v5 =	vmul.f32 v12, v3;
	v3 =	vpsel p0, v6, v9  }
0x157: {  	v7 =	vmul.f32 v12, v7;
	v6 =	vmul.f32 v12, v3;
	v3 =	vor.u32 $0x400, v0  }
0x158: {  	v9 =	vadd.s32 $0x248A, v1;
	[tilespmem:$0x1F570] =	vst v5;
	v5 =	vpsel p0, v4, v11  }
0x159: {  	v14 =	vor.u32 $0x404, v0;
	[tilespmem:$0x1F610] =	vst v7;
	v8 =	vmul.f32 v12, v5  }
0x15a: {  	v15 =	vadd.s32 $0x248C, v1;
	[tilespmem:$0x1F5C0] =	vst v6  }
0x15b: {  	v4 =	vadd.s32 $0x2488, v1;
	[tilespmem:$0x1F660] =	vst v8  }
0x15c: {  	v7 =	vor.u32 $0x402, v0;
	v8 =	vld.idx.msk [tilespmem:v3+s16+$0x0], $0xffff  }
0x15d: {  	v11 =	vor.u32 $0x403, v0;
	v23 =	vld.idx.msk [tilespmem:v9+s18+$0x0], $0xffff  }
0x15e: {  	v5 =	vor.u32 $0x401, v0;
	v26 =	vld.idx.msk [tilespmem:v14+s16+$0x0], $0xffff  }
0x15f: {  	v6 =	vadd.s32 $0x2489, v1;
	v27 =	vld.idx.msk [tilespmem:v15+s18+$0x0], $0xffff  }
0x160: {  	v12 =	vadd.s32 $0x248B, v1;
	v19 =	vld.idx.msk [tilespmem:v4+s18+$0x0], $0xffff  }
0x161: {  	v22 =	vld.idx.msk [tilespmem:v7+s16+$0x0], $0xffff  }
0x162: {  	v18 =	vor.u32 $0x405, v0;
	v24 =	vld.idx.msk [tilespmem:v11+s16+$0x0], $0xffff  }
0x163: {  	v17 =	vor.u32 $0x406, v0;
	v20 =	vld.idx.msk [tilespmem:v5+s16+$0x0], $0xffff  }
0x164: {  	v16 =	vadd.s32 $0x248D, v1;
	v21 =	vld.idx.msk [tilespmem:v6+s18+$0x0], $0xffff  }
0x165: {  	v13 =	vadd.s32 $0x248E, v1;
	v25 =	vld.idx.msk [tilespmem:v12+s18+$0x0], $0xffff  }
0x166: {  	v10 =	vor.u32 $0x407, v0  }
0x167: {  	v28 =	vld.idx.msk [tilespmem:v18+s16+$0x0], $0xffff;
	v19 =	vadd.f32 v19, v8;
	v8 =	vadd.s32 $0x248F, v1  }
0x168: {  	v29 =	vld.idx.msk [tilespmem:v17+s16+$0x0], $0xffff  }
0x169: {  	v22 =	vadd.f32 v23, v22;
	v20 =	vadd.f32 v21, v20;
	v21 =	vld.idx.msk [tilespmem:v16+s18+$0x0], $0xffff  }
0x16a: {  	v23 =	vld.idx.msk [tilespmem:v13+s18+$0x0], $0xffff;
	v24 =	vadd.f32 v25, v24;
	v25 =	vadd.f32 v27, v26;
	v30 =	vmul.f32 $2.000000030e-01, v19  }
0x16b: {  	v26 =	vld.idx.msk [tilespmem:v10+s16+$0x0], $0xffff;
	vm8 =	vge.f32 v19, $0.0e+00;
	v27 =	vmul.f32 $2.000000030e-01, v22;
	v31 =	vmul.f32 $2.000000030e-01, v20  }
0x16c: {  	vm10 =	vge.f32 v22, $0.0e+00;
	vm9 =	vge.f32 v20, $0.0e+00;
	v19 =	vsel vm8, v19, v30;
	v30 =	vld.idx.msk [tilespmem:v8+s18+$0x0], $0xffff  }
0x16d: {  	vm11 =	vge.f32 v24, $0.0e+00;
	v20 =	vsel vm9, v20, v31;
	v31 =	vmul.f32 $2.000000030e-01, v24  }
0x16e: {  	vm12 =	vge.f32 v25, $0.0e+00;
	v21 =	vadd.f32 v21, v28;
	v28 =	vmul.f32 $2.000000030e-01, v25  }
0x16f: {  	v22 =	vsel vm10, v22, v27;
	v23 =	vadd.f32 v23, v29;
	v24 =	vsel vm11, v24, v31  }
0x170: {  	v25 =	vsel vm12, v25, v28;
	v27 =	vmul.f32 $2.000000030e-01, v21;
	v28 =	vmax.f32 v19, v20  }
0x171: {  	vm13 =	vge.f32 v21, $0.0e+00;
	v28 =	vmax.f32 v28, v22;
	v26 =	vadd.f32 v30, v26  }
0x172: {  	v21 =	vsel vm13, v21, v27;
	v27 =	vmul.f32 $2.000000030e-01, v23;
	v28 =	vmax.f32 v28, v24  }
0x173: {  	vm14 =	vge.f32 v23, $0.0e+00;
	v28 =	vmax.f32 v28, v25;
	v29 =	vmul.f32 $2.000000030e-01, v26  }
0x174: {  	v23 =	vsel vm14, v23, v27;
	vm15 =	vge.f32 v26, $0.0e+00;
	v30 =	vmax.f32 v28, v21  }
0x175: {  	v27 =	vmax.f32 v30, v23;
	v26 =	vsel vm15, v26, v29  }
0x176: {  	v27 =	vmax.f32 v27, v26  }
0x177: {  	v19 =	vsub.f32 v19, v27  }
0x178: {  	v20 =	vsub.f32 v20, v27  }
0x179: {  	v19 =	vmul.f32 $1.442695020e+00, v19  }
0x17a: {  	v22 =	vsub.f32 v22, v27;
	v20 =	vmul.f32 $1.442695020e+00, v20  }
0x17b: {  	(erf) = vpow2.f32 v19  }
0x17c: {  	v19 =	vmul.f32 $1.442695020e+00, v22;
	(erf) = vpow2.f32 v20;
	v20 =	vsub.f32 v24, v27;
	_ =	sdelay $0x1  }
0x17d: {  	(erf) = vpow2.f32 v19;
	v19 =	vmul.f32 $1.442695020e+00, v20;
	v20 =	vsub.f32 v25, v27;
	_ =	sdelay $0x1  }
0x17e: {  	(erf) = vpow2.f32 v19;
	v19 =	vmul.f32 $1.442695020e+00, v20;
	v20 =	vsub.f32 v21, v27;
	_ =	sdelay $0x1  }
0x17f: {  	(erf) = vpow2.f32 v19;
	v19 =	vmul.f32 $1.442695020e+00, v20;
	v20 =	vsub.f32 v23, v27;
	_ =	sdelay $0x1  }
0x180: {  	v21 =	vpop (erf);
	(erf) = vpow2.f32 v19;
	v19 =	vmul.f32 $1.442695020e+00, v20;
	v20 =	vsub.f32 v26, v27  }
0x181: {  	v22 =	vpop (erf)  }
0x182: {  	(erf) = vpow2.f32 v19;
	v19 =	vmul.f32 $1.442695020e+00, v20;
	v20 =	vadd.f32 v22, v21;
	_ =	sdelay $0x1  }
0x183: {  	v23 =	vpop (erf)  }
0x184: {  	(erf) = vpow2.f32 v19;
	v19 =	vadd.f32 v20, v23  }
0x185: {  	v20 =	vpop (erf)  }
0x186: {  	v19 =	vadd.f32 v19, v20  }
0x187: {  	v24 =	vpop (erf)  }
0x188: {  	v19 =	vadd.f32 v19, v24  }
0x189: {  	v25 =	vpop (erf)  }
0x18a: {  	v19 =	vadd.f32 v19, v25  }
0x18b: {  	v31 =	vpop (erf)  }
0x18c: {  	v19 =	vadd.f32 v19, v31  }
0x18d: {  	v30 =	vpop (erf)  }
0x18e: {  	v19 =	vadd.f32 v19, v30;
	_ =	sdelay $0x1  }
0x18f: {  	(erf) = vrcp.f32 v19;
	_ =	sdelay $0x8  }
0x190: {  	v19 =	vpsel p0, v21, v24;
	v21 =	vpop (erf)  }
0x191: {  	s13 =	simm.s32 $0x0;
	v22 =	vpsel p0, v22, v25;
	v19 =	vmul.f32 v21, v19  }
0x192: {  	v23 =	vpsel p0, v23, v31;
	v31 =	vmov s13;
	v22 =	vmul.f32 v21, v22  }
0x193: {  	[tilespmem:$0x1F580] =	vst v19;
	v19 =	vpsel p0, v20, v30;
	v20 =	vmul.f32 v21, v23  }
0x194: {  	[tilespmem:$0x1F5D0] =	vst v22;
	v19 =	vmul.f32 v21, v19  }
0x195: {  	[tilespmem:$0x1F620] =	vst v20  }
0x196: {  	[tilespmem:$0x1F670] =	vst v19  }
0x197: {  	s13 =	simm.s32 $0x19C60;
	v19 =	vld.idx.msk [tilespmem:v31+s24+$0x0], $0xffff  }
0x198: {  	v20 =	vld [tilespmem:s13+$0xFFFFFEE0]  }
0x199: {  	v21 =	vld [tilespmem:s13+$0xFFFFFEF0];
	_ =	sdelay $0x1  }
0x19a: {  	v22 =	vand.u32 $0x7C, v31  }
0x19b: {  	v23 =	vadd.s32 $0x50, v22  }
0x19c: {  	v20 =	vmul.f32 v20, v19  }
0x19d: {  	v19 =	vmul.f32 v21, v19  }
0x19e: {  	[tilespmem:s13+$0xFFFFFEE0] =	vst v20  }
0x19f: {  	[tilespmem:s13+$0xFFFFFEF0] =	vst v19;
	v20 =	vld [tilespmem:s13+$0xFFFFFF00]  }
0x1a0: {  	v19 =	vld.idx.msk [tilespmem:v23+s24+$0x0], $0xffff  }
0x1a1: {  	v21 =	vld [tilespmem:s13+$0xFFFFFF10];
	_ =	sdelay $0x2  }
0x1a2: {  	v23 =	vadd.s32 $0xA0, v22  }
0x1a3: {  	v20 =	vmul.f32 v20, v19  }
0x1a4: {  	v19 =	vmul.f32 v21, v19  }
0x1a5: {  	[tilespmem:s13+$0xFFFFFF00] =	vst v20  }
0x1a6: {  	[tilespmem:s13+$0xFFFFFF10] =	vst v19;
	v20 =	vld [tilespmem:s13+$0xFFFFFF20]  }
0x1a7: {  	v19 =	vld.idx.msk [tilespmem:v23+s24+$0x0], $0xffff  }
0x1a8: {  	v21 =	vld [tilespmem:s13+$0xFFFFFF30];
	_ =	sdelay $0x2  }
0x1a9: {  	v22 =	vadd.s32 $0xF0, v22  }
0x1aa: {  	v20 =	vmul.f32 v20, v19  }
0x1ab: {  	v19 =	vmul.f32 v21, v19  }
0x1ac: {  	[tilespmem:s13+$0xFFFFFF20] =	vst v20  }
0x1ad: {  	[tilespmem:s13+$0xFFFFFF30] =	vst v19;
	v20 =	vld [tilespmem:s13+$0xFFFFFF40]  }
0x1ae: {  	v19 =	vld.idx.msk [tilespmem:v22+s24+$0x0], $0xffff  }
0x1af: {  	v21 =	vld [tilespmem:s13+$0xFFFFFF50];
	_ =	sdelay $0x1  }
0x1b0: {  	s17 =	simm.s32 $0x1  }
0x1b1: {  	v22 =	vmov s17  }
0x1b2: {  	v20 =	vmul.f32 v20, v19  }
0x1b3: {  	v19 =	vmul.f32 v21, v19  }
0x1b4: {  	[tilespmem:s13+$0xFFFFFF40] =	vst v20  }
0x1b5: {  	[tilespmem:s13+$0xFFFFFF50] =	vst v19;
	v20 =	vld [tilespmem:s13+$0xFFFFFF70]  }
0x1b6: {  	v19 =	vld.idx.msk [tilespmem:v22+s24+$0x0], $0xffff  }
0x1b7: {  	v21 =	vld [tilespmem:s13+$0xFFFFFF80];
	_ =	sdelay $0x1  }
0x1b8: {  	v22 =	vand.u32 $0x7D, v22  }
0x1b9: {  	v23 =	vadd.s32 $0x50, v22  }
0x1ba: {  	v20 =	vmul.f32 v20, v19  }
0x1bb: {  	v19 =	vmul.f32 v21, v19  }
0x1bc: {  	[tilespmem:s13+$0xFFFFFF70] =	vst v20  }
0x1bd: {  	[tilespmem:s13+$0xFFFFFF80] =	vst v19;
	v20 =	vld [tilespmem:s13+$0xFFFFFF90]  }
0x1be: {  	v19 =	vld.idx.msk [tilespmem:v23+s24+$0x0], $0xffff  }
0x1bf: {  	v21 =	vld [tilespmem:s13+$0xFFFFFFA0];
	_ =	sdelay $0x2  }
0x1c0: {  	v23 =	vadd.s32 $0xA0, v22  }
0x1c1: {  	v20 =	vmul.f32 v20, v19  }
0x1c2: {  	v19 =	vmul.f32 v21, v19  }
0x1c3: {  	[tilespmem:s13+$0xFFFFFF90] =	vst v20  }
0x1c4: {  	[tilespmem:s13+$0xFFFFFFA0] =	vst v19;
	v20 =	vld [tilespmem:s13+$0xFFFFFFB0]  }
0x1c5: {  	v19 =	vld.idx.msk [tilespmem:v23+s24+$0x0], $0xffff  }
0x1c6: {  	v21 =	vld [tilespmem:s13+$0xFFFFFFC0];
	_ =	sdelay $0x2  }
0x1c7: {  	v22 =	vadd.s32 $0xF0, v22  }
0x1c8: {  	v20 =	vmul.f32 v20, v19  }
0x1c9: {  	v19 =	vmul.f32 v21, v19  }
0x1ca: {  	[tilespmem:s13+$0xFFFFFFB0] =	vst v20  }
0x1cb: {  	[tilespmem:s13+$0xFFFFFFC0] =	vst v19;
	v20 =	vld [tilespmem:s13+$0xFFFFFFD0]  }
0x1cc: {  	v19 =	vld.idx.msk [tilespmem:v22+s24+$0x0], $0xffff  }
0x1cd: {  	v21 =	vld [tilespmem:s13+$0xFFFFFFE0];
	_ =	sdelay $0x1  }
0x1ce: {  	s29 =	simm.s32 $0x2  }
0x1cf: {  	v22 =	vmov s29  }
0x1d0: {  	v20 =	vmul.f32 v20, v19  }
0x1d1: {  	v19 =	vmul.f32 v21, v19  }
0x1d2: {  	[tilespmem:s13+$0xFFFFFFD0] =	vst v20  }
0x1d3: {  	[tilespmem:s13+$0xFFFFFFE0] =	vst v19;
	v20 =	vld [tilespmem:s13+$0x0]  }
0x1d4: {  	v19 =	vld.idx.msk [tilespmem:v22+s24+$0x0], $0xffff  }
0x1d5: {  	v21 =	vld [tilespmem:s13+$0x10];
	_ =	sdelay $0x1  }
0x1d6: {  	v22 =	vand.u32 $0x7E, v22  }
0x1d7: {  	v23 =	vadd.s32 $0x50, v22  }
0x1d8: {  	v20 =	vmul.f32 v20, v19  }
0x1d9: {  	v19 =	vmul.f32 v21, v19  }
0x1da: {  	[tilespmem:s13+$0x0] =	vst v20  }
0x1db: {  	[tilespmem:s13+$0x10] =	vst v19;
	v20 =	vld [tilespmem:s13+$0x20]  }
0x1dc: {  	v19 =	vld.idx.msk [tilespmem:v23+s24+$0x0], $0xffff  }
0x1dd: {  	v21 =	vld [tilespmem:s13+$0x30];
	_ =	sdelay $0x2  }
0x1de: {  	v23 =	vadd.s32 $0xA0, v22  }
0x1df: {  	v20 =	vmul.f32 v20, v19  }
0x1e0: {  	v19 =	vmul.f32 v21, v19  }
0x1e1: {  	[tilespmem:s13+$0x20] =	vst v20  }
0x1e2: {  	[tilespmem:s13+$0x30] =	vst v19;
	v20 =	vld [tilespmem:s13+$0x40]  }
0x1e3: {  	v19 =	vld.idx.msk [tilespmem:v23+s24+$0x0], $0xffff  }
0x1e4: {  	v21 =	vld [tilespmem:s13+$0x50];
	_ =	sdelay $0x2  }
0x1e5: {  	v22 =	vadd.s32 $0xF0, v22  }
0x1e6: {  	v20 =	vmul.f32 v20, v19  }
0x1e7: {  	v19 =	vmul.f32 v21, v19  }
0x1e8: {  	[tilespmem:s13+$0x40] =	vst v20  }
0x1e9: {  	[tilespmem:s13+$0x50] =	vst v19;
	v20 =	vld [tilespmem:s13+$0x60]  }
0x1ea: {  	v19 =	vld.idx.msk [tilespmem:v22+s24+$0x0], $0xffff  }
0x1eb: {  	v21 =	vld [tilespmem:s13+$0x70];
	_ =	sdelay $0x1  }
0x1ec: {  	s30 =	simm.s32 $0x3  }
0x1ed: {  	v22 =	vmov s30  }
0x1ee: {  	v20 =	vmul.f32 v20, v19  }
0x1ef: {  	v19 =	vmul.f32 v21, v19  }
0x1f0: {  	[tilespmem:s13+$0x60] =	vst v20  }
0x1f1: {  	[tilespmem:s13+$0x70] =	vst v19;
	v20 =	vld [tilespmem:s13+$0x90]  }
0x1f2: {  	v19 =	vld.idx.msk [tilespmem:v22+s24+$0x0], $0xffff  }
0x1f3: {  	v21 =	vld [tilespmem:s13+$0xA0];
	_ =	sdelay $0x1  }
0x1f4: {  	v22 =	vand.u32 $0x7F, v22  }
0x1f5: {  	v23 =	vadd.s32 $0x50, v22  }
0x1f6: {  	v20 =	vmul.f32 v20, v19  }
0x1f7: {  	v19 =	vmul.f32 v21, v19  }
0x1f8: {  	[tilespmem:s13+$0x90] =	vst v20  }
0x1f9: {  	[tilespmem:s13+$0xA0] =	vst v19;
	v20 =	vld [tilespmem:s13+$0xB0]  }
0x1fa: {  	v19 =	vld.idx.msk [tilespmem:v23+s24+$0x0], $0xffff  }
0x1fb: {  	v21 =	vld [tilespmem:s13+$0xC0];
	_ =	sdelay $0x2  }
0x1fc: {  	v23 =	vadd.s32 $0xA0, v22  }
0x1fd: {  	v20 =	vmul.f32 v20, v19  }
0x1fe: {  	v19 =	vmul.f32 v21, v19  }
0x1ff: {  	[tilespmem:s13+$0xB0] =	vst v20;
	v20 =	vld [tilespmem:s13+$0xD0]  }
0x200: {  	[tilespmem:s13+$0xC0] =	vst v19;
	v19 =	vadd.s32 $0xF0, v22;
	v22 =	vld [tilespmem:s13+$0xE0]  }
0x201: {  	s3 =	simm.s32 $0x4;
	s17 =	simm.s32 $0x19C60;
	v21 =	vld.idx.msk [tilespmem:v23+s24+$0x0], $0xffff  }
.LBB2_3:
0x202: {  	p1 =	slt.u32 s3, $0x4C  }
0x203: {  	s13 =	sadd.s32 $0x240, s13;
	s29 =	smov.u32 s3;
	s3 =	sadd.s32 $0x4, s3  }
0x204: {  	_ =	sdelay $0x1  }
0x205: {  	v20 =	vmul.f32 v20, v21;
	v21 =	vmul.f32 v22, v21;
	_ =	sdelay $0x1  }
0x206: {  	[tilespmem:s17+$0xD0] =	vst v20  }
0x207: {  	[tilespmem:s17+$0xE0] =	vst v21;
	v20 =	vld [tilespmem:s17+$0xF0]  }
0x208: {  	v19 =	vld.idx.msk [tilespmem:v19+s24+$0x0], $0xffff  }
0x209: {  	v21 =	vld [tilespmem:s17+$0x100];
	_ =	sdelay $0x3  }
0x20a: {  	v22 =	vmov s29  }
0x20b: {  	v23 =	vand.u32 $0x7C, v22;
	v20 =	vmul.f32 v20, v19;
	v19 =	vmul.f32 v21, v19;
	_ =	sdelay $0x1  }
0x20c: {  	[tilespmem:s17+$0xF0] =	vst v20  }
0x20d: {  	v20 =	vld [tilespmem:s13+$0xFFFFFEF0];
	[tilespmem:s17+$0x100] =	vst v19;
	s17 =	smov.u32 s13  }
0x20e: {  	v19 =	vld.idx.msk [tilespmem:v22+s24+$0x0], $0xffff  }
0x20f: {  	v21 =	vld [tilespmem:s13+$0xFFFFFEE0];
	_ =	sdelay $0x2  }
0x210: {  	v22 =	vadd.s32 $0x50, v23;
	_ =	sdelay $0x1  }
0x211: {  	v21 =	vmul.f32 v21, v19;
	v19 =	vmul.f32 v20, v19;
	_ =	sdelay $0x1  }
0x212: {  	[tilespmem:s13+$0xFFFFFEE0] =	vst v21  }
0x213: {  	[tilespmem:s13+$0xFFFFFEF0] =	vst v19;
	v19 =	vld [tilespmem:s13+$0xFFFFFF10]  }
0x214: {  	v20 =	vld.idx.msk [tilespmem:v22+s24+$0x0], $0xffff  }
0x215: {  	v21 =	vld [tilespmem:s13+$0xFFFFFF00];
	_ =	sdelay $0x1  }
0x216: {  	v22 =	vadd.s32 $0xA0, v23;
	_ =	sdelay $0x2  }
0x217: {  	v19 =	vmul.f32 v19, v20;
	v21 =	vmul.f32 v21, v20;
	_ =	sdelay $0x1  }
0x218: {  	[tilespmem:s13+$0xFFFFFF00] =	vst v21  }
0x219: {  	[tilespmem:s13+$0xFFFFFF10] =	vst v19;
	v19 =	vld [tilespmem:s13+$0xFFFFFF30]  }
0x21a: {  	v20 =	vld.idx.msk [tilespmem:v22+s24+$0x0], $0xffff  }
0x21b: {  	v21 =	vld [tilespmem:s13+$0xFFFFFF20]  }
0x21c: {  	v22 =	vadd.s32 $0xF0, v23;
	_ =	sdelay $0x3  }
0x21d: {  	v19 =	vmul.f32 v19, v20;
	v21 =	vmul.f32 v21, v20;
	_ =	sdelay $0x1  }
0x21e: {  	[tilespmem:s13+$0xFFFFFF20] =	vst v21  }
0x21f: {  	[tilespmem:s13+$0xFFFFFF30] =	vst v19;
	v19 =	vld [tilespmem:s13+$0xFFFFFF50]  }
0x220: {  	s30 =	sadd.s32 $0x1, s29;
	v20 =	vld.idx.msk [tilespmem:v22+s24+$0x0], $0xffff  }
0x221: {  	v22 =	vmov s30;
	v21 =	vld [tilespmem:s13+$0xFFFFFF40]  }
0x222: {  	v23 =	vand.u32 $0x7D, v22;
	_ =	sdelay $0x3  }
0x223: {  	v19 =	vmul.f32 v19, v20;
	v21 =	vmul.f32 v21, v20;
	_ =	sdelay $0x1  }
0x224: {  	[tilespmem:s13+$0xFFFFFF40] =	vst v21  }
0x225: {  	[tilespmem:s13+$0xFFFFFF50] =	vst v19;
	v19 =	vld [tilespmem:s13+$0xFFFFFF80]  }
0x226: {  	v21 =	vadd.s32 $0x50, v23;
	v20 =	vld.idx.msk [tilespmem:v22+s24+$0x0], $0xffff  }
0x227: {  	v22 =	vld [tilespmem:s13+$0xFFFFFF70];
	_ =	sdelay $0x4  }
0x228: {  	v19 =	vmul.f32 v19, v20;
	v22 =	vmul.f32 v22, v20;
	_ =	sdelay $0x1  }
0x229: {  	[tilespmem:s13+$0xFFFFFF70] =	vst v22  }
0x22a: {  	v20 =	vadd.s32 $0xA0, v23;
	[tilespmem:s13+$0xFFFFFF80] =	vst v19;
	v19 =	vld [tilespmem:s13+$0xFFFFFFA0]  }
0x22b: {  	v21 =	vld.idx.msk [tilespmem:v21+s24+$0x0], $0xffff  }
0x22c: {  	v22 =	vld [tilespmem:s13+$0xFFFFFF90];
	_ =	sdelay $0x4  }
0x22d: {  	v19 =	vmul.f32 v19, v21;
	v22 =	vmul.f32 v22, v21;
	_ =	sdelay $0x1  }
0x22e: {  	v21 =	vadd.s32 $0xF0, v23;
	[tilespmem:s13+$0xFFFFFF90] =	vst v22  }
0x22f: {  	[tilespmem:s13+$0xFFFFFFA0] =	vst v19;
	v19 =	vld [tilespmem:s13+$0xFFFFFFC0]  }
0x230: {  	v20 =	vld.idx.msk [tilespmem:v20+s24+$0x0], $0xffff  }
0x231: {  	v22 =	vld [tilespmem:s13+$0xFFFFFFB0];
	_ =	sdelay $0x4  }
0x232: {  	s30 =	sadd.s32 $0x2, s29;
	v19 =	vmul.f32 v19, v20;
	v22 =	vmul.f32 v22, v20  }
0x233: {  	v20 =	vmov s30  }
0x234: {  	[tilespmem:s13+$0xFFFFFFB0] =	vst v22;
	v22 =	vand.u32 $0x7E, v20  }
0x235: {  	[tilespmem:s13+$0xFFFFFFC0] =	vst v19;
	v19 =	vld [tilespmem:s13+$0xFFFFFFE0]  }
0x236: {  	v21 =	vld.idx.msk [tilespmem:v21+s24+$0x0], $0xffff  }
0x237: {  	v23 =	vld [tilespmem:s13+$0xFFFFFFD0];
	_ =	sdelay $0x4  }
0x238: {  	v19 =	vmul.f32 v19, v21;
	v23 =	vmul.f32 v23, v21;
	v21 =	vadd.s32 $0x50, v22;
	_ =	sdelay $0x1  }
0x239: {  	[tilespmem:s13+$0xFFFFFFD0] =	vst v23  }
0x23a: {  	[tilespmem:s13+$0xFFFFFFE0] =	vst v19;
	v19 =	vld [tilespmem:s13+$0x10]  }
0x23b: {  	v20 =	vld.idx.msk [tilespmem:v20+s24+$0x0], $0xffff  }
0x23c: {  	v23 =	vld [tilespmem:s13+$0x0];
	_ =	sdelay $0x3  }
0x23d: {  	v24 =	vadd.s32 $0xA0, v22  }
0x23e: {  	v19 =	vmul.f32 v19, v20;
	v23 =	vmul.f32 v23, v20;
	_ =	sdelay $0x1  }
0x23f: {  	[tilespmem:s13+$0x0] =	vst v23  }
0x240: {  	[tilespmem:s13+$0x10] =	vst v19;
	v19 =	vld [tilespmem:s13+$0x30]  }
0x241: {  	v20 =	vld.idx.msk [tilespmem:v21+s24+$0x0], $0xffff  }
0x242: {  	v21 =	vld [tilespmem:s13+$0x20];
	_ =	sdelay $0x2  }
0x243: {  	v22 =	vadd.s32 $0xF0, v22;
	_ =	sdelay $0x1  }
0x244: {  	v19 =	vmul.f32 v19, v20;
	v21 =	vmul.f32 v21, v20;
	_ =	sdelay $0x1  }
0x245: {  	[tilespmem:s13+$0x20] =	vst v21  }
0x246: {  	[tilespmem:s13+$0x30] =	vst v19;
	v19 =	vld [tilespmem:s13+$0x50]  }
0x247: {  	v20 =	vld.idx.msk [tilespmem:v24+s24+$0x0], $0xffff  }
0x248: {  	v21 =	vld [tilespmem:s13+$0x40]  }
0x249: {  	s29 =	sadd.s32 $0x3, s29  }
0x24a: {  	v23 =	vmov s29  }
0x24b: {  	v24 =	vand.u32 $0x7F, v23;
	_ =	sdelay $0x1  }
0x24c: {  	v19 =	vmul.f32 v19, v20;
	v21 =	vmul.f32 v21, v20;
	_ =	sdelay $0x1  }
0x24d: {  	[tilespmem:s13+$0x40] =	vst v21  }
0x24e: {  	[tilespmem:s13+$0x50] =	vst v19;
	v19 =	vld [tilespmem:s13+$0x70]  }
0x24f: {  	v20 =	vld.idx.msk [tilespmem:v22+s24+$0x0], $0xffff  }
0x250: {  	v21 =	vld [tilespmem:s13+$0x60]  }
0x251: {  	v22 =	vadd.s32 $0x50, v24;
	_ =	sdelay $0x3  }
0x252: {  	v19 =	vmul.f32 v19, v20;
	v21 =	vmul.f32 v21, v20;
	_ =	sdelay $0x1  }
0x253: {  	[tilespmem:s13+$0x60] =	vst v21  }
0x254: {  	[tilespmem:s13+$0x70] =	vst v19;
	v19 =	vld [tilespmem:s13+$0xA0]  }
0x255: {  	v20 =	vld.idx.msk [tilespmem:v23+s24+$0x0], $0xffff  }
0x256: {  	v23 =	vadd.s32 $0xA0, v24;
	v21 =	vld [tilespmem:s13+$0x90];
	_ =	sdelay $0x4  }
0x257: {  	v19 =	vmul.f32 v19, v20;
	v21 =	vmul.f32 v21, v20;
	_ =	sdelay $0x1  }
0x258: {  	[tilespmem:s13+$0x90] =	vst v21  }
0x259: {  	[tilespmem:s13+$0xA0] =	vst v19;
	v20 =	vld [tilespmem:s13+$0xC0]  }
0x25a: {  	v19 =	vadd.s32 $0xF0, v24;
	v21 =	vld.idx.msk [tilespmem:v22+s24+$0x0], $0xffff  }
0x25b: {  	v22 =	vld [tilespmem:s13+$0xB0];
	_ =	sdelay $0x4  }
0x25c: {  	v20 =	vmul.f32 v20, v21;
	v22 =	vmul.f32 v22, v21  }
.Ltmp0:
0x25d: {  	(pc) =	sbr.rel @p1 .LBB2_3-.Ltmp0, $4  }
0x25e: {  	[tilespmem:s13+$0xB0] =	vst v22  }
0x25f: {  	[tilespmem:s13+$0xC0] =	vst v20;
	v20 =	vld [tilespmem:s13+$0xD0]  }
0x260: {  	v21 =	vld.idx.msk [tilespmem:v23+s24+$0x0], $0xffff  }
0x261: {  	v22 =	vld [tilespmem:s13+$0xE0]  }
0x262: {  	_ =	sdelay $0x2  }
0x263: {  	v20 =	vmul.f32 v20, v21  }
0x264: {  	v25 =	vmul.f32 v22, v21  }
0x265: {  	[tilespmem:s17+$0xD0] =	vst v20  }
0x266: {  	v26 =	vld [tilespmem:s17+$0xF0];
	[tilespmem:s17+$0xE0] =	vst v25  }
0x267: {  	v19 =	vld.idx.msk [tilespmem:v19+s24+$0x0], $0xffff  }
0x268: {  	v27 =	vld [tilespmem:s17+$0x100];
	_ =	sdelay $0x3  }
0x269: {  	v20 =	vmul.f32 v26, v19  }
0x26a: {  	v19 =	vmul.f32 v27, v19  }
0x26b: {  	[tilespmem:s17+$0xF0] =	vst v20  }
0x26c: {  	[tilespmem:s17+$0x100] =	vst v19  }
0x26d: {  	[spmem:s2] =	stream.indirect.scatter.add.f32 [tilespmem:s18], [sflag:$0x3], $0x90, s15, s14, $0xb8;
	[tilespmem:$0x1F680] =	vst v63  }
0x26e: {  	_ =	swait.ge [sflag:s25], $0x2D00  }
0x26f: {  	[sflag:s25] =	ssyncset.done $0x0  }
0x270: {  	p1 =	seq.s32 s1, $0x3F;
	[sflag:s25] =	ssyncadd.s32 $0xFFFFD300  }
0x271: {  	v19 =	vld @!p1 [tilespmem:s0+$0x168A0];
	_ =	sdelay $0x4  }
0x272: {  	v20 =	vand.u32 @!p1 $0xFFFF, v19  }
0x273: {  	v19 =	vshrl.u32 @!p1 v19, $0x10;
	[tilespmem:$0x19000] =	vst @!p1 v20  }
0x274: {  	[tilespmem:$0x190A0] =	vst @!p1 v19  }
0x275: {  	v19 =	vld @!p1 [tilespmem:s0+$0x168B0];
	_ =	sdelay $0x4  }
0x276: {  	v20 =	vand.u32 @!p1 $0xFFFF, v19  }
0x277: {  	v19 =	vshrl.u32 @!p1 v19, $0x10;
	[tilespmem:$0x19010] =	vst @!p1 v20  }
0x278: {  	[tilespmem:$0x190B0] =	vst @!p1 v19  }
0x279: {  	v19 =	vld @!p1 [tilespmem:s0+$0x168C0];
	_ =	sdelay $0x4  }
0x27a: {  	v20 =	vand.u32 @!p1 $0xFFFF, v19  }
0x27b: {  	v19 =	vshrl.u32 @!p1 v19, $0x10;
	[tilespmem:$0x19020] =	vst @!p1 v20  }
0x27c: {  	[tilespmem:$0x190C0] =	vst @!p1 v19  }
0x27d: {  	v19 =	vld @!p1 [tilespmem:s0+$0x168D0];
	_ =	sdelay $0x4  }
0x27e: {  	v20 =	vand.u32 @!p1 $0xFFFF, v19  }
0x27f: {  	v19 =	vshrl.u32 @!p1 v19, $0x10;
	[tilespmem:$0x19030] =	vst @!p1 v20  }
0x280: {  	[tilespmem:$0x190D0] =	vst @!p1 v19  }
0x281: {  	v19 =	vld @!p1 [tilespmem:s0+$0x168E0];
	_ =	sdelay $0x4  }
0x282: {  	v20 =	vand.u32 @!p1 $0xFFFF, v19  }
0x283: {  	v19 =	vshrl.u32 @!p1 v19, $0x10;
	[tilespmem:$0x19040] =	vst @!p1 v20  }
0x284: {  	s3 =	simm.s32 @!p1 $0x19000;
	s13 =	simm.s32 @!p1 $0x19140;
	s0 =	simm.s32 @!p1 $0x50;
	[tilespmem:$0x190E0] =	vst @!p1 v19  }
0x285: {  	[tilespmem:s13], [sflag:$0x1] =	stream.indirect.gather @!p1 [hbm4b:s5+s0], $0x10, s3, s0, $0xb8;
	[tilespmem:$0x1F680] =	vst v63  }
0x286: {  	s3 =	simm.s32 @!p1 $0x190A0;
	s13 =	simm.s32 @!p1 $0x19B40  }
0x287: {  	[tilespmem:s13], [sflag:$0x1] =	stream.indirect.gather @!p1 [hbm4b:s4+s0], $0x90, s3, s0, $0xb8;
	[tilespmem:$0x1F680] =	vst v63  }
0x288: {  	_ =	swait.ge [sflag:s26], $0x500  }
0x289: {  	[sflag:s26] =	ssyncset.done $0x0  }
0x28a: {  	[sflag:s26] =	ssyncadd.s32 $0xFFFFFB00  }
0x28b: {  	_ =	swait.ge [sflag:s26], $0x2D00  }
0x28c: {  	v28 =	vld [tilespmem:$0x1FE20]  }
0x28d: {  	v29 =	vld [tilespmem:$0x1FE30]  }
0x28e: {  	v30 =	vld [tilespmem:$0x1FE40]  }
0x28f: {  	v23 =	vld [tilespmem:$0x1FE50]  }
0x290: {  	v24 =	vld [tilespmem:$0x1FE60]  }
0x291: {  	v25 =	vld [tilespmem:$0x1FE70]  }
0x292: {  	v26 =	vld [tilespmem:$0x1FE80]  }
0x293: {  	[sflag:s26] =	ssyncset.done $0x0;
	v27 =	vld [tilespmem:$0x1FE90]  }
0x294: {  	v31 =	vld [tilespmem:$0x1FEB0];
	[sflag:s26] =	ssyncadd.s32 $0xFFFFD300  }
0x295: {  	v19 =	vld.idx.msk [tilespmem:v0+s20+$0x0], $0xffff  }
0x296: {  	v20 =	vld.idx.msk [tilespmem:v28+s22+$0x0], $0xffff  }
0x297: {  	v21 =	vld.idx.msk [tilespmem:v29+s20+$0x0], $0xffff  }
0x298: {  	v28 =	vld [tilespmem:$0x1FEA0]  }
0x299: {  	v22 =	vld.idx.msk [tilespmem:v30+s22+$0x0], $0xffff  }
0x29a: {  	v29 =	vld [tilespmem:$0x1FEC0]  }
0x29b: {  	v23 =	vld.idx.msk [tilespmem:v23+s20+$0x0], $0xffff  }
0x29c: {  	v24 =	vld.idx.msk [tilespmem:v24+s22+$0x0], $0xffff  }
0x29d: {  	v25 =	vld.idx.msk [tilespmem:v25+s20+$0x0], $0xffff  }
0x29e: {  	v26 =	vld.idx.msk [tilespmem:v26+s22+$0x0], $0xffff  }
0x29f: {  	v27 =	vld.idx.msk [tilespmem:v27+s20+$0x0], $0xffff  }
0x2a0: {  	v19 =	vadd.f32 v20, v19;
	v28 =	vld.idx.msk [tilespmem:v28+s22+$0x0], $0xffff  }
0x2a1: {  	v23 =	vadd.f32 v24, v23;
	v24 =	vld [tilespmem:$0x1FEE0]  }
0x2a2: {  	v21 =	vadd.f32 v22, v21;
	v30 =	vmul.f32 $2.000000030e-01, v19;
	v22 =	vld.idx.msk [tilespmem:v29+s22+$0x0], $0xffff  }
0x2a3: {  	vm0 =	vge.f32 v19, $0.0e+00;
	v29 =	vld [tilespmem:$0x1FED0]  }
0x2a4: {  	v19 =	vsel vm0, v19, v30;
	v30 =	vld [tilespmem:$0x1FF00]  }
0x2a5: {  	v25 =	vadd.f32 v26, v25;
	v26 =	vadd.f32 v28, v27;
	v27 =	vld [tilespmem:$0x1FEF0];
	_ =	sdelay $0x3  }
0x2a6: {  	v20 =	vld.idx.msk [tilespmem:v31+s20+$0x0], $0xffff  }
0x2a7: {  	v24 =	vld.idx.msk [tilespmem:v24+s22+$0x0], $0xffff  }
0x2a8: {  	v31 =	vmul.f32 $2.000000030e-01, v21;
	v29 =	vld.idx.msk [tilespmem:v29+s20+$0x0], $0xffff  }
0x2a9: {  	vm1 =	vge.f32 v21, $0.0e+00;
	v30 =	vld.idx.msk [tilespmem:v30+s22+$0x0], $0xffff  }
0x2aa: {  	v21 =	vsel vm1, v21, v31;
	v31 =	vmul.f32 $2.000000030e-01, v25;
	v27 =	vld.idx.msk [tilespmem:v27+s20+$0x0], $0xffff  }
0x2ab: {  	vm15 =	vge.f32 v23, $0.0e+00;
	vm4 =	vge.f32 v25, $0.0e+00;
	v28 =	vmul.f32 $2.000000030e-01, v23  }
0x2ac: {  	v25 =	vsel vm4, v25, v31;
	v20 =	vadd.f32 v22, v20;
	v22 =	vmul.f32 $2.000000030e-01, v26  }
0x2ad: {  	vm2 =	vge.f32 v26, $0.0e+00;
	v23 =	vsel vm15, v23, v28;
	v28 =	vmax.f32 v19, v21  }
0x2ae: {  	v22 =	vsel vm2, v26, v22;
	v26 =	vmul.f32 $2.000000030e-01, v20;
	v24 =	vadd.f32 v24, v29  }
0x2af: {  	vm5 =	vge.f32 v20, $0.0e+00;
	v28 =	vmax.f32 v28, v23;
	v27 =	vadd.f32 v30, v27  }
0x2b0: {  	v28 =	vmax.f32 v28, v25;
	v20 =	vsel vm5, v20, v26;
	v26 =	vmul.f32 $2.000000030e-01, v24  }
0x2b1: {  	v28 =	vmax.f32 v28, v22;
	vm6 =	vge.f32 v24, $0.0e+00;
	v29 =	vmul.f32 $2.000000030e-01, v27  }
0x2b2: {  	v24 =	vsel vm6, v24, v26;
	v30 =	vmax.f32 v28, v20;
	vm7 =	vge.f32 v27, $0.0e+00  }
0x2b3: {  	v26 =	vmax.f32 v30, v24;
	v27 =	vsel vm7, v27, v29  }
0x2b4: {  	v26 =	vmax.f32 v26, v27  }
0x2b5: {  	v19 =	vsub.f32 v19, v26  }
0x2b6: {  	v21 =	vsub.f32 v21, v26  }
0x2b7: {  	v19 =	vmul.f32 $1.442695020e+00, v19  }
0x2b8: {  	v23 =	vsub.f32 v23, v26;
	v21 =	vmul.f32 $1.442695020e+00, v21  }
0x2b9: {  	(erf) = vpow2.f32 v19  }
0x2ba: {  	v25 =	vsub.f32 v25, v26;
	v31 =	vmul.f32 $1.442695020e+00, v23;
	(erf) = vpow2.f32 v21;
	_ =	sdelay $0x1  }
0x2bb: {  	v29 =	vsub.f32 v22, v26;
	v28 =	vmul.f32 $1.442695020e+00, v25;
	(erf) = vpow2.f32 v31;
	_ =	sdelay $0x1  }
0x2bc: {  	v20 =	vsub.f32 v20, v26;
	v30 =	vmul.f32 $1.442695020e+00, v29;
	(erf) = vpow2.f32 v28;
	_ =	sdelay $0x1  }
0x2bd: {  	v24 =	vsub.f32 v24, v26;
	v31 =	vmul.f32 $1.442695020e+00, v20;
	(erf) = vpow2.f32 v30;
	_ =	sdelay $0x1  }
0x2be: {  	v26 =	vsub.f32 v27, v26;
	v25 =	vmul.f32 $1.442695020e+00, v24;
	v21 =	vpop (erf);
	(erf) = vpow2.f32 v31  }
0x2bf: {  	v22 =	vpop (erf)  }
0x2c0: {  	v27 =	vmul.f32 $1.442695020e+00, v26;
	(erf) = vpow2.f32 v25;
	v28 =	vadd.f32 v22, v21  }
0x2c1: {  	v23 =	vpop (erf)  }
0x2c2: {  	(erf) = vpow2.f32 v27;
	v29 =	vadd.f32 v28, v23  }
0x2c3: {  	v20 =	vpop (erf)  }
0x2c4: {  	v19 =	vadd.f32 v29, v20  }
0x2c5: {  	v24 =	vpop (erf)  }
0x2c6: {  	v19 =	vadd.f32 v19, v24  }
0x2c7: {  	v25 =	vpop (erf)  }
0x2c8: {  	v19 =	vadd.f32 v19, v25  }
0x2c9: {  	v30 =	vpop (erf)  }
0x2ca: {  	v19 =	vadd.f32 v19, v30  }
0x2cb: {  	v31 =	vpop (erf)  }
0x2cc: {  	v19 =	vadd.f32 v19, v31;
	_ =	sdelay $0x1  }
0x2cd: {  	(erf) = vrcp.f32 v19;
	_ =	sdelay $0x7  }
0x2ce: {  	v28 =	vld [tilespmem:$0x1FF30]  }
0x2cf: {  	v21 =	vpsel p0, v21, v24;
	v19 =	vpop (erf)  }
0x2d0: {  	v22 =	vpsel p0, v22, v25;
	v21 =	vmul.f32 v19, v21  }
0x2d1: {  	v29 =	vld [tilespmem:$0x1FF40];
	v23 =	vpsel p0, v23, v30;
	v22 =	vmul.f32 v19, v22  }
0x2d2: {  	v20 =	vpsel p0, v20, v31;
	v25 =	vmul.f32 v19, v23;
	[tilespmem:$0x1F540] =	vst v21  }
0x2d3: {  	v19 =	vmul.f32 v19, v20;
	[tilespmem:$0x1F590] =	vst v22  }
0x2d4: {  	[tilespmem:$0x1F5E0] =	vst v25  }
0x2d5: {  	v30 =	vld [tilespmem:$0x1FF50];
	[tilespmem:$0x1F630] =	vst v19  }
0x2d6: {  	v21 =	vld.idx.msk [tilespmem:v28+s20+$0x0], $0xffff  }
0x2d7: {  	v28 =	vld [tilespmem:$0x1FF70]  }
0x2d8: {  	v26 =	vld [tilespmem:$0x1FF10]  }
0x2d9: {  	v22 =	vld.idx.msk [tilespmem:v29+s22+$0x0], $0xffff  }
0x2da: {  	v29 =	vld [tilespmem:$0x1FF80]  }
0x2db: {  	v27 =	vld [tilespmem:$0x1FF20]  }
0x2dc: {  	v31 =	vld [tilespmem:$0x1FF60]  }
0x2dd: {  	v23 =	vld.idx.msk [tilespmem:v30+s20+$0x0], $0xffff  }
0x2de: {  	v30 =	vld [tilespmem:$0x1FF90]  }
0x2df: {  	v25 =	vld.idx.msk [tilespmem:v28+s20+$0x0], $0xffff  }
0x2e0: {  	v28 =	vld [tilespmem:$0x1FFA0]  }
0x2e1: {  	v19 =	vld.idx.msk [tilespmem:v26+s20+$0x0], $0xffff  }
0x2e2: {  	v26 =	vld.idx.msk [tilespmem:v29+s22+$0x0], $0xffff  }
0x2e3: {  	v29 =	vld [tilespmem:$0x1FFC0];
	_ =	sdelay $0x1  }
0x2e4: {  	v24 =	vld.idx.msk [tilespmem:v31+s22+$0x0], $0xffff  }
0x2e5: {  	v20 =	vld.idx.msk [tilespmem:v27+s22+$0x0], $0xffff  }
0x2e6: {  	v27 =	vld.idx.msk [tilespmem:v30+s20+$0x0], $0xffff  }
0x2e7: {  	v28 =	vld.idx.msk [tilespmem:v28+s22+$0x0], $0xffff  }
0x2e8: {  	v31 =	vld [tilespmem:$0x1FFB0]  }
0x2e9: {  	v23 =	vadd.f32 v24, v23;
	v24 =	vld [tilespmem:$0x1FFE0]  }
0x2ea: {  	v21 =	vadd.f32 v22, v21;
	v22 =	vld.idx.msk [tilespmem:v29+s22+$0x0], $0xffff  }
0x2eb: {  	v29 =	vld [tilespmem:$0x1FFD0]  }
0x2ec: {  	v25 =	vadd.f32 v26, v25;
	v26 =	vadd.f32 v28, v27;
	v27 =	vld [tilespmem:$0x1FFF0]  }
0x2ed: {  	v19 =	vadd.f32 v20, v19;
	_ =	sdelay $0x1  }
0x2ee: {  	v30 =	vmul.f32 $2.000000030e-01, v19  }
0x2ef: {  	vm8 =	vge.f32 v19, $0.0e+00;
	v20 =	vld.idx.msk [tilespmem:v31+s20+$0x0], $0xffff  }
0x2f0: {  	v19 =	vsel vm8, v19, v30;
	v30 =	vld.idx.msk [tilespmem:v32+s22+$0x0], $0xffff  }
0x2f1: {  	v31 =	vmul.f32 $2.000000030e-01, v21;
	v24 =	vld.idx.msk [tilespmem:v24+s22+$0x0], $0xffff  }
0x2f2: {  	vm9 =	vge.f32 v21, $0.0e+00;
	v29 =	vld.idx.msk [tilespmem:v29+s20+$0x0], $0xffff  }
0x2f3: {  	v21 =	vsel vm9, v21, v31;
	v31 =	vmul.f32 $2.000000030e-01, v25;
	v27 =	vld.idx.msk [tilespmem:v27+s20+$0x0], $0xffff  }
0x2f4: {  	vm10 =	vge.f32 v23, $0.0e+00;
	vm11 =	vge.f32 v25, $0.0e+00;
	v28 =	vmul.f32 $2.000000030e-01, v23  }
0x2f5: {  	v25 =	vsel vm11, v25, v31;
	v20 =	vadd.f32 v22, v20;
	v22 =	vmul.f32 $2.000000030e-01, v26  }
0x2f6: {  	vm12 =	vge.f32 v26, $0.0e+00;
	v23 =	vsel vm10, v23, v28;
	v28 =	vmax.f32 v19, v21  }
0x2f7: {  	v22 =	vsel vm12, v26, v22;
	v26 =	vmul.f32 $2.000000030e-01, v20;
	v24 =	vadd.f32 v24, v29  }
0x2f8: {  	vm13 =	vge.f32 v20, $0.0e+00;
	v28 =	vmax.f32 v28, v23;
	v27 =	vadd.f32 v30, v27  }
0x2f9: {  	v28 =	vmax.f32 v28, v25;
	v20 =	vsel vm13, v20, v26;
	v26 =	vmul.f32 $2.000000030e-01, v24  }
0x2fa: {  	v28 =	vmax.f32 v28, v22;
	vm14 =	vge.f32 v24, $0.0e+00;
	v29 =	vmul.f32 $2.000000030e-01, v27  }
0x2fb: {  	v24 =	vsel vm14, v24, v26;
	v30 =	vmax.f32 v28, v20;
	vm15 =	vge.f32 v27, $0.0e+00  }
0x2fc: {  	v26 =	vmax.f32 v30, v24;
	v27 =	vsel vm15, v27, v29  }
0x2fd: {  	v26 =	vmax.f32 v26, v27  }
0x2fe: {  	v19 =	vsub.f32 v19, v26  }
0x2ff: {  	v21 =	vsub.f32 v21, v26  }
0x300: {  	v19 =	vmul.f32 $1.442695020e+00, v19  }
0x301: {  	v23 =	vsub.f32 v23, v26;
	v21 =	vmul.f32 $1.442695020e+00, v21  }
0x302: {  	(erf) = vpow2.f32 v19  }
0x303: {  	v25 =	vsub.f32 v25, v26;
	v31 =	vmul.f32 $1.442695020e+00, v23;
	(erf) = vpow2.f32 v21;
	_ =	sdelay $0x1  }
0x304: {  	v29 =	vsub.f32 v22, v26;
	v28 =	vmul.f32 $1.442695020e+00, v25;
	(erf) = vpow2.f32 v31;
	_ =	sdelay $0x1  }
0x305: {  	v20 =	vsub.f32 v20, v26;
	v30 =	vmul.f32 $1.442695020e+00, v29;
	(erf) = vpow2.f32 v28;
	_ =	sdelay $0x1  }
0x306: {  	v24 =	vsub.f32 v24, v26;
	v31 =	vmul.f32 $1.442695020e+00, v20;
	(erf) = vpow2.f32 v30;
	_ =	sdelay $0x1  }
0x307: {  	v26 =	vsub.f32 v27, v26;
	v25 =	vmul.f32 $1.442695020e+00, v24;
	v21 =	vpop (erf);
	(erf) = vpow2.f32 v31  }
0x308: {  	v22 =	vpop (erf)  }
0x309: {  	v27 =	vmul.f32 $1.442695020e+00, v26;
	(erf) = vpow2.f32 v25;
	v28 =	vadd.f32 v22, v21  }
0x30a: {  	v23 =	vpop (erf)  }
0x30b: {  	(erf) = vpow2.f32 v27;
	v29 =	vadd.f32 v28, v23  }
0x30c: {  	v20 =	vpop (erf)  }
0x30d: {  	v19 =	vadd.f32 v29, v20  }
0x30e: {  	v24 =	vpop (erf)  }
0x30f: {  	v19 =	vadd.f32 v19, v24  }
0x310: {  	v25 =	vpop (erf)  }
0x311: {  	v19 =	vadd.f32 v19, v25  }
0x312: {  	v30 =	vpop (erf)  }
0x313: {  	v19 =	vadd.f32 v19, v30  }
0x314: {  	v31 =	vpop (erf)  }
0x315: {  	v19 =	vadd.f32 v19, v31;
	_ =	sdelay $0x1  }
0x316: {  	(erf) = vrcp.f32 v19;
	_ =	sdelay $0x8  }
0x317: {  	v21 =	vpsel p0, v21, v24;
	v19 =	vpop (erf)  }
0x318: {  	v22 =	vpsel p0, v22, v25;
	v21 =	vmul.f32 v19, v21  }
0x319: {  	v23 =	vpsel p0, v23, v30;
	v22 =	vmul.f32 v19, v22  }
0x31a: {  	v20 =	vpsel p0, v20, v31;
	v29 =	vmul.f32 v19, v23;
	[tilespmem:$0x1F550] =	vst v21  }
0x31b: {  	v19 =	vmul.f32 v19, v20;
	[tilespmem:$0x1F5A0] =	vst v22  }
0x31c: {  	[tilespmem:$0x1F5F0] =	vst v29  }
0x31d: {  	[tilespmem:$0x1F640] =	vst v19  }
0x31e: {  	v19 =	vld.idx.msk [tilespmem:v33+s20+$0x0], $0xffff  }
0x31f: {  	v20 =	vld.idx.msk [tilespmem:v34+s22+$0x0], $0xffff  }
0x320: {  	v21 =	vld.idx.msk [tilespmem:v35+s20+$0x0], $0xffff  }
0x321: {  	v22 =	vld.idx.msk [tilespmem:v36+s22+$0x0], $0xffff  }
0x322: {  	v23 =	vld.idx.msk [tilespmem:v37+s20+$0x0], $0xffff  }
0x323: {  	v24 =	vld.idx.msk [tilespmem:v38+s22+$0x0], $0xffff  }
0x324: {  	v25 =	vld.idx.msk [tilespmem:v39+s20+$0x0], $0xffff  }
0x325: {  	v26 =	vld.idx.msk [tilespmem:v40+s22+$0x0], $0xffff  }
0x326: {  	v27 =	vld.idx.msk [tilespmem:v41+s20+$0x0], $0xffff  }
0x327: {  	v28 =	vld.idx.msk [tilespmem:v42+s22+$0x0], $0xffff;
	_ =	sdelay $0x1  }
0x328: {  	v29 =	vld.idx.msk [tilespmem:v45+s20+$0x0], $0xffff  }
0x329: {  	v19 =	vadd.f32 v20, v19;
	v20 =	vld.idx.msk [tilespmem:v43+s20+$0x0], $0xffff  }
0x32a: {  	v21 =	vadd.f32 v22, v21;
	v22 =	vld.idx.msk [tilespmem:v44+s22+$0x0], $0xffff;
	v23 =	vadd.f32 v24, v23  }
0x32b: {  	v24 =	vld.idx.msk [tilespmem:v46+s22+$0x0], $0xffff;
	v25 =	vadd.f32 v26, v25;
	v26 =	vadd.f32 v28, v27;
	v30 =	vmul.f32 $2.000000030e-01, v19  }
0x32c: {  	v27 =	vld.idx.msk [tilespmem:v47+s20+$0x0], $0xffff;
	vm4 =	vge.f32 v19, $0.0e+00;
	v31 =	vmul.f32 $2.000000030e-01, v21;
	vm5 =	vge.f32 v21, $0.0e+00  }
0x32d: {  	v28 =	vmul.f32 $2.000000030e-01, v23;
	vm6 =	vge.f32 v23, $0.0e+00;
	v19 =	vsel vm4, v19, v30;
	v30 =	vld.idx.msk [tilespmem:v48+s22+$0x0], $0xffff  }
0x32e: {  	vm7 =	vge.f32 v25, $0.0e+00;
	vm8 =	vge.f32 v26, $0.0e+00;
	v21 =	vsel vm5, v21, v31  }
0x32f: {  	v31 =	vmul.f32 $2.000000030e-01, v25;
	v20 =	vadd.f32 v22, v20;
	v22 =	vmul.f32 $2.000000030e-01, v26  }
0x330: {  	v23 =	vsel vm6, v23, v28;
	v24 =	vadd.f32 v24, v29;
	v28 =	vmax.f32 v19, v21  }
0x331: {  	v25 =	vsel vm7, v25, v31;
	v22 =	vsel vm8, v26, v22;
	v26 =	vmul.f32 $2.000000030e-01, v20  }
0x332: {  	v28 =	vmax.f32 v28, v23;
	vm9 =	vge.f32 v20, $0.0e+00;
	v27 =	vadd.f32 v30, v27  }
0x333: {  	v28 =	vmax.f32 v28, v25;
	v20 =	vsel vm9, v20, v26;
	v26 =	vmul.f32 $2.000000030e-01, v24  }
0x334: {  	vm10 =	vge.f32 v24, $0.0e+00;
	v28 =	vmax.f32 v28, v22;
	v29 =	vmul.f32 $2.000000030e-01, v27  }
0x335: {  	v30 =	vmax.f32 v28, v20;
	v24 =	vsel vm10, v24, v26;
	vm11 =	vge.f32 v27, $0.0e+00  }
0x336: {  	v26 =	vmax.f32 v30, v24;
	v27 =	vsel vm11, v27, v29  }
0x337: {  	v26 =	vmax.f32 v26, v27  }
0x338: {  	v19 =	vsub.f32 v19, v26  }
0x339: {  	v21 =	vsub.f32 v21, v26  }
0x33a: {  	v19 =	vmul.f32 $1.442695020e+00, v19  }
0x33b: {  	v23 =	vsub.f32 v23, v26;
	v21 =	vmul.f32 $1.442695020e+00, v21  }
0x33c: {  	(erf) = vpow2.f32 v19  }
0x33d: {  	v25 =	vsub.f32 v25, v26;
	v31 =	vmul.f32 $1.442695020e+00, v23;
	(erf) = vpow2.f32 v21;
	_ =	sdelay $0x1  }
0x33e: {  	v29 =	vsub.f32 v22, v26;
	v28 =	vmul.f32 $1.442695020e+00, v25;
	(erf) = vpow2.f32 v31;
	_ =	sdelay $0x1  }
0x33f: {  	v20 =	vsub.f32 v20, v26;
	v30 =	vmul.f32 $1.442695020e+00, v29;
	(erf) = vpow2.f32 v28;
	_ =	sdelay $0x1  }
0x340: {  	v24 =	vsub.f32 v24, v26;
	v31 =	vmul.f32 $1.442695020e+00, v20;
	(erf) = vpow2.f32 v30;
	_ =	sdelay $0x1  }
0x341: {  	v27 =	vsub.f32 v27, v26;
	v25 =	vmul.f32 $1.442695020e+00, v24;
	v21 =	vpop (erf);
	(erf) = vpow2.f32 v31  }
0x342: {  	v22 =	vpop (erf)  }
0x343: {  	v28 =	vmul.f32 $1.442695020e+00, v27;
	(erf) = vpow2.f32 v25;
	v29 =	vadd.f32 v22, v21  }
0x344: {  	v23 =	vpop (erf)  }
0x345: {  	(erf) = vpow2.f32 v28;
	v30 =	vadd.f32 v29, v23  }
0x346: {  	v20 =	vpop (erf)  }
0x347: {  	v19 =	vadd.f32 v30, v20  }
0x348: {  	v24 =	vpop (erf)  }
0x349: {  	v19 =	vadd.f32 v19, v24  }
0x34a: {  	v25 =	vpop (erf)  }
0x34b: {  	v19 =	vadd.f32 v19, v25  }
0x34c: {  	v31 =	vpop (erf)  }
0x34d: {  	v19 =	vadd.f32 v19, v31  }
0x34e: {  	v30 =	vpop (erf)  }
0x34f: {  	v19 =	vadd.f32 v19, v30;
	_ =	sdelay $0x1  }
0x350: {  	(erf) = vrcp.f32 v19;
	_ =	sdelay $0x8  }
0x351: {  	v21 =	vpsel p0, v21, v24;
	v19 =	vpop (erf)  }
0x352: {  	v22 =	vpsel p0, v22, v25;
	v21 =	vmul.f32 v19, v21  }
0x353: {  	v23 =	vpsel p0, v23, v31;
	v22 =	vmul.f32 v19, v22  }
0x354: {  	v20 =	vpsel p0, v20, v30;
	v31 =	vmul.f32 v19, v23;
	[tilespmem:$0x1F560] =	vst v21  }
0x355: {  	v19 =	vmul.f32 v19, v20;
	[tilespmem:$0x1F5B0] =	vst v22  }
0x356: {  	[tilespmem:$0x1F600] =	vst v31  }
0x357: {  	[tilespmem:$0x1F650] =	vst v19  }
0x358: {  	v19 =	vld.idx.msk [tilespmem:v49+s20+$0x0], $0xffff  }
0x359: {  	v20 =	vld.idx.msk [tilespmem:v50+s22+$0x0], $0xffff  }
0x35a: {  	v21 =	vld.idx.msk [tilespmem:v51+s20+$0x0], $0xffff  }
0x35b: {  	v22 =	vld.idx.msk [tilespmem:v52+s22+$0x0], $0xffff  }
0x35c: {  	v23 =	vld.idx.msk [tilespmem:v53+s20+$0x0], $0xffff  }
0x35d: {  	v24 =	vld.idx.msk [tilespmem:v54+s22+$0x0], $0xffff  }
0x35e: {  	v25 =	vld.idx.msk [tilespmem:v55+s20+$0x0], $0xffff  }
0x35f: {  	v26 =	vld.idx.msk [tilespmem:v56+s22+$0x0], $0xffff  }
0x360: {  	v27 =	vld.idx.msk [tilespmem:v57+s20+$0x0], $0xffff  }
0x361: {  	v28 =	vld.idx.msk [tilespmem:v61+s22+$0x0], $0xffff;
	_ =	sdelay $0x1  }
0x362: {  	v2 =	vld.idx.msk [tilespmem:v2+s20+$0x0], $0xffff  }
0x363: {  	v29 =	vld.idx.msk [tilespmem:v60+s22+$0x0], $0xffff;
	v19 =	vadd.f32 v20, v19  }
0x364: {  	v20 =	vadd.f32 v22, v21;
	v21 =	vld.idx.msk [tilespmem:v62+s22+$0x0], $0xffff;
	v22 =	vadd.f32 v24, v23  }
0x365: {  	v23 =	vld.idx.msk [tilespmem:v63+s20+$0x0], $0xffff;
	v25 =	vadd.f32 v26, v25;
	v27 =	vadd.f32 v28, v27;
	v63 =	vmul.f32 $2.000000030e-01, v19  }
0x366: {  	v28 =	vld.idx.msk [tilespmem:v59+s20+$0x0], $0xffff;
	v61 =	vmul.f32 $2.000000030e-01, v20;
	vm12 =	vge.f32 v19, $0.0e+00;
	vm13 =	vge.f32 v20, $0.0e+00  }
0x367: {  	v62 =	vmul.f32 $2.000000030e-01, v22;
	v59 =	vmul.f32 $2.000000030e-01, v27;
	v19 =	vsel vm12, v19, v63;
	v63 =	vld.idx.msk [tilespmem:v58+s22+$0x0], $0xffff  }
0x368: {  	vm14 =	vge.f32 v22, $0.0e+00;
	vm15 =	vge.f32 v25, $0.0e+00;
	vm4 =	vge.f32 v27, $0.0e+00  }
0x369: {  	v20 =	vsel vm13, v20, v61;
	v58 =	vmul.f32 $2.000000030e-01, v25;
	v22 =	vsel vm14, v22, v62  }
0x36a: {  	v2 =	vadd.f32 v21, v2;
	v21 =	vsel vm4, v27, v59;
	v62 =	vmax.f32 v19, v20  }
0x36b: {  	v23 =	vadd.f32 v29, v23;
	v60 =	vsel vm15, v25, v58;
	v27 =	vmax.f32 v62, v22  }
0x36c: {  	v61 =	vmul.f32 $2.000000030e-01, v2;
	vm5 =	vge.f32 v2, $0.0e+00;
	v26 =	vadd.f32 v63, v28  }
0x36d: {  	v27 =	vmax.f32 v27, v60;
	vm6 =	vge.f32 v23, $0.0e+00;
	v63 =	vmul.f32 $2.000000030e-01, v23  }
0x36e: {  	v27 =	vmax.f32 v27, v21;
	v2 =	vsel vm5, v2, v61;
	v28 =	vmul.f32 $2.000000030e-01, v26  }
0x36f: {  	v30 =	vmax.f32 v27, v2;
	v23 =	vsel vm6, v23, v63;
	vm7 =	vge.f32 v26, $0.0e+00  }
0x370: {  	v25 =	vmax.f32 v30, v23;
	v26 =	vsel vm7, v26, v28  }
0x371: {  	v25 =	vmax.f32 v25, v26  }
0x372: {  	v19 =	vsub.f32 v19, v25  }
0x373: {  	v20 =	vsub.f32 v20, v25  }
0x374: {  	v19 =	vmul.f32 $1.442695020e+00, v19  }
0x375: {  	v22 =	vsub.f32 v22, v25;
	v20 =	vmul.f32 $1.442695020e+00, v20  }
0x376: {  	(erf) = vpow2.f32 v19  }
0x377: {  	v58 =	vsub.f32 v60, v25;
	v31 =	vmul.f32 $1.442695020e+00, v22;
	(erf) = vpow2.f32 v20;
	_ =	sdelay $0x1  }
0x378: {  	v60 =	vsub.f32 v21, v25;
	v59 =	vmul.f32 $1.442695020e+00, v58;
	(erf) = vpow2.f32 v31;
	_ =	sdelay $0x1  }
0x379: {  	v2 =	vsub.f32 v2, v25;
	v61 =	vmul.f32 $1.442695020e+00, v60;
	(erf) = vpow2.f32 v59;
	_ =	sdelay $0x1  }
0x37a: {  	v62 =	vsub.f32 v23, v25;
	v2 =	vmul.f32 $1.442695020e+00, v2;
	(erf) = vpow2.f32 v61;
	_ =	sdelay $0x1  }
0x37b: {  	v28 =	vsub.f32 v26, v25;
	v63 =	vpop (erf);
	(erf) = vpow2.f32 v2;
	v2 =	vmul.f32 $1.442695020e+00, v62  }
0x37c: {  	v29 =	vpop (erf)  }
0x37d: {  	(erf) = vpow2.f32 v2;
	v2 =	vmul.f32 $1.442695020e+00, v28;
	v30 =	vadd.f32 v29, v63  }
0x37e: {  	v31 =	vpop (erf)  }
0x37f: {  	(erf) = vpow2.f32 v2;
	v2 =	vadd.f32 v30, v31  }
0x380: {  	v58 =	vpop (erf)  }
0x381: {  	v2 =	vadd.f32 v2, v58  }
0x382: {  	v59 =	vpop (erf)  }
0x383: {  	v2 =	vadd.f32 v2, v59  }
0x384: {  	v60 =	vpop (erf)  }
0x385: {  	v2 =	vadd.f32 v2, v60  }
0x386: {  	v61 =	vpop (erf)  }
0x387: {  	v2 =	vadd.f32 v2, v61  }
0x388: {  	v62 =	vpop (erf)  }
0x389: {  	v2 =	vadd.f32 v2, v62;
	_ =	sdelay $0x1  }
0x38a: {  	(erf) = vrcp.f32 v2;
	_ =	sdelay $0x8  }
0x38b: {  	v2 =	vpsel p0, v63, v59;
	v63 =	vpop (erf)  }
0x38c: {  	v21 =	vpsel p0, v29, v60;
	v2 =	vmul.f32 v63, v2  }
0x38d: {  	v22 =	vpsel p0, v31, v61;
	v21 =	vmul.f32 v63, v21  }
0x38e: {  	v22 =	vmul.f32 v63, v22;
	[tilespmem:$0x1F570] =	vst v2;
	v2 =	vpsel p0, v58, v62  }
0x38f: {  	[tilespmem:$0x1F5C0] =	vst v21;
	v2 =	vmul.f32 v63, v2  }
0x390: {  	[tilespmem:$0x1F610] =	vst v22  }
0x391: {  	[tilespmem:$0x1F660] =	vst v2  }
0x392: {  	v2 =	vld.idx.msk [tilespmem:v3+s20+$0x0], $0xffff  }
0x393: {  	v3 =	vld.idx.msk [tilespmem:v4+s22+$0x0], $0xffff  }
0x394: {  	v4 =	vld.idx.msk [tilespmem:v5+s20+$0x0], $0xffff  }
0x395: {  	v5 =	vld.idx.msk [tilespmem:v6+s22+$0x0], $0xffff  }
0x396: {  	v6 =	vld.idx.msk [tilespmem:v7+s20+$0x0], $0xffff  }
0x397: {  	v7 =	vld.idx.msk [tilespmem:v9+s22+$0x0], $0xffff  }
0x398: {  	v23 =	vld.idx.msk [tilespmem:v11+s20+$0x0], $0xffff  }
0x399: {  	v24 =	vld.idx.msk [tilespmem:v12+s22+$0x0], $0xffff  }
0x39a: {  	v25 =	vld.idx.msk [tilespmem:v14+s20+$0x0], $0xffff  }
0x39b: {  	v26 =	vld.idx.msk [tilespmem:v15+s22+$0x0], $0xffff  }
0x39c: {  	v10 =	vld.idx.msk [tilespmem:v10+s20+$0x0], $0xffff  }
0x39d: {  	v8 =	vld.idx.msk [tilespmem:v8+s22+$0x0], $0xffff;
	_ =	sdelay $0x2  }
0x39e: {  	v27 =	vld.idx.msk [tilespmem:v18+s20+$0x0], $0xffff;
	v2 =	vadd.f32 v3, v2;
	v3 =	vadd.f32 v5, v4  }
0x39f: {  	v13 =	vld.idx.msk [tilespmem:v13+s22+$0x0], $0xffff;
	v5 =	vadd.f32 v7, v6;
	v9 =	vadd.f32 v24, v23  }
0x3a0: {  	v4 =	vld.idx.msk [tilespmem:v16+s22+$0x0], $0xffff;
	v12 =	vadd.f32 v26, v25;
	v8 =	vadd.f32 v8, v10  }
0x3a1: {  	v6 =	vld.idx.msk [tilespmem:v17+s20+$0x0], $0xffff;
	v7 =	vmul.f32 $2.000000030e-01, v2;
	v28 =	vmul.f32 $2.000000030e-01, v3;
	vm8 =	vge.f32 v2, $0.0e+00  }
0x3a2: {  	vm9 =	vge.f32 v3, $0.0e+00;
	v29 =	vmul.f32 $2.000000030e-01, v9;
	v14 =	vmul.f32 $2.000000030e-01, v12  }
0x3a3: {  	vm10 =	vge.f32 v5, $0.0e+00;
	vm11 =	vge.f32 v9, $0.0e+00;
	vm12 =	vge.f32 v12, $0.0e+00  }
0x3a4: {  	v61 =	vmul.f32 $2.000000030e-01, v8;
	v2 =	vsel vm8, v2, v7;
	v7 =	vmul.f32 $2.000000030e-01, v5  }
0x3a5: {  	v3 =	vsel vm9, v3, v28;
	v30 =	vsel vm12, v12, v14;
	v4 =	vadd.f32 v4, v27  }
0x3a6: {  	v6 =	vadd.f32 v13, v6;
	v58 =	vmax.f32 v2, v3;
	v5 =	vsel vm10, v5, v7  }
0x3a7: {  	v7 =	vsel vm11, v9, v29;
	v31 =	vmul.f32 $2.000000030e-01, v4;
	v59 =	vmax.f32 v58, v5  }
0x3a8: {  	vm13 =	vge.f32 v4, $0.0e+00;
	v60 =	vmul.f32 $2.000000030e-01, v6;
	v10 =	vmax.f32 v59, v7  }
0x3a9: {  	vm14 =	vge.f32 v6, $0.0e+00;
	v4 =	vsel vm13, v4, v31;
	v10 =	vmax.f32 v10, v30  }
0x3aa: {  	vm15 =	vge.f32 v8, $0.0e+00;
	v6 =	vsel vm14, v6, v60;
	v10 =	vmax.f32 v10, v4  }
0x3ab: {  	v8 =	vsel vm15, v8, v61;
	v10 =	vmax.f32 v10, v6  }
0x3ac: {  	v10 =	vmax.f32 v10, v8  }
0x3ad: {  	v2 =	vsub.f32 v2, v10  }
0x3ae: {  	v3 =	vsub.f32 v3, v10  }
0x3af: {  	v2 =	vmul.f32 $1.442695020e+00, v2  }
0x3b0: {  	v5 =	vsub.f32 v5, v10;
	v3 =	vmul.f32 $1.442695020e+00, v3  }
0x3b1: {  	(erf) = vpow2.f32 v2  }
0x3b2: {  	v2 =	vmul.f32 $1.442695020e+00, v5;
	(erf) = vpow2.f32 v3;
	v3 =	vsub.f32 v7, v10;
	_ =	sdelay $0x1  }
0x3b3: {  	(erf) = vpow2.f32 v2;
	v2 =	vmul.f32 $1.442695020e+00, v3;
	v3 =	vsub.f32 v30, v10;
	_ =	sdelay $0x1  }
0x3b4: {  	(erf) = vpow2.f32 v2;
	v2 =	vmul.f32 $1.442695020e+00, v3;
	v3 =	vsub.f32 v4, v10;
	_ =	sdelay $0x1  }
0x3b5: {  	(erf) = vpow2.f32 v2;
	v2 =	vmul.f32 $1.442695020e+00, v3;
	v3 =	vsub.f32 v6, v10;
	_ =	sdelay $0x1  }
0x3b6: {  	v4 =	vpop (erf);
	(erf) = vpow2.f32 v2;
	v2 =	vmul.f32 $1.442695020e+00, v3;
	v3 =	vsub.f32 v8, v10  }
0x3b7: {  	v5 =	vpop (erf)  }
0x3b8: {  	(erf) = vpow2.f32 v2;
	v2 =	vmul.f32 $1.442695020e+00, v3;
	v3 =	vadd.f32 v5, v4;
	_ =	sdelay $0x1  }
0x3b9: {  	v6 =	vpop (erf)  }
0x3ba: {  	(erf) = vpow2.f32 v2;
	v2 =	vadd.f32 v3, v6  }
0x3bb: {  	v3 =	vpop (erf)  }
0x3bc: {  	v2 =	vadd.f32 v2, v3  }
0x3bd: {  	v7 =	vpop (erf)  }
0x3be: {  	v2 =	vadd.f32 v2, v7  }
0x3bf: {  	v8 =	vpop (erf)  }
0x3c0: {  	v2 =	vadd.f32 v2, v8  }
0x3c1: {  	v62 =	vpop (erf)  }
0x3c2: {  	v2 =	vadd.f32 v2, v62  }
0x3c3: {  	v63 =	vpop (erf)  }
0x3c4: {  	v2 =	vadd.f32 v2, v63;
	_ =	sdelay $0x1  }
0x3c5: {  	(erf) = vrcp.f32 v2;
	_ =	sdelay $0x8  }
0x3c6: {  	v2 =	vpsel p0, v4, v7;
	v4 =	vpop (erf)  }
0x3c7: {  	s13 =	simm.s32 $0x0;
	v5 =	vpsel p0, v5, v8;
	v2 =	vmul.f32 v4, v2  }
0x3c8: {  	v6 =	vpsel p0, v6, v62;
	v7 =	vmov s13;
	v5 =	vmul.f32 v4, v5  }
0x3c9: {  	[tilespmem:$0x1F580] =	vst v2;
	v2 =	vpsel p0, v3, v63;
	v3 =	vmul.f32 v4, v6  }
0x3ca: {  	[tilespmem:$0x1F5D0] =	vst v5;
	v2 =	vmul.f32 v4, v2  }
0x3cb: {  	[tilespmem:$0x1F620] =	vst v3  }
0x3cc: {  	[tilespmem:$0x1F670] =	vst v2  }
0x3cd: {  	s0 =	simm.s32 $0x1CA60;
	v2 =	vld.idx.msk [tilespmem:v7+s24+$0x0], $0xffff  }
0x3ce: {  	v3 =	vld [tilespmem:s0+$0xFFFFFDE0]  }
0x3cf: {  	v4 =	vld [tilespmem:s0+$0xFFFFFDF0];
	_ =	sdelay $0x1  }
0x3d0: {  	v5 =	vand.u32 $0x7C, v7  }
0x3d1: {  	v6 =	vadd.s32 $0x50, v5  }
0x3d2: {  	v3 =	vmul.f32 v3, v2  }
0x3d3: {  	v2 =	vmul.f32 v4, v2  }
0x3d4: {  	[tilespmem:s0+$0xFFFFFDE0] =	vst v3  }
0x3d5: {  	[tilespmem:s0+$0xFFFFFDF0] =	vst v2;
	v3 =	vld [tilespmem:s0+$0xFFFFFE00]  }
0x3d6: {  	v2 =	vld.idx.msk [tilespmem:v6+s24+$0x0], $0xffff  }
0x3d7: {  	v4 =	vld [tilespmem:s0+$0xFFFFFE10];
	_ =	sdelay $0x2  }
0x3d8: {  	v6 =	vadd.s32 $0xA0, v5  }
0x3d9: {  	v3 =	vmul.f32 v3, v2  }
0x3da: {  	v2 =	vmul.f32 v4, v2  }
0x3db: {  	[tilespmem:s0+$0xFFFFFE00] =	vst v3  }
0x3dc: {  	[tilespmem:s0+$0xFFFFFE10] =	vst v2;
	v3 =	vld [tilespmem:s0+$0xFFFFFE20]  }
0x3dd: {  	v2 =	vld.idx.msk [tilespmem:v6+s24+$0x0], $0xffff  }
0x3de: {  	v4 =	vld [tilespmem:s0+$0xFFFFFE30];
	_ =	sdelay $0x2  }
0x3df: {  	v5 =	vadd.s32 $0xF0, v5  }
0x3e0: {  	v3 =	vmul.f32 v3, v2  }
0x3e1: {  	v2 =	vmul.f32 v4, v2  }
0x3e2: {  	[tilespmem:s0+$0xFFFFFE20] =	vst v3  }
0x3e3: {  	[tilespmem:s0+$0xFFFFFE30] =	vst v2;
	v3 =	vld [tilespmem:s0+$0xFFFFFE40]  }
0x3e4: {  	v2 =	vld.idx.msk [tilespmem:v5+s24+$0x0], $0xffff  }
0x3e5: {  	v4 =	vld [tilespmem:s0+$0xFFFFFE50];
	_ =	sdelay $0x1  }
0x3e6: {  	s17 =	simm.s32 $0x1  }
0x3e7: {  	v5 =	vmov s17  }
0x3e8: {  	v3 =	vmul.f32 v3, v2  }
0x3e9: {  	v2 =	vmul.f32 v4, v2  }
0x3ea: {  	[tilespmem:s0+$0xFFFFFE40] =	vst v3  }
0x3eb: {  	[tilespmem:s0+$0xFFFFFE50] =	vst v2;
	v3 =	vld [tilespmem:s0+$0xFFFFFE70]  }
0x3ec: {  	v2 =	vld.idx.msk [tilespmem:v5+s24+$0x0], $0xffff  }
0x3ed: {  	v4 =	vld [tilespmem:s0+$0xFFFFFE80];
	_ =	sdelay $0x1  }
0x3ee: {  	v5 =	vand.u32 $0x7D, v5  }
0x3ef: {  	v6 =	vadd.s32 $0x50, v5  }
0x3f0: {  	v3 =	vmul.f32 v3, v2  }
0x3f1: {  	v2 =	vmul.f32 v4, v2  }
0x3f2: {  	[tilespmem:s0+$0xFFFFFE70] =	vst v3  }
0x3f3: {  	[tilespmem:s0+$0xFFFFFE80] =	vst v2;
	v3 =	vld [tilespmem:s0+$0xFFFFFE90]  }
0x3f4: {  	v2 =	vld.idx.msk [tilespmem:v6+s24+$0x0], $0xffff  }
0x3f5: {  	v4 =	vld [tilespmem:s0+$0xFFFFFEA0];
	_ =	sdelay $0x2  }
0x3f6: {  	v6 =	vadd.s32 $0xA0, v5  }
0x3f7: {  	v3 =	vmul.f32 v3, v2  }
0x3f8: {  	v2 =	vmul.f32 v4, v2  }
0x3f9: {  	[tilespmem:s0+$0xFFFFFE90] =	vst v3  }
0x3fa: {  	[tilespmem:s0+$0xFFFFFEA0] =	vst v2;
	v3 =	vld [tilespmem:s0+$0xFFFFFEB0]  }
0x3fb: {  	v2 =	vld.idx.msk [tilespmem:v6+s24+$0x0], $0xffff  }
0x3fc: {  	v4 =	vld [tilespmem:s0+$0xFFFFFEC0];
	_ =	sdelay $0x2  }
0x3fd: {  	v5 =	vadd.s32 $0xF0, v5  }
0x3fe: {  	v3 =	vmul.f32 v3, v2  }
0x3ff: {  	v2 =	vmul.f32 v4, v2  }
0x400: {  	[tilespmem:s0+$0xFFFFFEB0] =	vst v3  }
0x401: {  	[tilespmem:s0+$0xFFFFFEC0] =	vst v2;
	v3 =	vld [tilespmem:s0+$0xFFFFFED0]  }
0x402: {  	v2 =	vld.idx.msk [tilespmem:v5+s24+$0x0], $0xffff  }
0x403: {  	v4 =	vld [tilespmem:s0+$0xFFFFFEE0];
	_ =	sdelay $0x1  }
0x404: {  	s29 =	simm.s32 $0x2  }
0x405: {  	v5 =	vmov s29  }
0x406: {  	v3 =	vmul.f32 v3, v2  }
0x407: {  	v2 =	vmul.f32 v4, v2  }
0x408: {  	[tilespmem:s0+$0xFFFFFED0] =	vst v3  }
0x409: {  	[tilespmem:s0+$0xFFFFFEE0] =	vst v2;
	v3 =	vld [tilespmem:s0+$0xFFFFFF00]  }
0x40a: {  	v2 =	vld.idx.msk [tilespmem:v5+s24+$0x0], $0xffff  }
0x40b: {  	v4 =	vld [tilespmem:s0+$0xFFFFFF10];
	_ =	sdelay $0x1  }
0x40c: {  	v5 =	vand.u32 $0x7E, v5  }
0x40d: {  	v6 =	vadd.s32 $0x50, v5  }
0x40e: {  	v3 =	vmul.f32 v3, v2  }
0x40f: {  	v2 =	vmul.f32 v4, v2  }
0x410: {  	[tilespmem:s0+$0xFFFFFF00] =	vst v3  }
0x411: {  	[tilespmem:s0+$0xFFFFFF10] =	vst v2;
	v3 =	vld [tilespmem:s0+$0xFFFFFF20]  }
0x412: {  	v2 =	vld.idx.msk [tilespmem:v6+s24+$0x0], $0xffff  }
0x413: {  	v4 =	vld [tilespmem:s0+$0xFFFFFF30];
	_ =	sdelay $0x2  }
0x414: {  	v6 =	vadd.s32 $0xA0, v5  }
0x415: {  	v3 =	vmul.f32 v3, v2  }
0x416: {  	v2 =	vmul.f32 v4, v2  }
0x417: {  	[tilespmem:s0+$0xFFFFFF20] =	vst v3  }
0x418: {  	[tilespmem:s0+$0xFFFFFF30] =	vst v2;
	v3 =	vld [tilespmem:s0+$0xFFFFFF40]  }
0x419: {  	v2 =	vld.idx.msk [tilespmem:v6+s24+$0x0], $0xffff  }
0x41a: {  	v4 =	vld [tilespmem:s0+$0xFFFFFF50];
	_ =	sdelay $0x2  }
0x41b: {  	v5 =	vadd.s32 $0xF0, v5  }
0x41c: {  	v3 =	vmul.f32 v3, v2  }
0x41d: {  	v2 =	vmul.f32 v4, v2  }
0x41e: {  	[tilespmem:s0+$0xFFFFFF40] =	vst v3  }
0x41f: {  	[tilespmem:s0+$0xFFFFFF50] =	vst v2;
	v3 =	vld [tilespmem:s0+$0xFFFFFF60]  }
0x420: {  	v2 =	vld.idx.msk [tilespmem:v5+s24+$0x0], $0xffff  }
0x421: {  	v4 =	vld [tilespmem:s0+$0xFFFFFF70];
	_ =	sdelay $0x1  }
0x422: {  	s30 =	simm.s32 $0x3  }
0x423: {  	v5 =	vmov s30  }
0x424: {  	v3 =	vmul.f32 v3, v2  }
0x425: {  	v2 =	vmul.f32 v4, v2  }
0x426: {  	[tilespmem:s0+$0xFFFFFF60] =	vst v3  }
0x427: {  	[tilespmem:s0+$0xFFFFFF70] =	vst v2;
	v3 =	vld [tilespmem:s0+$0xFFFFFF90]  }
0x428: {  	v2 =	vld.idx.msk [tilespmem:v5+s24+$0x0], $0xffff  }
0x429: {  	v4 =	vld [tilespmem:s0+$0xFFFFFFA0];
	_ =	sdelay $0x1  }
0x42a: {  	v6 =	vand.u32 $0x7F, v5  }
0x42b: {  	v5 =	vadd.s32 $0x50, v6  }
0x42c: {  	v3 =	vmul.f32 v3, v2  }
0x42d: {  	v2 =	vmul.f32 v4, v2  }
0x42e: {  	[tilespmem:s0+$0xFFFFFF90] =	vst v3  }
0x42f: {  	v4 =	vld [tilespmem:s0+$0xFFFFFFC0];
	[tilespmem:s0+$0xFFFFFFA0] =	vst v2  }
0x430: {  	v2 =	vld.idx.msk [tilespmem:v5+s24+$0x0], $0xffff  }
0x431: {  	v3 =	vld [tilespmem:s0+$0xFFFFFFB0];
	_ =	sdelay $0x2  }
0x432: {  	v5 =	vadd.s32 $0xA0, v6  }
0x433: {  	v4 =	vmul.f32 v4, v2  }
0x434: {  	v3 =	vmul.f32 v3, v2;
	v2 =	vld [tilespmem:s0+$0xFFFFFFF0]  }
0x435: {  	[tilespmem:s0+$0xFFFFFFC0] =	vst v4;
	v4 =	vld [tilespmem:s0+$0xFFFFFFD0]  }
0x436: {  	[tilespmem:s0+$0xFFFFFFB0] =	vst v3;
	v3 =	vadd.s32 $0xF0, v6;
	v6 =	vld [tilespmem:s0+$0xFFFFFFE0]  }
0x437: {  	s3 =	simm.s32 $0x4;
	s13 =	simm.s32 $0x1CA60;
	v5 =	vld.idx.msk [tilespmem:v5+s24+$0x0], $0xffff  }
.LBB2_5:
0x438: {  	p1 =	slt.u32 s3, $0x4C  }
0x439: {  	s0 =	sadd.s32 $0x240, s0;
	s17 =	smov.u32 s3;
	s3 =	sadd.s32 $0x4, s3  }
0x43a: {  	_ =	sdelay $0x1  }
0x43b: {  	v4 =	vmul.f32 v4, v5;
	v5 =	vmul.f32 v6, v5;
	_ =	sdelay $0x1  }
0x43c: {  	[tilespmem:s13+$0xFFFFFFD0] =	vst v4  }
0x43d: {  	[tilespmem:s13+$0xFFFFFFE0] =	vst v5  }
0x43e: {  	v3 =	vld.idx.msk [tilespmem:v3+s24+$0x0], $0xffff  }
0x43f: {  	v4 =	vld [tilespmem:s13+$0x0];
	_ =	sdelay $0x3  }
0x440: {  	v5 =	vmov s17  }
0x441: {  	v6 =	vand.u32 $0x7C, v5;
	v2 =	vmul.f32 v2, v3;
	v3 =	vmul.f32 v4, v3;
	_ =	sdelay $0x1  }
0x442: {  	[tilespmem:s13+$0xFFFFFFF0] =	vst v2  }
0x443: {  	v2 =	vld [tilespmem:s0+$0xFFFFFDF0];
	[tilespmem:s13+$0x0] =	vst v3;
	s13 =	smov.u32 s0  }
0x444: {  	v3 =	vld.idx.msk [tilespmem:v5+s24+$0x0], $0xffff  }
0x445: {  	v4 =	vld [tilespmem:s0+$0xFFFFFDE0];
	_ =	sdelay $0x2  }
0x446: {  	v5 =	vadd.s32 $0x50, v6;
	_ =	sdelay $0x1  }
0x447: {  	v2 =	vmul.f32 v2, v3;
	v4 =	vmul.f32 v4, v3;
	_ =	sdelay $0x1  }
0x448: {  	[tilespmem:s0+$0xFFFFFDE0] =	vst v4  }
0x449: {  	[tilespmem:s0+$0xFFFFFDF0] =	vst v2;
	v2 =	vld [tilespmem:s0+$0xFFFFFE10]  }
0x44a: {  	v3 =	vld.idx.msk [tilespmem:v5+s24+$0x0], $0xffff  }
0x44b: {  	v4 =	vld [tilespmem:s0+$0xFFFFFE00];
	_ =	sdelay $0x1  }
0x44c: {  	v5 =	vadd.s32 $0xA0, v6;
	_ =	sdelay $0x2  }
0x44d: {  	v2 =	vmul.f32 v2, v3;
	v4 =	vmul.f32 v4, v3;
	_ =	sdelay $0x1  }
0x44e: {  	[tilespmem:s0+$0xFFFFFE00] =	vst v4  }
0x44f: {  	[tilespmem:s0+$0xFFFFFE10] =	vst v2;
	v2 =	vld [tilespmem:s0+$0xFFFFFE30]  }
0x450: {  	v3 =	vld.idx.msk [tilespmem:v5+s24+$0x0], $0xffff  }
0x451: {  	v4 =	vld [tilespmem:s0+$0xFFFFFE20]  }
0x452: {  	v5 =	vadd.s32 $0xF0, v6;
	_ =	sdelay $0x3  }
0x453: {  	v2 =	vmul.f32 v2, v3;
	v4 =	vmul.f32 v4, v3;
	_ =	sdelay $0x1  }
0x454: {  	[tilespmem:s0+$0xFFFFFE20] =	vst v4  }
0x455: {  	[tilespmem:s0+$0xFFFFFE30] =	vst v2;
	v2 =	vld [tilespmem:s0+$0xFFFFFE50]  }
0x456: {  	s29 =	sadd.s32 $0x1, s17;
	v3 =	vld.idx.msk [tilespmem:v5+s24+$0x0], $0xffff  }
0x457: {  	v5 =	vmov s29;
	v4 =	vld [tilespmem:s0+$0xFFFFFE40]  }
0x458: {  	v6 =	vand.u32 $0x7D, v5;
	_ =	sdelay $0x3  }
0x459: {  	v2 =	vmul.f32 v2, v3;
	v4 =	vmul.f32 v4, v3;
	_ =	sdelay $0x1  }
0x45a: {  	[tilespmem:s0+$0xFFFFFE40] =	vst v4  }
0x45b: {  	[tilespmem:s0+$0xFFFFFE50] =	vst v2;
	v2 =	vld [tilespmem:s0+$0xFFFFFE80]  }
0x45c: {  	v4 =	vadd.s32 $0x50, v6;
	v3 =	vld.idx.msk [tilespmem:v5+s24+$0x0], $0xffff  }
0x45d: {  	v5 =	vld [tilespmem:s0+$0xFFFFFE70];
	_ =	sdelay $0x4  }
0x45e: {  	v2 =	vmul.f32 v2, v3;
	v5 =	vmul.f32 v5, v3;
	_ =	sdelay $0x1  }
0x45f: {  	[tilespmem:s0+$0xFFFFFE70] =	vst v5  }
0x460: {  	v3 =	vadd.s32 $0xA0, v6;
	[tilespmem:s0+$0xFFFFFE80] =	vst v2;
	v2 =	vld [tilespmem:s0+$0xFFFFFEA0]  }
0x461: {  	v4 =	vld.idx.msk [tilespmem:v4+s24+$0x0], $0xffff  }
0x462: {  	v5 =	vld [tilespmem:s0+$0xFFFFFE90];
	_ =	sdelay $0x4  }
0x463: {  	v2 =	vmul.f32 v2, v4;
	v5 =	vmul.f32 v5, v4;
	_ =	sdelay $0x1  }
0x464: {  	v4 =	vadd.s32 $0xF0, v6;
	[tilespmem:s0+$0xFFFFFE90] =	vst v5  }
0x465: {  	[tilespmem:s0+$0xFFFFFEA0] =	vst v2;
	v2 =	vld [tilespmem:s0+$0xFFFFFEC0]  }
0x466: {  	v3 =	vld.idx.msk [tilespmem:v3+s24+$0x0], $0xffff  }
0x467: {  	v5 =	vld [tilespmem:s0+$0xFFFFFEB0];
	_ =	sdelay $0x4  }
0x468: {  	s29 =	sadd.s32 $0x2, s17;
	v2 =	vmul.f32 v2, v3;
	v5 =	vmul.f32 v5, v3  }
0x469: {  	v3 =	vmov s29  }
0x46a: {  	[tilespmem:s0+$0xFFFFFEB0] =	vst v5;
	v5 =	vand.u32 $0x7E, v3  }
0x46b: {  	[tilespmem:s0+$0xFFFFFEC0] =	vst v2;
	v2 =	vld [tilespmem:s0+$0xFFFFFEE0]  }
0x46c: {  	v4 =	vld.idx.msk [tilespmem:v4+s24+$0x0], $0xffff  }
0x46d: {  	v6 =	vld [tilespmem:s0+$0xFFFFFED0];
	_ =	sdelay $0x4  }
0x46e: {  	v2 =	vmul.f32 v2, v4;
	v6 =	vmul.f32 v6, v4;
	v4 =	vadd.s32 $0x50, v5;
	_ =	sdelay $0x1  }
0x46f: {  	[tilespmem:s0+$0xFFFFFED0] =	vst v6  }
0x470: {  	[tilespmem:s0+$0xFFFFFEE0] =	vst v2;
	v2 =	vld [tilespmem:s0+$0xFFFFFF10]  }
0x471: {  	v3 =	vld.idx.msk [tilespmem:v3+s24+$0x0], $0xffff  }
0x472: {  	v6 =	vld [tilespmem:s0+$0xFFFFFF00];
	_ =	sdelay $0x3  }
0x473: {  	v7 =	vadd.s32 $0xA0, v5  }
0x474: {  	v2 =	vmul.f32 v2, v3;
	v6 =	vmul.f32 v6, v3;
	_ =	sdelay $0x1  }
0x475: {  	[tilespmem:s0+$0xFFFFFF00] =	vst v6  }
0x476: {  	[tilespmem:s0+$0xFFFFFF10] =	vst v2;
	v2 =	vld [tilespmem:s0+$0xFFFFFF30]  }
0x477: {  	v3 =	vld.idx.msk [tilespmem:v4+s24+$0x0], $0xffff  }
0x478: {  	v4 =	vld [tilespmem:s0+$0xFFFFFF20];
	_ =	sdelay $0x2  }
0x479: {  	v5 =	vadd.s32 $0xF0, v5;
	_ =	sdelay $0x1  }
0x47a: {  	v2 =	vmul.f32 v2, v3;
	v4 =	vmul.f32 v4, v3;
	_ =	sdelay $0x1  }
0x47b: {  	[tilespmem:s0+$0xFFFFFF20] =	vst v4  }
0x47c: {  	[tilespmem:s0+$0xFFFFFF30] =	vst v2;
	v2 =	vld [tilespmem:s0+$0xFFFFFF50]  }
0x47d: {  	v3 =	vld.idx.msk [tilespmem:v7+s24+$0x0], $0xffff  }
0x47e: {  	v4 =	vld [tilespmem:s0+$0xFFFFFF40]  }
0x47f: {  	s17 =	sadd.s32 $0x3, s17  }
0x480: {  	v6 =	vmov s17  }
0x481: {  	v7 =	vand.u32 $0x7F, v6;
	_ =	sdelay $0x1  }
0x482: {  	v2 =	vmul.f32 v2, v3;
	v4 =	vmul.f32 v4, v3;
	_ =	sdelay $0x1  }
0x483: {  	[tilespmem:s0+$0xFFFFFF40] =	vst v4  }
0x484: {  	[tilespmem:s0+$0xFFFFFF50] =	vst v2;
	v2 =	vld [tilespmem:s0+$0xFFFFFF70]  }
0x485: {  	v3 =	vld.idx.msk [tilespmem:v5+s24+$0x0], $0xffff  }
0x486: {  	v4 =	vld [tilespmem:s0+$0xFFFFFF60]  }
0x487: {  	v5 =	vadd.s32 $0x50, v7;
	_ =	sdelay $0x3  }
0x488: {  	v2 =	vmul.f32 v2, v3;
	v4 =	vmul.f32 v4, v3;
	_ =	sdelay $0x1  }
0x489: {  	[tilespmem:s0+$0xFFFFFF60] =	vst v4  }
0x48a: {  	[tilespmem:s0+$0xFFFFFF70] =	vst v2;
	v2 =	vld [tilespmem:s0+$0xFFFFFFA0]  }
0x48b: {  	v3 =	vld.idx.msk [tilespmem:v6+s24+$0x0], $0xffff  }
0x48c: {  	v6 =	vadd.s32 $0xA0, v7;
	v4 =	vld [tilespmem:s0+$0xFFFFFF90];
	_ =	sdelay $0x4  }
0x48d: {  	v2 =	vmul.f32 v2, v3;
	v4 =	vmul.f32 v4, v3;
	_ =	sdelay $0x1  }
0x48e: {  	[tilespmem:s0+$0xFFFFFF90] =	vst v4  }
0x48f: {  	[tilespmem:s0+$0xFFFFFFA0] =	vst v2;
	v2 =	vld [tilespmem:s0+$0xFFFFFFC0]  }
0x490: {  	v3 =	vadd.s32 $0xF0, v7;
	v4 =	vld.idx.msk [tilespmem:v5+s24+$0x0], $0xffff  }
0x491: {  	v5 =	vld [tilespmem:s0+$0xFFFFFFB0];
	_ =	sdelay $0x4  }
0x492: {  	v5 =	vmul.f32 v5, v4;
	v4 =	vmul.f32 v2, v4;
	v2 =	vld [tilespmem:s0+$0xFFFFFFF0]  }
.Ltmp1:
0x493: {  	(pc) =	sbr.rel @p1 .LBB2_5-.Ltmp1, $4  }
0x494: {  	[tilespmem:s0+$0xFFFFFFB0] =	vst v5  }
0x495: {  	[tilespmem:s0+$0xFFFFFFC0] =	vst v4;
	v4 =	vld [tilespmem:s0+$0xFFFFFFD0]  }
0x496: {  	v5 =	vld.idx.msk [tilespmem:v6+s24+$0x0], $0xffff  }
0x497: {  	v6 =	vld [tilespmem:s0+$0xFFFFFFE0]  }
0x498: {  	_ =	sdelay $0x2  }
0x499: {  	v4 =	vmul.f32 v4, v5  }
0x49a: {  	v62 =	vmul.f32 v6, v5  }
0x49b: {  	[tilespmem:s13+$0xFFFFFFD0] =	vst v4  }
0x49c: {  	[tilespmem:s13+$0xFFFFFFE0] =	vst v62  }
0x49d: {  	v3 =	vld.idx.msk [tilespmem:v3+s24+$0x0], $0xffff  }
0x49e: {  	v63 =	vld [tilespmem:s13+$0x0];
	_ =	sdelay $0x1  }
0x49f: {  	s1 =	sadd.s32 $0x1, s1  }
0x4a0: {  	p1 =	sne.s32 s1, $0x40  }
.Ltmp2:
0x4a1: {  	v2 =	vmul.f32 v2, v3;
	(pc) =	sbr.rel @p1 .LBB2_2-.Ltmp2, $4  }
0x4a2: {  	v3 =	vmul.f32 v63, v3  }
0x4a3: {  	[tilespmem:s13+$0xFFFFFFF0] =	vst v2  }
0x4a4: {  	[tilespmem:s13+$0x0] =	vst v3  }
0x4a5: {  	[spmem:s2] =	stream.indirect.scatter.add.f32 [tilespmem:s22], [sflag:$0x4], $0x90, s19, s14, $0xb8;
	[tilespmem:$0x1F680] =	vst v63  }
0x4a6: {  	_ =	swait.ge [sflag:s28], $0x2D00  }
0x4a7: {  	s31 =	sadd.s32 $0x1, s31;
	[sflag:s28] =	ssyncset.done $0x0  }
0x4a8: {  	s0 =	simm.s32 $0x10;
	p1 =	sne.s32 s31, s10;
	[sflag:s28] =	ssyncadd.s32 $0xFFFFD300  }
.Ltmp3:
0x4a9: {  	s1 =	simm.s32 $0x12;
	[bflag:$0x0] =	sbarrier.arrive $0xFFFF;
	(pc) =	sbr.rel @p1 .LBB2_1-.Ltmp3, $4  }
0x4aa: {  	[hbm:s9@s0], [sflag:s7] =	dma.strided [spmem:s11@s1], $0x2800, s23, $0x10   }
0x4ab: {  	_ =	swait.ge [sflag:s12], $0x2800  }
0x4ac: {  	[sflag:s12] =	ssyncset.done $0x0  }
0x4ad: {  	[sflag:s12] =	ssyncadd.s32 $0xFFFFD800  }
0x4ae: {  	_ =	sfence.sel $0x180000  }
0x4af: {  	[bflag:$0x0] =	sbarrier.arrive $0xFFFF  }
0x4b0: {  	_ =	strace $0x90000047  }
0x4b1: {  	s0 =	stileid.u32;
	[bflag:$0x2] =	sbarrier.arrive $0xFFFF  }
0x4b2: {  	p0 =	sne.s32 s0, $0x0;
	s0 =	rddreg [dreg:$0x3]  }
0x4b3: {  	s0 =	sadd.s32 @!p0 $0x100000, s0  }
0x4b4: {  	[sflag:s0] =	ssyncadd.tile.s32 @!p0 $0x1;
	_ =	shalt  }
.Lfunc_end2:
_tile_overlayer_lowered:
.L_overlay_start_2:
0x4b5: {  	(tag) =	ssettag $0x2  }
0x4b6: {  	s0 =	rddreg [dreg:$0x0];
	s2 =	stileid.u32  }
0x4b7: {  	s1 =	rddreg [dreg:$0x1];
	p0 =	sne.s32 s2, $0x0  }
0x4b8: {  	s3 =	rddreg [dreg:$0x2];
	[bflag:$0x3] =	sbarrier.arrive $0xFFFF;
	s2 =	simm.s32 @!p0 $0x1C05  }
0x4b9: {  	[timem:s3], [sflag:s2] =	dma.local @!p0 [hbm:s0], s1  }
0x4ba: {  	s0 =	simm.s32 @!p0 $0x5  }
0x4bb: {  	_ =	swait.ge @!p0 [sflag:s0], s1  }
0x4bc: {  	s1 =	ssub.s32 @!p0 $0x0, s1;
	[sflag:s0] =	ssyncset.done @!p0 $0x0  }
0x4bd: {  	[sflag:s0] =	ssyncadd.s32 @!p0 s1  }
0x4be: {  	[bflag:$0x3] =	sbarrier.arrive $0xFFFF  }
0x4bf: {  	_ =	shalt  }

</sc_bundles>
